<compile_context>
chip_gen: v7x
topology: tpu7x:2x2x1
jax: 0.10.2.dev20260603
libtpu: 0.0.44.dev20260713+nightly
codegen_flags: <defaults>
</compile_context>

<pallas_src>
import functools

import jax
import jax.numpy as jnp
from jax import lax
from jax.experimental import pallas as pl
from jax.experimental.pallas import tpu as pltpu
from jax.experimental.pallas import tpu_sc as plsc

NN = 100000
DD = 128
NB = 4096
NT = 10
M1 = NB * (1 + NT)

NC, NS = 2, 16
NW = NC * NS
RPW = M1 // NW
CH = 32
NCHUNK = RPW // CH
NPAIR = NCHUNK // 2



def _t1_body(x_ref, ws, bs, wa, ba, wot, wob, sp_ref, ap_ref):
    xb = x_ref[...]
    s = jnp.maximum(jnp.dot(xb, ws[...], preferred_element_type=jnp.float32) + bs[...], 0.0)
    sp_ref[...] = jnp.dot(s, wot[...], preferred_element_type=jnp.float32)
    a = jnp.maximum(jnp.dot(xb, wa[...], preferred_element_type=jnp.float32) + ba[...], 0.0)
    ap_ref[...] = jnp.dot(a, wob[...], preferred_element_type=jnp.float32)


_T1_BM = 2000


def _t1(x, ws, bs, wa, ba, wot, wob):
    full = pl.BlockSpec((DD, DD), lambda i: (0, 0))
    row = pl.BlockSpec((1, DD), lambda i: (0, 0))
    blk = pl.BlockSpec((_T1_BM, DD), lambda i: (i, 0))
    return pl.pallas_call(
        _t1_body,
        grid=(NN // _T1_BM,),
        in_specs=[blk, full, row, full, row, full, full],
        out_specs=[blk, blk],
        out_shape=[jax.ShapeDtypeStruct((NN, DD), jnp.float32)] * 2,
    )(x, ws, bs, wa, ba, wot, wob)




def _sc_body(sp_hbm, ap_hbm, nid_hbm, n1f_hbm, n2f_hbm, a1f_hbm, a2f_hbm,
             b_hbm, e1t_hbm, e1n_hbm, sqt_hbm, sqn_hbm,
             idxs_v0, idxs_v1, idxn_v0, idxn_v1, al_v0, al_v1,
             self_v0, self_v1, nbr_v0, nbr_v1, out_v0, out_v1, b_v, sq_v,
             sem_s0, sem_n0, sem_s1, sem_n1, sem_w0, sem_w1):
    wid = lax.axis_index("s") * NC + lax.axis_index("c")
    base = wid * RPW
    idxs_v = (idxs_v0, idxs_v1)
    idxn_v = (idxn_v0, idxn_v1)
    al_v = (al_v0, al_v1)
    self_v = (self_v0, self_v1)
    nbr_v = (nbr_v0, nbr_v1)
    out_v = (out_v0, out_v1)
    sem_s = (sem_s0, sem_s1)
    sem_n = (sem_n0, sem_n1)
    sem_w = (sem_w0, sem_w1)
    pltpu.sync_copy(b_hbm, b_v)
    sq_v[0, :] = jnp.zeros((16,), jnp.float32)
    sq_v[1, :] = jnp.zeros((16,), jnp.float32)

    def issue(buf, r0):
        @pl.when(r0 < NB)
        def _():
            pltpu.sync_copy(nid_hbm.at[pl.ds(r0, CH)], idxs_v[buf])
            pltpu.sync_copy(n1f_hbm.at[pl.ds(r0 * NT, CH * NT)], idxn_v[buf])
            pltpu.sync_copy(a1f_hbm.at[pl.ds(r0 * NT, CH * NT)],
                            al_v[buf].at[pl.ds(0, CH * NT)])

        @pl.when(r0 >= NB)
        def _():
            e0 = r0 - NB
            pltpu.sync_copy(n1f_hbm.at[pl.ds(e0, CH)], idxs_v[buf])
            pltpu.sync_copy(n2f_hbm.at[pl.ds(e0 * NT, CH * NT)], idxn_v[buf])
            pltpu.sync_copy(a2f_hbm.at[pl.ds(e0 * NT, CH * NT)],
                            al_v[buf].at[pl.ds(0, CH * NT)])

        pltpu.async_copy(sp_hbm.at[idxs_v[buf]], self_v[buf], sem_s[buf])
        pltpu.async_copy(ap_hbm.at[idxn_v[buf]], nbr_v[buf], sem_n[buf])

    def wait(buf):
        pltpu.make_async_copy(sp_hbm.at[idxs_v[buf]], self_v[buf], sem_s[buf]).wait()
        pltpu.make_async_copy(ap_hbm.at[idxn_v[buf]], nbr_v[buf], sem_n[buf]).wait()

    def compute(buf, r0, first):
        @pl.when(jnp.logical_not(first))
        def _():
            pltpu.make_async_copy(out_v[buf], e1t_hbm.at[pl.ds(0, CH)],
                                  sem_w[buf]).wait()

        def row(i, sqc):
            al_vec = al_v[buf][pl.ds(i * NT, 16)]
            als = [al_vec[t] for t in range(NT)]
            for c in range(DD // 16):
                sl = pl.ds(c * 16, 16)
                acc = self_v[buf][i, sl] + b_v[sl]
                for t in range(NT):
                    acc = acc + als[t] * nbr_v[buf][i * NT + t, sl]
                r = jnp.maximum(acc, 0.0)
                out_v[buf][i, sl] = r
                sqc = sqc + r * r
            return sqc

        sqc = lax.fori_loop(0, CH, row, jnp.zeros((16,), jnp.float32))

        @pl.when(r0 < NB)
        def _():
            sq_v[0, :] = sq_v[0, :] + sqc
            pltpu.async_copy(out_v[buf], e1t_hbm.at[pl.ds(r0, CH)], sem_w[buf])

        @pl.when(r0 >= NB)
        def _():
            sq_v[1, :] = sq_v[1, :] + sqc
            pltpu.async_copy(out_v[buf], e1n_hbm.at[pl.ds(r0 - NB, CH)], sem_w[buf])

    issue(0, base)

    def pair(k, carry):
        r_a = base + (2 * k) * CH
        r_b = r_a + CH
        issue(1, r_b)
        wait(0)
        compute(0, r_a, k == 0)

        @pl.when(k + 1 < NPAIR)
        def _():
            issue(0, r_b + CH)

        wait(1)
        compute(1, r_b, k == 0)
        return carry

    lax.fori_loop(0, NPAIR, pair, 0)
    pltpu.make_async_copy(out_v[0], e1t_hbm.at[pl.ds(0, CH)], sem_w[0]).wait()
    pltpu.make_async_copy(out_v[1], e1t_hbm.at[pl.ds(0, CH)], sem_w[1]).wait()
    pltpu.sync_copy(sq_v.at[0], sqt_hbm.at[wid])
    pltpu.sync_copy(sq_v.at[1], sqn_hbm.at[wid])


_sc_call = functools.partial(
    pl.kernel,
    out_type=(
        jax.ShapeDtypeStruct((NB, DD), jnp.float32),
        jax.ShapeDtypeStruct((NB * NT, DD), jnp.float32),
        jax.ShapeDtypeStruct((NW, 16), jnp.float32),
        jax.ShapeDtypeStruct((NW, 16), jnp.float32),
    ),
    mesh=plsc.VectorSubcoreMesh(core_axis_name="c", subcore_axis_name="s"),
    scratch_types=[
        pltpu.VMEM((CH,), jnp.int32),
        pltpu.VMEM((CH,), jnp.int32),
        pltpu.VMEM((CH * NT,), jnp.int32),
        pltpu.VMEM((CH * NT,), jnp.int32),
        pltpu.VMEM((CH * NT + 16,), jnp.float32),
        pltpu.VMEM((CH * NT + 16,), jnp.float32),
        pltpu.VMEM((CH, DD), jnp.float32),
        pltpu.VMEM((CH, DD), jnp.float32),
        pltpu.VMEM((CH * NT, DD), jnp.float32),
        pltpu.VMEM((CH * NT, DD), jnp.float32),
        pltpu.VMEM((CH, DD), jnp.float32),
        pltpu.VMEM((CH, DD), jnp.float32),
        pltpu.VMEM((DD,), jnp.float32),
        pltpu.VMEM((2, 16), jnp.float32),
        pltpu.SemaphoreType.DMA,
        pltpu.SemaphoreType.DMA,
        pltpu.SemaphoreType.DMA,
        pltpu.SemaphoreType.DMA,
        pltpu.SemaphoreType.DMA,
        pltpu.SemaphoreType.DMA,
    ],
)(_sc_body)



_BM0 = 512


def _t3b_body(e1t_ref, e1n_ref, al_ref, ws0, bs0, wa0, ba0, wo0t, wo0b, bo0,
              sqt_ref, sqn_ref, e0_ref, sq_ref):
    nu1 = jnp.sqrt(jnp.sum(sqt_ref[...]))
    nu2 = jnp.sqrt(jnp.sum(sqn_ref[...]))
    zt = jnp.maximum(
        jnp.dot(e1t_ref[...], ws0[...], preferred_element_type=jnp.float32)
        + nu1 * bs0[...], 0.0)
    al = al_ref[...]
    agg = jnp.zeros((_BM0, DD), jnp.float32)
    for t in range(NT):
        znt = jnp.maximum(
            jnp.dot(e1n_ref[:, t, :], wa0[...], preferred_element_type=jnp.float32)
            + nu2 * ba0[...], 0.0)
        agg = agg + al[:, t:t + 1] * znt
    pre = (jnp.dot(zt, wo0t[...], preferred_element_type=jnp.float32) / nu1
           + jnp.dot(agg, wo0b[...], preferred_element_type=jnp.float32) / nu2
           + bo0[...])
    e0 = jnp.maximum(pre, 0.0)
    e0_ref[...] = e0

    @pl.when(pl.program_id(0) == 0)
    def _():
        sq_ref[...] = jnp.zeros_like(sq_ref)

    sq_ref[...] += jnp.sum(e0 * e0, axis=0, keepdims=True)


def _t3b(e1t, e1n3, al1, ws0, bs0, wa0, ba0, wo0t, wo0b, bo0, sqt, sqn):
    full = pl.BlockSpec((DD, DD), lambda i: (0, 0))
    row = pl.BlockSpec((1, DD), lambda i: (0, 0))
    sqspec = pl.BlockSpec((NW, 16), lambda i: (0, 0))
    return pl.pallas_call(
        _t3b_body,
        grid=(NB // _BM0,),
        in_specs=[
            pl.BlockSpec((_BM0, DD), lambda i: (i, 0)),
            pl.BlockSpec((_BM0, NT, DD), lambda i: (i, 0, 0)),
            pl.BlockSpec((_BM0, NT), lambda i: (i, 0)),
            full, row, full, row, full, full, row,
            sqspec, sqspec,
        ],
        out_specs=[
            pl.BlockSpec((_BM0, DD), lambda i: (i, 0)),
            pl.BlockSpec((1, DD), lambda i: (0, 0)),
        ],
        out_shape=[
            jax.ShapeDtypeStruct((NB, DD), jnp.float32),
            jax.ShapeDtypeStruct((1, DD), jnp.float32),
        ],
    )(e1t, e1n3, al1, ws0, bs0, wa0, ba0, wo0t, wo0b, bo0, sqt, sqn)




def _t3c_body(e0_ref, wemb, bemb, sq_ref, out_ref):
    nu0 = jnp.sqrt(jnp.sum(sq_ref[...]))
    q = jnp.maximum(
        jnp.dot(e0_ref[...], wemb[...], preferred_element_type=jnp.float32)
        + nu0 * bemb[...], 0.0)
    out_ref[...] = q * (1.0 / nu0)


def _t3c(e0, wemb, bemb, sq0):
    return pl.pallas_call(
        _t3c_body,
        grid=(2,),
        in_specs=[
            pl.BlockSpec((NB // 2, DD), lambda i: (i, 0)),
            pl.BlockSpec((DD, DD), lambda i: (0, 0)),
            pl.BlockSpec((1, DD), lambda i: (0, 0)),
            pl.BlockSpec((1, DD), lambda i: (0, 0)),
        ],
        out_specs=pl.BlockSpec((NB // 2, DD), lambda i: (i, 0)),
        out_shape=jax.ShapeDtypeStruct((NB, DD), jnp.float32),
    )(e0, wemb, bemb, sq0)




def kernel(x, node_ids, neigh1, alpha1, neigh2, alpha2,
           W_self1, b_self1, W_agg1, b_agg1, W_out1, b_out1,
           W_self0, b_self0, W_agg0, b_agg0, W_out0, b_out0,
           W_emb, b_emb):
    Sp, Ap = _t1(x, W_self1, b_self1.reshape(1, DD), W_agg1,
                 b_agg1.reshape(1, DD), W_out1[:DD], W_out1[DD:])

    e1_t, e1_n, sqt, sqn = _sc_call(Sp, Ap, node_ids, neigh1.reshape(-1),
                                    neigh2.reshape(-1), alpha1.reshape(-1),
                                    alpha2.reshape(-1), b_out1)

    e1n3 = e1_n.reshape(NB, NT, DD)
    e0, sq0 = _t3b(e1_t, e1n3, alpha1, W_self0, b_self0.reshape(1, DD),
                   W_agg0, b_agg0.reshape(1, DD), W_out0[:DD], W_out0[DD:],
                   b_out0.reshape(1, DD), sqt, sqn)

    return _t3c(e0, W_emb, b_emb.reshape(1, DD), sq0)

# --- scband reference (transcript-rebuilt; emitter-appended) ---
"""Pipeline reference for scband-pin-sage-69346541961480 (READ-ONLY COPY).

The authoritative reference and input builder live on the scoring server;
editing this copy changes nothing except your own understanding.
"""

import jax, jax.numpy as jnp
import numpy as np

N = 100000
D = 128
B = 4096
T = 10
U = 128
EMB = 128

def _glorot(k, shape):
    lim = float(np.sqrt(6.0 / (shape[0] + shape[1])))
    return jax.random.uniform(k, shape, jnp.float32, -lim, lim)

def setup_inputs(seed: int = 0):
    key = jax.random.key(seed)
    ks = jax.random.split(key, 16)
    x = jax.random.normal(ks[0], (N, D), dtype=jnp.float32)
    node_ids = jax.random.randint(ks[1], (B,), 0, N, dtype=jnp.int32)
    neigh1 = jax.random.randint(ks[2], (B, T), 0, N, dtype=jnp.int32)
    alpha1 = jax.random.uniform(ks[3], (B, T), dtype=jnp.float32)
    neigh2 = jax.random.randint(ks[4], (B * T, T), 0, N, dtype=jnp.int32)
    alpha2 = jax.random.uniform(ks[5], (B * T, T), dtype=jnp.float32)
    inp = dict(x=x, node_ids=node_ids, neigh1=neigh1, alpha1=alpha1, neigh2=neigh2, alpha2=alpha2)
    inp.update(dict(
        W_self1=_glorot(ks[6], (D, U)), b_self1=jnp.zeros((U,), jnp.float32),
        W_agg1=_glorot(ks[7], (D, U)), b_agg1=jnp.zeros((U,), jnp.float32),
        W_out1=_glorot(ks[8], (2 * U, U)), b_out1=jnp.zeros((U,), jnp.float32),
        W_self0=_glorot(ks[9], (U, U)), b_self0=jnp.zeros((U,), jnp.float32),
        W_agg0=_glorot(ks[10], (U, U)), b_agg0=jnp.zeros((U,), jnp.float32),
        W_out0=_glorot(ks[11], (2 * U, U)), b_out0=jnp.zeros((U,), jnp.float32),
        W_emb=_glorot(ks[12], (U, EMB)), b_emb=jnp.zeros((EMB,), jnp.float32),
    ))
    return inp

def _convolve(node, neigh, alpha, Ws, bs, Wa, ba, Wo, bo):
    # Convolve layer: Dense(relu) on node, Aggregator = Dense(relu) on neighbours
    # followed by importance-weighted matmul (alpha @ neigh_emb), concat, Dense(relu),
    # then divide by global L2 norm (tf.norm(Emb, ord=2) over all elements).
    node_emb = jax.nn.relu(node @ Ws + bs)
    neigh_emb = jax.nn.relu(neigh @ Wa + ba)
    agg = jnp.einsum('mt,mtu->mu', alpha, neigh_emb)
    emb = jax.nn.relu(jnp.concatenate([node_emb, agg], axis=-1) @ Wo + bo)
    return emb / jnp.linalg.norm(emb)

def reference(x, node_ids, neigh1, alpha1, neigh2, alpha2,
              W_self1, b_self1, W_agg1, b_agg1, W_out1, b_out1,
              W_self0, b_self0, W_agg0, b_agg0, W_out0, b_out0,
              W_emb, b_emb):
    # init_embedding lookup == gather from node feature table
    node_feat = jnp.take(x, node_ids, axis=0)                                   # [B, D]
    n1_feat = jnp.take(x, neigh1.reshape(-1), axis=0).reshape(B, T, D)          # [B, T, D]
    n2_feat = jnp.take(x, neigh2.reshape(-1), axis=0).reshape(B * T, T, D)      # [B*T, T, D]
    # depth k = depth_K-1 = 1: convolve targets and their 1-hop neighbours (shared weights)
    h_t1 = _convolve(node_feat, n1_feat, alpha1, W_self1, b_self1, W_agg1, b_agg1, W_out1, b_out1)
    h_n1 = _convolve(n1_feat.reshape(B * T, D), n2_feat, alpha2, W_self1, b_self1, W_agg1, b_agg1, W_out1, b_out1)
    # depth k = 0: convolve targets using level-1 embeddings of their neighbours
    h_t0 = _convolve(h_t1, h_n1.reshape(B, T, U), alpha1, W_self0, b_self0, W_agg0, b_agg0, W_out0, b_out0)
    # final Dense(emb_dim, relu)
    return jax.nn.relu(h_t0 @ W_emb + b_emb)

if __name__ == "__main__":
    import jax
    _d = setup_inputs()
    print(jax.jit(kernel)(*tuple(_d.values())))

</pallas_src>

<mosaic_0001>
#map = affine_map<(d0, d1) -> (0, 0)>
#map1 = affine_map<(d0, d1) -> (0)>
module attributes {stable_mosaic.version = 14 : i64} {
  func.func @_sc_body(%arg0: i32, %arg1: i32, %arg2: memref<100000x128xf32, #tpu.memory_space<hbm>>, %arg3: memref<100000x128xf32, #tpu.memory_space<hbm>>, %arg4: memref<4096xi32, #tpu.memory_space<hbm>>, %arg5: memref<40960xi32, #tpu.memory_space<hbm>>, %arg6: memref<409600xi32, #tpu.memory_space<hbm>>, %arg7: memref<40960xf32, #tpu.memory_space<hbm>>, %arg8: memref<409600xf32, #tpu.memory_space<hbm>>, %arg9: memref<128xf32, #tpu.memory_space<hbm>>, %arg10: memref<4096x128xf32, #tpu.memory_space<hbm>>, %arg11: memref<40960x128xf32, #tpu.memory_space<hbm>>, %arg12: memref<32x16xf32, #tpu.memory_space<hbm>>, %arg13: memref<32x16xf32, #tpu.memory_space<hbm>>, %arg14: memref<32xi32, #tpu.memory_space<vmem>>, %arg15: memref<32xi32, #tpu.memory_space<vmem>>, %arg16: memref<320xi32, #tpu.memory_space<vmem>>, %arg17: memref<320xi32, #tpu.memory_space<vmem>>, %arg18: memref<336xf32, #tpu.memory_space<vmem>>, %arg19: memref<336xf32, #tpu.memory_space<vmem>>, %arg20: memref<32x128xf32, #tpu.memory_space<vmem>>, %arg21: memref<32x128xf32, #tpu.memory_space<vmem>>, %arg22: memref<320x128xf32, #tpu.memory_space<vmem>>, %arg23: memref<320x128xf32, #tpu.memory_space<vmem>>, %arg24: memref<32x128xf32, #tpu.memory_space<vmem>>, %arg25: memref<32x128xf32, #tpu.memory_space<vmem>>, %arg26: memref<128xf32, #tpu.memory_space<vmem>>, %arg27: memref<2x16xf32, #tpu.memory_space<vmem>>, %arg28: memref<!tpu.dma_semaphore, #tpu.memory_space<semaphore_mem>>, %arg29: memref<!tpu.dma_semaphore, #tpu.memory_space<semaphore_mem>>, %arg30: memref<!tpu.dma_semaphore, #tpu.memory_space<semaphore_mem>>, %arg31: memref<!tpu.dma_semaphore, #tpu.memory_space<semaphore_mem>>, %arg32: memref<!tpu.dma_semaphore, #tpu.memory_space<semaphore_mem>>, %arg33: memref<!tpu.dma_semaphore, #tpu.memory_space<semaphore_mem>>) attributes {dimension_semantics = [#tpu.dimension_semantics<core_parallel>, #tpu.dimension_semantics<subcore_parallel>], iteration_bounds = array<i64: 2, 16>, scalar_prefetch = 0 : i64, scratch_operands = 20 : i64, tpu.core_type = #tpu.core_type<sc_vector_subcore>, window_params = [{transform_indices = #map}, {transform_indices = #map}, {transform_indices = #map1}, {transform_indices = #map1}, {transform_indices = #map1}, {transform_indices = #map1}, {transform_indices = #map1}, {transform_indices = #map1}, {transform_indices = #map}, {transform_indices = #map}, {transform_indices = #map}, {transform_indices = #map}]} {
    %mul3A = arith.constant 2 : i32
    %mul3A_0 = arith.muli %arg1, %mul3A : i32
    %add3A = arith.addi %mul3A_0, %arg0 : i32
    %mul3A_1 = arith.constant 1408 : i32
    %mul3A_2 = arith.muli %add3A, %mul3A_1 : i32
    "tpu.region"() ({
      %run_scoped3A_45 = tpu.sem_alloc : memref<!tpu.dma_semaphore, #tpu.memory_space<semaphore_mem>>
      tpu.enqueue_dma source(%arg9 : memref<128xf32, #tpu.memory_space<hbm>>) target(%arg26 : memref<128xf32, #tpu.memory_space<vmem>>) target_semaphore(%run_scoped3A_45 : memref<!tpu.dma_semaphore, #tpu.memory_space<semaphore_mem>>)
      tpu.wait_dma2 semaphore(%run_scoped3A_45 : memref<!tpu.dma_semaphore, #tpu.memory_space<semaphore_mem>>) src(%arg9 : memref<128xf32, #tpu.memory_space<hbm>>) dst(%arg26 : memref<128xf32, #tpu.memory_space<vmem>>)
      tpu.yield
    }) : () -> ()
    %broadcast_in_dim3A = arith.constant 0.000000e+00 : f32
    %broadcast_in_dim3A_3 = vector.broadcast %broadcast_in_dim3A : f32 to vector<16xf32>
    %swap3A = arith.constant 0 : i32
    %swap3A_4 = arith.index_cast %swap3A : i32 to index
    %swap3A_5 = arith.constant 0 : index
    %swap3A_6 = tpu.vector_load %arg27[%swap3A_4, %swap3A_5] {strides = array<i32>} : memref<2x16xf32, #tpu.memory_space<vmem>>, vector<1x16xf32>,
    %swap3A_7 = vector.shape_cast %swap3A_6 : vector<1x16xf32> to vector<16xf32>
    %swap3A_8 = vector.shape_cast %broadcast_in_dim3A_3 : vector<16xf32> to vector<1x16xf32>
    tpu.vector_store %arg27[%swap3A_4, %swap3A_5], %swap3A_8 {strides = array<i32>} : memref<2x16xf32, #tpu.memory_space<vmem>>, vector<1x16xf32>,
    %broadcast_in_dim3A_9 = arith.constant 0.000000e+00 : f32
    %broadcast_in_dim3A_10 = vector.broadcast %broadcast_in_dim3A_9 : f32 to vector<16xf32>
    %swap3A_11 = arith.constant 1 : i32
    %swap3A_12 = arith.index_cast %swap3A_11 : i32 to index
    %swap3A_13 = arith.constant 0 : index
    %swap3A_14 = tpu.vector_load %arg27[%swap3A_12, %swap3A_13] {strides = array<i32>} : memref<2x16xf32, #tpu.memory_space<vmem>>, vector<1x16xf32>,
    %swap3A_15 = vector.shape_cast %swap3A_14 : vector<1x16xf32> to vector<16xf32>
    %swap3A_16 = vector.shape_cast %broadcast_in_dim3A_10 : vector<16xf32> to vector<1x16xf32>
    tpu.vector_store %arg27[%swap3A_12, %swap3A_13], %swap3A_16 {strides = array<i32>} : memref<2x16xf32, #tpu.memory_space<vmem>>, vector<1x16xf32>,
    %lt3A = arith.constant 4096 : i32
    %lt3A_17 = arith.cmpi slt, %mul3A_2, %lt3A : i32
    %convert_element_type3A = arith.extui %lt3A_17 : i1 to i32
    %cond3A = arith.constant 0 : i32
    %cond3A_18 = arith.cmpi ne, %convert_element_type3A, %cond3A : i32
    scf.if %cond3A_18 {
      "tpu.region"() ({
        %run_scoped3A_49 = tpu.sem_alloc : memref<!tpu.dma_semaphore, #tpu.memory_space<semaphore_mem>>
        %dma_start3A_50 = tpu.memref_slice %arg4[%mul3A_2] : memref<4096xi32, #tpu.memory_space<hbm>> -> memref<32xi32, #tpu.memory_space<hbm>>
        %dma_start3A_51 = tpu.memref_slice %arg4[%mul3A_2] : memref<4096xi32, #tpu.memory_space<hbm>> -> memref<32xi32, #tpu.memory_space<hbm>>
        tpu.enqueue_dma source(%dma_start3A_51 : memref<32xi32, #tpu.memory_space<hbm>>) target(%arg14 : memref<32xi32, #tpu.memory_space<vmem>>) target_semaphore(%run_scoped3A_49 : memref<!tpu.dma_semaphore, #tpu.memory_space<semaphore_mem>>)
        %dma_wait3A_52 = tpu.memref_slice %arg4[%mul3A_2] : memref<4096xi32, #tpu.memory_space<hbm>> -> memref<32xi32, #tpu.memory_space<hbm>>
        %dma_wait3A_53 = tpu.memref_slice %arg4[%mul3A_2] : memref<4096xi32, #tpu.memory_space<hbm>> -> memref<32xi32, #tpu.memory_space<hbm>>
        tpu.wait_dma2 semaphore(%run_scoped3A_49 : memref<!tpu.dma_semaphore, #tpu.memory_space<semaphore_mem>>) src(%dma_wait3A_53 : memref<32xi32, #tpu.memory_space<hbm>>) dst(%arg14 : memref<32xi32, #tpu.memory_space<vmem>>)
        tpu.yield
      }) : () -> ()
      %mul3A_45 = arith.constant 10 : i32
      %mul3A_46 = arith.muli %mul3A_2, %mul3A_45 : i32
      "tpu.region"() ({
        %run_scoped3A_49 = tpu.sem_alloc : memref<!tpu.dma_semaphore, #tpu.memory_space<semaphore_mem>>
        %dma_start3A_50 = tpu.memref_slice %arg5[%mul3A_46] : memref<40960xi32, #tpu.memory_space<hbm>> -> memref<320xi32, #tpu.memory_space<hbm>>
        %dma_start3A_51 = tpu.memref_slice %arg5[%mul3A_46] : memref<40960xi32, #tpu.memory_space<hbm>> -> memref<320xi32, #tpu.memory_space<hbm>>
        tpu.enqueue_dma source(%dma_start3A_51 : memref<320xi32, #tpu.memory_space<hbm>>) target(%arg16 : memref<320xi32, #tpu.memory_space<vmem>>) target_semaphore(%run_scoped3A_49 : memref<!tpu.dma_semaphore, #tpu.memory_space<semaphore_mem>>)
        %dma_wait3A_52 = tpu.memref_slice %arg5[%mul3A_46] : memref<40960xi32, #tpu.memory_space<hbm>> -> memref<320xi32, #tpu.memory_space<hbm>>
        %dma_wait3A_53 = tpu.memref_slice %arg5[%mul3A_46] : memref<40960xi32, #tpu.memory_space<hbm>> -> memref<320xi32, #tpu.memory_space<hbm>>
        tpu.wait_dma2 semaphore(%run_scoped3A_49 : memref<!tpu.dma_semaphore, #tpu.memory_space<semaphore_mem>>) src(%dma_wait3A_53 : memref<320xi32, #tpu.memory_space<hbm>>) dst(%arg16 : memref<320xi32, #tpu.memory_space<vmem>>)
        tpu.yield
      }) : () -> ()
      %mul3A_47 = arith.constant 10 : i32
      %mul3A_48 = arith.muli %mul3A_2, %mul3A_47 : i32
      "tpu.region"() ({
        %run_scoped3A_49 = tpu.sem_alloc : memref<!tpu.dma_semaphore, #tpu.memory_space<semaphore_mem>>
        %dma_start3A_50 = arith.constant 0 : i32
        %dma_start3A_51 = tpu.memref_slice %arg18[%dma_start3A_50] : memref<336xf32, #tpu.memory_space<vmem>> -> memref<320xf32, #tpu.memory_space<vmem>>
        %dma_start3A_52 = tpu.memref_slice %arg7[%mul3A_48] : memref<40960xf32, #tpu.memory_space<hbm>> -> memref<320xf32, #tpu.memory_space<hbm>>
        %dma_start3A_53 = arith.constant 0 : i32
        %dma_start3A_54 = tpu.memref_slice %arg18[%dma_start3A_53] : memref<336xf32, #tpu.memory_space<vmem>> -> memref<320xf32, #tpu.memory_space<vmem>>
        %dma_start3A_55 = tpu.memref_slice %arg7[%mul3A_48] : memref<40960xf32, #tpu.memory_space<hbm>> -> memref<320xf32, #tpu.memory_space<hbm>>
        tpu.enqueue_dma source(%dma_start3A_55 : memref<320xf32, #tpu.memory_space<hbm>>) target(%dma_start3A_54 : memref<320xf32, #tpu.memory_space<vmem>>) target_semaphore(%run_scoped3A_49 : memref<!tpu.dma_semaphore, #tpu.memory_space<semaphore_mem>>)
        %dma_wait3A_56 = arith.constant 0 : i32
        %dma_wait3A_57 = tpu.memref_slice %arg18[%dma_wait3A_56] : memref<336xf32, #tpu.memory_space<vmem>> -> memref<320xf32, #tpu.memory_space<vmem>>
        %dma_wait3A_58 = tpu.memref_slice %arg7[%mul3A_48] : memref<40960xf32, #tpu.memory_space<hbm>> -> memref<320xf32, #tpu.memory_space<hbm>>
        %dma_wait3A_59 = arith.constant 0 : i32
        %dma_wait3A_60 = tpu.memref_slice %arg18[%dma_wait3A_59] : memref<336xf32, #tpu.memory_space<vmem>> -> memref<320xf32, #tpu.memory_space<vmem>>
        %dma_wait3A_61 = tpu.memref_slice %arg7[%mul3A_48] : memref<40960xf32, #tpu.memory_space<hbm>> -> memref<320xf32, #tpu.memory_space<hbm>>
        tpu.wait_dma2 semaphore(%run_scoped3A_49 : memref<!tpu.dma_semaphore, #tpu.memory_space<semaphore_mem>>) src(%dma_wait3A_61 : memref<320xf32, #tpu.memory_space<hbm>>) dst(%dma_wait3A_60 : memref<320xf32, #tpu.memory_space<vmem>>)
        tpu.yield
      }) : () -> ()
    } else {
    }
    %ge3A = arith.constant 4096 : i32
    %ge3A_19 = arith.cmpi sge, %mul3A_2, %ge3A : i32
    %convert_element_type3A_20 = arith.extui %ge3A_19 : i1 to i32
    %cond3A_21 = arith.constant 0 : i32
    %cond3A_22 = arith.cmpi ne, %convert_element_type3A_20, %cond3A_21 : i32
    scf.if %cond3A_22 {
      %sub3A = arith.constant 4096 : i32
      %sub3A_45 = arith.subi %mul3A_2, %sub3A : i32
      "tpu.region"() ({
        %run_scoped3A_50 = tpu.sem_alloc : memref<!tpu.dma_semaphore, #tpu.memory_space<semaphore_mem>>
        %dma_start3A_51 = tpu.memref_slice %arg5[%sub3A_45] : memref<40960xi32, #tpu.memory_space<hbm>> -> memref<32xi32, #tpu.memory_space<hbm>>
        %dma_start3A_52 = tpu.memref_slice %arg5[%sub3A_45] : memref<40960xi32, #tpu.memory_space<hbm>> -> memref<32xi32, #tpu.memory_space<hbm>>
        tpu.enqueue_dma source(%dma_start3A_52 : memref<32xi32, #tpu.memory_space<hbm>>) target(%arg14 : memref<32xi32, #tpu.memory_space<vmem>>) target_semaphore(%run_scoped3A_50 : memref<!tpu.dma_semaphore, #tpu.memory_space<semaphore_mem>>)
        %dma_wait3A_53 = tpu.memref_slice %arg5[%sub3A_45] : memref<40960xi32, #tpu.memory_space<hbm>> -> memref<32xi32, #tpu.memory_space<hbm>>
        %dma_wait3A_54 = tpu.memref_slice %arg5[%sub3A_45] : memref<40960xi32, #tpu.memory_space<hbm>> -> memref<32xi32, #tpu.memory_space<hbm>>
        tpu.wait_dma2 semaphore(%run_scoped3A_50 : memref<!tpu.dma_semaphore, #tpu.memory_space<semaphore_mem>>) src(%dma_wait3A_54 : memref<32xi32, #tpu.memory_space<hbm>>) dst(%arg14 : memref<32xi32, #tpu.memory_space<vmem>>)
        tpu.yield
      }) : () -> ()
      %mul3A_46 = arith.constant 10 : i32
      %mul3A_47 = arith.muli %sub3A_45, %mul3A_46 : i32
      "tpu.region"() ({
        %run_scoped3A_50 = tpu.sem_alloc : memref<!tpu.dma_semaphore, #tpu.memory_space<semaphore_mem>>
        %dma_start3A_51 = tpu.memref_slice %arg6[%mul3A_47] : memref<409600xi32, #tpu.memory_space<hbm>> -> memref<320xi32, #tpu.memory_space<hbm>>
        %dma_start3A_52 = tpu.memref_slice %arg6[%mul3A_47] : memref<409600xi32, #tpu.memory_space<hbm>> -> memref<320xi32, #tpu.memory_space<hbm>>
        tpu.enqueue_dma source(%dma_start3A_52 : memref<320xi32, #tpu.memory_space<hbm>>) target(%arg16 : memref<320xi32, #tpu.memory_space<vmem>>) target_semaphore(%run_scoped3A_50 : memref<!tpu.dma_semaphore, #tpu.memory_space<semaphore_mem>>)
        %dma_wait3A_53 = tpu.memref_slice %arg6[%mul3A_47] : memref<409600xi32, #tpu.memory_space<hbm>> -> memref<320xi32, #tpu.memory_space<hbm>>
        %dma_wait3A_54 = tpu.memref_slice %arg6[%mul3A_47] : memref<409600xi32, #tpu.memory_space<hbm>> -> memref<320xi32, #tpu.memory_space<hbm>>
        tpu.wait_dma2 semaphore(%run_scoped3A_50 : memref<!tpu.dma_semaphore, #tpu.memory_space<semaphore_mem>>) src(%dma_wait3A_54 : memref<320xi32, #tpu.memory_space<hbm>>) dst(%arg16 : memref<320xi32, #tpu.memory_space<vmem>>)
        tpu.yield
      }) : () -> ()
      %mul3A_48 = arith.constant 10 : i32
      %mul3A_49 = arith.muli %sub3A_45, %mul3A_48 : i32
      "tpu.region"() ({
        %run_scoped3A_50 = tpu.sem_alloc : memref<!tpu.dma_semaphore, #tpu.memory_space<semaphore_mem>>
        %dma_start3A_51 = arith.constant 0 : i32
        %dma_start3A_52 = tpu.memref_slice %arg18[%dma_start3A_51] : memref<336xf32, #tpu.memory_space<vmem>> -> memref<320xf32, #tpu.memory_space<vmem>>
        %dma_start3A_53 = tpu.memref_slice %arg8[%mul3A_49] : memref<409600xf32, #tpu.memory_space<hbm>> -> memref<320xf32, #tpu.memory_space<hbm>>
        %dma_start3A_54 = arith.constant 0 : i32
        %dma_start3A_55 = tpu.memref_slice %arg18[%dma_start3A_54] : memref<336xf32, #tpu.memory_space<vmem>> -> memref<320xf32, #tpu.memory_space<vmem>>
        %dma_start3A_56 = tpu.memref_slice %arg8[%mul3A_49] : memref<409600xf32, #tpu.memory_space<hbm>> -> memref<320xf32, #tpu.memory_space<hbm>>
        tpu.enqueue_dma source(%dma_start3A_56 : memref<320xf32, #tpu.memory_space<hbm>>) target(%dma_start3A_55 : memref<320xf32, #tpu.memory_space<vmem>>) target_semaphore(%run_scoped3A_50 : memref<!tpu.dma_semaphore, #tpu.memory_space<semaphore_mem>>)
        %dma_wait3A_57 = arith.constant 0 : i32
        %dma_wait3A_58 = tpu.memref_slice %arg18[%dma_wait3A_57] : memref<336xf32, #tpu.memory_space<vmem>> -> memref<320xf32, #tpu.memory_space<vmem>>
        %dma_wait3A_59 = tpu.memref_slice %arg8[%mul3A_49] : memref<409600xf32, #tpu.memory_space<hbm>> -> memref<320xf32, #tpu.memory_space<hbm>>
        %dma_wait3A_60 = arith.constant 0 : i32
        %dma_wait3A_61 = tpu.memref_slice %arg18[%dma_wait3A_60] : memref<336xf32, #tpu.memory_space<vmem>> -> memref<320xf32, #tpu.memory_space<vmem>>
        %dma_wait3A_62 = tpu.memref_slice %arg8[%mul3A_49] : memref<409600xf32, #tpu.memory_space<hbm>> -> memref<320xf32, #tpu.memory_space<hbm>>
        tpu.wait_dma2 semaphore(%run_scoped3A_50 : memref<!tpu.dma_semaphore, #tpu.memory_space<semaphore_mem>>) src(%dma_wait3A_62 : memref<320xf32, #tpu.memory_space<hbm>>) dst(%dma_wait3A_61 : memref<320xf32, #tpu.memory_space<vmem>>)
        tpu.yield
      }) : () -> ()
    } else {
    }
    %dma_start3A = arith.constant 0 : i32
    %dma_start3A_23 = arith.constant 0 : i32
    %dma_start3A_24 = tpu.memref_slice %arg2[%dma_start3A, %dma_start3A_23] : memref<100000x128xf32, #tpu.memory_space<hbm>> -> memref<100000x128xf32, #tpu.memory_space<hbm>>
    tpu.enqueue_indirect_dma source(%dma_start3A_24 : memref<100000x128xf32, #tpu.memory_space<hbm>>) target(%arg20 : memref<32x128xf32, #tpu.memory_space<vmem>>) offsets(%arg14 : memref<32xi32, #tpu.memory_space<vmem>>) semaphore(%arg28 : memref<!tpu.dma_semaphore, #tpu.memory_space<semaphore_mem>>)
    %dma_start3A_25 = arith.constant 0 : i32
    %dma_start3A_26 = arith.constant 0 : i32
    %dma_start3A_27 = tpu.memref_slice %arg3[%dma_start3A_25, %dma_start3A_26] : memref<100000x128xf32, #tpu.memory_space<hbm>> -> memref<100000x128xf32, #tpu.memory_space<hbm>>
    tpu.enqueue_indirect_dma source(%dma_start3A_27 : memref<100000x128xf32, #tpu.memory_space<hbm>>) target(%arg22 : memref<320x128xf32, #tpu.memory_space<vmem>>) offsets(%arg16 : memref<320xi32, #tpu.memory_space<vmem>>) semaphore(%arg29 : memref<!tpu.dma_semaphore, #tpu.memory_space<semaphore_mem>>)
    %scan3A = arith.constant 0 : i32
    %scan3A_28 = arith.constant 0 : i32
    %scan3A_29 = arith.constant 22 : i32
    %scan3A_30 = arith.addi %scan3A_28, %scan3A_29 : i32
    %scan3A_31 = arith.constant 1 : i32
    scf.for %scan3A_45 = %scan3A_28 to %scan3A_30 step %scan3A_31  : i32 {
      %mul3A_46 = arith.constant 2 : i32
      %mul3A_47 = arith.muli %mul3A_46, %scan3A_45 : i32
      %mul3A_48 = arith.constant 32 : i32
      %mul3A_49 = arith.muli %mul3A_47, %mul3A_48 : i32
      %add3A_50 = arith.addi %mul3A_2, %mul3A_49 : i32
      %add3A_51 = arith.constant 32 : i32
      %add3A_52 = arith.addi %add3A_50, %add3A_51 : i32
      %lt3A_53 = arith.constant 4096 : i32
      %lt3A_54 = arith.cmpi slt, %add3A_52, %lt3A_53 : i32
      %convert_element_type3A_55 = arith.extui %lt3A_54 : i1 to i32
      %cond3A_56 = arith.constant 0 : i32
      %cond3A_57 = arith.cmpi ne, %convert_element_type3A_55, %cond3A_56 : i32
      scf.if %cond3A_57 {
        "tpu.region"() ({
          %run_scoped3A_140 = tpu.sem_alloc : memref<!tpu.dma_semaphore, #tpu.memory_space<semaphore_mem>>
          %dma_start3A_141 = tpu.memref_slice %arg4[%add3A_52] : memref<4096xi32, #tpu.memory_space<hbm>> -> memref<32xi32, #tpu.memory_space<hbm>>
          %dma_start3A_142 = tpu.memref_slice %arg4[%add3A_52] : memref<4096xi32, #tpu.memory_space<hbm>> -> memref<32xi32, #tpu.memory_space<hbm>>
          tpu.enqueue_dma source(%dma_start3A_142 : memref<32xi32, #tpu.memory_space<hbm>>) target(%arg15 : memref<32xi32, #tpu.memory_space<vmem>>) target_semaphore(%run_scoped3A_140 : memref<!tpu.dma_semaphore, #tpu.memory_space<semaphore_mem>>)
          %dma_wait3A_143 = tpu.memref_slice %arg4[%add3A_52] : memref<4096xi32, #tpu.memory_space<hbm>> -> memref<32xi32, #tpu.memory_space<hbm>>
          %dma_wait3A_144 = tpu.memref_slice %arg4[%add3A_52] : memref<4096xi32, #tpu.memory_space<hbm>> -> memref<32xi32, #tpu.memory_space<hbm>>
          tpu.wait_dma2 semaphore(%run_scoped3A_140 : memref<!tpu.dma_semaphore, #tpu.memory_space<semaphore_mem>>) src(%dma_wait3A_144 : memref<32xi32, #tpu.memory_space<hbm>>) dst(%arg15 : memref<32xi32, #tpu.memory_space<vmem>>)
          tpu.yield
        }) : () -> ()
        %mul3A_136 = arith.constant 10 : i32
        %mul3A_137 = arith.muli %add3A_52, %mul3A_136 : i32
        "tpu.region"() ({
          %run_scoped3A_140 = tpu.sem_alloc : memref<!tpu.dma_semaphore, #tpu.memory_space<semaphore_mem>>
          %dma_start3A_141 = tpu.memref_slice %arg5[%mul3A_137] : memref<40960xi32, #tpu.memory_space<hbm>> -> memref<320xi32, #tpu.memory_space<hbm>>
          %dma_start3A_142 = tpu.memref_slice %arg5[%mul3A_137] : memref<40960xi32, #tpu.memory_space<hbm>> -> memref<320xi32, #tpu.memory_space<hbm>>
          tpu.enqueue_dma source(%dma_start3A_142 : memref<320xi32, #tpu.memory_space<hbm>>) target(%arg17 : memref<320xi32, #tpu.memory_space<vmem>>) target_semaphore(%run_scoped3A_140 : memref<!tpu.dma_semaphore, #tpu.memory_space<semaphore_mem>>)
          %dma_wait3A_143 = tpu.memref_slice %arg5[%mul3A_137] : memref<40960xi32, #tpu.memory_space<hbm>> -> memref<320xi32, #tpu.memory_space<hbm>>
          %dma_wait3A_144 = tpu.memref_slice %arg5[%mul3A_137] : memref<40960xi32, #tpu.memory_space<hbm>> -> memref<320xi32, #tpu.memory_space<hbm>>
          tpu.wait_dma2 semaphore(%run_scoped3A_140 : memref<!tpu.dma_semaphore, #tpu.memory_space<semaphore_mem>>) src(%dma_wait3A_144 : memref<320xi32, #tpu.memory_space<hbm>>) dst(%arg17 : memref<320xi32, #tpu.memory_space<vmem>>)
          tpu.yield
        }) : () -> ()
        %mul3A_138 = arith.constant 10 : i32
        %mul3A_139 = arith.muli %add3A_52, %mul3A_138 : i32
        "tpu.region"() ({
          %run_scoped3A_140 = tpu.sem_alloc : memref<!tpu.dma_semaphore, #tpu.memory_space<semaphore_mem>>
          %dma_start3A_141 = arith.constant 0 : i32
          %dma_start3A_142 = tpu.memref_slice %arg19[%dma_start3A_141] : memref<336xf32, #tpu.memory_space<vmem>> -> memref<320xf32, #tpu.memory_space<vmem>>
          %dma_start3A_143 = tpu.memref_slice %arg7[%mul3A_139] : memref<40960xf32, #tpu.memory_space<hbm>> -> memref<320xf32, #tpu.memory_space<hbm>>
          %dma_start3A_144 = arith.constant 0 : i32
          %dma_start3A_145 = tpu.memref_slice %arg19[%dma_start3A_144] : memref<336xf32, #tpu.memory_space<vmem>> -> memref<320xf32, #tpu.memory_space<vmem>>
          %dma_start3A_146 = tpu.memref_slice %arg7[%mul3A_139] : memref<40960xf32, #tpu.memory_space<hbm>> -> memref<320xf32, #tpu.memory_space<hbm>>
          tpu.enqueue_dma source(%dma_start3A_146 : memref<320xf32, #tpu.memory_space<hbm>>) target(%dma_start3A_145 : memref<320xf32, #tpu.memory_space<vmem>>) target_semaphore(%run_scoped3A_140 : memref<!tpu.dma_semaphore, #tpu.memory_space<semaphore_mem>>)
          %dma_wait3A_147 = arith.constant 0 : i32
          %dma_wait3A_148 = tpu.memref_slice %arg19[%dma_wait3A_147] : memref<336xf32, #tpu.memory_space<vmem>> -> memref<320xf32, #tpu.memory_space<vmem>>
          %dma_wait3A_149 = tpu.memref_slice %arg7[%mul3A_139] : memref<40960xf32, #tpu.memory_space<hbm>> -> memref<320xf32, #tpu.memory_space<hbm>>
          %dma_wait3A_150 = arith.constant 0 : i32
          %dma_wait3A_151 = tpu.memref_slice %arg19[%dma_wait3A_150] : memref<336xf32, #tpu.memory_space<vmem>> -> memref<320xf32, #tpu.memory_space<vmem>>
          %dma_wait3A_152 = tpu.memref_slice %arg7[%mul3A_139] : memref<40960xf32, #tpu.memory_space<hbm>> -> memref<320xf32, #tpu.memory_space<hbm>>
          tpu.wait_dma2 semaphore(%run_scoped3A_140 : memref<!tpu.dma_semaphore, #tpu.memory_space<semaphore_mem>>) src(%dma_wait3A_152 : memref<320xf32, #tpu.memory_space<hbm>>) dst(%dma_wait3A_151 : memref<320xf32, #tpu.memory_space<vmem>>)
          tpu.yield
        }) : () -> ()
      } else {
      }
      %ge3A_58 = arith.constant 4096 : i32
      %ge3A_59 = arith.cmpi sge, %add3A_52, %ge3A_58 : i32
      %convert_element_type3A_60 = arith.extui %ge3A_59 : i1 to i32
      %cond3A_61 = arith.constant 0 : i32
      %cond3A_62 = arith.cmpi ne, %convert_element_type3A_60, %cond3A_61 : i32
      scf.if %cond3A_62 {
        %sub3A = arith.constant 4096 : i32
        %sub3A_136 = arith.subi %add3A_52, %sub3A : i32
        "tpu.region"() ({
          %run_scoped3A_141 = tpu.sem_alloc : memref<!tpu.dma_semaphore, #tpu.memory_space<semaphore_mem>>
          %dma_start3A_142 = tpu.memref_slice %arg5[%sub3A_136] : memref<40960xi32, #tpu.memory_space<hbm>> -> memref<32xi32, #tpu.memory_space<hbm>>
          %dma_start3A_143 = tpu.memref_slice %arg5[%sub3A_136] : memref<40960xi32, #tpu.memory_space<hbm>> -> memref<32xi32, #tpu.memory_space<hbm>>
          tpu.enqueue_dma source(%dma_start3A_143 : memref<32xi32, #tpu.memory_space<hbm>>) target(%arg15 : memref<32xi32, #tpu.memory_space<vmem>>) target_semaphore(%run_scoped3A_141 : memref<!tpu.dma_semaphore, #tpu.memory_space<semaphore_mem>>)
          %dma_wait3A_144 = tpu.memref_slice %arg5[%sub3A_136] : memref<40960xi32, #tpu.memory_space<hbm>> -> memref<32xi32, #tpu.memory_space<hbm>>
          %dma_wait3A_145 = tpu.memref_slice %arg5[%sub3A_136] : memref<40960xi32, #tpu.memory_space<hbm>> -> memref<32xi32, #tpu.memory_space<hbm>>
          tpu.wait_dma2 semaphore(%run_scoped3A_141 : memref<!tpu.dma_semaphore, #tpu.memory_space<semaphore_mem>>) src(%dma_wait3A_145 : memref<32xi32, #tpu.memory_space<hbm>>) dst(%arg15 : memref<32xi32, #tpu.memory_space<vmem>>)
          tpu.yield
        }) : () -> ()
        %mul3A_137 = arith.constant 10 : i32
        %mul3A_138 = arith.muli %sub3A_136, %mul3A_137 : i32
        "tpu.region"() ({
          %run_scoped3A_141 = tpu.sem_alloc : memref<!tpu.dma_semaphore, #tpu.memory_space<semaphore_mem>>
          %dma_start3A_142 = tpu.memref_slice %arg6[%mul3A_138] : memref<409600xi32, #tpu.memory_space<hbm>> -> memref<320xi32, #tpu.memory_space<hbm>>
          %dma_start3A_143 = tpu.memref_slice %arg6[%mul3A_138] : memref<409600xi32, #tpu.memory_space<hbm>> -> memref<320xi32, #tpu.memory_space<hbm>>
          tpu.enqueue_dma source(%dma_start3A_143 : memref<320xi32, #tpu.memory_space<hbm>>) target(%arg17 : memref<320xi32, #tpu.memory_space<vmem>>) target_semaphore(%run_scoped3A_141 : memref<!tpu.dma_semaphore, #tpu.memory_space<semaphore_mem>>)
          %dma_wait3A_144 = tpu.memref_slice %arg6[%mul3A_138] : memref<409600xi32, #tpu.memory_space<hbm>> -> memref<320xi32, #tpu.memory_space<hbm>>
          %dma_wait3A_145 = tpu.memref_slice %arg6[%mul3A_138] : memref<409600xi32, #tpu.memory_space<hbm>> -> memref<320xi32, #tpu.memory_space<hbm>>
          tpu.wait_dma2 semaphore(%run_scoped3A_141 : memref<!tpu.dma_semaphore, #tpu.memory_space<semaphore_mem>>) src(%dma_wait3A_145 : memref<320xi32, #tpu.memory_space<hbm>>) dst(%arg17 : memref<320xi32, #tpu.memory_space<vmem>>)
          tpu.yield
        }) : () -> ()
        %mul3A_139 = arith.constant 10 : i32
        %mul3A_140 = arith.muli %sub3A_136, %mul3A_139 : i32
        "tpu.region"() ({
          %run_scoped3A_141 = tpu.sem_alloc : memref<!tpu.dma_semaphore, #tpu.memory_space<semaphore_mem>>
          %dma_start3A_142 = arith.constant 0 : i32
          %dma_start3A_143 = tpu.memref_slice %arg19[%dma_start3A_142] : memref<336xf32, #tpu.memory_space<vmem>> -> memref<320xf32, #tpu.memory_space<vmem>>
          %dma_start3A_144 = tpu.memref_slice %arg8[%mul3A_140] : memref<409600xf32, #tpu.memory_space<hbm>> -> memref<320xf32, #tpu.memory_space<hbm>>
          %dma_start3A_145 = arith.constant 0 : i32
          %dma_start3A_146 = tpu.memref_slice %arg19[%dma_start3A_145] : memref<336xf32, #tpu.memory_space<vmem>> -> memref<320xf32, #tpu.memory_space<vmem>>
          %dma_start3A_147 = tpu.memref_slice %arg8[%mul3A_140] : memref<409600xf32, #tpu.memory_space<hbm>> -> memref<320xf32, #tpu.memory_space<hbm>>
          tpu.enqueue_dma source(%dma_start3A_147 : memref<320xf32, #tpu.memory_space<hbm>>) target(%dma_start3A_146 : memref<320xf32, #tpu.memory_space<vmem>>) target_semaphore(%run_scoped3A_141 : memref<!tpu.dma_semaphore, #tpu.memory_space<semaphore_mem>>)
          %dma_wait3A_148 = arith.constant 0 : i32
          %dma_wait3A_149 = tpu.memref_slice %arg19[%dma_wait3A_148] : memref<336xf32, #tpu.memory_space<vmem>> -> memref<320xf32, #tpu.memory_space<vmem>>
          %dma_wait3A_150 = tpu.memref_slice %arg8[%mul3A_140] : memref<409600xf32, #tpu.memory_space<hbm>> -> memref<320xf32, #tpu.memory_space<hbm>>
          %dma_wait3A_151 = arith.constant 0 : i32
          %dma_wait3A_152 = tpu.memref_slice %arg19[%dma_wait3A_151] : memref<336xf32, #tpu.memory_space<vmem>> -> memref<320xf32, #tpu.memory_space<vmem>>
          %dma_wait3A_153 = tpu.memref_slice %arg8[%mul3A_140] : memref<409600xf32, #tpu.memory_space<hbm>> -> memref<320xf32, #tpu.memory_space<hbm>>
          tpu.wait_dma2 semaphore(%run_scoped3A_141 : memref<!tpu.dma_semaphore, #tpu.memory_space<semaphore_mem>>) src(%dma_wait3A_153 : memref<320xf32, #tpu.memory_space<hbm>>) dst(%dma_wait3A_152 : memref<320xf32, #tpu.memory_space<vmem>>)
          tpu.yield
        }) : () -> ()
      } else {
      }
      %dma_start3A_63 = arith.constant 0 : i32
      %dma_start3A_64 = arith.constant 0 : i32
      %dma_start3A_65 = tpu.memref_slice %arg2[%dma_start3A_63, %dma_start3A_64] : memref<100000x128xf32, #tpu.memory_space<hbm>> -> memref<100000x128xf32, #tpu.memory_space<hbm>>
      tpu.enqueue_indirect_dma source(%dma_start3A_65 : memref<100000x128xf32, #tpu.memory_space<hbm>>) target(%arg21 : memref<32x128xf32, #tpu.memory_space<vmem>>) offsets(%arg15 : memref<32xi32, #tpu.memory_space<vmem>>) semaphore(%arg30 : memref<!tpu.dma_semaphore, #tpu.memory_space<semaphore_mem>>)
      %dma_start3A_66 = arith.constant 0 : i32
      %dma_start3A_67 = arith.constant 0 : i32
      %dma_start3A_68 = tpu.memref_slice %arg3[%dma_start3A_66, %dma_start3A_67] : memref<100000x128xf32, #tpu.memory_space<hbm>> -> memref<100000x128xf32, #tpu.memory_space<hbm>>
      tpu.enqueue_indirect_dma source(%dma_start3A_68 : memref<100000x128xf32, #tpu.memory_space<hbm>>) target(%arg23 : memref<320x128xf32, #tpu.memory_space<vmem>>) offsets(%arg17 : memref<320xi32, #tpu.memory_space<vmem>>) semaphore(%arg31 : memref<!tpu.dma_semaphore, #tpu.memory_space<semaphore_mem>>)
      %dma_wait3A_69 = arith.constant 0 : i32
      %dma_wait3A_70 = arith.constant 0 : i32
      %dma_wait3A_71 = tpu.memref_slice %arg2[%dma_wait3A_69, %dma_wait3A_70] : memref<100000x128xf32, #tpu.memory_space<hbm>> -> memref<100000x128xf32, #tpu.memory_space<hbm>>
      tpu.wait_indirect_dma semaphore(%arg28 : memref<!tpu.dma_semaphore, #tpu.memory_space<semaphore_mem>>) src(%dma_wait3A_71 : memref<100000x128xf32, #tpu.memory_space<hbm>>) dst(%arg20 : memref<32x128xf32, #tpu.memory_space<vmem>>)
      %dma_wait3A_72 = arith.constant 0 : i32
      %dma_wait3A_73 = arith.constant 0 : i32
      %dma_wait3A_74 = tpu.memref_slice %arg3[%dma_wait3A_72, %dma_wait3A_73] : memref<100000x128xf32, #tpu.memory_space<hbm>> -> memref<100000x128xf32, #tpu.memory_space<hbm>>
      tpu.wait_indirect_dma semaphore(%arg29 : memref<!tpu.dma_semaphore, #tpu.memory_space<semaphore_mem>>) src(%dma_wait3A_74 : memref<100000x128xf32, #tpu.memory_space<hbm>>) dst(%arg22 : memref<320x128xf32, #tpu.memory_space<vmem>>)
      %eq3A = arith.constant 0 : i32
      %eq3A_75 = arith.cmpi eq, %scan3A_45, %eq3A : i32
      %not3A = arith.constant true
      %not3A_76 = arith.xori %eq3A_75, %not3A : i1
      %convert_element_type3A_77 = arith.extui %not3A_76 : i1 to i32
      %cond3A_78 = arith.constant 0 : i32
      %cond3A_79 = arith.cmpi ne, %convert_element_type3A_77, %cond3A_78 : i32
      scf.if %cond3A_79 {
        %dma_wait3A_136 = arith.constant 0 : i32
        %dma_wait3A_137 = arith.constant 0 : i32
        %dma_wait3A_138 = tpu.memref_slice %arg10[%dma_wait3A_136, %dma_wait3A_137] : memref<4096x128xf32, #tpu.memory_space<hbm>> -> memref<32x128xf32, #tpu.memory_space<hbm>>
        %dma_wait3A_139 = arith.constant 0 : i32
        %dma_wait3A_140 = arith.constant 0 : i32
        %dma_wait3A_141 = tpu.memref_slice %arg10[%dma_wait3A_139, %dma_wait3A_140] : memref<4096x128xf32, #tpu.memory_space<hbm>> -> memref<32x128xf32, #tpu.memory_space<hbm>>
        tpu.wait_dma2 semaphore(%arg32 : memref<!tpu.dma_semaphore, #tpu.memory_space<semaphore_mem>>) src(%arg24 : memref<32x128xf32, #tpu.memory_space<vmem>>) dst(%dma_wait3A_141 : memref<32x128xf32, #tpu.memory_space<hbm>>)
      } else {
      }
      %broadcast_in_dim3A_80 = arith.constant 0.000000e+00 : f32
      %broadcast_in_dim3A_81 = vector.broadcast %broadcast_in_dim3A_80 : f32 to vector<16xf32>
      %scan3A_82 = arith.constant 0 : i32
      %scan3A_83 = arith.constant 32 : i32
      %scan3A_84 = arith.addi %scan3A_82, %scan3A_83 : i32
      %scan3A_85 = arith.constant 1 : i32
      %scan3A_86 = scf.for %scan3A_136 = %scan3A_82 to %scan3A_84 step %scan3A_85 iter_args(%scan3A_137 = %broadcast_in_dim3A_81) -> (vector<16xf32>)  : i32 {
        %mul3A_138 = arith.constant 10 : i32
        %mul3A_139 = arith.muli %scan3A_136, %mul3A_138 : i32
        %get3A = arith.index_cast %mul3A_139 : i32 to index
        %get3A_140 = tpu.vector_load %arg18[%get3A] {strides = array<i32>} : memref<336xf32, #tpu.memory_space<vmem>>, vector<16xf32>,
        %get3A_141 = vector.shape_cast %get3A_140 : vector<16xf32> to vector<16xf32>
        %slice3A = vector.extract_strided_slice %get3A_141 {offsets = [0], sizes = [1], strides = [1]} : vector<16xf32> to vector<1xf32>
        %squeeze3A = vector.extract %slice3A[0] : f32 from vector<1xf32>
        %slice3A_142 = vector.extract_strided_slice %get3A_141 {offsets = [1], sizes = [1], strides = [1]} : vector<16xf32> to vector<1xf32>
        %squeeze3A_143 = vector.extract %slice3A_142[0] : f32 from vector<1xf32>
        %slice3A_144 = vector.extract_strided_slice %get3A_141 {offsets = [2], sizes = [1], strides = [1]} : vector<16xf32> to vector<1xf32>
        %squeeze3A_145 = vector.extract %slice3A_144[0] : f32 from vector<1xf32>
        %slice3A_146 = vector.extract_strided_slice %get3A_141 {offsets = [3], sizes = [1], strides = [1]} : vector<16xf32> to vector<1xf32>
        %squeeze3A_147 = vector.extract %slice3A_146[0] : f32 from vector<1xf32>
        %slice3A_148 = vector.extract_strided_slice %get3A_141 {offsets = [4], sizes = [1], strides = [1]} : vector<16xf32> to vector<1xf32>
        %squeeze3A_149 = vector.extract %slice3A_148[0] : f32 from vector<1xf32>
        %slice3A_150 = vector.extract_strided_slice %get3A_141 {offsets = [5], sizes = [1], strides = [1]} : vector<16xf32> to vector<1xf32>
        %squeeze3A_151 = vector.extract %slice3A_150[0] : f32 from vector<1xf32>
        %slice3A_152 = vector.extract_strided_slice %get3A_141 {offsets = [6], sizes = [1], strides = [1]} : vector<16xf32> to vector<1xf32>
        %squeeze3A_153 = vector.extract %slice3A_152[0] : f32 from vector<1xf32>
        %slice3A_154 = vector.extract_strided_slice %get3A_141 {offsets = [7], sizes = [1], strides = [1]} : vector<16xf32> to vector<1xf32>
        %squeeze3A_155 = vector.extract %slice3A_154[0] : f32 from vector<1xf32>
        %slice3A_156 = vector.extract_strided_slice %get3A_141 {offsets = [8], sizes = [1], strides = [1]} : vector<16xf32> to vector<1xf32>
        %squeeze3A_157 = vector.extract %slice3A_156[0] : f32 from vector<1xf32>
        %slice3A_158 = vector.extract_strided_slice %get3A_141 {offsets = [9], sizes = [1], strides = [1]} : vector<16xf32> to vector<1xf32>
        %squeeze3A_159 = vector.extract %slice3A_158[0] : f32 from vector<1xf32>
        %get3A_160 = arith.index_cast %scan3A_136 : i32 to index
        %get3A_161 = arith.constant 0 : index
        %get3A_162 = tpu.vector_load %arg20[%get3A_160, %get3A_161] {strides = array<i32>} : memref<32x128xf32, #tpu.memory_space<vmem>>, vector<1x16xf32>,
        %get3A_163 = vector.shape_cast %get3A_162 : vector<1x16xf32> to vector<16xf32>
        %get3A_164 = arith.constant 0 : index
        %get3A_165 = tpu.vector_load %arg26[%get3A_164] {strides = array<i32>} : memref<128xf32, #tpu.memory_space<vmem>>, vector<16xf32>,
        %get3A_166 = vector.shape_cast %get3A_165 : vector<16xf32> to vector<16xf32>
        %add3A_167 = arith.addf %get3A_163, %get3A_166 : vector<16xf32>
        %mul3A_168 = arith.constant 10 : i32
        %mul3A_169 = arith.muli %scan3A_136, %mul3A_168 : i32
        %add3A_170 = arith.constant 0 : i32
        %add3A_171 = arith.addi %mul3A_169, %add3A_170 : i32
        %get3A_172 = arith.index_cast %add3A_171 : i32 to index
        %get3A_173 = arith.constant 0 : index
        %get3A_174 = tpu.vector_load %arg22[%get3A_172, %get3A_173] {strides = array<i32>} : memref<320x128xf32, #tpu.memory_space<vmem>>, vector<1x16xf32>,
        %get3A_175 = vector.shape_cast %get3A_174 : vector<1x16xf32> to vector<16xf32>
        %mul3A_176 = vector.broadcast %squeeze3A : f32 to vector<16xf32>
        %mul3A_177 = arith.mulf %mul3A_176, %get3A_175 : vector<16xf32>
        %add3A_178 = arith.addf %add3A_167, %mul3A_177 : vector<16xf32>
        %mul3A_179 = arith.constant 10 : i32
        %mul3A_180 = arith.muli %scan3A_136, %mul3A_179 : i32
        %add3A_181 = arith.constant 1 : i32
        %add3A_182 = arith.addi %mul3A_180, %add3A_181 : i32
        %get3A_183 = arith.index_cast %add3A_182 : i32 to index
        %get3A_184 = arith.constant 0 : index
        %get3A_185 = tpu.vector_load %arg22[%get3A_183, %get3A_184] {strides = array<i32>} : memref<320x128xf32, #tpu.memory_space<vmem>>, vector<1x16xf32>,
        %get3A_186 = vector.shape_cast %get3A_185 : vector<1x16xf32> to vector<16xf32>
        %mul3A_187 = vector.broadcast %squeeze3A_143 : f32 to vector<16xf32>
        %mul3A_188 = arith.mulf %mul3A_187, %get3A_186 : vector<16xf32>
        %add3A_189 = arith.addf %add3A_178, %mul3A_188 : vector<16xf32>
        %mul3A_190 = arith.constant 10 : i32
        %mul3A_191 = arith.muli %scan3A_136, %mul3A_190 : i32
        %add3A_192 = arith.constant 2 : i32
        %add3A_193 = arith.addi %mul3A_191, %add3A_192 : i32
        %get3A_194 = arith.index_cast %add3A_193 : i32 to index
        %get3A_195 = arith.constant 0 : index
        %get3A_196 = tpu.vector_load %arg22[%get3A_194, %get3A_195] {strides = array<i32>} : memref<320x128xf32, #tpu.memory_space<vmem>>, vector<1x16xf32>,
        %get3A_197 = vector.shape_cast %get3A_196 : vector<1x16xf32> to vector<16xf32>
        %mul3A_198 = vector.broadcast %squeeze3A_145 : f32 to vector<16xf32>
        %mul3A_199 = arith.mulf %mul3A_198, %get3A_197 : vector<16xf32>
        %add3A_200 = arith.addf %add3A_189, %mul3A_199 : vector<16xf32>
        %mul3A_201 = arith.constant 10 : i32
        %mul3A_202 = arith.muli %scan3A_136, %mul3A_201 : i32
        %add3A_203 = arith.constant 3 : i32
        %add3A_204 = arith.addi %mul3A_202, %add3A_203 : i32
        %get3A_205 = arith.index_cast %add3A_204 : i32 to index
        %get3A_206 = arith.constant 0 : index
        %get3A_207 = tpu.vector_load %arg22[%get3A_205, %get3A_206] {strides = array<i32>} : memref<320x128xf32, #tpu.memory_space<vmem>>, vector<1x16xf32>,
        %get3A_208 = vector.shape_cast %get3A_207 : vector<1x16xf32> to vector<16xf32>
        %mul3A_209 = vector.broadcast %squeeze3A_147 : f32 to vector<16xf32>
        %mul3A_210 = arith.mulf %mul3A_209, %get3A_208 : vector<16xf32>
        %add3A_211 = arith.addf %add3A_200, %mul3A_210 : vector<16xf32>
        %mul3A_212 = arith.constant 10 : i32
        %mul3A_213 = arith.muli %scan3A_136, %mul3A_212 : i32
        %add3A_214 = arith.constant 4 : i32
        %add3A_215 = arith.addi %mul3A_213, %add3A_214 : i32
        %get3A_216 = arith.index_cast %add3A_215 : i32 to index
        %get3A_217 = arith.constant 0 : index
        %get3A_218 = tpu.vector_load %arg22[%get3A_216, %get3A_217] {strides = array<i32>} : memref<320x128xf32, #tpu.memory_space<vmem>>, vector<1x16xf32>,
        %get3A_219 = vector.shape_cast %get3A_218 : vector<1x16xf32> to vector<16xf32>
        %mul3A_220 = vector.broadcast %squeeze3A_149 : f32 to vector<16xf32>
        %mul3A_221 = arith.mulf %mul3A_220, %get3A_219 : vector<16xf32>
        %add3A_222 = arith.addf %add3A_211, %mul3A_221 : vector<16xf32>
        %mul3A_223 = arith.constant 10 : i32
        %mul3A_224 = arith.muli %scan3A_136, %mul3A_223 : i32
        %add3A_225 = arith.constant 5 : i32
        %add3A_226 = arith.addi %mul3A_224, %add3A_225 : i32
        %get3A_227 = arith.index_cast %add3A_226 : i32 to index
        %get3A_228 = arith.constant 0 : index
        %get3A_229 = tpu.vector_load %arg22[%get3A_227, %get3A_228] {strides = array<i32>} : memref<320x128xf32, #tpu.memory_space<vmem>>, vector<1x16xf32>,
        %get3A_230 = vector.shape_cast %get3A_229 : vector<1x16xf32> to vector<16xf32>
        %mul3A_231 = vector.broadcast %squeeze3A_151 : f32 to vector<16xf32>
        %mul3A_232 = arith.mulf %mul3A_231, %get3A_230 : vector<16xf32>
        %add3A_233 = arith.addf %add3A_222, %mul3A_232 : vector<16xf32>
        %mul3A_234 = arith.constant 10 : i32
        %mul3A_235 = arith.muli %scan3A_136, %mul3A_234 : i32
        %add3A_236 = arith.constant 6 : i32
        %add3A_237 = arith.addi %mul3A_235, %add3A_236 : i32
        %get3A_238 = arith.index_cast %add3A_237 : i32 to index
        %get3A_239 = arith.constant 0 : index
        %get3A_240 = tpu.vector_load %arg22[%get3A_238, %get3A_239] {strides = array<i32>} : memref<320x128xf32, #tpu.memory_space<vmem>>, vector<1x16xf32>,
        %get3A_241 = vector.shape_cast %get3A_240 : vector<1x16xf32> to vector<16xf32>
        %mul3A_242 = vector.broadcast %squeeze3A_153 : f32 to vector<16xf32>
        %mul3A_243 = arith.mulf %mul3A_242, %get3A_241 : vector<16xf32>
        %add3A_244 = arith.addf %add3A_233, %mul3A_243 : vector<16xf32>
        %mul3A_245 = arith.constant 10 : i32
        %mul3A_246 = arith.muli %scan3A_136, %mul3A_245 : i32
        %add3A_247 = arith.constant 7 : i32
        %add3A_248 = arith.addi %mul3A_246, %add3A_247 : i32
        %get3A_249 = arith.index_cast %add3A_248 : i32 to index
        %get3A_250 = arith.constant 0 : index
        %get3A_251 = tpu.vector_load %arg22[%get3A_249, %get3A_250] {strides = array<i32>} : memref<320x128xf32, #tpu.memory_space<vmem>>, vector<1x16xf32>,
        %get3A_252 = vector.shape_cast %get3A_251 : vector<1x16xf32> to vector<16xf32>
        %mul3A_253 = vector.broadcast %squeeze3A_155 : f32 to vector<16xf32>
        %mul3A_254 = arith.mulf %mul3A_253, %get3A_252 : vector<16xf32>
        %add3A_255 = arith.addf %add3A_244, %mul3A_254 : vector<16xf32>
        %mul3A_256 = arith.constant 10 : i32
        %mul3A_257 = arith.muli %scan3A_136, %mul3A_256 : i32
        %add3A_258 = arith.constant 8 : i32
        %add3A_259 = arith.addi %mul3A_257, %add3A_258 : i32
        %get3A_260 = arith.index_cast %add3A_259 : i32 to index
        %get3A_261 = arith.constant 0 : index
        %get3A_262 = tpu.vector_load %arg22[%get3A_260, %get3A_261] {strides = array<i32>} : memref<320x128xf32, #tpu.memory_space<vmem>>, vector<1x16xf32>,
        %get3A_263 = vector.shape_cast %get3A_262 : vector<1x16xf32> to vector<16xf32>
        %mul3A_264 = vector.broadcast %squeeze3A_157 : f32 to vector<16xf32>
        %mul3A_265 = arith.mulf %mul3A_264, %get3A_263 : vector<16xf32>
        %add3A_266 = arith.addf %add3A_255, %mul3A_265 : vector<16xf32>
        %mul3A_267 = arith.constant 10 : i32
        %mul3A_268 = arith.muli %scan3A_136, %mul3A_267 : i32
        %add3A_269 = arith.constant 9 : i32
        %add3A_270 = arith.addi %mul3A_268, %add3A_269 : i32
        %get3A_271 = arith.index_cast %add3A_270 : i32 to index
        %get3A_272 = arith.constant 0 : index
        %get3A_273 = tpu.vector_load %arg22[%get3A_271, %get3A_272] {strides = array<i32>} : memref<320x128xf32, #tpu.memory_space<vmem>>, vector<1x16xf32>,
        %get3A_274 = vector.shape_cast %get3A_273 : vector<1x16xf32> to vector<16xf32>
        %mul3A_275 = vector.broadcast %squeeze3A_159 : f32 to vector<16xf32>
        %mul3A_276 = arith.mulf %mul3A_275, %get3A_274 : vector<16xf32>
        %add3A_277 = arith.addf %add3A_266, %mul3A_276 : vector<16xf32>
        %max3A = arith.constant 0.000000e+00 : f32
        %max3A_278 = vector.broadcast %max3A : f32 to vector<16xf32>
        %max3A_279 = arith.maximumf %add3A_277, %max3A_278 : vector<16xf32>
        %swap3A_280 = arith.index_cast %scan3A_136 : i32 to index
        %swap3A_281 = arith.constant 0 : index
        %swap3A_282 = tpu.vector_load %arg24[%swap3A_280, %swap3A_281] {strides = array<i32>} : memref<32x128xf32, #tpu.memory_space<vmem>>, vector<1x16xf32>,
        %swap3A_283 = vector.shape_cast %swap3A_282 : vector<1x16xf32> to vector<16xf32>
        %swap3A_284 = vector.shape_cast %max3A_279 : vector<16xf32> to vector<1x16xf32>
        tpu.vector_store %arg24[%swap3A_280, %swap3A_281], %swap3A_284 {strides = array<i32>} : memref<32x128xf32, #tpu.memory_space<vmem>>, vector<1x16xf32>,
        %mul3A_285 = arith.mulf %max3A_279, %max3A_279 : vector<16xf32>
        %add3A_286 = arith.addf %scan3A_137, %mul3A_285 : vector<16xf32>
        %get3A_287 = arith.index_cast %scan3A_136 : i32 to index
        %get3A_288 = arith.constant 16 : index
        %get3A_289 = tpu.vector_load %arg20[%get3A_287, %get3A_288] {strides = array<i32>} : memref<32x128xf32, #tpu.memory_space<vmem>>, vector<1x16xf32>,
        %get3A_290 = vector.shape_cast %get3A_289 : vector<1x16xf32> to vector<16xf32>
        %get3A_291 = arith.constant 16 : index
        %get3A_292 = tpu.vector_load %arg26[%get3A_291] {strides = array<i32>} : memref<128xf32, #tpu.memory_space<vmem>>, vector<16xf32>,
        %get3A_293 = vector.shape_cast %get3A_292 : vector<16xf32> to vector<16xf32>
        %add3A_294 = arith.addf %get3A_290, %get3A_293 : vector<16xf32>
        %mul3A_295 = arith.constant 10 : i32
        %mul3A_296 = arith.muli %scan3A_136, %mul3A_295 : i32
        %add3A_297 = arith.constant 0 : i32
        %add3A_298 = arith.addi %mul3A_296, %add3A_297 : i32
        %get3A_299 = arith.index_cast %add3A_298 : i32 to index
        %get3A_300 = arith.constant 16 : index
        %get3A_301 = tpu.vector_load %arg22[%get3A_299, %get3A_300] {strides = array<i32>} : memref<320x128xf32, #tpu.memory_space<vmem>>, vector<1x16xf32>,
        %get3A_302 = vector.shape_cast %get3A_301 : vector<1x16xf32> to vector<16xf32>
        %mul3A_303 = vector.broadcast %squeeze3A : f32 to vector<16xf32>
        %mul3A_304 = arith.mulf %mul3A_303, %get3A_302 : vector<16xf32>
        %add3A_305 = arith.addf %add3A_294, %mul3A_304 : vector<16xf32>
        %mul3A_306 = arith.constant 10 : i32
        %mul3A_307 = arith.muli %scan3A_136, %mul3A_306 : i32
        %add3A_308 = arith.constant 1 : i32
        %add3A_309 = arith.addi %mul3A_307, %add3A_308 : i32
        %get3A_310 = arith.index_cast %add3A_309 : i32 to index
        %get3A_311 = arith.constant 16 : index
        %get3A_312 = tpu.vector_load %arg22[%get3A_310, %get3A_311] {strides = array<i32>} : memref<320x128xf32, #tpu.memory_space<vmem>>, vector<1x16xf32>,
        %get3A_313 = vector.shape_cast %get3A_312 : vector<1x16xf32> to vector<16xf32>
        %mul3A_314 = vector.broadcast %squeeze3A_143 : f32 to vector<16xf32>
        %mul3A_315 = arith.mulf %mul3A_314, %get3A_313 : vector<16xf32>
        %add3A_316 = arith.addf %add3A_305, %mul3A_315 : vector<16xf32>
        %mul3A_317 = arith.constant 10 : i32
        %mul3A_318 = arith.muli %scan3A_136, %mul3A_317 : i32
        %add3A_319 = arith.constant 2 : i32
        %add3A_320 = arith.addi %mul3A_318, %add3A_319 : i32
        %get3A_321 = arith.index_cast %add3A_320 : i32 to index
        %get3A_322 = arith.constant 16 : index
        %get3A_323 = tpu.vector_load %arg22[%get3A_321, %get3A_322] {strides = array<i32>} : memref<320x128xf32, #tpu.memory_space<vmem>>, vector<1x16xf32>,
        %get3A_324 = vector.shape_cast %get3A_323 : vector<1x16xf32> to vector<16xf32>
        %mul3A_325 = vector.broadcast %squeeze3A_145 : f32 to vector<16xf32>
        %mul3A_326 = arith.mulf %mul3A_325, %get3A_324 : vector<16xf32>
        %add3A_327 = arith.addf %add3A_316, %mul3A_326 : vector<16xf32>
        %mul3A_328 = arith.constant 10 : i32
        %mul3A_329 = arith.muli %scan3A_136, %mul3A_328 : i32
        %add3A_330 = arith.constant 3 : i32
        %add3A_331 = arith.addi %mul3A_329, %add3A_330 : i32
        %get3A_332 = arith.index_cast %add3A_331 : i32 to index
        %get3A_333 = arith.constant 16 : index
        %get3A_334 = tpu.vector_load %arg22[%get3A_332, %get3A_333] {strides = array<i32>} : memref<320x128xf32, #tpu.memory_space<vmem>>, vector<1x16xf32>,
        %get3A_335 = vector.shape_cast %get3A_334 : vector<1x16xf32> to vector<16xf32>
        %mul3A_336 = vector.broadcast %squeeze3A_147 : f32 to vector<16xf32>
        %mul3A_337 = arith.mulf %mul3A_336, %get3A_335 : vector<16xf32>
        %add3A_338 = arith.addf %add3A_327, %mul3A_337 : vector<16xf32>
        %mul3A_339 = arith.constant 10 : i32
        %mul3A_340 = arith.muli %scan3A_136, %mul3A_339 : i32
        %add3A_341 = arith.constant 4 : i32
        %add3A_342 = arith.addi %mul3A_340, %add3A_341 : i32
        %get3A_343 = arith.index_cast %add3A_342 : i32 to index
        %get3A_344 = arith.constant 16 : index
        %get3A_345 = tpu.vector_load %arg22[%get3A_343, %get3A_344] {strides = array<i32>} : memref<320x128xf32, #tpu.memory_space<vmem>>, vector<1x16xf32>,
        %get3A_346 = vector.shape_cast %get3A_345 : vector<1x16xf32> to vector<16xf32>
        %mul3A_347 = vector.broadcast %squeeze3A_149 : f32 to vector<16xf32>
        %mul3A_348 = arith.mulf %mul3A_347, %get3A_346 : vector<16xf32>
        %add3A_349 = arith.addf %add3A_338, %mul3A_348 : vector<16xf32>
        %mul3A_350 = arith.constant 10 : i32
        %mul3A_351 = arith.muli %scan3A_136, %mul3A_350 : i32
        %add3A_352 = arith.constant 5 : i32
        %add3A_353 = arith.addi %mul3A_351, %add3A_352 : i32
        %get3A_354 = arith.index_cast %add3A_353 : i32 to index
        %get3A_355 = arith.constant 16 : index
        %get3A_356 = tpu.vector_load %arg22[%get3A_354, %get3A_355] {strides = array<i32>} : memref<320x128xf32, #tpu.memory_space<vmem>>, vector<1x16xf32>,
        %get3A_357 = vector.shape_cast %get3A_356 : vector<1x16xf32> to vector<16xf32>
        %mul3A_358 = vector.broadcast %squeeze3A_151 : f32 to vector<16xf32>
        %mul3A_359 = arith.mulf %mul3A_358, %get3A_357 : vector<16xf32>
        %add3A_360 = arith.addf %add3A_349, %mul3A_359 : vector<16xf32>
        %mul3A_361 = arith.constant 10 : i32
        %mul3A_362 = arith.muli %scan3A_136, %mul3A_361 : i32
        %add3A_363 = arith.constant 6 : i32
        %add3A_364 = arith.addi %mul3A_362, %add3A_363 : i32
        %get3A_365 = arith.index_cast %add3A_364 : i32 to index
        %get3A_366 = arith.constant 16 : index
        %get3A_367 = tpu.vector_load %arg22[%get3A_365, %get3A_366] {strides = array<i32>} : memref<320x128xf32, #tpu.memory_space<vmem>>, vector<1x16xf32>,
        %get3A_368 = vector.shape_cast %get3A_367 : vector<1x16xf32> to vector<16xf32>
        %mul3A_369 = vector.broadcast %squeeze3A_153 : f32 to vector<16xf32>
        %mul3A_370 = arith.mulf %mul3A_369, %get3A_368 : vector<16xf32>
        %add3A_371 = arith.addf %add3A_360, %mul3A_370 : vector<16xf32>
        %mul3A_372 = arith.constant 10 : i32
        %mul3A_373 = arith.muli %scan3A_136, %mul3A_372 : i32
        %add3A_374 = arith.constant 7 : i32
        %add3A_375 = arith.addi %mul3A_373, %add3A_374 : i32
        %get3A_376 = arith.index_cast %add3A_375 : i32 to index
        %get3A_377 = arith.constant 16 : index
        %get3A_378 = tpu.vector_load %arg22[%get3A_376, %get3A_377] {strides = array<i32>} : memref<320x128xf32, #tpu.memory_space<vmem>>, vector<1x16xf32>,
        %get3A_379 = vector.shape_cast %get3A_378 : vector<1x16xf32> to vector<16xf32>
        %mul3A_380 = vector.broadcast %squeeze3A_155 : f32 to vector<16xf32>
        %mul3A_381 = arith.mulf %mul3A_380, %get3A_379 : vector<16xf32>
        %add3A_382 = arith.addf %add3A_371, %mul3A_381 : vector<16xf32>
        %mul3A_383 = arith.constant 10 : i32
        %mul3A_384 = arith.muli %scan3A_136, %mul3A_383 : i32
        %add3A_385 = arith.constant 8 : i32
        %add3A_386 = arith.addi %mul3A_384, %add3A_385 : i32
        %get3A_387 = arith.index_cast %add3A_386 : i32 to index
        %get3A_388 = arith.constant 16 : index
        %get3A_389 = tpu.vector_load %arg22[%get3A_387, %get3A_388] {strides = array<i32>} : memref<320x128xf32, #tpu.memory_space<vmem>>, vector<1x16xf32>,
        %get3A_390 = vector.shape_cast %get3A_389 : vector<1x16xf32> to vector<16xf32>
        %mul3A_391 = vector.broadcast %squeeze3A_157 : f32 to vector<16xf32>
        %mul3A_392 = arith.mulf %mul3A_391, %get3A_390 : vector<16xf32>
        %add3A_393 = arith.addf %add3A_382, %mul3A_392 : vector<16xf32>
        %mul3A_394 = arith.constant 10 : i32
        %mul3A_395 = arith.muli %scan3A_136, %mul3A_394 : i32
        %add3A_396 = arith.constant 9 : i32
        %add3A_397 = arith.addi %mul3A_395, %add3A_396 : i32
        %get3A_398 = arith.index_cast %add3A_397 : i32 to index
        %get3A_399 = arith.constant 16 : index
        %get3A_400 = tpu.vector_load %arg22[%get3A_398, %get3A_399] {strides = array<i32>} : memref<320x128xf32, #tpu.memory_space<vmem>>, vector<1x16xf32>,
        %get3A_401 = vector.shape_cast %get3A_400 : vector<1x16xf32> to vector<16xf32>
        %mul3A_402 = vector.broadcast %squeeze3A_159 : f32 to vector<16xf32>
        %mul3A_403 = arith.mulf %mul3A_402, %get3A_401 : vector<16xf32>
        %add3A_404 = arith.addf %add3A_393, %mul3A_403 : vector<16xf32>
        %max3A_405 = arith.constant 0.000000e+00 : f32
        %max3A_406 = vector.broadcast %max3A_405 : f32 to vector<16xf32>
        %max3A_407 = arith.maximumf %add3A_404, %max3A_406 : vector<16xf32>
        %swap3A_408 = arith.index_cast %scan3A_136 : i32 to index
        %swap3A_409 = arith.constant 16 : index
        %swap3A_410 = tpu.vector_load %arg24[%swap3A_408, %swap3A_409] {strides = array<i32>} : memref<32x128xf32, #tpu.memory_space<vmem>>, vector<1x16xf32>,
        %swap3A_411 = vector.shape_cast %swap3A_410 : vector<1x16xf32> to vector<16xf32>
        %swap3A_412 = vector.shape_cast %max3A_407 : vector<16xf32> to vector<1x16xf32>
        tpu.vector_store %arg24[%swap3A_408, %swap3A_409], %swap3A_412 {strides = array<i32>} : memref<32x128xf32, #tpu.memory_space<vmem>>, vector<1x16xf32>,
        %mul3A_413 = arith.mulf %max3A_407, %max3A_407 : vector<16xf32>
        %add3A_414 = arith.addf %add3A_286, %mul3A_413 : vector<16xf32>
        %get3A_415 = arith.index_cast %scan3A_136 : i32 to index
        %get3A_416 = arith.constant 32 : index
        %get3A_417 = tpu.vector_load %arg20[%get3A_415, %get3A_416] {strides = array<i32>} : memref<32x128xf32, #tpu.memory_space<vmem>>, vector<1x16xf32>,
        %get3A_418 = vector.shape_cast %get3A_417 : vector<1x16xf32> to vector<16xf32>
        %get3A_419 = arith.constant 32 : index
        %get3A_420 = tpu.vector_load %arg26[%get3A_419] {strides = array<i32>} : memref<128xf32, #tpu.memory_space<vmem>>, vector<16xf32>,
        %get3A_421 = vector.shape_cast %get3A_420 : vector<16xf32> to vector<16xf32>
        %add3A_422 = arith.addf %get3A_418, %get3A_421 : vector<16xf32>
        %mul3A_423 = arith.constant 10 : i32
        %mul3A_424 = arith.muli %scan3A_136, %mul3A_423 : i32
        %add3A_425 = arith.constant 0 : i32
        %add3A_426 = arith.addi %mul3A_424, %add3A_425 : i32
        %get3A_427 = arith.index_cast %add3A_426 : i32 to index
        %get3A_428 = arith.constant 32 : index
        %get3A_429 = tpu.vector_load %arg22[%get3A_427, %get3A_428] {strides = array<i32>} : memref<320x128xf32, #tpu.memory_space<vmem>>, vector<1x16xf32>,
        %get3A_430 = vector.shape_cast %get3A_429 : vector<1x16xf32> to vector<16xf32>
        %mul3A_431 = vector.broadcast %squeeze3A : f32 to vector<16xf32>
        %mul3A_432 = arith.mulf %mul3A_431, %get3A_430 : vector<16xf32>
        %add3A_433 = arith.addf %add3A_422, %mul3A_432 : vector<16xf32>
        %mul3A_434 = arith.constant 10 : i32
        %mul3A_435 = arith.muli %scan3A_136, %mul3A_434 : i32
        %add3A_436 = arith.constant 1 : i32
        %add3A_437 = arith.addi %mul3A_435, %add3A_436 : i32
        %get3A_438 = arith.index_cast %add3A_437 : i32 to index
        %get3A_439 = arith.constant 32 : index
        %get3A_440 = tpu.vector_load %arg22[%get3A_438, %get3A_439] {strides = array<i32>} : memref<320x128xf32, #tpu.memory_space<vmem>>, vector<1x16xf32>,
        %get3A_441 = vector.shape_cast %get3A_440 : vector<1x16xf32> to vector<16xf32>
        %mul3A_442 = vector.broadcast %squeeze3A_143 : f32 to vector<16xf32>
        %mul3A_443 = arith.mulf %mul3A_442, %get3A_441 : vector<16xf32>
        %add3A_444 = arith.addf %add3A_433, %mul3A_443 : vector<16xf32>
        %mul3A_445 = arith.constant 10 : i32
        %mul3A_446 = arith.muli %scan3A_136, %mul3A_445 : i32
        %add3A_447 = arith.constant 2 : i32
        %add3A_448 = arith.addi %mul3A_446, %add3A_447 : i32
        %get3A_449 = arith.index_cast %add3A_448 : i32 to index
        %get3A_450 = arith.constant 32 : index
        %get3A_451 = tpu.vector_load %arg22[%get3A_449, %get3A_450] {strides = array<i32>} : memref<320x128xf32, #tpu.memory_space<vmem>>, vector<1x16xf32>,
        %get3A_452 = vector.shape_cast %get3A_451 : vector<1x16xf32> to vector<16xf32>
        %mul3A_453 = vector.broadcast %squeeze3A_145 : f32 to vector<16xf32>
        %mul3A_454 = arith.mulf %mul3A_453, %get3A_452 : vector<16xf32>
        %add3A_455 = arith.addf %add3A_444, %mul3A_454 : vector<16xf32>
        %mul3A_456 = arith.constant 10 : i32
        %mul3A_457 = arith.muli %scan3A_136, %mul3A_456 : i32
        %add3A_458 = arith.constant 3 : i32
        %add3A_459 = arith.addi %mul3A_457, %add3A_458 : i32
        %get3A_460 = arith.index_cast %add3A_459 : i32 to index
        %get3A_461 = arith.constant 32 : index
        %get3A_462 = tpu.vector_load %arg22[%get3A_460, %get3A_461] {strides = array<i32>} : memref<320x128xf32, #tpu.memory_space<vmem>>, vector<1x16xf32>,
        %get3A_463 = vector.shape_cast %get3A_462 : vector<1x16xf32> to vector<16xf32>
        %mul3A_464 = vector.broadcast %squeeze3A_147 : f32 to vector<16xf32>
        %mul3A_465 = arith.mulf %mul3A_464, %get3A_463 : vector<16xf32>
        %add3A_466 = arith.addf %add3A_455, %mul3A_465 : vector<16xf32>
        %mul3A_467 = arith.constant 10 : i32
        %mul3A_468 = arith.muli %scan3A_136, %mul3A_467 : i32
        %add3A_469 = arith.constant 4 : i32
        %add3A_470 = arith.addi %mul3A_468, %add3A_469 : i32
        %get3A_471 = arith.index_cast %add3A_470 : i32 to index
        %get3A_472 = arith.constant 32 : index
        %get3A_473 = tpu.vector_load %arg22[%get3A_471, %get3A_472] {strides = array<i32>} : memref<320x128xf32, #tpu.memory_space<vmem>>, vector<1x16xf32>,
        %get3A_474 = vector.shape_cast %get3A_473 : vector<1x16xf32> to vector<16xf32>
        %mul3A_475 = vector.broadcast %squeeze3A_149 : f32 to vector<16xf32>
        %mul3A_476 = arith.mulf %mul3A_475, %get3A_474 : vector<16xf32>
        %add3A_477 = arith.addf %add3A_466, %mul3A_476 : vector<16xf32>
        %mul3A_478 = arith.constant 10 : i32
        %mul3A_479 = arith.muli %scan3A_136, %mul3A_478 : i32
        %add3A_480 = arith.constant 5 : i32
        %add3A_481 = arith.addi %mul3A_479, %add3A_480 : i32
        %get3A_482 = arith.index_cast %add3A_481 : i32 to index
        %get3A_483 = arith.constant 32 : index
        %get3A_484 = tpu.vector_load %arg22[%get3A_482, %get3A_483] {strides = array<i32>} : memref<320x128xf32, #tpu.memory_space<vmem>>, vector<1x16xf32>,
        %get3A_485 = vector.shape_cast %get3A_484 : vector<1x16xf32> to vector<16xf32>
        %mul3A_486 = vector.broadcast %squeeze3A_151 : f32 to vector<16xf32>
        %mul3A_487 = arith.mulf %mul3A_486, %get3A_485 : vector<16xf32>
        %add3A_488 = arith.addf %add3A_477, %mul3A_487 : vector<16xf32>
        %mul3A_489 = arith.constant 10 : i32
        %mul3A_490 = arith.muli %scan3A_136, %mul3A_489 : i32
        %add3A_491 = arith.constant 6 : i32
        %add3A_492 = arith.addi %mul3A_490, %add3A_491 : i32
        %get3A_493 = arith.index_cast %add3A_492 : i32 to index
        %get3A_494 = arith.constant 32 : index
        %get3A_495 = tpu.vector_load %arg22[%get3A_493, %get3A_494] {strides = array<i32>} : memref<320x128xf32, #tpu.memory_space<vmem>>, vector<1x16xf32>,
        %get3A_496 = vector.shape_cast %get3A_495 : vector<1x16xf32> to vector<16xf32>
        %mul3A_497 = vector.broadcast %squeeze3A_153 : f32 to vector<16xf32>
        %mul3A_498 = arith.mulf %mul3A_497, %get3A_496 : vector<16xf32>
        %add3A_499 = arith.addf %add3A_488, %mul3A_498 : vector<16xf32>
        %mul3A_500 = arith.constant 10 : i32
        %mul3A_501 = arith.muli %scan3A_136, %mul3A_500 : i32
        %add3A_502 = arith.constant 7 : i32
        %add3A_503 = arith.addi %mul3A_501, %add3A_502 : i32
        %get3A_504 = arith.index_cast %add3A_503 : i32 to index
        %get3A_505 = arith.constant 32 : index
        %get3A_506 = tpu.vector_load %arg22[%get3A_504, %get3A_505] {strides = array<i32>} : memref<320x128xf32, #tpu.memory_space<vmem>>, vector<1x16xf32>,
        %get3A_507 = vector.shape_cast %get3A_506 : vector<1x16xf32> to vector<16xf32>
        %mul3A_508 = vector.broadcast %squeeze3A_155 : f32 to vector<16xf32>
        %mul3A_509 = arith.mulf %mul3A_508, %get3A_507 : vector<16xf32>
        %add3A_510 = arith.addf %add3A_499, %mul3A_509 : vector<16xf32>
        %mul3A_511 = arith.constant 10 : i32
        %mul3A_512 = arith.muli %scan3A_136, %mul3A_511 : i32
        %add3A_513 = arith.constant 8 : i32
        %add3A_514 = arith.addi %mul3A_512, %add3A_513 : i32
        %get3A_515 = arith.index_cast %add3A_514 : i32 to index
        %get3A_516 = arith.constant 32 : index
        %get3A_517 = tpu.vector_load %arg22[%get3A_515, %get3A_516] {strides = array<i32>} : memref<320x128xf32, #tpu.memory_space<vmem>>, vector<1x16xf32>,
        %get3A_518 = vector.shape_cast %get3A_517 : vector<1x16xf32> to vector<16xf32>
        %mul3A_519 = vector.broadcast %squeeze3A_157 : f32 to vector<16xf32>
        %mul3A_520 = arith.mulf %mul3A_519, %get3A_518 : vector<16xf32>
        %add3A_521 = arith.addf %add3A_510, %mul3A_520 : vector<16xf32>
        %mul3A_522 = arith.constant 10 : i32
        %mul3A_523 = arith.muli %scan3A_136, %mul3A_522 : i32
        %add3A_524 = arith.constant 9 : i32
        %add3A_525 = arith.addi %mul3A_523, %add3A_524 : i32
        %get3A_526 = arith.index_cast %add3A_525 : i32 to index
        %get3A_527 = arith.constant 32 : index
        %get3A_528 = tpu.vector_load %arg22[%get3A_526, %get3A_527] {strides = array<i32>} : memref<320x128xf32, #tpu.memory_space<vmem>>, vector<1x16xf32>,
        %get3A_529 = vector.shape_cast %get3A_528 : vector<1x16xf32> to vector<16xf32>
        %mul3A_530 = vector.broadcast %squeeze3A_159 : f32 to vector<16xf32>
        %mul3A_531 = arith.mulf %mul3A_530, %get3A_529 : vector<16xf32>
        %add3A_532 = arith.addf %add3A_521, %mul3A_531 : vector<16xf32>
        %max3A_533 = arith.constant 0.000000e+00 : f32
        %max3A_534 = vector.broadcast %max3A_533 : f32 to vector<16xf32>
        %max3A_535 = arith.maximumf %add3A_532, %max3A_534 : vector<16xf32>
        %swap3A_536 = arith.index_cast %scan3A_136 : i32 to index
        %swap3A_537 = arith.constant 32 : index
        %swap3A_538 = tpu.vector_load %arg24[%swap3A_536, %swap3A_537] {strides = array<i32>} : memref<32x128xf32, #tpu.memory_space<vmem>>, vector<1x16xf32>,
        %swap3A_539 = vector.shape_cast %swap3A_538 : vector<1x16xf32> to vector<16xf32>
        %swap3A_540 = vector.shape_cast %max3A_535 : vector<16xf32> to vector<1x16xf32>
        tpu.vector_store %arg24[%swap3A_536, %swap3A_537], %swap3A_540 {strides = array<i32>} : memref<32x128xf32, #tpu.memory_space<vmem>>, vector<1x16xf32>,
        %mul3A_541 = arith.mulf %max3A_535, %max3A_535 : vector<16xf32>
        %add3A_542 = arith.addf %add3A_414, %mul3A_541 : vector<16xf32>
        %get3A_543 = arith.index_cast %scan3A_136 : i32 to index
        %get3A_544 = arith.constant 48 : index
        %get3A_545 = tpu.vector_load %arg20[%get3A_543, %get3A_544] {strides = array<i32>} : memref<32x128xf32, #tpu.memory_space<vmem>>, vector<1x16xf32>,
        %get3A_546 = vector.shape_cast %get3A_545 : vector<1x16xf32> to vector<16xf32>
        %get3A_547 = arith.constant 48 : index
        %get3A_548 = tpu.vector_load %arg26[%get3A_547] {strides = array<i32>} : memref<128xf32, #tpu.memory_space<vmem>>, vector<16xf32>,
        %get3A_549 = vector.shape_cast %get3A_548 : vector<16xf32> to vector<16xf32>
        %add3A_550 = arith.addf %get3A_546, %get3A_549 : vector<16xf32>
        %mul3A_551 = arith.constant 10 : i32
        %mul3A_552 = arith.muli %scan3A_136, %mul3A_551 : i32
        %add3A_553 = arith.constant 0 : i32
        %add3A_554 = arith.addi %mul3A_552, %add3A_553 : i32
        %get3A_555 = arith.index_cast %add3A_554 : i32 to index
        %get3A_556 = arith.constant 48 : index
        %get3A_557 = tpu.vector_load %arg22[%get3A_555, %get3A_556] {strides = array<i32>} : memref<320x128xf32, #tpu.memory_space<vmem>>, vector<1x16xf32>,
        %get3A_558 = vector.shape_cast %get3A_557 : vector<1x16xf32> to vector<16xf32>
        %mul3A_559 = vector.broadcast %squeeze3A : f32 to vector<16xf32>
        %mul3A_560 = arith.mulf %mul3A_559, %get3A_558 : vector<16xf32>
        %add3A_561 = arith.addf %add3A_550, %mul3A_560 : vector<16xf32>
        %mul3A_562 = arith.constant 10 : i32
        %mul3A_563 = arith.muli %scan3A_136, %mul3A_562 : i32
        %add3A_564 = arith.constant 1 : i32
        %add3A_565 = arith.addi %mul3A_563, %add3A_564 : i32
        %get3A_566 = arith.index_cast %add3A_565 : i32 to index
        %get3A_567 = arith.constant 48 : index
        %get3A_568 = tpu.vector_load %arg22[%get3A_566, %get3A_567] {strides = array<i32>} : memref<320x128xf32, #tpu.memory_space<vmem>>, vector<1x16xf32>,
        %get3A_569 = vector.shape_cast %get3A_568 : vector<1x16xf32> to vector<16xf32>
        %mul3A_570 = vector.broadcast %squeeze3A_143 : f32 to vector<16xf32>
        %mul3A_571 = arith.mulf %mul3A_570, %get3A_569 : vector<16xf32>
        %add3A_572 = arith.addf %add3A_561, %mul3A_571 : vector<16xf32>
        %mul3A_573 = arith.constant 10 : i32
        %mul3A_574 = arith.muli %scan3A_136, %mul3A_573 : i32
        %add3A_575 = arith.constant 2 : i32
        %add3A_576 = arith.addi %mul3A_574, %add3A_575 : i32
        %get3A_577 = arith.index_cast %add3A_576 : i32 to index
        %get3A_578 = arith.constant 48 : index
        %get3A_579 = tpu.vector_load %arg22[%get3A_577, %get3A_578] {strides = array<i32>} : memref<320x128xf32, #tpu.memory_space<vmem>>, vector<1x16xf32>,
        %get3A_580 = vector.shape_cast %get3A_579 : vector<1x16xf32> to vector<16xf32>
        %mul3A_581 = vector.broadcast %squeeze3A_145 : f32 to vector<16xf32>
        %mul3A_582 = arith.mulf %mul3A_581, %get3A_580 : vector<16xf32>
        %add3A_583 = arith.addf %add3A_572, %mul3A_582 : vector<16xf32>
        %mul3A_584 = arith.constant 10 : i32
        %mul3A_585 = arith.muli %scan3A_136, %mul3A_584 : i32
        %add3A_586 = arith.constant 3 : i32
        %add3A_587 = arith.addi %mul3A_585, %add3A_586 : i32
        %get3A_588 = arith.index_cast %add3A_587 : i32 to index
        %get3A_589 = arith.constant 48 : index
        %get3A_590 = tpu.vector_load %arg22[%get3A_588, %get3A_589] {strides = array<i32>} : memref<320x128xf32, #tpu.memory_space<vmem>>, vector<1x16xf32>,
        %get3A_591 = vector.shape_cast %get3A_590 : vector<1x16xf32> to vector<16xf32>
        %mul3A_592 = vector.broadcast %squeeze3A_147 : f32 to vector<16xf32>
        %mul3A_593 = arith.mulf %mul3A_592, %get3A_591 : vector<16xf32>
        %add3A_594 = arith.addf %add3A_583, %mul3A_593 : vector<16xf32>
        %mul3A_595 = arith.constant 10 : i32
        %mul3A_596 = arith.muli %scan3A_136, %mul3A_595 : i32
        %add3A_597 = arith.constant 4 : i32
        %add3A_598 = arith.addi %mul3A_596, %add3A_597 : i32
        %get3A_599 = arith.index_cast %add3A_598 : i32 to index
        %get3A_600 = arith.constant 48 : index
        %get3A_601 = tpu.vector_load %arg22[%get3A_599, %get3A_600] {strides = array<i32>} : memref<320x128xf32, #tpu.memory_space<vmem>>, vector<1x16xf32>,
        %get3A_602 = vector.shape_cast %get3A_601 : vector<1x16xf32> to vector<16xf32>
        %mul3A_603 = vector.broadcast %squeeze3A_149 : f32 to vector<16xf32>
        %mul3A_604 = arith.mulf %mul3A_603, %get3A_602 : vector<16xf32>
        %add3A_605 = arith.addf %add3A_594, %mul3A_604 : vector<16xf32>
        %mul3A_606 = arith.constant 10 : i32
        %mul3A_607 = arith.muli %scan3A_136, %mul3A_606 : i32
        %add3A_608 = arith.constant 5 : i32
        %add3A_609 = arith.addi %mul3A_607, %add3A_608 : i32
        %get3A_610 = arith.index_cast %add3A_609 : i32 to index
        %get3A_611 = arith.constant 48 : index
        %get3A_612 = tpu.vector_load %arg22[%get3A_610, %get3A_611] {strides = array<i32>} : memref<320x128xf32, #tpu.memory_space<vmem>>, vector<1x16xf32>,
        %get3A_613 = vector.shape_cast %get3A_612 : vector<1x16xf32> to vector<16xf32>
        %mul3A_614 = vector.broadcast %squeeze3A_151 : f32 to vector<16xf32>
        %mul3A_615 = arith.mulf %mul3A_614, %get3A_613 : vector<16xf32>
        %add3A_616 = arith.addf %add3A_605, %mul3A_615 : vector<16xf32>
        %mul3A_617 = arith.constant 10 : i32
        %mul3A_618 = arith.muli %scan3A_136, %mul3A_617 : i32
        %add3A_619 = arith.constant 6 : i32
        %add3A_620 = arith.addi %mul3A_618, %add3A_619 : i32
        %get3A_621 = arith.index_cast %add3A_620 : i32 to index
        %get3A_622 = arith.constant 48 : index
        %get3A_623 = tpu.vector_load %arg22[%get3A_621, %get3A_622] {strides = array<i32>} : memref<320x128xf32, #tpu.memory_space<vmem>>, vector<1x16xf32>,
        %get3A_624 = vector.shape_cast %get3A_623 : vector<1x16xf32> to vector<16xf32>
        %mul3A_625 = vector.broadcast %squeeze3A_153 : f32 to vector<16xf32>
        %mul3A_626 = arith.mulf %mul3A_625, %get3A_624 : vector<16xf32>
        %add3A_627 = arith.addf %add3A_616, %mul3A_626 : vector<16xf32>
        %mul3A_628 = arith.constant 10 : i32
        %mul3A_629 = arith.muli %scan3A_136, %mul3A_628 : i32
        %add3A_630 = arith.constant 7 : i32
        %add3A_631 = arith.addi %mul3A_629, %add3A_630 : i32
        %get3A_632 = arith.index_cast %add3A_631 : i32 to index
        %get3A_633 = arith.constant 48 : index
        %get3A_634 = tpu.vector_load %arg22[%get3A_632, %get3A_633] {strides = array<i32>} : memref<320x128xf32, #tpu.memory_space<vmem>>, vector<1x16xf32>,
        %get3A_635 = vector.shape_cast %get3A_634 : vector<1x16xf32> to vector<16xf32>
        %mul3A_636 = vector.broadcast %squeeze3A_155 : f32 to vector<16xf32>
        %mul3A_637 = arith.mulf %mul3A_636, %get3A_635 : vector<16xf32>
        %add3A_638 = arith.addf %add3A_627, %mul3A_637 : vector<16xf32>
        %mul3A_639 = arith.constant 10 : i32
        %mul3A_640 = arith.muli %scan3A_136, %mul3A_639 : i32
        %add3A_641 = arith.constant 8 : i32
        %add3A_642 = arith.addi %mul3A_640, %add3A_641 : i32
        %get3A_643 = arith.index_cast %add3A_642 : i32 to index
        %get3A_644 = arith.constant 48 : index
        %get3A_645 = tpu.vector_load %arg22[%get3A_643, %get3A_644] {strides = array<i32>} : memref<320x128xf32, #tpu.memory_space<vmem>>, vector<1x16xf32>,
        %get3A_646 = vector.shape_cast %get3A_645 : vector<1x16xf32> to vector<16xf32>
        %mul3A_647 = vector.broadcast %squeeze3A_157 : f32 to vector<16xf32>
        %mul3A_648 = arith.mulf %mul3A_647, %get3A_646 : vector<16xf32>
        %add3A_649 = arith.addf %add3A_638, %mul3A_648 : vector<16xf32>
        %mul3A_650 = arith.constant 10 : i32
        %mul3A_651 = arith.muli %scan3A_136, %mul3A_650 : i32
        %add3A_652 = arith.constant 9 : i32
        %add3A_653 = arith.addi %mul3A_651, %add3A_652 : i32
        %get3A_654 = arith.index_cast %add3A_653 : i32 to index
        %get3A_655 = arith.constant 48 : index
        %get3A_656 = tpu.vector_load %arg22[%get3A_654, %get3A_655] {strides = array<i32>} : memref<320x128xf32, #tpu.memory_space<vmem>>, vector<1x16xf32>,
        %get3A_657 = vector.shape_cast %get3A_656 : vector<1x16xf32> to vector<16xf32>
        %mul3A_658 = vector.broadcast %squeeze3A_159 : f32 to vector<16xf32>
        %mul3A_659 = arith.mulf %mul3A_658, %get3A_657 : vector<16xf32>
        %add3A_660 = arith.addf %add3A_649, %mul3A_659 : vector<16xf32>
        %max3A_661 = arith.constant 0.000000e+00 : f32
        %max3A_662 = vector.broadcast %max3A_661 : f32 to vector<16xf32>
        %max3A_663 = arith.maximumf %add3A_660, %max3A_662 : vector<16xf32>
        %swap3A_664 = arith.index_cast %scan3A_136 : i32 to index
        %swap3A_665 = arith.constant 48 : index
        %swap3A_666 = tpu.vector_load %arg24[%swap3A_664, %swap3A_665] {strides = array<i32>} : memref<32x128xf32, #tpu.memory_space<vmem>>, vector<1x16xf32>,
        %swap3A_667 = vector.shape_cast %swap3A_666 : vector<1x16xf32> to vector<16xf32>
        %swap3A_668 = vector.shape_cast %max3A_663 : vector<16xf32> to vector<1x16xf32>
        tpu.vector_store %arg24[%swap3A_664, %swap3A_665], %swap3A_668 {strides = array<i32>} : memref<32x128xf32, #tpu.memory_space<vmem>>, vector<1x16xf32>,
        %mul3A_669 = arith.mulf %max3A_663, %max3A_663 : vector<16xf32>
        %add3A_670 = arith.addf %add3A_542, %mul3A_669 : vector<16xf32>
        %get3A_671 = arith.index_cast %scan3A_136 : i32 to index
        %get3A_672 = arith.constant 64 : index
        %get3A_673 = tpu.vector_load %arg20[%get3A_671, %get3A_672] {strides = array<i32>} : memref<32x128xf32, #tpu.memory_space<vmem>>, vector<1x16xf32>,
        %get3A_674 = vector.shape_cast %get3A_673 : vector<1x16xf32> to vector<16xf32>
        %get3A_675 = arith.constant 64 : index
        %get3A_676 = tpu.vector_load %arg26[%get3A_675] {strides = array<i32>} : memref<128xf32, #tpu.memory_space<vmem>>, vector<16xf32>,
        %get3A_677 = vector.shape_cast %get3A_676 : vector<16xf32> to vector<16xf32>
        %add3A_678 = arith.addf %get3A_674, %get3A_677 : vector<16xf32>
        %mul3A_679 = arith.constant 10 : i32
        %mul3A_680 = arith.muli %scan3A_136, %mul3A_679 : i32
        %add3A_681 = arith.constant 0 : i32
        %add3A_682 = arith.addi %mul3A_680, %add3A_681 : i32
        %get3A_683 = arith.index_cast %add3A_682 : i32 to index
        %get3A_684 = arith.constant 64 : index
        %get3A_685 = tpu.vector_load %arg22[%get3A_683, %get3A_684] {strides = array<i32>} : memref<320x128xf32, #tpu.memory_space<vmem>>, vector<1x16xf32>,
        %get3A_686 = vector.shape_cast %get3A_685 : vector<1x16xf32> to vector<16xf32>
        %mul3A_687 = vector.broadcast %squeeze3A : f32 to vector<16xf32>
        %mul3A_688 = arith.mulf %mul3A_687, %get3A_686 : vector<16xf32>
        %add3A_689 = arith.addf %add3A_678, %mul3A_688 : vector<16xf32>
        %mul3A_690 = arith.constant 10 : i32
        %mul3A_691 = arith.muli %scan3A_136, %mul3A_690 : i32
        %add3A_692 = arith.constant 1 : i32
        %add3A_693 = arith.addi %mul3A_691, %add3A_692 : i32
        %get3A_694 = arith.index_cast %add3A_693 : i32 to index
        %get3A_695 = arith.constant 64 : index
        %get3A_696 = tpu.vector_load %arg22[%get3A_694, %get3A_695] {strides = array<i32>} : memref<320x128xf32, #tpu.memory_space<vmem>>, vector<1x16xf32>,
        %get3A_697 = vector.shape_cast %get3A_696 : vector<1x16xf32> to vector<16xf32>
        %mul3A_698 = vector.broadcast %squeeze3A_143 : f32 to vector<16xf32>
        %mul3A_699 = arith.mulf %mul3A_698, %get3A_697 : vector<16xf32>
        %add3A_700 = arith.addf %add3A_689, %mul3A_699 : vector<16xf32>
        %mul3A_701 = arith.constant 10 : i32
        %mul3A_702 = arith.muli %scan3A_136, %mul3A_701 : i32
        %add3A_703 = arith.constant 2 : i32
        %add3A_704 = arith.addi %mul3A_702, %add3A_703 : i32
        %get3A_705 = arith.index_cast %add3A_704 : i32 to index
        %get3A_706 = arith.constant 64 : index
        %get3A_707 = tpu.vector_load %arg22[%get3A_705, %get3A_706] {strides = array<i32>} : memref<320x128xf32, #tpu.memory_space<vmem>>, vector<1x16xf32>,
        %get3A_708 = vector.shape_cast %get3A_707 : vector<1x16xf32> to vector<16xf32>
        %mul3A_709 = vector.broadcast %squeeze3A_145 : f32 to vector<16xf32>
        %mul3A_710 = arith.mulf %mul3A_709, %get3A_708 : vector<16xf32>
        %add3A_711 = arith.addf %add3A_700, %mul3A_710 : vector<16xf32>
        %mul3A_712 = arith.constant 10 : i32
        %mul3A_713 = arith.muli %scan3A_136, %mul3A_712 : i32
        %add3A_714 = arith.constant 3 : i32
        %add3A_715 = arith.addi %mul3A_713, %add3A_714 : i32
        %get3A_716 = arith.index_cast %add3A_715 : i32 to index
        %get3A_717 = arith.constant 64 : index
        %get3A_718 = tpu.vector_load %arg22[%get3A_716, %get3A_717] {strides = array<i32>} : memref<320x128xf32, #tpu.memory_space<vmem>>, vector<1x16xf32>,
        %get3A_719 = vector.shape_cast %get3A_718 : vector<1x16xf32> to vector<16xf32>
        %mul3A_720 = vector.broadcast %squeeze3A_147 : f32 to vector<16xf32>
        %mul3A_721 = arith.mulf %mul3A_720, %get3A_719 : vector<16xf32>
        %add3A_722 = arith.addf %add3A_711, %mul3A_721 : vector<16xf32>
        %mul3A_723 = arith.constant 10 : i32
        %mul3A_724 = arith.muli %scan3A_136, %mul3A_723 : i32
        %add3A_725 = arith.constant 4 : i32
        %add3A_726 = arith.addi %mul3A_724, %add3A_725 : i32
        %get3A_727 = arith.index_cast %add3A_726 : i32 to index
        %get3A_728 = arith.constant 64 : index
        %get3A_729 = tpu.vector_load %arg22[%get3A_727, %get3A_728] {strides = array<i32>} : memref<320x128xf32, #tpu.memory_space<vmem>>, vector<1x16xf32>,
        %get3A_730 = vector.shape_cast %get3A_729 : vector<1x16xf32> to vector<16xf32>
        %mul3A_731 = vector.broadcast %squeeze3A_149 : f32 to vector<16xf32>
        %mul3A_732 = arith.mulf %mul3A_731, %get3A_730 : vector<16xf32>
        %add3A_733 = arith.addf %add3A_722, %mul3A_732 : vector<16xf32>
        %mul3A_734 = arith.constant 10 : i32
        %mul3A_735 = arith.muli %scan3A_136, %mul3A_734 : i32
        %add3A_736 = arith.constant 5 : i32
        %add3A_737 = arith.addi %mul3A_735, %add3A_736 : i32
        %get3A_738 = arith.index_cast %add3A_737 : i32 to index
        %get3A_739 = arith.constant 64 : index
        %get3A_740 = tpu.vector_load %arg22[%get3A_738, %get3A_739] {strides = array<i32>} : memref<320x128xf32, #tpu.memory_space<vmem>>, vector<1x16xf32>,
        %get3A_741 = vector.shape_cast %get3A_740 : vector<1x16xf32> to vector<16xf32>
        %mul3A_742 = vector.broadcast %squeeze3A_151 : f32 to vector<16xf32>
        %mul3A_743 = arith.mulf %mul3A_742, %get3A_741 : vector<16xf32>
        %add3A_744 = arith.addf %add3A_733, %mul3A_743 : vector<16xf32>
        %mul3A_745 = arith.constant 10 : i32
        %mul3A_746 = arith.muli %scan3A_136, %mul3A_745 : i32
        %add3A_747 = arith.constant 6 : i32
        %add3A_748 = arith.addi %mul3A_746, %add3A_747 : i32
        %get3A_749 = arith.index_cast %add3A_748 : i32 to index
        %get3A_750 = arith.constant 64 : index
        %get3A_751 = tpu.vector_load %arg22[%get3A_749, %get3A_750] {strides = array<i32>} : memref<320x128xf32, #tpu.memory_space<vmem>>, vector<1x16xf32>,
        %get3A_752 = vector.shape_cast %get3A_751 : vector<1x16xf32> to vector<16xf32>
        %mul3A_753 = vector.broadcast %squeeze3A_153 : f32 to vector<16xf32>
        %mul3A_754 = arith.mulf %mul3A_753, %get3A_752 : vector<16xf32>
        %add3A_755 = arith.addf %add3A_744, %mul3A_754 : vector<16xf32>
        %mul3A_756 = arith.constant 10 : i32
        %mul3A_757 = arith.muli %scan3A_136, %mul3A_756 : i32
        %add3A_758 = arith.constant 7 : i32
        %add3A_759 = arith.addi %mul3A_757, %add3A_758 : i32
        %get3A_760 = arith.index_cast %add3A_759 : i32 to index
        %get3A_761 = arith.constant 64 : index
        %get3A_762 = tpu.vector_load %arg22[%get3A_760, %get3A_761] {strides = array<i32>} : memref<320x128xf32, #tpu.memory_space<vmem>>, vector<1x16xf32>,
        %get3A_763 = vector.shape_cast %get3A_762 : vector<1x16xf32> to vector<16xf32>
        %mul3A_764 = vector.broadcast %squeeze3A_155 : f32 to vector<16xf32>
        %mul3A_765 = arith.mulf %mul3A_764, %get3A_763 : vector<16xf32>
        %add3A_766 = arith.addf %add3A_755, %mul3A_765 : vector<16xf32>
        %mul3A_767 = arith.constant 10 : i32
        %mul3A_768 = arith.muli %scan3A_136, %mul3A_767 : i32
        %add3A_769 = arith.constant 8 : i32
        %add3A_770 = arith.addi %mul3A_768, %add3A_769 : i32
        %get3A_771 = arith.index_cast %add3A_770 : i32 to index
        %get3A_772 = arith.constant 64 : index
        %get3A_773 = tpu.vector_load %arg22[%get3A_771, %get3A_772] {strides = array<i32>} : memref<320x128xf32, #tpu.memory_space<vmem>>, vector<1x16xf32>,
        %get3A_774 = vector.shape_cast %get3A_773 : vector<1x16xf32> to vector<16xf32>
        %mul3A_775 = vector.broadcast %squeeze3A_157 : f32 to vector<16xf32>
        %mul3A_776 = arith.mulf %mul3A_775, %get3A_774 : vector<16xf32>
        %add3A_777 = arith.addf %add3A_766, %mul3A_776 : vector<16xf32>
        %mul3A_778 = arith.constant 10 : i32
        %mul3A_779 = arith.muli %scan3A_136, %mul3A_778 : i32
        %add3A_780 = arith.constant 9 : i32
        %add3A_781 = arith.addi %mul3A_779, %add3A_780 : i32
        %get3A_782 = arith.index_cast %add3A_781 : i32 to index
        %get3A_783 = arith.constant 64 : index
        %get3A_784 = tpu.vector_load %arg22[%get3A_782, %get3A_783] {strides = array<i32>} : memref<320x128xf32, #tpu.memory_space<vmem>>, vector<1x16xf32>,
        %get3A_785 = vector.shape_cast %get3A_784 : vector<1x16xf32> to vector<16xf32>
        %mul3A_786 = vector.broadcast %squeeze3A_159 : f32 to vector<16xf32>
        %mul3A_787 = arith.mulf %mul3A_786, %get3A_785 : vector<16xf32>
        %add3A_788 = arith.addf %add3A_777, %mul3A_787 : vector<16xf32>
        %max3A_789 = arith.constant 0.000000e+00 : f32
        %max3A_790 = vector.broadcast %max3A_789 : f32 to vector<16xf32>
        %max3A_791 = arith.maximumf %add3A_788, %max3A_790 : vector<16xf32>
        %swap3A_792 = arith.index_cast %scan3A_136 : i32 to index
        %swap3A_793 = arith.constant 64 : index
        %swap3A_794 = tpu.vector_load %arg24[%swap3A_792, %swap3A_793] {strides = array<i32>} : memref<32x128xf32, #tpu.memory_space<vmem>>, vector<1x16xf32>,
        %swap3A_795 = vector.shape_cast %swap3A_794 : vector<1x16xf32> to vector<16xf32>
        %swap3A_796 = vector.shape_cast %max3A_791 : vector<16xf32> to vector<1x16xf32>
        tpu.vector_store %arg24[%swap3A_792, %swap3A_793], %swap3A_796 {strides = array<i32>} : memref<32x128xf32, #tpu.memory_space<vmem>>, vector<1x16xf32>,
        %mul3A_797 = arith.mulf %max3A_791, %max3A_791 : vector<16xf32>
        %add3A_798 = arith.addf %add3A_670, %mul3A_797 : vector<16xf32>
        %get3A_799 = arith.index_cast %scan3A_136 : i32 to index
        %get3A_800 = arith.constant 80 : index
        %get3A_801 = tpu.vector_load %arg20[%get3A_799, %get3A_800] {strides = array<i32>} : memref<32x128xf32, #tpu.memory_space<vmem>>, vector<1x16xf32>,
        %get3A_802 = vector.shape_cast %get3A_801 : vector<1x16xf32> to vector<16xf32>
        %get3A_803 = arith.constant 80 : index
        %get3A_804 = tpu.vector_load %arg26[%get3A_803] {strides = array<i32>} : memref<128xf32, #tpu.memory_space<vmem>>, vector<16xf32>,
        %get3A_805 = vector.shape_cast %get3A_804 : vector<16xf32> to vector<16xf32>
        %add3A_806 = arith.addf %get3A_802, %get3A_805 : vector<16xf32>
        %mul3A_807 = arith.constant 10 : i32
        %mul3A_808 = arith.muli %scan3A_136, %mul3A_807 : i32
        %add3A_809 = arith.constant 0 : i32
        %add3A_810 = arith.addi %mul3A_808, %add3A_809 : i32
        %get3A_811 = arith.index_cast %add3A_810 : i32 to index
        %get3A_812 = arith.constant 80 : index
        %get3A_813 = tpu.vector_load %arg22[%get3A_811, %get3A_812] {strides = array<i32>} : memref<320x128xf32, #tpu.memory_space<vmem>>, vector<1x16xf32>,
        %get3A_814 = vector.shape_cast %get3A_813 : vector<1x16xf32> to vector<16xf32>
        %mul3A_815 = vector.broadcast %squeeze3A : f32 to vector<16xf32>
        %mul3A_816 = arith.mulf %mul3A_815, %get3A_814 : vector<16xf32>
        %add3A_817 = arith.addf %add3A_806, %mul3A_816 : vector<16xf32>
        %mul3A_818 = arith.constant 10 : i32
        %mul3A_819 = arith.muli %scan3A_136, %mul3A_818 : i32
        %add3A_820 = arith.constant 1 : i32
        %add3A_821 = arith.addi %mul3A_819, %add3A_820 : i32
        %get3A_822 = arith.index_cast %add3A_821 : i32 to index
        %get3A_823 = arith.constant 80 : index
        %get3A_824 = tpu.vector_load %arg22[%get3A_822, %get3A_823] {strides = array<i32>} : memref<320x128xf32, #tpu.memory_space<vmem>>, vector<1x16xf32>,
        %get3A_825 = vector.shape_cast %get3A_824 : vector<1x16xf32> to vector<16xf32>
        %mul3A_826 = vector.broadcast %squeeze3A_143 : f32 to vector<16xf32>
        %mul3A_827 = arith.mulf %mul3A_826, %get3A_825 : vector<16xf32>
        %add3A_828 = arith.addf %add3A_817, %mul3A_827 : vector<16xf32>
        %mul3A_829 = arith.constant 10 : i32
        %mul3A_830 = arith.muli %scan3A_136, %mul3A_829 : i32
        %add3A_831 = arith.constant 2 : i32
        %add3A_832 = arith.addi %mul3A_830, %add3A_831 : i32
        %get3A_833 = arith.index_cast %add3A_832 : i32 to index
        %get3A_834 = arith.constant 80 : index
        %get3A_835 = tpu.vector_load %arg22[%get3A_833, %get3A_834] {strides = array<i32>} : memref<320x128xf32, #tpu.memory_space<vmem>>, vector<1x16xf32>,
        %get3A_836 = vector.shape_cast %get3A_835 : vector<1x16xf32> to vector<16xf32>
        %mul3A_837 = vector.broadcast %squeeze3A_145 : f32 to vector<16xf32>
        %mul3A_838 = arith.mulf %mul3A_837, %get3A_836 : vector<16xf32>
        %add3A_839 = arith.addf %add3A_828, %mul3A_838 : vector<16xf32>
        %mul3A_840 = arith.constant 10 : i32
        %mul3A_841 = arith.muli %scan3A_136, %mul3A_840 : i32
        %add3A_842 = arith.constant 3 : i32
        %add3A_843 = arith.addi %mul3A_841, %add3A_842 : i32
        %get3A_844 = arith.index_cast %add3A_843 : i32 to index
        %get3A_845 = arith.constant 80 : index
        %get3A_846 = tpu.vector_load %arg22[%get3A_844, %get3A_845] {strides = array<i32>} : memref<320x128xf32, #tpu.memory_space<vmem>>, vector<1x16xf32>,
        %get3A_847 = vector.shape_cast %get3A_846 : vector<1x16xf32> to vector<16xf32>
        %mul3A_848 = vector.broadcast %squeeze3A_147 : f32 to vector<16xf32>
        %mul3A_849 = arith.mulf %mul3A_848, %get3A_847 : vector<16xf32>
        %add3A_850 = arith.addf %add3A_839, %mul3A_849 : vector<16xf32>
        %mul3A_851 = arith.constant 10 : i32
        %mul3A_852 = arith.muli %scan3A_136, %mul3A_851 : i32
        %add3A_853 = arith.constant 4 : i32
        %add3A_854 = arith.addi %mul3A_852, %add3A_853 : i32
        %get3A_855 = arith.index_cast %add3A_854 : i32 to index
        %get3A_856 = arith.constant 80 : index
        %get3A_857 = tpu.vector_load %arg22[%get3A_855, %get3A_856] {strides = array<i32>} : memref<320x128xf32, #tpu.memory_space<vmem>>, vector<1x16xf32>,
        %get3A_858 = vector.shape_cast %get3A_857 : vector<1x16xf32> to vector<16xf32>
        %mul3A_859 = vector.broadcast %squeeze3A_149 : f32 to vector<16xf32>
        %mul3A_860 = arith.mulf %mul3A_859, %get3A_858 : vector<16xf32>
        %add3A_861 = arith.addf %add3A_850, %mul3A_860 : vector<16xf32>
        %mul3A_862 = arith.constant 10 : i32
        %mul3A_863 = arith.muli %scan3A_136, %mul3A_862 : i32
        %add3A_864 = arith.constant 5 : i32
        %add3A_865 = arith.addi %mul3A_863, %add3A_864 : i32
        %get3A_866 = arith.index_cast %add3A_865 : i32 to index
        %get3A_867 = arith.constant 80 : index
        %get3A_868 = tpu.vector_load %arg22[%get3A_866, %get3A_867] {strides = array<i32>} : memref<320x128xf32, #tpu.memory_space<vmem>>, vector<1x16xf32>,
        %get3A_869 = vector.shape_cast %get3A_868 : vector<1x16xf32> to vector<16xf32>
        %mul3A_870 = vector.broadcast %squeeze3A_151 : f32 to vector<16xf32>
        %mul3A_871 = arith.mulf %mul3A_870, %get3A_869 : vector<16xf32>
        %add3A_872 = arith.addf %add3A_861, %mul3A_871 : vector<16xf32>
        %mul3A_873 = arith.constant 10 : i32
        %mul3A_874 = arith.muli %scan3A_136, %mul3A_873 : i32
        %add3A_875 = arith.constant 6 : i32
        %add3A_876 = arith.addi %mul3A_874, %add3A_875 : i32
        %get3A_877 = arith.index_cast %add3A_876 : i32 to index
        %get3A_878 = arith.constant 80 : index
        %get3A_879 = tpu.vector_load %arg22[%get3A_877, %get3A_878] {strides = array<i32>} : memref<320x128xf32, #tpu.memory_space<vmem>>, vector<1x16xf32>,
        %get3A_880 = vector.shape_cast %get3A_879 : vector<1x16xf32> to vector<16xf32>
        %mul3A_881 = vector.broadcast %squeeze3A_153 : f32 to vector<16xf32>
        %mul3A_882 = arith.mulf %mul3A_881, %get3A_880 : vector<16xf32>
        %add3A_883 = arith.addf %add3A_872, %mul3A_882 : vector<16xf32>
        %mul3A_884 = arith.constant 10 : i32
        %mul3A_885 = arith.muli %scan3A_136, %mul3A_884 : i32
        %add3A_886 = arith.constant 7 : i32
        %add3A_887 = arith.addi %mul3A_885, %add3A_886 : i32
        %get3A_888 = arith.index_cast %add3A_887 : i32 to index
        %get3A_889 = arith.constant 80 : index
        %get3A_890 = tpu.vector_load %arg22[%get3A_888, %get3A_889] {strides = array<i32>} : memref<320x128xf32, #tpu.memory_space<vmem>>, vector<1x16xf32>,
        %get3A_891 = vector.shape_cast %get3A_890 : vector<1x16xf32> to vector<16xf32>
        %mul3A_892 = vector.broadcast %squeeze3A_155 : f32 to vector<16xf32>
        %mul3A_893 = arith.mulf %mul3A_892, %get3A_891 : vector<16xf32>
        %add3A_894 = arith.addf %add3A_883, %mul3A_893 : vector<16xf32>
        %mul3A_895 = arith.constant 10 : i32
        %mul3A_896 = arith.muli %scan3A_136, %mul3A_895 : i32
        %add3A_897 = arith.constant 8 : i32
        %add3A_898 = arith.addi %mul3A_896, %add3A_897 : i32
        %get3A_899 = arith.index_cast %add3A_898 : i32 to index
        %get3A_900 = arith.constant 80 : index
        %get3A_901 = tpu.vector_load %arg22[%get3A_899, %get3A_900] {strides = array<i32>} : memref<320x128xf32, #tpu.memory_space<vmem>>, vector<1x16xf32>,
        %get3A_902 = vector.shape_cast %get3A_901 : vector<1x16xf32> to vector<16xf32>
        %mul3A_903 = vector.broadcast %squeeze3A_157 : f32 to vector<16xf32>
        %mul3A_904 = arith.mulf %mul3A_903, %get3A_902 : vector<16xf32>
        %add3A_905 = arith.addf %add3A_894, %mul3A_904 : vector<16xf32>
        %mul3A_906 = arith.constant 10 : i32
        %mul3A_907 = arith.muli %scan3A_136, %mul3A_906 : i32
        %add3A_908 = arith.constant 9 : i32
        %add3A_909 = arith.addi %mul3A_907, %add3A_908 : i32
        %get3A_910 = arith.index_cast %add3A_909 : i32 to index
        %get3A_911 = arith.constant 80 : index
        %get3A_912 = tpu.vector_load %arg22[%get3A_910, %get3A_911] {strides = array<i32>} : memref<320x128xf32, #tpu.memory_space<vmem>>, vector<1x16xf32>,
        %get3A_913 = vector.shape_cast %get3A_912 : vector<1x16xf32> to vector<16xf32>
        %mul3A_914 = vector.broadcast %squeeze3A_159 : f32 to vector<16xf32>
        %mul3A_915 = arith.mulf %mul3A_914, %get3A_913 : vector<16xf32>
        %add3A_916 = arith.addf %add3A_905, %mul3A_915 : vector<16xf32>
        %max3A_917 = arith.constant 0.000000e+00 : f32
        %max3A_918 = vector.broadcast %max3A_917 : f32 to vector<16xf32>
        %max3A_919 = arith.maximumf %add3A_916, %max3A_918 : vector<16xf32>
        %swap3A_920 = arith.index_cast %scan3A_136 : i32 to index
        %swap3A_921 = arith.constant 80 : index
        %swap3A_922 = tpu.vector_load %arg24[%swap3A_920, %swap3A_921] {strides = array<i32>} : memref<32x128xf32, #tpu.memory_space<vmem>>, vector<1x16xf32>,
        %swap3A_923 = vector.shape_cast %swap3A_922 : vector<1x16xf32> to vector<16xf32>
        %swap3A_924 = vector.shape_cast %max3A_919 : vector<16xf32> to vector<1x16xf32>
        tpu.vector_store %arg24[%swap3A_920, %swap3A_921], %swap3A_924 {strides = array<i32>} : memref<32x128xf32, #tpu.memory_space<vmem>>, vector<1x16xf32>,
        %mul3A_925 = arith.mulf %max3A_919, %max3A_919 : vector<16xf32>
        %add3A_926 = arith.addf %add3A_798, %mul3A_925 : vector<16xf32>
        %get3A_927 = arith.index_cast %scan3A_136 : i32 to index
        %get3A_928 = arith.constant 96 : index
        %get3A_929 = tpu.vector_load %arg20[%get3A_927, %get3A_928] {strides = array<i32>} : memref<32x128xf32, #tpu.memory_space<vmem>>, vector<1x16xf32>,
        %get3A_930 = vector.shape_cast %get3A_929 : vector<1x16xf32> to vector<16xf32>
        %get3A_931 = arith.constant 96 : index
        %get3A_932 = tpu.vector_load %arg26[%get3A_931] {strides = array<i32>} : memref<128xf32, #tpu.memory_space<vmem>>, vector<16xf32>,
        %get3A_933 = vector.shape_cast %get3A_932 : vector<16xf32> to vector<16xf32>
        %add3A_934 = arith.addf %get3A_930, %get3A_933 : vector<16xf32>
        %mul3A_935 = arith.constant 10 : i32
        %mul3A_936 = arith.muli %scan3A_136, %mul3A_935 : i32
        %add3A_937 = arith.constant 0 : i32
        %add3A_938 = arith.addi %mul3A_936, %add3A_937 : i32
        %get3A_939 = arith.index_cast %add3A_938 : i32 to index
        %get3A_940 = arith.constant 96 : index
        %get3A_941 = tpu.vector_load %arg22[%get3A_939, %get3A_940] {strides = array<i32>} : memref<320x128xf32, #tpu.memory_space<vmem>>, vector<1x16xf32>,
        %get3A_942 = vector.shape_cast %get3A_941 : vector<1x16xf32> to vector<16xf32>
        %mul3A_943 = vector.broadcast %squeeze3A : f32 to vector<16xf32>
        %mul3A_944 = arith.mulf %mul3A_943, %get3A_942 : vector<16xf32>
        %add3A_945 = arith.addf %add3A_934, %mul3A_944 : vector<16xf32>
        %mul3A_946 = arith.constant 10 : i32
        %mul3A_947 = arith.muli %scan3A_136, %mul3A_946 : i32
        %add3A_948 = arith.constant 1 : i32
        %add3A_949 = arith.addi %mul3A_947, %add3A_948 : i32
        %get3A_950 = arith.index_cast %add3A_949 : i32 to index
        %get3A_951 = arith.constant 96 : index
        %get3A_952 = tpu.vector_load %arg22[%get3A_950, %get3A_951] {strides = array<i32>} : memref<320x128xf32, #tpu.memory_space<vmem>>, vector<1x16xf32>,
        %get3A_953 = vector.shape_cast %get3A_952 : vector<1x16xf32> to vector<16xf32>
        %mul3A_954 = vector.broadcast %squeeze3A_143 : f32 to vector<16xf32>
        %mul3A_955 = arith.mulf %mul3A_954, %get3A_953 : vector<16xf32>
        %add3A_956 = arith.addf %add3A_945, %mul3A_955 : vector<16xf32>
        %mul3A_957 = arith.constant 10 : i32
        %mul3A_958 = arith.muli %scan3A_136, %mul3A_957 : i32
        %add3A_959 = arith.constant 2 : i32
        %add3A_960 = arith.addi %mul3A_958, %add3A_959 : i32
        %get3A_961 = arith.index_cast %add3A_960 : i32 to index
        %get3A_962 = arith.constant 96 : index
        %get3A_963 = tpu.vector_load %arg22[%get3A_961, %get3A_962] {strides = array<i32>} : memref<320x128xf32, #tpu.memory_space<vmem>>, vector<1x16xf32>,
        %get3A_964 = vector.shape_cast %get3A_963 : vector<1x16xf32> to vector<16xf32>
        %mul3A_965 = vector.broadcast %squeeze3A_145 : f32 to vector<16xf32>
        %mul3A_966 = arith.mulf %mul3A_965, %get3A_964 : vector<16xf32>
        %add3A_967 = arith.addf %add3A_956, %mul3A_966 : vector<16xf32>
        %mul3A_968 = arith.constant 10 : i32
        %mul3A_969 = arith.muli %scan3A_136, %mul3A_968 : i32
        %add3A_970 = arith.constant 3 : i32
        %add3A_971 = arith.addi %mul3A_969, %add3A_970 : i32
        %get3A_972 = arith.index_cast %add3A_971 : i32 to index
        %get3A_973 = arith.constant 96 : index
        %get3A_974 = tpu.vector_load %arg22[%get3A_972, %get3A_973] {strides = array<i32>} : memref<320x128xf32, #tpu.memory_space<vmem>>, vector<1x16xf32>,
        %get3A_975 = vector.shape_cast %get3A_974 : vector<1x16xf32> to vector<16xf32>
        %mul3A_976 = vector.broadcast %squeeze3A_147 : f32 to vector<16xf32>
        %mul3A_977 = arith.mulf %mul3A_976, %get3A_975 : vector<16xf32>
        %add3A_978 = arith.addf %add3A_967, %mul3A_977 : vector<16xf32>
        %mul3A_979 = arith.constant 10 : i32
        %mul3A_980 = arith.muli %scan3A_136, %mul3A_979 : i32
        %add3A_981 = arith.constant 4 : i32
        %add3A_982 = arith.addi %mul3A_980, %add3A_981 : i32
        %get3A_983 = arith.index_cast %add3A_982 : i32 to index
        %get3A_984 = arith.constant 96 : index
        %get3A_985 = tpu.vector_load %arg22[%get3A_983, %get3A_984] {strides = array<i32>} : memref<320x128xf32, #tpu.memory_space<vmem>>, vector<1x16xf32>,
        %get3A_986 = vector.shape_cast %get3A_985 : vector<1x16xf32> to vector<16xf32>
        %mul3A_987 = vector.broadcast %squeeze3A_149 : f32 to vector<16xf32>
        %mul3A_988 = arith.mulf %mul3A_987, %get3A_986 : vector<16xf32>
        %add3A_989 = arith.addf %add3A_978, %mul3A_988 : vector<16xf32>
        %mul3A_990 = arith.constant 10 : i32
        %mul3A_991 = arith.muli %scan3A_136, %mul3A_990 : i32
        %add3A_992 = arith.constant 5 : i32
        %add3A_993 = arith.addi %mul3A_991, %add3A_992 : i32
        %get3A_994 = arith.index_cast %add3A_993 : i32 to index
        %get3A_995 = arith.constant 96 : index
        %get3A_996 = tpu.vector_load %arg22[%get3A_994, %get3A_995] {strides = array<i32>} : memref<320x128xf32, #tpu.memory_space<vmem>>, vector<1x16xf32>,
        %get3A_997 = vector.shape_cast %get3A_996 : vector<1x16xf32> to vector<16xf32>
        %mul3A_998 = vector.broadcast %squeeze3A_151 : f32 to vector<16xf32>
        %mul3A_999 = arith.mulf %mul3A_998, %get3A_997 : vector<16xf32>
        %add3A_1000 = arith.addf %add3A_989, %mul3A_999 : vector<16xf32>
        %mul3A_1001 = arith.constant 10 : i32
        %mul3A_1002 = arith.muli %scan3A_136, %mul3A_1001 : i32
        %add3A_1003 = arith.constant 6 : i32
        %add3A_1004 = arith.addi %mul3A_1002, %add3A_1003 : i32
        %get3A_1005 = arith.index_cast %add3A_1004 : i32 to index
        %get3A_1006 = arith.constant 96 : index
        %get3A_1007 = tpu.vector_load %arg22[%get3A_1005, %get3A_1006] {strides = array<i32>} : memref<320x128xf32, #tpu.memory_space<vmem>>, vector<1x16xf32>,
        %get3A_1008 = vector.shape_cast %get3A_1007 : vector<1x16xf32> to vector<16xf32>
        %mul3A_1009 = vector.broadcast %squeeze3A_153 : f32 to vector<16xf32>
        %mul3A_1010 = arith.mulf %mul3A_1009, %get3A_1008 : vector<16xf32>
        %add3A_1011 = arith.addf %add3A_1000, %mul3A_1010 : vector<16xf32>
        %mul3A_1012 = arith.constant 10 : i32
        %mul3A_1013 = arith.muli %scan3A_136, %mul3A_1012 : i32
        %add3A_1014 = arith.constant 7 : i32
        %add3A_1015 = arith.addi %mul3A_1013, %add3A_1014 : i32
        %get3A_1016 = arith.index_cast %add3A_1015 : i32 to index
        %get3A_1017 = arith.constant 96 : index
        %get3A_1018 = tpu.vector_load %arg22[%get3A_1016, %get3A_1017] {strides = array<i32>} : memref<320x128xf32, #tpu.memory_space<vmem>>, vector<1x16xf32>,
        %get3A_1019 = vector.shape_cast %get3A_1018 : vector<1x16xf32> to vector<16xf32>
        %mul3A_1020 = vector.broadcast %squeeze3A_155 : f32 to vector<16xf32>
        %mul3A_1021 = arith.mulf %mul3A_1020, %get3A_1019 : vector<16xf32>
        %add3A_1022 = arith.addf %add3A_1011, %mul3A_1021 : vector<16xf32>
        %mul3A_1023 = arith.constant 10 : i32
        %mul3A_1024 = arith.muli %scan3A_136, %mul3A_1023 : i32
        %add3A_1025 = arith.constant 8 : i32
        %add3A_1026 = arith.addi %mul3A_1024, %add3A_1025 : i32
        %get3A_1027 = arith.index_cast %add3A_1026 : i32 to index
        %get3A_1028 = arith.constant 96 : index
        %get3A_1029 = tpu.vector_load %arg22[%get3A_1027, %get3A_1028] {strides = array<i32>} : memref<320x128xf32, #tpu.memory_space<vmem>>, vector<1x16xf32>,
        %get3A_1030 = vector.shape_cast %get3A_1029 : vector<1x16xf32> to vector<16xf32>
        %mul3A_1031 = vector.broadcast %squeeze3A_157 : f32 to vector<16xf32>
        %mul3A_1032 = arith.mulf %mul3A_1031, %get3A_1030 : vector<16xf32>
        %add3A_1033 = arith.addf %add3A_1022, %mul3A_1032 : vector<16xf32>
        %mul3A_1034 = arith.constant 10 : i32
        %mul3A_1035 = arith.muli %scan3A_136, %mul3A_1034 : i32
        %add3A_1036 = arith.constant 9 : i32
        %add3A_1037 = arith.addi %mul3A_1035, %add3A_1036 : i32
        %get3A_1038 = arith.index_cast %add3A_1037 : i32 to index
        %get3A_1039 = arith.constant 96 : index
        %get3A_1040 = tpu.vector_load %arg22[%get3A_1038, %get3A_1039] {strides = array<i32>} : memref<320x128xf32, #tpu.memory_space<vmem>>, vector<1x16xf32>,
        %get3A_1041 = vector.shape_cast %get3A_1040 : vector<1x16xf32> to vector<16xf32>
        %mul3A_1042 = vector.broadcast %squeeze3A_159 : f32 to vector<16xf32>
        %mul3A_1043 = arith.mulf %mul3A_1042, %get3A_1041 : vector<16xf32>
        %add3A_1044 = arith.addf %add3A_1033, %mul3A_1043 : vector<16xf32>
        %max3A_1045 = arith.constant 0.000000e+00 : f32
        %max3A_1046 = vector.broadcast %max3A_1045 : f32 to vector<16xf32>
        %max3A_1047 = arith.maximumf %add3A_1044, %max3A_1046 : vector<16xf32>
        %swap3A_1048 = arith.index_cast %scan3A_136 : i32 to index
        %swap3A_1049 = arith.constant 96 : index
        %swap3A_1050 = tpu.vector_load %arg24[%swap3A_1048, %swap3A_1049] {strides = array<i32>} : memref<32x128xf32, #tpu.memory_space<vmem>>, vector<1x16xf32>,
        %swap3A_1051 = vector.shape_cast %swap3A_1050 : vector<1x16xf32> to vector<16xf32>
        %swap3A_1052 = vector.shape_cast %max3A_1047 : vector<16xf32> to vector<1x16xf32>
        tpu.vector_store %arg24[%swap3A_1048, %swap3A_1049], %swap3A_1052 {strides = array<i32>} : memref<32x128xf32, #tpu.memory_space<vmem>>, vector<1x16xf32>,
        %mul3A_1053 = arith.mulf %max3A_1047, %max3A_1047 : vector<16xf32>
        %add3A_1054 = arith.addf %add3A_926, %mul3A_1053 : vector<16xf32>
        %get3A_1055 = arith.index_cast %scan3A_136 : i32 to index
        %get3A_1056 = arith.constant 112 : index
        %get3A_1057 = tpu.vector_load %arg20[%get3A_1055, %get3A_1056] {strides = array<i32>} : memref<32x128xf32, #tpu.memory_space<vmem>>, vector<1x16xf32>,
        %get3A_1058 = vector.shape_cast %get3A_1057 : vector<1x16xf32> to vector<16xf32>
        %get3A_1059 = arith.constant 112 : index
        %get3A_1060 = tpu.vector_load %arg26[%get3A_1059] {strides = array<i32>} : memref<128xf32, #tpu.memory_space<vmem>>, vector<16xf32>,
        %get3A_1061 = vector.shape_cast %get3A_1060 : vector<16xf32> to vector<16xf32>
        %add3A_1062 = arith.addf %get3A_1058, %get3A_1061 : vector<16xf32>
        %mul3A_1063 = arith.constant 10 : i32
        %mul3A_1064 = arith.muli %scan3A_136, %mul3A_1063 : i32
        %add3A_1065 = arith.constant 0 : i32
        %add3A_1066 = arith.addi %mul3A_1064, %add3A_1065 : i32
        %get3A_1067 = arith.index_cast %add3A_1066 : i32 to index
        %get3A_1068 = arith.constant 112 : index
        %get3A_1069 = tpu.vector_load %arg22[%get3A_1067, %get3A_1068] {strides = array<i32>} : memref<320x128xf32, #tpu.memory_space<vmem>>, vector<1x16xf32>,
        %get3A_1070 = vector.shape_cast %get3A_1069 : vector<1x16xf32> to vector<16xf32>
        %mul3A_1071 = vector.broadcast %squeeze3A : f32 to vector<16xf32>
        %mul3A_1072 = arith.mulf %mul3A_1071, %get3A_1070 : vector<16xf32>
        %add3A_1073 = arith.addf %add3A_1062, %mul3A_1072 : vector<16xf32>
        %mul3A_1074 = arith.constant 10 : i32
        %mul3A_1075 = arith.muli %scan3A_136, %mul3A_1074 : i32
        %add3A_1076 = arith.constant 1 : i32
        %add3A_1077 = arith.addi %mul3A_1075, %add3A_1076 : i32
        %get3A_1078 = arith.index_cast %add3A_1077 : i32 to index
        %get3A_1079 = arith.constant 112 : index
        %get3A_1080 = tpu.vector_load %arg22[%get3A_1078, %get3A_1079] {strides = array<i32>} : memref<320x128xf32, #tpu.memory_space<vmem>>, vector<1x16xf32>,
        %get3A_1081 = vector.shape_cast %get3A_1080 : vector<1x16xf32> to vector<16xf32>
        %mul3A_1082 = vector.broadcast %squeeze3A_143 : f32 to vector<16xf32>
        %mul3A_1083 = arith.mulf %mul3A_1082, %get3A_1081 : vector<16xf32>
        %add3A_1084 = arith.addf %add3A_1073, %mul3A_1083 : vector<16xf32>
        %mul3A_1085 = arith.constant 10 : i32
        %mul3A_1086 = arith.muli %scan3A_136, %mul3A_1085 : i32
        %add3A_1087 = arith.constant 2 : i32
        %add3A_1088 = arith.addi %mul3A_1086, %add3A_1087 : i32
        %get3A_1089 = arith.index_cast %add3A_1088 : i32 to index
        %get3A_1090 = arith.constant 112 : index
        %get3A_1091 = tpu.vector_load %arg22[%get3A_1089, %get3A_1090] {strides = array<i32>} : memref<320x128xf32, #tpu.memory_space<vmem>>, vector<1x16xf32>,
        %get3A_1092 = vector.shape_cast %get3A_1091 : vector<1x16xf32> to vector<16xf32>
        %mul3A_1093 = vector.broadcast %squeeze3A_145 : f32 to vector<16xf32>
        %mul3A_1094 = arith.mulf %mul3A_1093, %get3A_1092 : vector<16xf32>
        %add3A_1095 = arith.addf %add3A_1084, %mul3A_1094 : vector<16xf32>
        %mul3A_1096 = arith.constant 10 : i32
        %mul3A_1097 = arith.muli %scan3A_136, %mul3A_1096 : i32
        %add3A_1098 = arith.constant 3 : i32
        %add3A_1099 = arith.addi %mul3A_1097, %add3A_1098 : i32
        %get3A_1100 = arith.index_cast %add3A_1099 : i32 to index
        %get3A_1101 = arith.constant 112 : index
        %get3A_1102 = tpu.vector_load %arg22[%get3A_1100, %get3A_1101] {strides = array<i32>} : memref<320x128xf32, #tpu.memory_space<vmem>>, vector<1x16xf32>,
        %get3A_1103 = vector.shape_cast %get3A_1102 : vector<1x16xf32> to vector<16xf32>
        %mul3A_1104 = vector.broadcast %squeeze3A_147 : f32 to vector<16xf32>
        %mul3A_1105 = arith.mulf %mul3A_1104, %get3A_1103 : vector<16xf32>
        %add3A_1106 = arith.addf %add3A_1095, %mul3A_1105 : vector<16xf32>
        %mul3A_1107 = arith.constant 10 : i32
        %mul3A_1108 = arith.muli %scan3A_136, %mul3A_1107 : i32
        %add3A_1109 = arith.constant 4 : i32
        %add3A_1110 = arith.addi %mul3A_1108, %add3A_1109 : i32
        %get3A_1111 = arith.index_cast %add3A_1110 : i32 to index
        %get3A_1112 = arith.constant 112 : index
        %get3A_1113 = tpu.vector_load %arg22[%get3A_1111, %get3A_1112] {strides = array<i32>} : memref<320x128xf32, #tpu.memory_space<vmem>>, vector<1x16xf32>,
        %get3A_1114 = vector.shape_cast %get3A_1113 : vector<1x16xf32> to vector<16xf32>
        %mul3A_1115 = vector.broadcast %squeeze3A_149 : f32 to vector<16xf32>
        %mul3A_1116 = arith.mulf %mul3A_1115, %get3A_1114 : vector<16xf32>
        %add3A_1117 = arith.addf %add3A_1106, %mul3A_1116 : vector<16xf32>
        %mul3A_1118 = arith.constant 10 : i32
        %mul3A_1119 = arith.muli %scan3A_136, %mul3A_1118 : i32
        %add3A_1120 = arith.constant 5 : i32
        %add3A_1121 = arith.addi %mul3A_1119, %add3A_1120 : i32
        %get3A_1122 = arith.index_cast %add3A_1121 : i32 to index
        %get3A_1123 = arith.constant 112 : index
        %get3A_1124 = tpu.vector_load %arg22[%get3A_1122, %get3A_1123] {strides = array<i32>} : memref<320x128xf32, #tpu.memory_space<vmem>>, vector<1x16xf32>,
        %get3A_1125 = vector.shape_cast %get3A_1124 : vector<1x16xf32> to vector<16xf32>
        %mul3A_1126 = vector.broadcast %squeeze3A_151 : f32 to vector<16xf32>
        %mul3A_1127 = arith.mulf %mul3A_1126, %get3A_1125 : vector<16xf32>
        %add3A_1128 = arith.addf %add3A_1117, %mul3A_1127 : vector<16xf32>
        %mul3A_1129 = arith.constant 10 : i32
        %mul3A_1130 = arith.muli %scan3A_136, %mul3A_1129 : i32
        %add3A_1131 = arith.constant 6 : i32
        %add3A_1132 = arith.addi %mul3A_1130, %add3A_1131 : i32
        %get3A_1133 = arith.index_cast %add3A_1132 : i32 to index
        %get3A_1134 = arith.constant 112 : index
        %get3A_1135 = tpu.vector_load %arg22[%get3A_1133, %get3A_1134] {strides = array<i32>} : memref<320x128xf32, #tpu.memory_space<vmem>>, vector<1x16xf32>,
        %get3A_1136 = vector.shape_cast %get3A_1135 : vector<1x16xf32> to vector<16xf32>
        %mul3A_1137 = vector.broadcast %squeeze3A_153 : f32 to vector<16xf32>
        %mul3A_1138 = arith.mulf %mul3A_1137, %get3A_1136 : vector<16xf32>
        %add3A_1139 = arith.addf %add3A_1128, %mul3A_1138 : vector<16xf32>
        %mul3A_1140 = arith.constant 10 : i32
        %mul3A_1141 = arith.muli %scan3A_136, %mul3A_1140 : i32
        %add3A_1142 = arith.constant 7 : i32
        %add3A_1143 = arith.addi %mul3A_1141, %add3A_1142 : i32
        %get3A_1144 = arith.index_cast %add3A_1143 : i32 to index
        %get3A_1145 = arith.constant 112 : index
        %get3A_1146 = tpu.vector_load %arg22[%get3A_1144, %get3A_1145] {strides = array<i32>} : memref<320x128xf32, #tpu.memory_space<vmem>>, vector<1x16xf32>,
        %get3A_1147 = vector.shape_cast %get3A_1146 : vector<1x16xf32> to vector<16xf32>
        %mul3A_1148 = vector.broadcast %squeeze3A_155 : f32 to vector<16xf32>
        %mul3A_1149 = arith.mulf %mul3A_1148, %get3A_1147 : vector<16xf32>
        %add3A_1150 = arith.addf %add3A_1139, %mul3A_1149 : vector<16xf32>
        %mul3A_1151 = arith.constant 10 : i32
        %mul3A_1152 = arith.muli %scan3A_136, %mul3A_1151 : i32
        %add3A_1153 = arith.constant 8 : i32
        %add3A_1154 = arith.addi %mul3A_1152, %add3A_1153 : i32
        %get3A_1155 = arith.index_cast %add3A_1154 : i32 to index
        %get3A_1156 = arith.constant 112 : index
        %get3A_1157 = tpu.vector_load %arg22[%get3A_1155, %get3A_1156] {strides = array<i32>} : memref<320x128xf32, #tpu.memory_space<vmem>>, vector<1x16xf32>,
        %get3A_1158 = vector.shape_cast %get3A_1157 : vector<1x16xf32> to vector<16xf32>
        %mul3A_1159 = vector.broadcast %squeeze3A_157 : f32 to vector<16xf32>
        %mul3A_1160 = arith.mulf %mul3A_1159, %get3A_1158 : vector<16xf32>
        %add3A_1161 = arith.addf %add3A_1150, %mul3A_1160 : vector<16xf32>
        %mul3A_1162 = arith.constant 10 : i32
        %mul3A_1163 = arith.muli %scan3A_136, %mul3A_1162 : i32
        %add3A_1164 = arith.constant 9 : i32
        %add3A_1165 = arith.addi %mul3A_1163, %add3A_1164 : i32
        %get3A_1166 = arith.index_cast %add3A_1165 : i32 to index
        %get3A_1167 = arith.constant 112 : index
        %get3A_1168 = tpu.vector_load %arg22[%get3A_1166, %get3A_1167] {strides = array<i32>} : memref<320x128xf32, #tpu.memory_space<vmem>>, vector<1x16xf32>,
        %get3A_1169 = vector.shape_cast %get3A_1168 : vector<1x16xf32> to vector<16xf32>
        %mul3A_1170 = vector.broadcast %squeeze3A_159 : f32 to vector<16xf32>
        %mul3A_1171 = arith.mulf %mul3A_1170, %get3A_1169 : vector<16xf32>
        %add3A_1172 = arith.addf %add3A_1161, %mul3A_1171 : vector<16xf32>
        %max3A_1173 = arith.constant 0.000000e+00 : f32
        %max3A_1174 = vector.broadcast %max3A_1173 : f32 to vector<16xf32>
        %max3A_1175 = arith.maximumf %add3A_1172, %max3A_1174 : vector<16xf32>
        %swap3A_1176 = arith.index_cast %scan3A_136 : i32 to index
        %swap3A_1177 = arith.constant 112 : index
        %swap3A_1178 = tpu.vector_load %arg24[%swap3A_1176, %swap3A_1177] {strides = array<i32>} : memref<32x128xf32, #tpu.memory_space<vmem>>, vector<1x16xf32>,
        %swap3A_1179 = vector.shape_cast %swap3A_1178 : vector<1x16xf32> to vector<16xf32>
        %swap3A_1180 = vector.shape_cast %max3A_1175 : vector<16xf32> to vector<1x16xf32>
        tpu.vector_store %arg24[%swap3A_1176, %swap3A_1177], %swap3A_1180 {strides = array<i32>} : memref<32x128xf32, #tpu.memory_space<vmem>>, vector<1x16xf32>,
        %mul3A_1181 = arith.mulf %max3A_1175, %max3A_1175 : vector<16xf32>
        %add3A_1182 = arith.addf %add3A_1054, %mul3A_1181 : vector<16xf32>
        scf.yield %add3A_1182 : vector<16xf32>
      }
      %scan3A_87 = arith.constant 32 : i32
      %lt3A_88 = arith.constant 4096 : i32
      %lt3A_89 = arith.cmpi slt, %add3A_50, %lt3A_88 : i32
      %convert_element_type3A_90 = arith.extui %lt3A_89 : i1 to i32
      %cond3A_91 = arith.constant 0 : i32
      %cond3A_92 = arith.cmpi ne, %convert_element_type3A_90, %cond3A_91 : i32
      scf.if %cond3A_92 {
        %get3A = arith.constant 0 : i32
        %get3A_136 = arith.index_cast %get3A : i32 to index
        %get3A_137 = arith.constant 0 : index
        %get3A_138 = tpu.vector_load %arg27[%get3A_136, %get3A_137] {strides = array<i32>} : memref<2x16xf32, #tpu.memory_space<vmem>>, vector<1x16xf32>,
        %get3A_139 = vector.shape_cast %get3A_138 : vector<1x16xf32> to vector<16xf32>
        %add3A_140 = arith.addf %get3A_139, %scan3A_86 : vector<16xf32>
        %swap3A_141 = arith.constant 0 : i32
        %swap3A_142 = arith.index_cast %swap3A_141 : i32 to index
        %swap3A_143 = arith.constant 0 : index
        %swap3A_144 = tpu.vector_load %arg27[%swap3A_142, %swap3A_143] {strides = array<i32>} : memref<2x16xf32, #tpu.memory_space<vmem>>, vector<1x16xf32>,
        %swap3A_145 = vector.shape_cast %swap3A_144 : vector<1x16xf32> to vector<16xf32>
        %swap3A_146 = vector.shape_cast %add3A_140 : vector<16xf32> to vector<1x16xf32>
        tpu.vector_store %arg27[%swap3A_142, %swap3A_143], %swap3A_146 {strides = array<i32>} : memref<2x16xf32, #tpu.memory_space<vmem>>, vector<1x16xf32>,
        %dma_start3A_147 = arith.constant 0 : i32
        %dma_start3A_148 = tpu.memref_slice %arg10[%add3A_50, %dma_start3A_147] : memref<4096x128xf32, #tpu.memory_space<hbm>> -> memref<32x128xf32, #tpu.memory_space<hbm>>
        %dma_start3A_149 = arith.constant 0 : i32
        %dma_start3A_150 = tpu.memref_slice %arg10[%add3A_50, %dma_start3A_149] : memref<4096x128xf32, #tpu.memory_space<hbm>> -> memref<32x128xf32, #tpu.memory_space<hbm>>
        tpu.enqueue_dma source(%arg24 : memref<32x128xf32, #tpu.memory_space<vmem>>) target(%dma_start3A_150 : memref<32x128xf32, #tpu.memory_space<hbm>>) target_semaphore(%arg32 : memref<!tpu.dma_semaphore, #tpu.memory_space<semaphore_mem>>)
      } else {
      }
      %ge3A_93 = arith.constant 4096 : i32
      %ge3A_94 = arith.cmpi sge, %add3A_50, %ge3A_93 : i32
      %convert_element_type3A_95 = arith.extui %ge3A_94 : i1 to i32
      %cond3A_96 = arith.constant 0 : i32
      %cond3A_97 = arith.cmpi ne, %convert_element_type3A_95, %cond3A_96 : i32
      scf.if %cond3A_97 {
        %get3A = arith.constant 1 : i32
        %get3A_136 = arith.index_cast %get3A : i32 to index
        %get3A_137 = arith.constant 0 : index
        %get3A_138 = tpu.vector_load %arg27[%get3A_136, %get3A_137] {strides = array<i32>} : memref<2x16xf32, #tpu.memory_space<vmem>>, vector<1x16xf32>,
        %get3A_139 = vector.shape_cast %get3A_138 : vector<1x16xf32> to vector<16xf32>
        %add3A_140 = arith.addf %get3A_139, %scan3A_86 : vector<16xf32>
        %swap3A_141 = arith.constant 1 : i32
        %swap3A_142 = arith.index_cast %swap3A_141 : i32 to index
        %swap3A_143 = arith.constant 0 : index
        %swap3A_144 = tpu.vector_load %arg27[%swap3A_142, %swap3A_143] {strides = array<i32>} : memref<2x16xf32, #tpu.memory_space<vmem>>, vector<1x16xf32>,
        %swap3A_145 = vector.shape_cast %swap3A_144 : vector<1x16xf32> to vector<16xf32>
        %swap3A_146 = vector.shape_cast %add3A_140 : vector<16xf32> to vector<1x16xf32>
        tpu.vector_store %arg27[%swap3A_142, %swap3A_143], %swap3A_146 {strides = array<i32>} : memref<2x16xf32, #tpu.memory_space<vmem>>, vector<1x16xf32>,
        %sub3A = arith.constant 4096 : i32
        %sub3A_147 = arith.subi %add3A_50, %sub3A : i32
        %dma_start3A_148 = arith.constant 0 : i32
        %dma_start3A_149 = tpu.memref_slice %arg11[%sub3A_147, %dma_start3A_148] : memref<40960x128xf32, #tpu.memory_space<hbm>> -> memref<32x128xf32, #tpu.memory_space<hbm>>
        %dma_start3A_150 = arith.constant 0 : i32
        %dma_start3A_151 = tpu.memref_slice %arg11[%sub3A_147, %dma_start3A_150] : memref<40960x128xf32, #tpu.memory_space<hbm>> -> memref<32x128xf32, #tpu.memory_space<hbm>>
        tpu.enqueue_dma source(%arg24 : memref<32x128xf32, #tpu.memory_space<vmem>>) target(%dma_start3A_151 : memref<32x128xf32, #tpu.memory_space<hbm>>) target_semaphore(%arg32 : memref<!tpu.dma_semaphore, #tpu.memory_space<semaphore_mem>>)
      } else {
      }
      %add3A_98 = arith.constant 1 : i32
      %add3A_99 = arith.addi %scan3A_45, %add3A_98 : i32
      %lt3A_100 = arith.constant 22 : i32
      %lt3A_101 = arith.cmpi slt, %add3A_99, %lt3A_100 : i32
      %convert_element_type3A_102 = arith.extui %lt3A_101 : i1 to i32
      %cond3A_103 = arith.constant 0 : i32
      %cond3A_104 = arith.cmpi ne, %convert_element_type3A_102, %cond3A_103 : i32
      scf.if %cond3A_104 {
        %add3A_136 = arith.constant 32 : i32
        %add3A_137 = arith.addi %add3A_52, %add3A_136 : i32
        %lt3A_138 = arith.constant 4096 : i32
        %lt3A_139 = arith.cmpi slt, %add3A_137, %lt3A_138 : i32
        %convert_element_type3A_140 = arith.extui %lt3A_139 : i1 to i32
        %cond3A_141 = arith.constant 0 : i32
        %cond3A_142 = arith.cmpi ne, %convert_element_type3A_140, %cond3A_141 : i32
        scf.if %cond3A_142 {
          "tpu.region"() ({
            %run_scoped3A_158 = tpu.sem_alloc : memref<!tpu.dma_semaphore, #tpu.memory_space<semaphore_mem>>
            %dma_start3A_159 = tpu.memref_slice %arg4[%add3A_137] : memref<4096xi32, #tpu.memory_space<hbm>> -> memref<32xi32, #tpu.memory_space<hbm>>
            %dma_start3A_160 = tpu.memref_slice %arg4[%add3A_137] : memref<4096xi32, #tpu.memory_space<hbm>> -> memref<32xi32, #tpu.memory_space<hbm>>
            tpu.enqueue_dma source(%dma_start3A_160 : memref<32xi32, #tpu.memory_space<hbm>>) target(%arg14 : memref<32xi32, #tpu.memory_space<vmem>>) target_semaphore(%run_scoped3A_158 : memref<!tpu.dma_semaphore, #tpu.memory_space<semaphore_mem>>)
            %dma_wait3A_161 = tpu.memref_slice %arg4[%add3A_137] : memref<4096xi32, #tpu.memory_space<hbm>> -> memref<32xi32, #tpu.memory_space<hbm>>
            %dma_wait3A_162 = tpu.memref_slice %arg4[%add3A_137] : memref<4096xi32, #tpu.memory_space<hbm>> -> memref<32xi32, #tpu.memory_space<hbm>>
            tpu.wait_dma2 semaphore(%run_scoped3A_158 : memref<!tpu.dma_semaphore, #tpu.memory_space<semaphore_mem>>) src(%dma_wait3A_162 : memref<32xi32, #tpu.memory_space<hbm>>) dst(%arg14 : memref<32xi32, #tpu.memory_space<vmem>>)
            tpu.yield
          }) : () -> ()
          %mul3A_154 = arith.constant 10 : i32
          %mul3A_155 = arith.muli %add3A_137, %mul3A_154 : i32
          "tpu.region"() ({
            %run_scoped3A_158 = tpu.sem_alloc : memref<!tpu.dma_semaphore, #tpu.memory_space<semaphore_mem>>
            %dma_start3A_159 = tpu.memref_slice %arg5[%mul3A_155] : memref<40960xi32, #tpu.memory_space<hbm>> -> memref<320xi32, #tpu.memory_space<hbm>>
            %dma_start3A_160 = tpu.memref_slice %arg5[%mul3A_155] : memref<40960xi32, #tpu.memory_space<hbm>> -> memref<320xi32, #tpu.memory_space<hbm>>
            tpu.enqueue_dma source(%dma_start3A_160 : memref<320xi32, #tpu.memory_space<hbm>>) target(%arg16 : memref<320xi32, #tpu.memory_space<vmem>>) target_semaphore(%run_scoped3A_158 : memref<!tpu.dma_semaphore, #tpu.memory_space<semaphore_mem>>)
            %dma_wait3A_161 = tpu.memref_slice %arg5[%mul3A_155] : memref<40960xi32, #tpu.memory_space<hbm>> -> memref<320xi32, #tpu.memory_space<hbm>>
            %dma_wait3A_162 = tpu.memref_slice %arg5[%mul3A_155] : memref<40960xi32, #tpu.memory_space<hbm>> -> memref<320xi32, #tpu.memory_space<hbm>>
            tpu.wait_dma2 semaphore(%run_scoped3A_158 : memref<!tpu.dma_semaphore, #tpu.memory_space<semaphore_mem>>) src(%dma_wait3A_162 : memref<320xi32, #tpu.memory_space<hbm>>) dst(%arg16 : memref<320xi32, #tpu.memory_space<vmem>>)
            tpu.yield
          }) : () -> ()
          %mul3A_156 = arith.constant 10 : i32
          %mul3A_157 = arith.muli %add3A_137, %mul3A_156 : i32
          "tpu.region"() ({
            %run_scoped3A_158 = tpu.sem_alloc : memref<!tpu.dma_semaphore, #tpu.memory_space<semaphore_mem>>
            %dma_start3A_159 = arith.constant 0 : i32
            %dma_start3A_160 = tpu.memref_slice %arg18[%dma_start3A_159] : memref<336xf32, #tpu.memory_space<vmem>> -> memref<320xf32, #tpu.memory_space<vmem>>
            %dma_start3A_161 = tpu.memref_slice %arg7[%mul3A_157] : memref<40960xf32, #tpu.memory_space<hbm>> -> memref<320xf32, #tpu.memory_space<hbm>>
            %dma_start3A_162 = arith.constant 0 : i32
            %dma_start3A_163 = tpu.memref_slice %arg18[%dma_start3A_162] : memref<336xf32, #tpu.memory_space<vmem>> -> memref<320xf32, #tpu.memory_space<vmem>>
            %dma_start3A_164 = tpu.memref_slice %arg7[%mul3A_157] : memref<40960xf32, #tpu.memory_space<hbm>> -> memref<320xf32, #tpu.memory_space<hbm>>
            tpu.enqueue_dma source(%dma_start3A_164 : memref<320xf32, #tpu.memory_space<hbm>>) target(%dma_start3A_163 : memref<320xf32, #tpu.memory_space<vmem>>) target_semaphore(%run_scoped3A_158 : memref<!tpu.dma_semaphore, #tpu.memory_space<semaphore_mem>>)
            %dma_wait3A_165 = arith.constant 0 : i32
            %dma_wait3A_166 = tpu.memref_slice %arg18[%dma_wait3A_165] : memref<336xf32, #tpu.memory_space<vmem>> -> memref<320xf32, #tpu.memory_space<vmem>>
            %dma_wait3A_167 = tpu.memref_slice %arg7[%mul3A_157] : memref<40960xf32, #tpu.memory_space<hbm>> -> memref<320xf32, #tpu.memory_space<hbm>>
            %dma_wait3A_168 = arith.constant 0 : i32
            %dma_wait3A_169 = tpu.memref_slice %arg18[%dma_wait3A_168] : memref<336xf32, #tpu.memory_space<vmem>> -> memref<320xf32, #tpu.memory_space<vmem>>
            %dma_wait3A_170 = tpu.memref_slice %arg7[%mul3A_157] : memref<40960xf32, #tpu.memory_space<hbm>> -> memref<320xf32, #tpu.memory_space<hbm>>
            tpu.wait_dma2 semaphore(%run_scoped3A_158 : memref<!tpu.dma_semaphore, #tpu.memory_space<semaphore_mem>>) src(%dma_wait3A_170 : memref<320xf32, #tpu.memory_space<hbm>>) dst(%dma_wait3A_169 : memref<320xf32, #tpu.memory_space<vmem>>)
            tpu.yield
          }) : () -> ()
        } else {
        }
        %ge3A_143 = arith.constant 4096 : i32
        %ge3A_144 = arith.cmpi sge, %add3A_137, %ge3A_143 : i32
        %convert_element_type3A_145 = arith.extui %ge3A_144 : i1 to i32
        %cond3A_146 = arith.constant 0 : i32
        %cond3A_147 = arith.cmpi ne, %convert_element_type3A_145, %cond3A_146 : i32
        scf.if %cond3A_147 {
          %sub3A = arith.constant 4096 : i32
          %sub3A_154 = arith.subi %add3A_137, %sub3A : i32
          "tpu.region"() ({
            %run_scoped3A_159 = tpu.sem_alloc : memref<!tpu.dma_semaphore, #tpu.memory_space<semaphore_mem>>
            %dma_start3A_160 = tpu.memref_slice %arg5[%sub3A_154] : memref<40960xi32, #tpu.memory_space<hbm>> -> memref<32xi32, #tpu.memory_space<hbm>>
            %dma_start3A_161 = tpu.memref_slice %arg5[%sub3A_154] : memref<40960xi32, #tpu.memory_space<hbm>> -> memref<32xi32, #tpu.memory_space<hbm>>
            tpu.enqueue_dma source(%dma_start3A_161 : memref<32xi32, #tpu.memory_space<hbm>>) target(%arg14 : memref<32xi32, #tpu.memory_space<vmem>>) target_semaphore(%run_scoped3A_159 : memref<!tpu.dma_semaphore, #tpu.memory_space<semaphore_mem>>)
            %dma_wait3A_162 = tpu.memref_slice %arg5[%sub3A_154] : memref<40960xi32, #tpu.memory_space<hbm>> -> memref<32xi32, #tpu.memory_space<hbm>>
            %dma_wait3A_163 = tpu.memref_slice %arg5[%sub3A_154] : memref<40960xi32, #tpu.memory_space<hbm>> -> memref<32xi32, #tpu.memory_space<hbm>>
            tpu.wait_dma2 semaphore(%run_scoped3A_159 : memref<!tpu.dma_semaphore, #tpu.memory_space<semaphore_mem>>) src(%dma_wait3A_163 : memref<32xi32, #tpu.memory_space<hbm>>) dst(%arg14 : memref<32xi32, #tpu.memory_space<vmem>>)
            tpu.yield
          }) : () -> ()
          %mul3A_155 = arith.constant 10 : i32
          %mul3A_156 = arith.muli %sub3A_154, %mul3A_155 : i32
          "tpu.region"() ({
            %run_scoped3A_159 = tpu.sem_alloc : memref<!tpu.dma_semaphore, #tpu.memory_space<semaphore_mem>>
            %dma_start3A_160 = tpu.memref_slice %arg6[%mul3A_156] : memref<409600xi32, #tpu.memory_space<hbm>> -> memref<320xi32, #tpu.memory_space<hbm>>
            %dma_start3A_161 = tpu.memref_slice %arg6[%mul3A_156] : memref<409600xi32, #tpu.memory_space<hbm>> -> memref<320xi32, #tpu.memory_space<hbm>>
            tpu.enqueue_dma source(%dma_start3A_161 : memref<320xi32, #tpu.memory_space<hbm>>) target(%arg16 : memref<320xi32, #tpu.memory_space<vmem>>) target_semaphore(%run_scoped3A_159 : memref<!tpu.dma_semaphore, #tpu.memory_space<semaphore_mem>>)
            %dma_wait3A_162 = tpu.memref_slice %arg6[%mul3A_156] : memref<409600xi32, #tpu.memory_space<hbm>> -> memref<320xi32, #tpu.memory_space<hbm>>
            %dma_wait3A_163 = tpu.memref_slice %arg6[%mul3A_156] : memref<409600xi32, #tpu.memory_space<hbm>> -> memref<320xi32, #tpu.memory_space<hbm>>
            tpu.wait_dma2 semaphore(%run_scoped3A_159 : memref<!tpu.dma_semaphore, #tpu.memory_space<semaphore_mem>>) src(%dma_wait3A_163 : memref<320xi32, #tpu.memory_space<hbm>>) dst(%arg16 : memref<320xi32, #tpu.memory_space<vmem>>)
            tpu.yield
          }) : () -> ()
          %mul3A_157 = arith.constant 10 : i32
          %mul3A_158 = arith.muli %sub3A_154, %mul3A_157 : i32
          "tpu.region"() ({
            %run_scoped3A_159 = tpu.sem_alloc : memref<!tpu.dma_semaphore, #tpu.memory_space<semaphore_mem>>
            %dma_start3A_160 = arith.constant 0 : i32
            %dma_start3A_161 = tpu.memref_slice %arg18[%dma_start3A_160] : memref<336xf32, #tpu.memory_space<vmem>> -> memref<320xf32, #tpu.memory_space<vmem>>
            %dma_start3A_162 = tpu.memref_slice %arg8[%mul3A_158] : memref<409600xf32, #tpu.memory_space<hbm>> -> memref<320xf32, #tpu.memory_space<hbm>>
            %dma_start3A_163 = arith.constant 0 : i32
            %dma_start3A_164 = tpu.memref_slice %arg18[%dma_start3A_163] : memref<336xf32, #tpu.memory_space<vmem>> -> memref<320xf32, #tpu.memory_space<vmem>>
            %dma_start3A_165 = tpu.memref_slice %arg8[%mul3A_158] : memref<409600xf32, #tpu.memory_space<hbm>> -> memref<320xf32, #tpu.memory_space<hbm>>
            tpu.enqueue_dma source(%dma_start3A_165 : memref<320xf32, #tpu.memory_space<hbm>>) target(%dma_start3A_164 : memref<320xf32, #tpu.memory_space<vmem>>) target_semaphore(%run_scoped3A_159 : memref<!tpu.dma_semaphore, #tpu.memory_space<semaphore_mem>>)
            %dma_wait3A_166 = arith.constant 0 : i32
            %dma_wait3A_167 = tpu.memref_slice %arg18[%dma_wait3A_166] : memref<336xf32, #tpu.memory_space<vmem>> -> memref<320xf32, #tpu.memory_space<vmem>>
            %dma_wait3A_168 = tpu.memref_slice %arg8[%mul3A_158] : memref<409600xf32, #tpu.memory_space<hbm>> -> memref<320xf32, #tpu.memory_space<hbm>>
            %dma_wait3A_169 = arith.constant 0 : i32
            %dma_wait3A_170 = tpu.memref_slice %arg18[%dma_wait3A_169] : memref<336xf32, #tpu.memory_space<vmem>> -> memref<320xf32, #tpu.memory_space<vmem>>
            %dma_wait3A_171 = tpu.memref_slice %arg8[%mul3A_158] : memref<409600xf32, #tpu.memory_space<hbm>> -> memref<320xf32, #tpu.memory_space<hbm>>
            tpu.wait_dma2 semaphore(%run_scoped3A_159 : memref<!tpu.dma_semaphore, #tpu.memory_space<semaphore_mem>>) src(%dma_wait3A_171 : memref<320xf32, #tpu.memory_space<hbm>>) dst(%dma_wait3A_170 : memref<320xf32, #tpu.memory_space<vmem>>)
            tpu.yield
          }) : () -> ()
        } else {
        }
        %dma_start3A_148 = arith.constant 0 : i32
        %dma_start3A_149 = arith.constant 0 : i32
        %dma_start3A_150 = tpu.memref_slice %arg2[%dma_start3A_148, %dma_start3A_149] : memref<100000x128xf32, #tpu.memory_space<hbm>> -> memref<100000x128xf32, #tpu.memory_space<hbm>>
        tpu.enqueue_indirect_dma source(%dma_start3A_150 : memref<100000x128xf32, #tpu.memory_space<hbm>>) target(%arg20 : memref<32x128xf32, #tpu.memory_space<vmem>>) offsets(%arg14 : memref<32xi32, #tpu.memory_space<vmem>>) semaphore(%arg28 : memref<!tpu.dma_semaphore, #tpu.memory_space<semaphore_mem>>)
        %dma_start3A_151 = arith.constant 0 : i32
        %dma_start3A_152 = arith.constant 0 : i32
        %dma_start3A_153 = tpu.memref_slice %arg3[%dma_start3A_151, %dma_start3A_152] : memref<100000x128xf32, #tpu.memory_space<hbm>> -> memref<100000x128xf32, #tpu.memory_space<hbm>>
        tpu.enqueue_indirect_dma source(%dma_start3A_153 : memref<100000x128xf32, #tpu.memory_space<hbm>>) target(%arg22 : memref<320x128xf32, #tpu.memory_space<vmem>>) offsets(%arg16 : memref<320xi32, #tpu.memory_space<vmem>>) semaphore(%arg29 : memref<!tpu.dma_semaphore, #tpu.memory_space<semaphore_mem>>)
      } else {
      }
      %dma_wait3A_105 = arith.constant 0 : i32
      %dma_wait3A_106 = arith.constant 0 : i32
      %dma_wait3A_107 = tpu.memref_slice %arg2[%dma_wait3A_105, %dma_wait3A_106] : memref<100000x128xf32, #tpu.memory_space<hbm>> -> memref<100000x128xf32, #tpu.memory_space<hbm>>
      tpu.wait_indirect_dma semaphore(%arg30 : memref<!tpu.dma_semaphore, #tpu.memory_space<semaphore_mem>>) src(%dma_wait3A_107 : memref<100000x128xf32, #tpu.memory_space<hbm>>) dst(%arg21 : memref<32x128xf32, #tpu.memory_space<vmem>>)
      %dma_wait3A_108 = arith.constant 0 : i32
      %dma_wait3A_109 = arith.constant 0 : i32
      %dma_wait3A_110 = tpu.memref_slice %arg3[%dma_wait3A_108, %dma_wait3A_109] : memref<100000x128xf32, #tpu.memory_space<hbm>> -> memref<100000x128xf32, #tpu.memory_space<hbm>>
      tpu.wait_indirect_dma semaphore(%arg31 : memref<!tpu.dma_semaphore, #tpu.memory_space<semaphore_mem>>) src(%dma_wait3A_110 : memref<100000x128xf32, #tpu.memory_space<hbm>>) dst(%arg23 : memref<320x128xf32, #tpu.memory_space<vmem>>)
      %eq3A_111 = arith.constant 0 : i32
      %eq3A_112 = arith.cmpi eq, %scan3A_45, %eq3A_111 : i32
      %not3A_113 = arith.constant true
      %not3A_114 = arith.xori %eq3A_112, %not3A_113 : i1
      %convert_element_type3A_115 = arith.extui %not3A_114 : i1 to i32
      %cond3A_116 = arith.constant 0 : i32
      %cond3A_117 = arith.cmpi ne, %convert_element_type3A_115, %cond3A_116 : i32
      scf.if %cond3A_117 {
        %dma_wait3A_136 = arith.constant 0 : i32
        %dma_wait3A_137 = arith.constant 0 : i32
        %dma_wait3A_138 = tpu.memref_slice %arg10[%dma_wait3A_136, %dma_wait3A_137] : memref<4096x128xf32, #tpu.memory_space<hbm>> -> memref<32x128xf32, #tpu.memory_space<hbm>>
        %dma_wait3A_139 = arith.constant 0 : i32
        %dma_wait3A_140 = arith.constant 0 : i32
        %dma_wait3A_141 = tpu.memref_slice %arg10[%dma_wait3A_139, %dma_wait3A_140] : memref<4096x128xf32, #tpu.memory_space<hbm>> -> memref<32x128xf32, #tpu.memory_space<hbm>>
        tpu.wait_dma2 semaphore(%arg33 : memref<!tpu.dma_semaphore, #tpu.memory_space<semaphore_mem>>) src(%arg25 : memref<32x128xf32, #tpu.memory_space<vmem>>) dst(%dma_wait3A_141 : memref<32x128xf32, #tpu.memory_space<hbm>>)
      } else {
      }
      %broadcast_in_dim3A_118 = arith.constant 0.000000e+00 : f32
      %broadcast_in_dim3A_119 = vector.broadcast %broadcast_in_dim3A_118 : f32 to vector<16xf32>
      %scan3A_120 = arith.constant 0 : i32
      %scan3A_121 = arith.constant 32 : i32
      %scan3A_122 = arith.addi %scan3A_120, %scan3A_121 : i32
      %scan3A_123 = arith.constant 1 : i32
      %scan3A_124 = scf.for %scan3A_136 = %scan3A_120 to %scan3A_122 step %scan3A_123 iter_args(%scan3A_137 = %broadcast_in_dim3A_119) -> (vector<16xf32>)  : i32 {
        %mul3A_138 = arith.constant 10 : i32
        %mul3A_139 = arith.muli %scan3A_136, %mul3A_138 : i32
        %get3A = arith.index_cast %mul3A_139 : i32 to index
        %get3A_140 = tpu.vector_load %arg19[%get3A] {strides = array<i32>} : memref<336xf32, #tpu.memory_space<vmem>>, vector<16xf32>,
        %get3A_141 = vector.shape_cast %get3A_140 : vector<16xf32> to vector<16xf32>
        %slice3A = vector.extract_strided_slice %get3A_141 {offsets = [0], sizes = [1], strides = [1]} : vector<16xf32> to vector<1xf32>
        %squeeze3A = vector.extract %slice3A[0] : f32 from vector<1xf32>
        %slice3A_142 = vector.extract_strided_slice %get3A_141 {offsets = [1], sizes = [1], strides = [1]} : vector<16xf32> to vector<1xf32>
        %squeeze3A_143 = vector.extract %slice3A_142[0] : f32 from vector<1xf32>
        %slice3A_144 = vector.extract_strided_slice %get3A_141 {offsets = [2], sizes = [1], strides = [1]} : vector<16xf32> to vector<1xf32>
        %squeeze3A_145 = vector.extract %slice3A_144[0] : f32 from vector<1xf32>
        %slice3A_146 = vector.extract_strided_slice %get3A_141 {offsets = [3], sizes = [1], strides = [1]} : vector<16xf32> to vector<1xf32>
        %squeeze3A_147 = vector.extract %slice3A_146[0] : f32 from vector<1xf32>
        %slice3A_148 = vector.extract_strided_slice %get3A_141 {offsets = [4], sizes = [1], strides = [1]} : vector<16xf32> to vector<1xf32>
        %squeeze3A_149 = vector.extract %slice3A_148[0] : f32 from vector<1xf32>
        %slice3A_150 = vector.extract_strided_slice %get3A_141 {offsets = [5], sizes = [1], strides = [1]} : vector<16xf32> to vector<1xf32>
        %squeeze3A_151 = vector.extract %slice3A_150[0] : f32 from vector<1xf32>
        %slice3A_152 = vector.extract_strided_slice %get3A_141 {offsets = [6], sizes = [1], strides = [1]} : vector<16xf32> to vector<1xf32>
        %squeeze3A_153 = vector.extract %slice3A_152[0] : f32 from vector<1xf32>
        %slice3A_154 = vector.extract_strided_slice %get3A_141 {offsets = [7], sizes = [1], strides = [1]} : vector<16xf32> to vector<1xf32>
        %squeeze3A_155 = vector.extract %slice3A_154[0] : f32 from vector<1xf32>
        %slice3A_156 = vector.extract_strided_slice %get3A_141 {offsets = [8], sizes = [1], strides = [1]} : vector<16xf32> to vector<1xf32>
        %squeeze3A_157 = vector.extract %slice3A_156[0] : f32 from vector<1xf32>
        %slice3A_158 = vector.extract_strided_slice %get3A_141 {offsets = [9], sizes = [1], strides = [1]} : vector<16xf32> to vector<1xf32>
        %squeeze3A_159 = vector.extract %slice3A_158[0] : f32 from vector<1xf32>
        %get3A_160 = arith.index_cast %scan3A_136 : i32 to index
        %get3A_161 = arith.constant 0 : index
        %get3A_162 = tpu.vector_load %arg21[%get3A_160, %get3A_161] {strides = array<i32>} : memref<32x128xf32, #tpu.memory_space<vmem>>, vector<1x16xf32>,
        %get3A_163 = vector.shape_cast %get3A_162 : vector<1x16xf32> to vector<16xf32>
        %get3A_164 = arith.constant 0 : index
        %get3A_165 = tpu.vector_load %arg26[%get3A_164] {strides = array<i32>} : memref<128xf32, #tpu.memory_space<vmem>>, vector<16xf32>,
        %get3A_166 = vector.shape_cast %get3A_165 : vector<16xf32> to vector<16xf32>
        %add3A_167 = arith.addf %get3A_163, %get3A_166 : vector<16xf32>
        %mul3A_168 = arith.constant 10 : i32
        %mul3A_169 = arith.muli %scan3A_136, %mul3A_168 : i32
        %add3A_170 = arith.constant 0 : i32
        %add3A_171 = arith.addi %mul3A_169, %add3A_170 : i32
        %get3A_172 = arith.index_cast %add3A_171 : i32 to index
        %get3A_173 = arith.constant 0 : index
        %get3A_174 = tpu.vector_load %arg23[%get3A_172, %get3A_173] {strides = array<i32>} : memref<320x128xf32, #tpu.memory_space<vmem>>, vector<1x16xf32>,
        %get3A_175 = vector.shape_cast %get3A_174 : vector<1x16xf32> to vector<16xf32>
        %mul3A_176 = vector.broadcast %squeeze3A : f32 to vector<16xf32>
        %mul3A_177 = arith.mulf %mul3A_176, %get3A_175 : vector<16xf32>
        %add3A_178 = arith.addf %add3A_167, %mul3A_177 : vector<16xf32>
        %mul3A_179 = arith.constant 10 : i32
        %mul3A_180 = arith.muli %scan3A_136, %mul3A_179 : i32
        %add3A_181 = arith.constant 1 : i32
        %add3A_182 = arith.addi %mul3A_180, %add3A_181 : i32
        %get3A_183 = arith.index_cast %add3A_182 : i32 to index
        %get3A_184 = arith.constant 0 : index
        %get3A_185 = tpu.vector_load %arg23[%get3A_183, %get3A_184] {strides = array<i32>} : memref<320x128xf32, #tpu.memory_space<vmem>>, vector<1x16xf32>,
        %get3A_186 = vector.shape_cast %get3A_185 : vector<1x16xf32> to vector<16xf32>
        %mul3A_187 = vector.broadcast %squeeze3A_143 : f32 to vector<16xf32>
        %mul3A_188 = arith.mulf %mul3A_187, %get3A_186 : vector<16xf32>
        %add3A_189 = arith.addf %add3A_178, %mul3A_188 : vector<16xf32>
        %mul3A_190 = arith.constant 10 : i32
        %mul3A_191 = arith.muli %scan3A_136, %mul3A_190 : i32
        %add3A_192 = arith.constant 2 : i32
        %add3A_193 = arith.addi %mul3A_191, %add3A_192 : i32
        %get3A_194 = arith.index_cast %add3A_193 : i32 to index
        %get3A_195 = arith.constant 0 : index
        %get3A_196 = tpu.vector_load %arg23[%get3A_194, %get3A_195] {strides = array<i32>} : memref<320x128xf32, #tpu.memory_space<vmem>>, vector<1x16xf32>,
        %get3A_197 = vector.shape_cast %get3A_196 : vector<1x16xf32> to vector<16xf32>
        %mul3A_198 = vector.broadcast %squeeze3A_145 : f32 to vector<16xf32>
        %mul3A_199 = arith.mulf %mul3A_198, %get3A_197 : vector<16xf32>
        %add3A_200 = arith.addf %add3A_189, %mul3A_199 : vector<16xf32>
        %mul3A_201 = arith.constant 10 : i32
        %mul3A_202 = arith.muli %scan3A_136, %mul3A_201 : i32
        %add3A_203 = arith.constant 3 : i32
        %add3A_204 = arith.addi %mul3A_202, %add3A_203 : i32
        %get3A_205 = arith.index_cast %add3A_204 : i32 to index
        %get3A_206 = arith.constant 0 : index
        %get3A_207 = tpu.vector_load %arg23[%get3A_205, %get3A_206] {strides = array<i32>} : memref<320x128xf32, #tpu.memory_space<vmem>>, vector<1x16xf32>,
        %get3A_208 = vector.shape_cast %get3A_207 : vector<1x16xf32> to vector<16xf32>
        %mul3A_209 = vector.broadcast %squeeze3A_147 : f32 to vector<16xf32>
        %mul3A_210 = arith.mulf %mul3A_209, %get3A_208 : vector<16xf32>
        %add3A_211 = arith.addf %add3A_200, %mul3A_210 : vector<16xf32>
        %mul3A_212 = arith.constant 10 : i32
        %mul3A_213 = arith.muli %scan3A_136, %mul3A_212 : i32
        %add3A_214 = arith.constant 4 : i32
        %add3A_215 = arith.addi %mul3A_213, %add3A_214 : i32
        %get3A_216 = arith.index_cast %add3A_215 : i32 to index
        %get3A_217 = arith.constant 0 : index
        %get3A_218 = tpu.vector_load %arg23[%get3A_216, %get3A_217] {strides = array<i32>} : memref<320x128xf32, #tpu.memory_space<vmem>>, vector<1x16xf32>,
        %get3A_219 = vector.shape_cast %get3A_218 : vector<1x16xf32> to vector<16xf32>
        %mul3A_220 = vector.broadcast %squeeze3A_149 : f32 to vector<16xf32>
        %mul3A_221 = arith.mulf %mul3A_220, %get3A_219 : vector<16xf32>
        %add3A_222 = arith.addf %add3A_211, %mul3A_221 : vector<16xf32>
        %mul3A_223 = arith.constant 10 : i32
        %mul3A_224 = arith.muli %scan3A_136, %mul3A_223 : i32
        %add3A_225 = arith.constant 5 : i32
        %add3A_226 = arith.addi %mul3A_224, %add3A_225 : i32
        %get3A_227 = arith.index_cast %add3A_226 : i32 to index
        %get3A_228 = arith.constant 0 : index
        %get3A_229 = tpu.vector_load %arg23[%get3A_227, %get3A_228] {strides = array<i32>} : memref<320x128xf32, #tpu.memory_space<vmem>>, vector<1x16xf32>,
        %get3A_230 = vector.shape_cast %get3A_229 : vector<1x16xf32> to vector<16xf32>
        %mul3A_231 = vector.broadcast %squeeze3A_151 : f32 to vector<16xf32>
        %mul3A_232 = arith.mulf %mul3A_231, %get3A_230 : vector<16xf32>
        %add3A_233 = arith.addf %add3A_222, %mul3A_232 : vector<16xf32>
        %mul3A_234 = arith.constant 10 : i32
        %mul3A_235 = arith.muli %scan3A_136, %mul3A_234 : i32
        %add3A_236 = arith.constant 6 : i32
        %add3A_237 = arith.addi %mul3A_235, %add3A_236 : i32
        %get3A_238 = arith.index_cast %add3A_237 : i32 to index
        %get3A_239 = arith.constant 0 : index
        %get3A_240 = tpu.vector_load %arg23[%get3A_238, %get3A_239] {strides = array<i32>} : memref<320x128xf32, #tpu.memory_space<vmem>>, vector<1x16xf32>,
        %get3A_241 = vector.shape_cast %get3A_240 : vector<1x16xf32> to vector<16xf32>
        %mul3A_242 = vector.broadcast %squeeze3A_153 : f32 to vector<16xf32>
        %mul3A_243 = arith.mulf %mul3A_242, %get3A_241 : vector<16xf32>
        %add3A_244 = arith.addf %add3A_233, %mul3A_243 : vector<16xf32>
        %mul3A_245 = arith.constant 10 : i32
        %mul3A_246 = arith.muli %scan3A_136, %mul3A_245 : i32
        %add3A_247 = arith.constant 7 : i32
        %add3A_248 = arith.addi %mul3A_246, %add3A_247 : i32
        %get3A_249 = arith.index_cast %add3A_248 : i32 to index
        %get3A_250 = arith.constant 0 : index
        %get3A_251 = tpu.vector_load %arg23[%get3A_249, %get3A_250] {strides = array<i32>} : memref<320x128xf32, #tpu.memory_space<vmem>>, vector<1x16xf32>,
        %get3A_252 = vector.shape_cast %get3A_251 : vector<1x16xf32> to vector<16xf32>
        %mul3A_253 = vector.broadcast %squeeze3A_155 : f32 to vector<16xf32>
        %mul3A_254 = arith.mulf %mul3A_253, %get3A_252 : vector<16xf32>
        %add3A_255 = arith.addf %add3A_244, %mul3A_254 : vector<16xf32>
        %mul3A_256 = arith.constant 10 : i32
        %mul3A_257 = arith.muli %scan3A_136, %mul3A_256 : i32
        %add3A_258 = arith.constant 8 : i32
        %add3A_259 = arith.addi %mul3A_257, %add3A_258 : i32
        %get3A_260 = arith.index_cast %add3A_259 : i32 to index
        %get3A_261 = arith.constant 0 : index
        %get3A_262 = tpu.vector_load %arg23[%get3A_260, %get3A_261] {strides = array<i32>} : memref<320x128xf32, #tpu.memory_space<vmem>>, vector<1x16xf32>,
        %get3A_263 = vector.shape_cast %get3A_262 : vector<1x16xf32> to vector<16xf32>
        %mul3A_264 = vector.broadcast %squeeze3A_157 : f32 to vector<16xf32>
        %mul3A_265 = arith.mulf %mul3A_264, %get3A_263 : vector<16xf32>
        %add3A_266 = arith.addf %add3A_255, %mul3A_265 : vector<16xf32>
        %mul3A_267 = arith.constant 10 : i32
        %mul3A_268 = arith.muli %scan3A_136, %mul3A_267 : i32
        %add3A_269 = arith.constant 9 : i32
        %add3A_270 = arith.addi %mul3A_268, %add3A_269 : i32
        %get3A_271 = arith.index_cast %add3A_270 : i32 to index
        %get3A_272 = arith.constant 0 : index
        %get3A_273 = tpu.vector_load %arg23[%get3A_271, %get3A_272] {strides = array<i32>} : memref<320x128xf32, #tpu.memory_space<vmem>>, vector<1x16xf32>,
        %get3A_274 = vector.shape_cast %get3A_273 : vector<1x16xf32> to vector<16xf32>
        %mul3A_275 = vector.broadcast %squeeze3A_159 : f32 to vector<16xf32>
        %mul3A_276 = arith.mulf %mul3A_275, %get3A_274 : vector<16xf32>
        %add3A_277 = arith.addf %add3A_266, %mul3A_276 : vector<16xf32>
        %max3A = arith.constant 0.000000e+00 : f32
        %max3A_278 = vector.broadcast %max3A : f32 to vector<16xf32>
        %max3A_279 = arith.maximumf %add3A_277, %max3A_278 : vector<16xf32>
        %swap3A_280 = arith.index_cast %scan3A_136 : i32 to index
        %swap3A_281 = arith.constant 0 : index
        %swap3A_282 = tpu.vector_load %arg25[%swap3A_280, %swap3A_281] {strides = array<i32>} : memref<32x128xf32, #tpu.memory_space<vmem>>, vector<1x16xf32>,
        %swap3A_283 = vector.shape_cast %swap3A_282 : vector<1x16xf32> to vector<16xf32>
        %swap3A_284 = vector.shape_cast %max3A_279 : vector<16xf32> to vector<1x16xf32>
        tpu.vector_store %arg25[%swap3A_280, %swap3A_281], %swap3A_284 {strides = array<i32>} : memref<32x128xf32, #tpu.memory_space<vmem>>, vector<1x16xf32>,
        %mul3A_285 = arith.mulf %max3A_279, %max3A_279 : vector<16xf32>
        %add3A_286 = arith.addf %scan3A_137, %mul3A_285 : vector<16xf32>
        %get3A_287 = arith.index_cast %scan3A_136 : i32 to index
        %get3A_288 = arith.constant 16 : index
        %get3A_289 = tpu.vector_load %arg21[%get3A_287, %get3A_288] {strides = array<i32>} : memref<32x128xf32, #tpu.memory_space<vmem>>, vector<1x16xf32>,
        %get3A_290 = vector.shape_cast %get3A_289 : vector<1x16xf32> to vector<16xf32>
        %get3A_291 = arith.constant 16 : index
        %get3A_292 = tpu.vector_load %arg26[%get3A_291] {strides = array<i32>} : memref<128xf32, #tpu.memory_space<vmem>>, vector<16xf32>,
        %get3A_293 = vector.shape_cast %get3A_292 : vector<16xf32> to vector<16xf32>
        %add3A_294 = arith.addf %get3A_290, %get3A_293 : vector<16xf32>
        %mul3A_295 = arith.constant 10 : i32
        %mul3A_296 = arith.muli %scan3A_136, %mul3A_295 : i32
        %add3A_297 = arith.constant 0 : i32
        %add3A_298 = arith.addi %mul3A_296, %add3A_297 : i32
        %get3A_299 = arith.index_cast %add3A_298 : i32 to index
        %get3A_300 = arith.constant 16 : index
        %get3A_301 = tpu.vector_load %arg23[%get3A_299, %get3A_300] {strides = array<i32>} : memref<320x128xf32, #tpu.memory_space<vmem>>, vector<1x16xf32>,
        %get3A_302 = vector.shape_cast %get3A_301 : vector<1x16xf32> to vector<16xf32>
        %mul3A_303 = vector.broadcast %squeeze3A : f32 to vector<16xf32>
        %mul3A_304 = arith.mulf %mul3A_303, %get3A_302 : vector<16xf32>
        %add3A_305 = arith.addf %add3A_294, %mul3A_304 : vector<16xf32>
        %mul3A_306 = arith.constant 10 : i32
        %mul3A_307 = arith.muli %scan3A_136, %mul3A_306 : i32
        %add3A_308 = arith.constant 1 : i32
        %add3A_309 = arith.addi %mul3A_307, %add3A_308 : i32
        %get3A_310 = arith.index_cast %add3A_309 : i32 to index
        %get3A_311 = arith.constant 16 : index
        %get3A_312 = tpu.vector_load %arg23[%get3A_310, %get3A_311] {strides = array<i32>} : memref<320x128xf32, #tpu.memory_space<vmem>>, vector<1x16xf32>,
        %get3A_313 = vector.shape_cast %get3A_312 : vector<1x16xf32> to vector<16xf32>
        %mul3A_314 = vector.broadcast %squeeze3A_143 : f32 to vector<16xf32>
        %mul3A_315 = arith.mulf %mul3A_314, %get3A_313 : vector<16xf32>
        %add3A_316 = arith.addf %add3A_305, %mul3A_315 : vector<16xf32>
        %mul3A_317 = arith.constant 10 : i32
        %mul3A_318 = arith.muli %scan3A_136, %mul3A_317 : i32
        %add3A_319 = arith.constant 2 : i32
        %add3A_320 = arith.addi %mul3A_318, %add3A_319 : i32
        %get3A_321 = arith.index_cast %add3A_320 : i32 to index
        %get3A_322 = arith.constant 16 : index
        %get3A_323 = tpu.vector_load %arg23[%get3A_321, %get3A_322] {strides = array<i32>} : memref<320x128xf32, #tpu.memory_space<vmem>>, vector<1x16xf32>,
        %get3A_324 = vector.shape_cast %get3A_323 : vector<1x16xf32> to vector<16xf32>
        %mul3A_325 = vector.broadcast %squeeze3A_145 : f32 to vector<16xf32>
        %mul3A_326 = arith.mulf %mul3A_325, %get3A_324 : vector<16xf32>
        %add3A_327 = arith.addf %add3A_316, %mul3A_326 : vector<16xf32>
        %mul3A_328 = arith.constant 10 : i32
        %mul3A_329 = arith.muli %scan3A_136, %mul3A_328 : i32
        %add3A_330 = arith.constant 3 : i32
        %add3A_331 = arith.addi %mul3A_329, %add3A_330 : i32
        %get3A_332 = arith.index_cast %add3A_331 : i32 to index
        %get3A_333 = arith.constant 16 : index
        %get3A_334 = tpu.vector_load %arg23[%get3A_332, %get3A_333] {strides = array<i32>} : memref<320x128xf32, #tpu.memory_space<vmem>>, vector<1x16xf32>,
        %get3A_335 = vector.shape_cast %get3A_334 : vector<1x16xf32> to vector<16xf32>
        %mul3A_336 = vector.broadcast %squeeze3A_147 : f32 to vector<16xf32>
        %mul3A_337 = arith.mulf %mul3A_336, %get3A_335 : vector<16xf32>
        %add3A_338 = arith.addf %add3A_327, %mul3A_337 : vector<16xf32>
        %mul3A_339 = arith.constant 10 : i32
        %mul3A_340 = arith.muli %scan3A_136, %mul3A_339 : i32
        %add3A_341 = arith.constant 4 : i32
        %add3A_342 = arith.addi %mul3A_340, %add3A_341 : i32
        %get3A_343 = arith.index_cast %add3A_342 : i32 to index
        %get3A_344 = arith.constant 16 : index
        %get3A_345 = tpu.vector_load %arg23[%get3A_343, %get3A_344] {strides = array<i32>} : memref<320x128xf32, #tpu.memory_space<vmem>>, vector<1x16xf32>,
        %get3A_346 = vector.shape_cast %get3A_345 : vector<1x16xf32> to vector<16xf32>
        %mul3A_347 = vector.broadcast %squeeze3A_149 : f32 to vector<16xf32>
        %mul3A_348 = arith.mulf %mul3A_347, %get3A_346 : vector<16xf32>
        %add3A_349 = arith.addf %add3A_338, %mul3A_348 : vector<16xf32>
        %mul3A_350 = arith.constant 10 : i32
        %mul3A_351 = arith.muli %scan3A_136, %mul3A_350 : i32
        %add3A_352 = arith.constant 5 : i32
        %add3A_353 = arith.addi %mul3A_351, %add3A_352 : i32
        %get3A_354 = arith.index_cast %add3A_353 : i32 to index
        %get3A_355 = arith.constant 16 : index
        %get3A_356 = tpu.vector_load %arg23[%get3A_354, %get3A_355] {strides = array<i32>} : memref<320x128xf32, #tpu.memory_space<vmem>>, vector<1x16xf32>,
        %get3A_357 = vector.shape_cast %get3A_356 : vector<1x16xf32> to vector<16xf32>
        %mul3A_358 = vector.broadcast %squeeze3A_151 : f32 to vector<16xf32>
        %mul3A_359 = arith.mulf %mul3A_358, %get3A_357 : vector<16xf32>
        %add3A_360 = arith.addf %add3A_349, %mul3A_359 : vector<16xf32>
        %mul3A_361 = arith.constant 10 : i32
        %mul3A_362 = arith.muli %scan3A_136, %mul3A_361 : i32
        %add3A_363 = arith.constant 6 : i32
        %add3A_364 = arith.addi %mul3A_362, %add3A_363 : i32
        %get3A_365 = arith.index_cast %add3A_364 : i32 to index
        %get3A_366 = arith.constant 16 : index
        %get3A_367 = tpu.vector_load %arg23[%get3A_365, %get3A_366] {strides = array<i32>} : memref<320x128xf32, #tpu.memory_space<vmem>>, vector<1x16xf32>,
        %get3A_368 = vector.shape_cast %get3A_367 : vector<1x16xf32> to vector<16xf32>
        %mul3A_369 = vector.broadcast %squeeze3A_153 : f32 to vector<16xf32>
        %mul3A_370 = arith.mulf %mul3A_369, %get3A_368 : vector<16xf32>
        %add3A_371 = arith.addf %add3A_360, %mul3A_370 : vector<16xf32>
        %mul3A_372 = arith.constant 10 : i32
        %mul3A_373 = arith.muli %scan3A_136, %mul3A_372 : i32
        %add3A_374 = arith.constant 7 : i32
        %add3A_375 = arith.addi %mul3A_373, %add3A_374 : i32
        %get3A_376 = arith.index_cast %add3A_375 : i32 to index
        %get3A_377 = arith.constant 16 : index
        %get3A_378 = tpu.vector_load %arg23[%get3A_376, %get3A_377] {strides = array<i32>} : memref<320x128xf32, #tpu.memory_space<vmem>>, vector<1x16xf32>,
        %get3A_379 = vector.shape_cast %get3A_378 : vector<1x16xf32> to vector<16xf32>
        %mul3A_380 = vector.broadcast %squeeze3A_155 : f32 to vector<16xf32>
        %mul3A_381 = arith.mulf %mul3A_380, %get3A_379 : vector<16xf32>
        %add3A_382 = arith.addf %add3A_371, %mul3A_381 : vector<16xf32>
        %mul3A_383 = arith.constant 10 : i32
        %mul3A_384 = arith.muli %scan3A_136, %mul3A_383 : i32
        %add3A_385 = arith.constant 8 : i32
        %add3A_386 = arith.addi %mul3A_384, %add3A_385 : i32
        %get3A_387 = arith.index_cast %add3A_386 : i32 to index
        %get3A_388 = arith.constant 16 : index
        %get3A_389 = tpu.vector_load %arg23[%get3A_387, %get3A_388] {strides = array<i32>} : memref<320x128xf32, #tpu.memory_space<vmem>>, vector<1x16xf32>,
        %get3A_390 = vector.shape_cast %get3A_389 : vector<1x16xf32> to vector<16xf32>
        %mul3A_391 = vector.broadcast %squeeze3A_157 : f32 to vector<16xf32>
        %mul3A_392 = arith.mulf %mul3A_391, %get3A_390 : vector<16xf32>
        %add3A_393 = arith.addf %add3A_382, %mul3A_392 : vector<16xf32>
        %mul3A_394 = arith.constant 10 : i32
        %mul3A_395 = arith.muli %scan3A_136, %mul3A_394 : i32
        %add3A_396 = arith.constant 9 : i32
        %add3A_397 = arith.addi %mul3A_395, %add3A_396 : i32
        %get3A_398 = arith.index_cast %add3A_397 : i32 to index
        %get3A_399 = arith.constant 16 : index
        %get3A_400 = tpu.vector_load %arg23[%get3A_398, %get3A_399] {strides = array<i32>} : memref<320x128xf32, #tpu.memory_space<vmem>>, vector<1x16xf32>,
        %get3A_401 = vector.shape_cast %get3A_400 : vector<1x16xf32> to vector<16xf32>
        %mul3A_402 = vector.broadcast %squeeze3A_159 : f32 to vector<16xf32>
        %mul3A_403 = arith.mulf %mul3A_402, %get3A_401 : vector<16xf32>
        %add3A_404 = arith.addf %add3A_393, %mul3A_403 : vector<16xf32>
        %max3A_405 = arith.constant 0.000000e+00 : f32
        %max3A_406 = vector.broadcast %max3A_405 : f32 to vector<16xf32>
        %max3A_407 = arith.maximumf %add3A_404, %max3A_406 : vector<16xf32>
        %swap3A_408 = arith.index_cast %scan3A_136 : i32 to index
        %swap3A_409 = arith.constant 16 : index
        %swap3A_410 = tpu.vector_load %arg25[%swap3A_408, %swap3A_409] {strides = array<i32>} : memref<32x128xf32, #tpu.memory_space<vmem>>, vector<1x16xf32>,
        %swap3A_411 = vector.shape_cast %swap3A_410 : vector<1x16xf32> to vector<16xf32>
        %swap3A_412 = vector.shape_cast %max3A_407 : vector<16xf32> to vector<1x16xf32>
        tpu.vector_store %arg25[%swap3A_408, %swap3A_409], %swap3A_412 {strides = array<i32>} : memref<32x128xf32, #tpu.memory_space<vmem>>, vector<1x16xf32>,
        %mul3A_413 = arith.mulf %max3A_407, %max3A_407 : vector<16xf32>
        %add3A_414 = arith.addf %add3A_286, %mul3A_413 : vector<16xf32>
        %get3A_415 = arith.index_cast %scan3A_136 : i32 to index
        %get3A_416 = arith.constant 32 : index
        %get3A_417 = tpu.vector_load %arg21[%get3A_415, %get3A_416] {strides = array<i32>} : memref<32x128xf32, #tpu.memory_space<vmem>>, vector<1x16xf32>,
        %get3A_418 = vector.shape_cast %get3A_417 : vector<1x16xf32> to vector<16xf32>
        %get3A_419 = arith.constant 32 : index
        %get3A_420 = tpu.vector_load %arg26[%get3A_419] {strides = array<i32>} : memref<128xf32, #tpu.memory_space<vmem>>, vector<16xf32>,
        %get3A_421 = vector.shape_cast %get3A_420 : vector<16xf32> to vector<16xf32>
        %add3A_422 = arith.addf %get3A_418, %get3A_421 : vector<16xf32>
        %mul3A_423 = arith.constant 10 : i32
        %mul3A_424 = arith.muli %scan3A_136, %mul3A_423 : i32
        %add3A_425 = arith.constant 0 : i32
        %add3A_426 = arith.addi %mul3A_424, %add3A_425 : i32
        %get3A_427 = arith.index_cast %add3A_426 : i32 to index
        %get3A_428 = arith.constant 32 : index
        %get3A_429 = tpu.vector_load %arg23[%get3A_427, %get3A_428] {strides = array<i32>} : memref<320x128xf32, #tpu.memory_space<vmem>>, vector<1x16xf32>,
        %get3A_430 = vector.shape_cast %get3A_429 : vector<1x16xf32> to vector<16xf32>
        %mul3A_431 = vector.broadcast %squeeze3A : f32 to vector<16xf32>
        %mul3A_432 = arith.mulf %mul3A_431, %get3A_430 : vector<16xf32>
        %add3A_433 = arith.addf %add3A_422, %mul3A_432 : vector<16xf32>
        %mul3A_434 = arith.constant 10 : i32
        %mul3A_435 = arith.muli %scan3A_136, %mul3A_434 : i32
        %add3A_436 = arith.constant 1 : i32
        %add3A_437 = arith.addi %mul3A_435, %add3A_436 : i32
        %get3A_438 = arith.index_cast %add3A_437 : i32 to index
        %get3A_439 = arith.constant 32 : index
        %get3A_440 = tpu.vector_load %arg23[%get3A_438, %get3A_439] {strides = array<i32>} : memref<320x128xf32, #tpu.memory_space<vmem>>, vector<1x16xf32>,
        %get3A_441 = vector.shape_cast %get3A_440 : vector<1x16xf32> to vector<16xf32>
        %mul3A_442 = vector.broadcast %squeeze3A_143 : f32 to vector<16xf32>
        %mul3A_443 = arith.mulf %mul3A_442, %get3A_441 : vector<16xf32>
        %add3A_444 = arith.addf %add3A_433, %mul3A_443 : vector<16xf32>
        %mul3A_445 = arith.constant 10 : i32
        %mul3A_446 = arith.muli %scan3A_136, %mul3A_445 : i32
        %add3A_447 = arith.constant 2 : i32
        %add3A_448 = arith.addi %mul3A_446, %add3A_447 : i32
        %get3A_449 = arith.index_cast %add3A_448 : i32 to index
        %get3A_450 = arith.constant 32 : index
        %get3A_451 = tpu.vector_load %arg23[%get3A_449, %get3A_450] {strides = array<i32>} : memref<320x128xf32, #tpu.memory_space<vmem>>, vector<1x16xf32>,
        %get3A_452 = vector.shape_cast %get3A_451 : vector<1x16xf32> to vector<16xf32>
        %mul3A_453 = vector.broadcast %squeeze3A_145 : f32 to vector<16xf32>
        %mul3A_454 = arith.mulf %mul3A_453, %get3A_452 : vector<16xf32>
        %add3A_455 = arith.addf %add3A_444, %mul3A_454 : vector<16xf32>
        %mul3A_456 = arith.constant 10 : i32
        %mul3A_457 = arith.muli %scan3A_136, %mul3A_456 : i32
        %add3A_458 = arith.constant 3 : i32
        %add3A_459 = arith.addi %mul3A_457, %add3A_458 : i32
        %get3A_460 = arith.index_cast %add3A_459 : i32 to index
        %get3A_461 = arith.constant 32 : index
        %get3A_462 = tpu.vector_load %arg23[%get3A_460, %get3A_461] {strides = array<i32>} : memref<320x128xf32, #tpu.memory_space<vmem>>, vector<1x16xf32>,
        %get3A_463 = vector.shape_cast %get3A_462 : vector<1x16xf32> to vector<16xf32>
        %mul3A_464 = vector.broadcast %squeeze3A_147 : f32 to vector<16xf32>
        %mul3A_465 = arith.mulf %mul3A_464, %get3A_463 : vector<16xf32>
        %add3A_466 = arith.addf %add3A_455, %mul3A_465 : vector<16xf32>
        %mul3A_467 = arith.constant 10 : i32
        %mul3A_468 = arith.muli %scan3A_136, %mul3A_467 : i32
        %add3A_469 = arith.constant 4 : i32
        %add3A_470 = arith.addi %mul3A_468, %add3A_469 : i32
        %get3A_471 = arith.index_cast %add3A_470 : i32 to index
        %get3A_472 = arith.constant 32 : index
        %get3A_473 = tpu.vector_load %arg23[%get3A_471, %get3A_472] {strides = array<i32>} : memref<320x128xf32, #tpu.memory_space<vmem>>, vector<1x16xf32>,
        %get3A_474 = vector.shape_cast %get3A_473 : vector<1x16xf32> to vector<16xf32>
        %mul3A_475 = vector.broadcast %squeeze3A_149 : f32 to vector<16xf32>
        %mul3A_476 = arith.mulf %mul3A_475, %get3A_474 : vector<16xf32>
        %add3A_477 = arith.addf %add3A_466, %mul3A_476 : vector<16xf32>
        %mul3A_478 = arith.constant 10 : i32
        %mul3A_479 = arith.muli %scan3A_136, %mul3A_478 : i32
        %add3A_480 = arith.constant 5 : i32
        %add3A_481 = arith.addi %mul3A_479, %add3A_480 : i32
        %get3A_482 = arith.index_cast %add3A_481 : i32 to index
        %get3A_483 = arith.constant 32 : index
        %get3A_484 = tpu.vector_load %arg23[%get3A_482, %get3A_483] {strides = array<i32>} : memref<320x128xf32, #tpu.memory_space<vmem>>, vector<1x16xf32>,
        %get3A_485 = vector.shape_cast %get3A_484 : vector<1x16xf32> to vector<16xf32>
        %mul3A_486 = vector.broadcast %squeeze3A_151 : f32 to vector<16xf32>
        %mul3A_487 = arith.mulf %mul3A_486, %get3A_485 : vector<16xf32>
        %add3A_488 = arith.addf %add3A_477, %mul3A_487 : vector<16xf32>
        %mul3A_489 = arith.constant 10 : i32
        %mul3A_490 = arith.muli %scan3A_136, %mul3A_489 : i32
        %add3A_491 = arith.constant 6 : i32
        %add3A_492 = arith.addi %mul3A_490, %add3A_491 : i32
        %get3A_493 = arith.index_cast %add3A_492 : i32 to index
        %get3A_494 = arith.constant 32 : index
        %get3A_495 = tpu.vector_load %arg23[%get3A_493, %get3A_494] {strides = array<i32>} : memref<320x128xf32, #tpu.memory_space<vmem>>, vector<1x16xf32>,
        %get3A_496 = vector.shape_cast %get3A_495 : vector<1x16xf32> to vector<16xf32>
        %mul3A_497 = vector.broadcast %squeeze3A_153 : f32 to vector<16xf32>
        %mul3A_498 = arith.mulf %mul3A_497, %get3A_496 : vector<16xf32>
        %add3A_499 = arith.addf %add3A_488, %mul3A_498 : vector<16xf32>
        %mul3A_500 = arith.constant 10 : i32
        %mul3A_501 = arith.muli %scan3A_136, %mul3A_500 : i32
        %add3A_502 = arith.constant 7 : i32
        %add3A_503 = arith.addi %mul3A_501, %add3A_502 : i32
        %get3A_504 = arith.index_cast %add3A_503 : i32 to index
        %get3A_505 = arith.constant 32 : index
        %get3A_506 = tpu.vector_load %arg23[%get3A_504, %get3A_505] {strides = array<i32>} : memref<320x128xf32, #tpu.memory_space<vmem>>, vector<1x16xf32>,
        %get3A_507 = vector.shape_cast %get3A_506 : vector<1x16xf32> to vector<16xf32>
        %mul3A_508 = vector.broadcast %squeeze3A_155 : f32 to vector<16xf32>
        %mul3A_509 = arith.mulf %mul3A_508, %get3A_507 : vector<16xf32>
        %add3A_510 = arith.addf %add3A_499, %mul3A_509 : vector<16xf32>
        %mul3A_511 = arith.constant 10 : i32
        %mul3A_512 = arith.muli %scan3A_136, %mul3A_511 : i32
        %add3A_513 = arith.constant 8 : i32
        %add3A_514 = arith.addi %mul3A_512, %add3A_513 : i32
        %get3A_515 = arith.index_cast %add3A_514 : i32 to index
        %get3A_516 = arith.constant 32 : index
        %get3A_517 = tpu.vector_load %arg23[%get3A_515, %get3A_516] {strides = array<i32>} : memref<320x128xf32, #tpu.memory_space<vmem>>, vector<1x16xf32>,
        %get3A_518 = vector.shape_cast %get3A_517 : vector<1x16xf32> to vector<16xf32>
        %mul3A_519 = vector.broadcast %squeeze3A_157 : f32 to vector<16xf32>
        %mul3A_520 = arith.mulf %mul3A_519, %get3A_518 : vector<16xf32>
        %add3A_521 = arith.addf %add3A_510, %mul3A_520 : vector<16xf32>
        %mul3A_522 = arith.constant 10 : i32
        %mul3A_523 = arith.muli %scan3A_136, %mul3A_522 : i32
        %add3A_524 = arith.constant 9 : i32
        %add3A_525 = arith.addi %mul3A_523, %add3A_524 : i32
        %get3A_526 = arith.index_cast %add3A_525 : i32 to index
        %get3A_527 = arith.constant 32 : index
        %get3A_528 = tpu.vector_load %arg23[%get3A_526, %get3A_527] {strides = array<i32>} : memref<320x128xf32, #tpu.memory_space<vmem>>, vector<1x16xf32>,
        %get3A_529 = vector.shape_cast %get3A_528 : vector<1x16xf32> to vector<16xf32>
        %mul3A_530 = vector.broadcast %squeeze3A_159 : f32 to vector<16xf32>
        %mul3A_531 = arith.mulf %mul3A_530, %get3A_529 : vector<16xf32>
        %add3A_532 = arith.addf %add3A_521, %mul3A_531 : vector<16xf32>
        %max3A_533 = arith.constant 0.000000e+00 : f32
        %max3A_534 = vector.broadcast %max3A_533 : f32 to vector<16xf32>
        %max3A_535 = arith.maximumf %add3A_532, %max3A_534 : vector<16xf32>
        %swap3A_536 = arith.index_cast %scan3A_136 : i32 to index
        %swap3A_537 = arith.constant 32 : index
        %swap3A_538 = tpu.vector_load %arg25[%swap3A_536, %swap3A_537] {strides = array<i32>} : memref<32x128xf32, #tpu.memory_space<vmem>>, vector<1x16xf32>,
        %swap3A_539 = vector.shape_cast %swap3A_538 : vector<1x16xf32> to vector<16xf32>
        %swap3A_540 = vector.shape_cast %max3A_535 : vector<16xf32> to vector<1x16xf32>
        tpu.vector_store %arg25[%swap3A_536, %swap3A_537], %swap3A_540 {strides = array<i32>} : memref<32x128xf32, #tpu.memory_space<vmem>>, vector<1x16xf32>,
        %mul3A_541 = arith.mulf %max3A_535, %max3A_535 : vector<16xf32>
        %add3A_542 = arith.addf %add3A_414, %mul3A_541 : vector<16xf32>
        %get3A_543 = arith.index_cast %scan3A_136 : i32 to index
        %get3A_544 = arith.constant 48 : index
        %get3A_545 = tpu.vector_load %arg21[%get3A_543, %get3A_544] {strides = array<i32>} : memref<32x128xf32, #tpu.memory_space<vmem>>, vector<1x16xf32>,
        %get3A_546 = vector.shape_cast %get3A_545 : vector<1x16xf32> to vector<16xf32>
        %get3A_547 = arith.constant 48 : index
        %get3A_548 = tpu.vector_load %arg26[%get3A_547] {strides = array<i32>} : memref<128xf32, #tpu.memory_space<vmem>>, vector<16xf32>,
        %get3A_549 = vector.shape_cast %get3A_548 : vector<16xf32> to vector<16xf32>
        %add3A_550 = arith.addf %get3A_546, %get3A_549 : vector<16xf32>
        %mul3A_551 = arith.constant 10 : i32
        %mul3A_552 = arith.muli %scan3A_136, %mul3A_551 : i32
        %add3A_553 = arith.constant 0 : i32
        %add3A_554 = arith.addi %mul3A_552, %add3A_553 : i32
        %get3A_555 = arith.index_cast %add3A_554 : i32 to index
        %get3A_556 = arith.constant 48 : index
        %get3A_557 = tpu.vector_load %arg23[%get3A_555, %get3A_556] {strides = array<i32>} : memref<320x128xf32, #tpu.memory_space<vmem>>, vector<1x16xf32>,
        %get3A_558 = vector.shape_cast %get3A_557 : vector<1x16xf32> to vector<16xf32>
        %mul3A_559 = vector.broadcast %squeeze3A : f32 to vector<16xf32>
        %mul3A_560 = arith.mulf %mul3A_559, %get3A_558 : vector<16xf32>
        %add3A_561 = arith.addf %add3A_550, %mul3A_560 : vector<16xf32>
        %mul3A_562 = arith.constant 10 : i32
        %mul3A_563 = arith.muli %scan3A_136, %mul3A_562 : i32
        %add3A_564 = arith.constant 1 : i32
        %add3A_565 = arith.addi %mul3A_563, %add3A_564 : i32
        %get3A_566 = arith.index_cast %add3A_565 : i32 to index
        %get3A_567 = arith.constant 48 : index
        %get3A_568 = tpu.vector_load %arg23[%get3A_566, %get3A_567] {strides = array<i32>} : memref<320x128xf32, #tpu.memory_space<vmem>>, vector<1x16xf32>,
        %get3A_569 = vector.shape_cast %get3A_568 : vector<1x16xf32> to vector<16xf32>
        %mul3A_570 = vector.broadcast %squeeze3A_143 : f32 to vector<16xf32>
        %mul3A_571 = arith.mulf %mul3A_570, %get3A_569 : vector<16xf32>
        %add3A_572 = arith.addf %add3A_561, %mul3A_571 : vector<16xf32>
        %mul3A_573 = arith.constant 10 : i32
        %mul3A_574 = arith.muli %scan3A_136, %mul3A_573 : i32
        %add3A_575 = arith.constant 2 : i32
        %add3A_576 = arith.addi %mul3A_574, %add3A_575 : i32
        %get3A_577 = arith.index_cast %add3A_576 : i32 to index
        %get3A_578 = arith.constant 48 : index
        %get3A_579 = tpu.vector_load %arg23[%get3A_577, %get3A_578] {strides = array<i32>} : memref<320x128xf32, #tpu.memory_space<vmem>>, vector<1x16xf32>,
        %get3A_580 = vector.shape_cast %get3A_579 : vector<1x16xf32> to vector<16xf32>
        %mul3A_581 = vector.broadcast %squeeze3A_145 : f32 to vector<16xf32>
        %mul3A_582 = arith.mulf %mul3A_581, %get3A_580 : vector<16xf32>
        %add3A_583 = arith.addf %add3A_572, %mul3A_582 : vector<16xf32>
        %mul3A_584 = arith.constant 10 : i32
        %mul3A_585 = arith.muli %scan3A_136, %mul3A_584 : i32
        %add3A_586 = arith.constant 3 : i32
        %add3A_587 = arith.addi %mul3A_585, %add3A_586 : i32
        %get3A_588 = arith.index_cast %add3A_587 : i32 to index
        %get3A_589 = arith.constant 48 : index
        %get3A_590 = tpu.vector_load %arg23[%get3A_588, %get3A_589] {strides = array<i32>} : memref<320x128xf32, #tpu.memory_space<vmem>>, vector<1x16xf32>,
        %get3A_591 = vector.shape_cast %get3A_590 : vector<1x16xf32> to vector<16xf32>
        %mul3A_592 = vector.broadcast %squeeze3A_147 : f32 to vector<16xf32>
        %mul3A_593 = arith.mulf %mul3A_592, %get3A_591 : vector<16xf32>
        %add3A_594 = arith.addf %add3A_583, %mul3A_593 : vector<16xf32>
        %mul3A_595 = arith.constant 10 : i32
        %mul3A_596 = arith.muli %scan3A_136, %mul3A_595 : i32
        %add3A_597 = arith.constant 4 : i32
        %add3A_598 = arith.addi %mul3A_596, %add3A_597 : i32
        %get3A_599 = arith.index_cast %add3A_598 : i32 to index
        %get3A_600 = arith.constant 48 : index
        %get3A_601 = tpu.vector_load %arg23[%get3A_599, %get3A_600] {strides = array<i32>} : memref<320x128xf32, #tpu.memory_space<vmem>>, vector<1x16xf32>,
        %get3A_602 = vector.shape_cast %get3A_601 : vector<1x16xf32> to vector<16xf32>
        %mul3A_603 = vector.broadcast %squeeze3A_149 : f32 to vector<16xf32>
        %mul3A_604 = arith.mulf %mul3A_603, %get3A_602 : vector<16xf32>
        %add3A_605 = arith.addf %add3A_594, %mul3A_604 : vector<16xf32>
        %mul3A_606 = arith.constant 10 : i32
        %mul3A_607 = arith.muli %scan3A_136, %mul3A_606 : i32
        %add3A_608 = arith.constant 5 : i32
        %add3A_609 = arith.addi %mul3A_607, %add3A_608 : i32
        %get3A_610 = arith.index_cast %add3A_609 : i32 to index
        %get3A_611 = arith.constant 48 : index
        %get3A_612 = tpu.vector_load %arg23[%get3A_610, %get3A_611] {strides = array<i32>} : memref<320x128xf32, #tpu.memory_space<vmem>>, vector<1x16xf32>,
        %get3A_613 = vector.shape_cast %get3A_612 : vector<1x16xf32> to vector<16xf32>
        %mul3A_614 = vector.broadcast %squeeze3A_151 : f32 to vector<16xf32>
        %mul3A_615 = arith.mulf %mul3A_614, %get3A_613 : vector<16xf32>
        %add3A_616 = arith.addf %add3A_605, %mul3A_615 : vector<16xf32>
        %mul3A_617 = arith.constant 10 : i32
        %mul3A_618 = arith.muli %scan3A_136, %mul3A_617 : i32
        %add3A_619 = arith.constant 6 : i32
        %add3A_620 = arith.addi %mul3A_618, %add3A_619 : i32
        %get3A_621 = arith.index_cast %add3A_620 : i32 to index
        %get3A_622 = arith.constant 48 : index
        %get3A_623 = tpu.vector_load %arg23[%get3A_621, %get3A_622] {strides = array<i32>} : memref<320x128xf32, #tpu.memory_space<vmem>>, vector<1x16xf32>,
        %get3A_624 = vector.shape_cast %get3A_623 : vector<1x16xf32> to vector<16xf32>
        %mul3A_625 = vector.broadcast %squeeze3A_153 : f32 to vector<16xf32>
        %mul3A_626 = arith.mulf %mul3A_625, %get3A_624 : vector<16xf32>
        %add3A_627 = arith.addf %add3A_616, %mul3A_626 : vector<16xf32>
        %mul3A_628 = arith.constant 10 : i32
        %mul3A_629 = arith.muli %scan3A_136, %mul3A_628 : i32
        %add3A_630 = arith.constant 7 : i32
        %add3A_631 = arith.addi %mul3A_629, %add3A_630 : i32
        %get3A_632 = arith.index_cast %add3A_631 : i32 to index
        %get3A_633 = arith.constant 48 : index
        %get3A_634 = tpu.vector_load %arg23[%get3A_632, %get3A_633] {strides = array<i32>} : memref<320x128xf32, #tpu.memory_space<vmem>>, vector<1x16xf32>,
        %get3A_635 = vector.shape_cast %get3A_634 : vector<1x16xf32> to vector<16xf32>
        %mul3A_636 = vector.broadcast %squeeze3A_155 : f32 to vector<16xf32>
        %mul3A_637 = arith.mulf %mul3A_636, %get3A_635 : vector<16xf32>
        %add3A_638 = arith.addf %add3A_627, %mul3A_637 : vector<16xf32>
        %mul3A_639 = arith.constant 10 : i32
        %mul3A_640 = arith.muli %scan3A_136, %mul3A_639 : i32
        %add3A_641 = arith.constant 8 : i32
        %add3A_642 = arith.addi %mul3A_640, %add3A_641 : i32
        %get3A_643 = arith.index_cast %add3A_642 : i32 to index
        %get3A_644 = arith.constant 48 : index
        %get3A_645 = tpu.vector_load %arg23[%get3A_643, %get3A_644] {strides = array<i32>} : memref<320x128xf32, #tpu.memory_space<vmem>>, vector<1x16xf32>,
        %get3A_646 = vector.shape_cast %get3A_645 : vector<1x16xf32> to vector<16xf32>
        %mul3A_647 = vector.broadcast %squeeze3A_157 : f32 to vector<16xf32>
        %mul3A_648 = arith.mulf %mul3A_647, %get3A_646 : vector<16xf32>
        %add3A_649 = arith.addf %add3A_638, %mul3A_648 : vector<16xf32>
        %mul3A_650 = arith.constant 10 : i32
        %mul3A_651 = arith.muli %scan3A_136, %mul3A_650 : i32
        %add3A_652 = arith.constant 9 : i32
        %add3A_653 = arith.addi %mul3A_651, %add3A_652 : i32
        %get3A_654 = arith.index_cast %add3A_653 : i32 to index
        %get3A_655 = arith.constant 48 : index
        %get3A_656 = tpu.vector_load %arg23[%get3A_654, %get3A_655] {strides = array<i32>} : memref<320x128xf32, #tpu.memory_space<vmem>>, vector<1x16xf32>,
        %get3A_657 = vector.shape_cast %get3A_656 : vector<1x16xf32> to vector<16xf32>
        %mul3A_658 = vector.broadcast %squeeze3A_159 : f32 to vector<16xf32>
        %mul3A_659 = arith.mulf %mul3A_658, %get3A_657 : vector<16xf32>
        %add3A_660 = arith.addf %add3A_649, %mul3A_659 : vector<16xf32>
        %max3A_661 = arith.constant 0.000000e+00 : f32
        %max3A_662 = vector.broadcast %max3A_661 : f32 to vector<16xf32>
        %max3A_663 = arith.maximumf %add3A_660, %max3A_662 : vector<16xf32>
        %swap3A_664 = arith.index_cast %scan3A_136 : i32 to index
        %swap3A_665 = arith.constant 48 : index
        %swap3A_666 = tpu.vector_load %arg25[%swap3A_664, %swap3A_665] {strides = array<i32>} : memref<32x128xf32, #tpu.memory_space<vmem>>, vector<1x16xf32>,
        %swap3A_667 = vector.shape_cast %swap3A_666 : vector<1x16xf32> to vector<16xf32>
        %swap3A_668 = vector.shape_cast %max3A_663 : vector<16xf32> to vector<1x16xf32>
        tpu.vector_store %arg25[%swap3A_664, %swap3A_665], %swap3A_668 {strides = array<i32>} : memref<32x128xf32, #tpu.memory_space<vmem>>, vector<1x16xf32>,
        %mul3A_669 = arith.mulf %max3A_663, %max3A_663 : vector<16xf32>
        %add3A_670 = arith.addf %add3A_542, %mul3A_669 : vector<16xf32>
        %get3A_671 = arith.index_cast %scan3A_136 : i32 to index
        %get3A_672 = arith.constant 64 : index
        %get3A_673 = tpu.vector_load %arg21[%get3A_671, %get3A_672] {strides = array<i32>} : memref<32x128xf32, #tpu.memory_space<vmem>>, vector<1x16xf32>,
        %get3A_674 = vector.shape_cast %get3A_673 : vector<1x16xf32> to vector<16xf32>
        %get3A_675 = arith.constant 64 : index
        %get3A_676 = tpu.vector_load %arg26[%get3A_675] {strides = array<i32>} : memref<128xf32, #tpu.memory_space<vmem>>, vector<16xf32>,
        %get3A_677 = vector.shape_cast %get3A_676 : vector<16xf32> to vector<16xf32>
        %add3A_678 = arith.addf %get3A_674, %get3A_677 : vector<16xf32>
        %mul3A_679 = arith.constant 10 : i32
        %mul3A_680 = arith.muli %scan3A_136, %mul3A_679 : i32
        %add3A_681 = arith.constant 0 : i32
        %add3A_682 = arith.addi %mul3A_680, %add3A_681 : i32
        %get3A_683 = arith.index_cast %add3A_682 : i32 to index
        %get3A_684 = arith.constant 64 : index
        %get3A_685 = tpu.vector_load %arg23[%get3A_683, %get3A_684] {strides = array<i32>} : memref<320x128xf32, #tpu.memory_space<vmem>>, vector<1x16xf32>,
        %get3A_686 = vector.shape_cast %get3A_685 : vector<1x16xf32> to vector<16xf32>
        %mul3A_687 = vector.broadcast %squeeze3A : f32 to vector<16xf32>
        %mul3A_688 = arith.mulf %mul3A_687, %get3A_686 : vector<16xf32>
        %add3A_689 = arith.addf %add3A_678, %mul3A_688 : vector<16xf32>
        %mul3A_690 = arith.constant 10 : i32
        %mul3A_691 = arith.muli %scan3A_136, %mul3A_690 : i32
        %add3A_692 = arith.constant 1 : i32
        %add3A_693 = arith.addi %mul3A_691, %add3A_692 : i32
        %get3A_694 = arith.index_cast %add3A_693 : i32 to index
        %get3A_695 = arith.constant 64 : index
        %get3A_696 = tpu.vector_load %arg23[%get3A_694, %get3A_695] {strides = array<i32>} : memref<320x128xf32, #tpu.memory_space<vmem>>, vector<1x16xf32>,
        %get3A_697 = vector.shape_cast %get3A_696 : vector<1x16xf32> to vector<16xf32>
        %mul3A_698 = vector.broadcast %squeeze3A_143 : f32 to vector<16xf32>
        %mul3A_699 = arith.mulf %mul3A_698, %get3A_697 : vector<16xf32>
        %add3A_700 = arith.addf %add3A_689, %mul3A_699 : vector<16xf32>
        %mul3A_701 = arith.constant 10 : i32
        %mul3A_702 = arith.muli %scan3A_136, %mul3A_701 : i32
        %add3A_703 = arith.constant 2 : i32
        %add3A_704 = arith.addi %mul3A_702, %add3A_703 : i32
        %get3A_705 = arith.index_cast %add3A_704 : i32 to index
        %get3A_706 = arith.constant 64 : index
        %get3A_707 = tpu.vector_load %arg23[%get3A_705, %get3A_706] {strides = array<i32>} : memref<320x128xf32, #tpu.memory_space<vmem>>, vector<1x16xf32>,
        %get3A_708 = vector.shape_cast %get3A_707 : vector<1x16xf32> to vector<16xf32>
        %mul3A_709 = vector.broadcast %squeeze3A_145 : f32 to vector<16xf32>
        %mul3A_710 = arith.mulf %mul3A_709, %get3A_708 : vector<16xf32>
        %add3A_711 = arith.addf %add3A_700, %mul3A_710 : vector<16xf32>
        %mul3A_712 = arith.constant 10 : i32
        %mul3A_713 = arith.muli %scan3A_136, %mul3A_712 : i32
        %add3A_714 = arith.constant 3 : i32
        %add3A_715 = arith.addi %mul3A_713, %add3A_714 : i32
        %get3A_716 = arith.index_cast %add3A_715 : i32 to index
        %get3A_717 = arith.constant 64 : index
        %get3A_718 = tpu.vector_load %arg23[%get3A_716, %get3A_717] {strides = array<i32>} : memref<320x128xf32, #tpu.memory_space<vmem>>, vector<1x16xf32>,
        %get3A_719 = vector.shape_cast %get3A_718 : vector<1x16xf32> to vector<16xf32>
        %mul3A_720 = vector.broadcast %squeeze3A_147 : f32 to vector<16xf32>
        %mul3A_721 = arith.mulf %mul3A_720, %get3A_719 : vector<16xf32>
        %add3A_722 = arith.addf %add3A_711, %mul3A_721 : vector<16xf32>
        %mul3A_723 = arith.constant 10 : i32
        %mul3A_724 = arith.muli %scan3A_136, %mul3A_723 : i32
        %add3A_725 = arith.constant 4 : i32
        %add3A_726 = arith.addi %mul3A_724, %add3A_725 : i32
        %get3A_727 = arith.index_cast %add3A_726 : i32 to index
        %get3A_728 = arith.constant 64 : index
        %get3A_729 = tpu.vector_load %arg23[%get3A_727, %get3A_728] {strides = array<i32>} : memref<320x128xf32, #tpu.memory_space<vmem>>, vector<1x16xf32>,
        %get3A_730 = vector.shape_cast %get3A_729 : vector<1x16xf32> to vector<16xf32>
        %mul3A_731 = vector.broadcast %squeeze3A_149 : f32 to vector<16xf32>
        %mul3A_732 = arith.mulf %mul3A_731, %get3A_730 : vector<16xf32>
        %add3A_733 = arith.addf %add3A_722, %mul3A_732 : vector<16xf32>
        %mul3A_734 = arith.constant 10 : i32
        %mul3A_735 = arith.muli %scan3A_136, %mul3A_734 : i32
        %add3A_736 = arith.constant 5 : i32
        %add3A_737 = arith.addi %mul3A_735, %add3A_736 : i32
        %get3A_738 = arith.index_cast %add3A_737 : i32 to index
        %get3A_739 = arith.constant 64 : index
        %get3A_740 = tpu.vector_load %arg23[%get3A_738, %get3A_739] {strides = array<i32>} : memref<320x128xf32, #tpu.memory_space<vmem>>, vector<1x16xf32>,
        %get3A_741 = vector.shape_cast %get3A_740 : vector<1x16xf32> to vector<16xf32>
        %mul3A_742 = vector.broadcast %squeeze3A_151 : f32 to vector<16xf32>
        %mul3A_743 = arith.mulf %mul3A_742, %get3A_741 : vector<16xf32>
        %add3A_744 = arith.addf %add3A_733, %mul3A_743 : vector<16xf32>
        %mul3A_745 = arith.constant 10 : i32
        %mul3A_746 = arith.muli %scan3A_136, %mul3A_745 : i32
        %add3A_747 = arith.constant 6 : i32
        %add3A_748 = arith.addi %mul3A_746, %add3A_747 : i32
        %get3A_749 = arith.index_cast %add3A_748 : i32 to index
        %get3A_750 = arith.constant 64 : index
        %get3A_751 = tpu.vector_load %arg23[%get3A_749, %get3A_750] {strides = array<i32>} : memref<320x128xf32, #tpu.memory_space<vmem>>, vector<1x16xf32>,
        %get3A_752 = vector.shape_cast %get3A_751 : vector<1x16xf32> to vector<16xf32>
        %mul3A_753 = vector.broadcast %squeeze3A_153 : f32 to vector<16xf32>
        %mul3A_754 = arith.mulf %mul3A_753, %get3A_752 : vector<16xf32>
        %add3A_755 = arith.addf %add3A_744, %mul3A_754 : vector<16xf32>
        %mul3A_756 = arith.constant 10 : i32
        %mul3A_757 = arith.muli %scan3A_136, %mul3A_756 : i32
        %add3A_758 = arith.constant 7 : i32
        %add3A_759 = arith.addi %mul3A_757, %add3A_758 : i32
        %get3A_760 = arith.index_cast %add3A_759 : i32 to index
        %get3A_761 = arith.constant 64 : index
        %get3A_762 = tpu.vector_load %arg23[%get3A_760, %get3A_761] {strides = array<i32>} : memref<320x128xf32, #tpu.memory_space<vmem>>, vector<1x16xf32>,
        %get3A_763 = vector.shape_cast %get3A_762 : vector<1x16xf32> to vector<16xf32>
        %mul3A_764 = vector.broadcast %squeeze3A_155 : f32 to vector<16xf32>
        %mul3A_765 = arith.mulf %mul3A_764, %get3A_763 : vector<16xf32>
        %add3A_766 = arith.addf %add3A_755, %mul3A_765 : vector<16xf32>
        %mul3A_767 = arith.constant 10 : i32
        %mul3A_768 = arith.muli %scan3A_136, %mul3A_767 : i32
        %add3A_769 = arith.constant 8 : i32
        %add3A_770 = arith.addi %mul3A_768, %add3A_769 : i32
        %get3A_771 = arith.index_cast %add3A_770 : i32 to index
        %get3A_772 = arith.constant 64 : index
        %get3A_773 = tpu.vector_load %arg23[%get3A_771, %get3A_772] {strides = array<i32>} : memref<320x128xf32, #tpu.memory_space<vmem>>, vector<1x16xf32>,
        %get3A_774 = vector.shape_cast %get3A_773 : vector<1x16xf32> to vector<16xf32>
        %mul3A_775 = vector.broadcast %squeeze3A_157 : f32 to vector<16xf32>
        %mul3A_776 = arith.mulf %mul3A_775, %get3A_774 : vector<16xf32>
        %add3A_777 = arith.addf %add3A_766, %mul3A_776 : vector<16xf32>
        %mul3A_778 = arith.constant 10 : i32
        %mul3A_779 = arith.muli %scan3A_136, %mul3A_778 : i32
        %add3A_780 = arith.constant 9 : i32
        %add3A_781 = arith.addi %mul3A_779, %add3A_780 : i32
        %get3A_782 = arith.index_cast %add3A_781 : i32 to index
        %get3A_783 = arith.constant 64 : index
        %get3A_784 = tpu.vector_load %arg23[%get3A_782, %get3A_783] {strides = array<i32>} : memref<320x128xf32, #tpu.memory_space<vmem>>, vector<1x16xf32>,
        %get3A_785 = vector.shape_cast %get3A_784 : vector<1x16xf32> to vector<16xf32>
        %mul3A_786 = vector.broadcast %squeeze3A_159 : f32 to vector<16xf32>
        %mul3A_787 = arith.mulf %mul3A_786, %get3A_785 : vector<16xf32>
        %add3A_788 = arith.addf %add3A_777, %mul3A_787 : vector<16xf32>
        %max3A_789 = arith.constant 0.000000e+00 : f32
        %max3A_790 = vector.broadcast %max3A_789 : f32 to vector<16xf32>
        %max3A_791 = arith.maximumf %add3A_788, %max3A_790 : vector<16xf32>
        %swap3A_792 = arith.index_cast %scan3A_136 : i32 to index
        %swap3A_793 = arith.constant 64 : index
        %swap3A_794 = tpu.vector_load %arg25[%swap3A_792, %swap3A_793] {strides = array<i32>} : memref<32x128xf32, #tpu.memory_space<vmem>>, vector<1x16xf32>,
        %swap3A_795 = vector.shape_cast %swap3A_794 : vector<1x16xf32> to vector<16xf32>
        %swap3A_796 = vector.shape_cast %max3A_791 : vector<16xf32> to vector<1x16xf32>
        tpu.vector_store %arg25[%swap3A_792, %swap3A_793], %swap3A_796 {strides = array<i32>} : memref<32x128xf32, #tpu.memory_space<vmem>>, vector<1x16xf32>,
        %mul3A_797 = arith.mulf %max3A_791, %max3A_791 : vector<16xf32>
        %add3A_798 = arith.addf %add3A_670, %mul3A_797 : vector<16xf32>
        %get3A_799 = arith.index_cast %scan3A_136 : i32 to index
        %get3A_800 = arith.constant 80 : index
        %get3A_801 = tpu.vector_load %arg21[%get3A_799, %get3A_800] {strides = array<i32>} : memref<32x128xf32, #tpu.memory_space<vmem>>, vector<1x16xf32>,
        %get3A_802 = vector.shape_cast %get3A_801 : vector<1x16xf32> to vector<16xf32>
        %get3A_803 = arith.constant 80 : index
        %get3A_804 = tpu.vector_load %arg26[%get3A_803] {strides = array<i32>} : memref<128xf32, #tpu.memory_space<vmem>>, vector<16xf32>,
        %get3A_805 = vector.shape_cast %get3A_804 : vector<16xf32> to vector<16xf32>
        %add3A_806 = arith.addf %get3A_802, %get3A_805 : vector<16xf32>
        %mul3A_807 = arith.constant 10 : i32
        %mul3A_808 = arith.muli %scan3A_136, %mul3A_807 : i32
        %add3A_809 = arith.constant 0 : i32
        %add3A_810 = arith.addi %mul3A_808, %add3A_809 : i32
        %get3A_811 = arith.index_cast %add3A_810 : i32 to index
        %get3A_812 = arith.constant 80 : index
        %get3A_813 = tpu.vector_load %arg23[%get3A_811, %get3A_812] {strides = array<i32>} : memref<320x128xf32, #tpu.memory_space<vmem>>, vector<1x16xf32>,
        %get3A_814 = vector.shape_cast %get3A_813 : vector<1x16xf32> to vector<16xf32>
        %mul3A_815 = vector.broadcast %squeeze3A : f32 to vector<16xf32>
        %mul3A_816 = arith.mulf %mul3A_815, %get3A_814 : vector<16xf32>
        %add3A_817 = arith.addf %add3A_806, %mul3A_816 : vector<16xf32>
        %mul3A_818 = arith.constant 10 : i32
        %mul3A_819 = arith.muli %scan3A_136, %mul3A_818 : i32
        %add3A_820 = arith.constant 1 : i32
        %add3A_821 = arith.addi %mul3A_819, %add3A_820 : i32
        %get3A_822 = arith.index_cast %add3A_821 : i32 to index
        %get3A_823 = arith.constant 80 : index
        %get3A_824 = tpu.vector_load %arg23[%get3A_822, %get3A_823] {strides = array<i32>} : memref<320x128xf32, #tpu.memory_space<vmem>>, vector<1x16xf32>,
        %get3A_825 = vector.shape_cast %get3A_824 : vector<1x16xf32> to vector<16xf32>
        %mul3A_826 = vector.broadcast %squeeze3A_143 : f32 to vector<16xf32>
        %mul3A_827 = arith.mulf %mul3A_826, %get3A_825 : vector<16xf32>
        %add3A_828 = arith.addf %add3A_817, %mul3A_827 : vector<16xf32>
        %mul3A_829 = arith.constant 10 : i32
        %mul3A_830 = arith.muli %scan3A_136, %mul3A_829 : i32
        %add3A_831 = arith.constant 2 : i32
        %add3A_832 = arith.addi %mul3A_830, %add3A_831 : i32
        %get3A_833 = arith.index_cast %add3A_832 : i32 to index
        %get3A_834 = arith.constant 80 : index
        %get3A_835 = tpu.vector_load %arg23[%get3A_833, %get3A_834] {strides = array<i32>} : memref<320x128xf32, #tpu.memory_space<vmem>>, vector<1x16xf32>,
        %get3A_836 = vector.shape_cast %get3A_835 : vector<1x16xf32> to vector<16xf32>
        %mul3A_837 = vector.broadcast %squeeze3A_145 : f32 to vector<16xf32>
        %mul3A_838 = arith.mulf %mul3A_837, %get3A_836 : vector<16xf32>
        %add3A_839 = arith.addf %add3A_828, %mul3A_838 : vector<16xf32>
        %mul3A_840 = arith.constant 10 : i32
        %mul3A_841 = arith.muli %scan3A_136, %mul3A_840 : i32
        %add3A_842 = arith.constant 3 : i32
        %add3A_843 = arith.addi %mul3A_841, %add3A_842 : i32
        %get3A_844 = arith.index_cast %add3A_843 : i32 to index
        %get3A_845 = arith.constant 80 : index
        %get3A_846 = tpu.vector_load %arg23[%get3A_844, %get3A_845] {strides = array<i32>} : memref<320x128xf32, #tpu.memory_space<vmem>>, vector<1x16xf32>,
        %get3A_847 = vector.shape_cast %get3A_846 : vector<1x16xf32> to vector<16xf32>
        %mul3A_848 = vector.broadcast %squeeze3A_147 : f32 to vector<16xf32>
        %mul3A_849 = arith.mulf %mul3A_848, %get3A_847 : vector<16xf32>
        %add3A_850 = arith.addf %add3A_839, %mul3A_849 : vector<16xf32>
        %mul3A_851 = arith.constant 10 : i32
        %mul3A_852 = arith.muli %scan3A_136, %mul3A_851 : i32
        %add3A_853 = arith.constant 4 : i32
        %add3A_854 = arith.addi %mul3A_852, %add3A_853 : i32
        %get3A_855 = arith.index_cast %add3A_854 : i32 to index
        %get3A_856 = arith.constant 80 : index
        %get3A_857 = tpu.vector_load %arg23[%get3A_855, %get3A_856] {strides = array<i32>} : memref<320x128xf32, #tpu.memory_space<vmem>>, vector<1x16xf32>,
        %get3A_858 = vector.shape_cast %get3A_857 : vector<1x16xf32> to vector<16xf32>
        %mul3A_859 = vector.broadcast %squeeze3A_149 : f32 to vector<16xf32>
        %mul3A_860 = arith.mulf %mul3A_859, %get3A_858 : vector<16xf32>
        %add3A_861 = arith.addf %add3A_850, %mul3A_860 : vector<16xf32>
        %mul3A_862 = arith.constant 10 : i32
        %mul3A_863 = arith.muli %scan3A_136, %mul3A_862 : i32
        %add3A_864 = arith.constant 5 : i32
        %add3A_865 = arith.addi %mul3A_863, %add3A_864 : i32
        %get3A_866 = arith.index_cast %add3A_865 : i32 to index
        %get3A_867 = arith.constant 80 : index
        %get3A_868 = tpu.vector_load %arg23[%get3A_866, %get3A_867] {strides = array<i32>} : memref<320x128xf32, #tpu.memory_space<vmem>>, vector<1x16xf32>,
        %get3A_869 = vector.shape_cast %get3A_868 : vector<1x16xf32> to vector<16xf32>
        %mul3A_870 = vector.broadcast %squeeze3A_151 : f32 to vector<16xf32>
        %mul3A_871 = arith.mulf %mul3A_870, %get3A_869 : vector<16xf32>
        %add3A_872 = arith.addf %add3A_861, %mul3A_871 : vector<16xf32>
        %mul3A_873 = arith.constant 10 : i32
        %mul3A_874 = arith.muli %scan3A_136, %mul3A_873 : i32
        %add3A_875 = arith.constant 6 : i32
        %add3A_876 = arith.addi %mul3A_874, %add3A_875 : i32
        %get3A_877 = arith.index_cast %add3A_876 : i32 to index
        %get3A_878 = arith.constant 80 : index
        %get3A_879 = tpu.vector_load %arg23[%get3A_877, %get3A_878] {strides = array<i32>} : memref<320x128xf32, #tpu.memory_space<vmem>>, vector<1x16xf32>,
        %get3A_880 = vector.shape_cast %get3A_879 : vector<1x16xf32> to vector<16xf32>
        %mul3A_881 = vector.broadcast %squeeze3A_153 : f32 to vector<16xf32>
        %mul3A_882 = arith.mulf %mul3A_881, %get3A_880 : vector<16xf32>
        %add3A_883 = arith.addf %add3A_872, %mul3A_882 : vector<16xf32>
        %mul3A_884 = arith.constant 10 : i32
        %mul3A_885 = arith.muli %scan3A_136, %mul3A_884 : i32
        %add3A_886 = arith.constant 7 : i32
        %add3A_887 = arith.addi %mul3A_885, %add3A_886 : i32
        %get3A_888 = arith.index_cast %add3A_887 : i32 to index
        %get3A_889 = arith.constant 80 : index
        %get3A_890 = tpu.vector_load %arg23[%get3A_888, %get3A_889] {strides = array<i32>} : memref<320x128xf32, #tpu.memory_space<vmem>>, vector<1x16xf32>,
        %get3A_891 = vector.shape_cast %get3A_890 : vector<1x16xf32> to vector<16xf32>
        %mul3A_892 = vector.broadcast %squeeze3A_155 : f32 to vector<16xf32>
        %mul3A_893 = arith.mulf %mul3A_892, %get3A_891 : vector<16xf32>
        %add3A_894 = arith.addf %add3A_883, %mul3A_893 : vector<16xf32>
        %mul3A_895 = arith.constant 10 : i32
        %mul3A_896 = arith.muli %scan3A_136, %mul3A_895 : i32
        %add3A_897 = arith.constant 8 : i32
        %add3A_898 = arith.addi %mul3A_896, %add3A_897 : i32
        %get3A_899 = arith.index_cast %add3A_898 : i32 to index
        %get3A_900 = arith.constant 80 : index
        %get3A_901 = tpu.vector_load %arg23[%get3A_899, %get3A_900] {strides = array<i32>} : memref<320x128xf32, #tpu.memory_space<vmem>>, vector<1x16xf32>,
        %get3A_902 = vector.shape_cast %get3A_901 : vector<1x16xf32> to vector<16xf32>
        %mul3A_903 = vector.broadcast %squeeze3A_157 : f32 to vector<16xf32>
        %mul3A_904 = arith.mulf %mul3A_903, %get3A_902 : vector<16xf32>
        %add3A_905 = arith.addf %add3A_894, %mul3A_904 : vector<16xf32>
        %mul3A_906 = arith.constant 10 : i32
        %mul3A_907 = arith.muli %scan3A_136, %mul3A_906 : i32
        %add3A_908 = arith.constant 9 : i32
        %add3A_909 = arith.addi %mul3A_907, %add3A_908 : i32
        %get3A_910 = arith.index_cast %add3A_909 : i32 to index
        %get3A_911 = arith.constant 80 : index
        %get3A_912 = tpu.vector_load %arg23[%get3A_910, %get3A_911] {strides = array<i32>} : memref<320x128xf32, #tpu.memory_space<vmem>>, vector<1x16xf32>,
        %get3A_913 = vector.shape_cast %get3A_912 : vector<1x16xf32> to vector<16xf32>
        %mul3A_914 = vector.broadcast %squeeze3A_159 : f32 to vector<16xf32>
        %mul3A_915 = arith.mulf %mul3A_914, %get3A_913 : vector<16xf32>
        %add3A_916 = arith.addf %add3A_905, %mul3A_915 : vector<16xf32>
        %max3A_917 = arith.constant 0.000000e+00 : f32
        %max3A_918 = vector.broadcast %max3A_917 : f32 to vector<16xf32>
        %max3A_919 = arith.maximumf %add3A_916, %max3A_918 : vector<16xf32>
        %swap3A_920 = arith.index_cast %scan3A_136 : i32 to index
        %swap3A_921 = arith.constant 80 : index
        %swap3A_922 = tpu.vector_load %arg25[%swap3A_920, %swap3A_921] {strides = array<i32>} : memref<32x128xf32, #tpu.memory_space<vmem>>, vector<1x16xf32>,
        %swap3A_923 = vector.shape_cast %swap3A_922 : vector<1x16xf32> to vector<16xf32>
        %swap3A_924 = vector.shape_cast %max3A_919 : vector<16xf32> to vector<1x16xf32>
        tpu.vector_store %arg25[%swap3A_920, %swap3A_921], %swap3A_924 {strides = array<i32>} : memref<32x128xf32, #tpu.memory_space<vmem>>, vector<1x16xf32>,
        %mul3A_925 = arith.mulf %max3A_919, %max3A_919 : vector<16xf32>
        %add3A_926 = arith.addf %add3A_798, %mul3A_925 : vector<16xf32>
        %get3A_927 = arith.index_cast %scan3A_136 : i32 to index
        %get3A_928 = arith.constant 96 : index
        %get3A_929 = tpu.vector_load %arg21[%get3A_927, %get3A_928] {strides = array<i32>} : memref<32x128xf32, #tpu.memory_space<vmem>>, vector<1x16xf32>,
        %get3A_930 = vector.shape_cast %get3A_929 : vector<1x16xf32> to vector<16xf32>
        %get3A_931 = arith.constant 96 : index
        %get3A_932 = tpu.vector_load %arg26[%get3A_931] {strides = array<i32>} : memref<128xf32, #tpu.memory_space<vmem>>, vector<16xf32>,
        %get3A_933 = vector.shape_cast %get3A_932 : vector<16xf32> to vector<16xf32>
        %add3A_934 = arith.addf %get3A_930, %get3A_933 : vector<16xf32>
        %mul3A_935 = arith.constant 10 : i32
        %mul3A_936 = arith.muli %scan3A_136, %mul3A_935 : i32
        %add3A_937 = arith.constant 0 : i32
        %add3A_938 = arith.addi %mul3A_936, %add3A_937 : i32
        %get3A_939 = arith.index_cast %add3A_938 : i32 to index
        %get3A_940 = arith.constant 96 : index
        %get3A_941 = tpu.vector_load %arg23[%get3A_939, %get3A_940] {strides = array<i32>} : memref<320x128xf32, #tpu.memory_space<vmem>>, vector<1x16xf32>,
        %get3A_942 = vector.shape_cast %get3A_941 : vector<1x16xf32> to vector<16xf32>
        %mul3A_943 = vector.broadcast %squeeze3A : f32 to vector<16xf32>
        %mul3A_944 = arith.mulf %mul3A_943, %get3A_942 : vector<16xf32>
        %add3A_945 = arith.addf %add3A_934, %mul3A_944 : vector<16xf32>
        %mul3A_946 = arith.constant 10 : i32
        %mul3A_947 = arith.muli %scan3A_136, %mul3A_946 : i32
        %add3A_948 = arith.constant 1 : i32
        %add3A_949 = arith.addi %mul3A_947, %add3A_948 : i32
        %get3A_950 = arith.index_cast %add3A_949 : i32 to index
        %get3A_951 = arith.constant 96 : index
        %get3A_952 = tpu.vector_load %arg23[%get3A_950, %get3A_951] {strides = array<i32>} : memref<320x128xf32, #tpu.memory_space<vmem>>, vector<1x16xf32>,
        %get3A_953 = vector.shape_cast %get3A_952 : vector<1x16xf32> to vector<16xf32>
        %mul3A_954 = vector.broadcast %squeeze3A_143 : f32 to vector<16xf32>
        %mul3A_955 = arith.mulf %mul3A_954, %get3A_953 : vector<16xf32>
        %add3A_956 = arith.addf %add3A_945, %mul3A_955 : vector<16xf32>
        %mul3A_957 = arith.constant 10 : i32
        %mul3A_958 = arith.muli %scan3A_136, %mul3A_957 : i32
        %add3A_959 = arith.constant 2 : i32
        %add3A_960 = arith.addi %mul3A_958, %add3A_959 : i32
        %get3A_961 = arith.index_cast %add3A_960 : i32 to index
        %get3A_962 = arith.constant 96 : index
        %get3A_963 = tpu.vector_load %arg23[%get3A_961, %get3A_962] {strides = array<i32>} : memref<320x128xf32, #tpu.memory_space<vmem>>, vector<1x16xf32>,
        %get3A_964 = vector.shape_cast %get3A_963 : vector<1x16xf32> to vector<16xf32>
        %mul3A_965 = vector.broadcast %squeeze3A_145 : f32 to vector<16xf32>
        %mul3A_966 = arith.mulf %mul3A_965, %get3A_964 : vector<16xf32>
        %add3A_967 = arith.addf %add3A_956, %mul3A_966 : vector<16xf32>
        %mul3A_968 = arith.constant 10 : i32
        %mul3A_969 = arith.muli %scan3A_136, %mul3A_968 : i32
        %add3A_970 = arith.constant 3 : i32
        %add3A_971 = arith.addi %mul3A_969, %add3A_970 : i32
        %get3A_972 = arith.index_cast %add3A_971 : i32 to index
        %get3A_973 = arith.constant 96 : index
        %get3A_974 = tpu.vector_load %arg23[%get3A_972, %get3A_973] {strides = array<i32>} : memref<320x128xf32, #tpu.memory_space<vmem>>, vector<1x16xf32>,
        %get3A_975 = vector.shape_cast %get3A_974 : vector<1x16xf32> to vector<16xf32>
        %mul3A_976 = vector.broadcast %squeeze3A_147 : f32 to vector<16xf32>
        %mul3A_977 = arith.mulf %mul3A_976, %get3A_975 : vector<16xf32>
        %add3A_978 = arith.addf %add3A_967, %mul3A_977 : vector<16xf32>
        %mul3A_979 = arith.constant 10 : i32
        %mul3A_980 = arith.muli %scan3A_136, %mul3A_979 : i32
        %add3A_981 = arith.constant 4 : i32
        %add3A_982 = arith.addi %mul3A_980, %add3A_981 : i32
        %get3A_983 = arith.index_cast %add3A_982 : i32 to index
        %get3A_984 = arith.constant 96 : index
        %get3A_985 = tpu.vector_load %arg23[%get3A_983, %get3A_984] {strides = array<i32>} : memref<320x128xf32, #tpu.memory_space<vmem>>, vector<1x16xf32>,
        %get3A_986 = vector.shape_cast %get3A_985 : vector<1x16xf32> to vector<16xf32>
        %mul3A_987 = vector.broadcast %squeeze3A_149 : f32 to vector<16xf32>
        %mul3A_988 = arith.mulf %mul3A_987, %get3A_986 : vector<16xf32>
        %add3A_989 = arith.addf %add3A_978, %mul3A_988 : vector<16xf32>
        %mul3A_990 = arith.constant 10 : i32
        %mul3A_991 = arith.muli %scan3A_136, %mul3A_990 : i32
        %add3A_992 = arith.constant 5 : i32
        %add3A_993 = arith.addi %mul3A_991, %add3A_992 : i32
        %get3A_994 = arith.index_cast %add3A_993 : i32 to index
        %get3A_995 = arith.constant 96 : index
        %get3A_996 = tpu.vector_load %arg23[%get3A_994, %get3A_995] {strides = array<i32>} : memref<320x128xf32, #tpu.memory_space<vmem>>, vector<1x16xf32>,
        %get3A_997 = vector.shape_cast %get3A_996 : vector<1x16xf32> to vector<16xf32>
        %mul3A_998 = vector.broadcast %squeeze3A_151 : f32 to vector<16xf32>
        %mul3A_999 = arith.mulf %mul3A_998, %get3A_997 : vector<16xf32>
        %add3A_1000 = arith.addf %add3A_989, %mul3A_999 : vector<16xf32>
        %mul3A_1001 = arith.constant 10 : i32
        %mul3A_1002 = arith.muli %scan3A_136, %mul3A_1001 : i32
        %add3A_1003 = arith.constant 6 : i32
        %add3A_1004 = arith.addi %mul3A_1002, %add3A_1003 : i32
        %get3A_1005 = arith.index_cast %add3A_1004 : i32 to index
        %get3A_1006 = arith.constant 96 : index
        %get3A_1007 = tpu.vector_load %arg23[%get3A_1005, %get3A_1006] {strides = array<i32>} : memref<320x128xf32, #tpu.memory_space<vmem>>, vector<1x16xf32>,
        %get3A_1008 = vector.shape_cast %get3A_1007 : vector<1x16xf32> to vector<16xf32>
        %mul3A_1009 = vector.broadcast %squeeze3A_153 : f32 to vector<16xf32>
        %mul3A_1010 = arith.mulf %mul3A_1009, %get3A_1008 : vector<16xf32>
        %add3A_1011 = arith.addf %add3A_1000, %mul3A_1010 : vector<16xf32>
        %mul3A_1012 = arith.constant 10 : i32
        %mul3A_1013 = arith.muli %scan3A_136, %mul3A_1012 : i32
        %add3A_1014 = arith.constant 7 : i32
        %add3A_1015 = arith.addi %mul3A_1013, %add3A_1014 : i32
        %get3A_1016 = arith.index_cast %add3A_1015 : i32 to index
        %get3A_1017 = arith.constant 96 : index
        %get3A_1018 = tpu.vector_load %arg23[%get3A_1016, %get3A_1017] {strides = array<i32>} : memref<320x128xf32, #tpu.memory_space<vmem>>, vector<1x16xf32>,
        %get3A_1019 = vector.shape_cast %get3A_1018 : vector<1x16xf32> to vector<16xf32>
        %mul3A_1020 = vector.broadcast %squeeze3A_155 : f32 to vector<16xf32>
        %mul3A_1021 = arith.mulf %mul3A_1020, %get3A_1019 : vector<16xf32>
        %add3A_1022 = arith.addf %add3A_1011, %mul3A_1021 : vector<16xf32>
        %mul3A_1023 = arith.constant 10 : i32
        %mul3A_1024 = arith.muli %scan3A_136, %mul3A_1023 : i32
        %add3A_1025 = arith.constant 8 : i32
        %add3A_1026 = arith.addi %mul3A_1024, %add3A_1025 : i32
        %get3A_1027 = arith.index_cast %add3A_1026 : i32 to index
        %get3A_1028 = arith.constant 96 : index
        %get3A_1029 = tpu.vector_load %arg23[%get3A_1027, %get3A_1028] {strides = array<i32>} : memref<320x128xf32, #tpu.memory_space<vmem>>, vector<1x16xf32>,
        %get3A_1030 = vector.shape_cast %get3A_1029 : vector<1x16xf32> to vector<16xf32>
        %mul3A_1031 = vector.broadcast %squeeze3A_157 : f32 to vector<16xf32>
        %mul3A_1032 = arith.mulf %mul3A_1031, %get3A_1030 : vector<16xf32>
        %add3A_1033 = arith.addf %add3A_1022, %mul3A_1032 : vector<16xf32>
        %mul3A_1034 = arith.constant 10 : i32
        %mul3A_1035 = arith.muli %scan3A_136, %mul3A_1034 : i32
        %add3A_1036 = arith.constant 9 : i32
        %add3A_1037 = arith.addi %mul3A_1035, %add3A_1036 : i32
        %get3A_1038 = arith.index_cast %add3A_1037 : i32 to index
        %get3A_1039 = arith.constant 96 : index
        %get3A_1040 = tpu.vector_load %arg23[%get3A_1038, %get3A_1039] {strides = array<i32>} : memref<320x128xf32, #tpu.memory_space<vmem>>, vector<1x16xf32>,
        %get3A_1041 = vector.shape_cast %get3A_1040 : vector<1x16xf32> to vector<16xf32>
        %mul3A_1042 = vector.broadcast %squeeze3A_159 : f32 to vector<16xf32>
        %mul3A_1043 = arith.mulf %mul3A_1042, %get3A_1041 : vector<16xf32>
        %add3A_1044 = arith.addf %add3A_1033, %mul3A_1043 : vector<16xf32>
        %max3A_1045 = arith.constant 0.000000e+00 : f32
        %max3A_1046 = vector.broadcast %max3A_1045 : f32 to vector<16xf32>
        %max3A_1047 = arith.maximumf %add3A_1044, %max3A_1046 : vector<16xf32>
        %swap3A_1048 = arith.index_cast %scan3A_136 : i32 to index
        %swap3A_1049 = arith.constant 96 : index
        %swap3A_1050 = tpu.vector_load %arg25[%swap3A_1048, %swap3A_1049] {strides = array<i32>} : memref<32x128xf32, #tpu.memory_space<vmem>>, vector<1x16xf32>,
        %swap3A_1051 = vector.shape_cast %swap3A_1050 : vector<1x16xf32> to vector<16xf32>
        %swap3A_1052 = vector.shape_cast %max3A_1047 : vector<16xf32> to vector<1x16xf32>
        tpu.vector_store %arg25[%swap3A_1048, %swap3A_1049], %swap3A_1052 {strides = array<i32>} : memref<32x128xf32, #tpu.memory_space<vmem>>, vector<1x16xf32>,
        %mul3A_1053 = arith.mulf %max3A_1047, %max3A_1047 : vector<16xf32>
        %add3A_1054 = arith.addf %add3A_926, %mul3A_1053 : vector<16xf32>
        %get3A_1055 = arith.index_cast %scan3A_136 : i32 to index
        %get3A_1056 = arith.constant 112 : index
        %get3A_1057 = tpu.vector_load %arg21[%get3A_1055, %get3A_1056] {strides = array<i32>} : memref<32x128xf32, #tpu.memory_space<vmem>>, vector<1x16xf32>,
        %get3A_1058 = vector.shape_cast %get3A_1057 : vector<1x16xf32> to vector<16xf32>
        %get3A_1059 = arith.constant 112 : index
        %get3A_1060 = tpu.vector_load %arg26[%get3A_1059] {strides = array<i32>} : memref<128xf32, #tpu.memory_space<vmem>>, vector<16xf32>,
        %get3A_1061 = vector.shape_cast %get3A_1060 : vector<16xf32> to vector<16xf32>
        %add3A_1062 = arith.addf %get3A_1058, %get3A_1061 : vector<16xf32>
        %mul3A_1063 = arith.constant 10 : i32
        %mul3A_1064 = arith.muli %scan3A_136, %mul3A_1063 : i32
        %add3A_1065 = arith.constant 0 : i32
        %add3A_1066 = arith.addi %mul3A_1064, %add3A_1065 : i32
        %get3A_1067 = arith.index_cast %add3A_1066 : i32 to index
        %get3A_1068 = arith.constant 112 : index
        %get3A_1069 = tpu.vector_load %arg23[%get3A_1067, %get3A_1068] {strides = array<i32>} : memref<320x128xf32, #tpu.memory_space<vmem>>, vector<1x16xf32>,
        %get3A_1070 = vector.shape_cast %get3A_1069 : vector<1x16xf32> to vector<16xf32>
        %mul3A_1071 = vector.broadcast %squeeze3A : f32 to vector<16xf32>
        %mul3A_1072 = arith.mulf %mul3A_1071, %get3A_1070 : vector<16xf32>
        %add3A_1073 = arith.addf %add3A_1062, %mul3A_1072 : vector<16xf32>
        %mul3A_1074 = arith.constant 10 : i32
        %mul3A_1075 = arith.muli %scan3A_136, %mul3A_1074 : i32
        %add3A_1076 = arith.constant 1 : i32
        %add3A_1077 = arith.addi %mul3A_1075, %add3A_1076 : i32
        %get3A_1078 = arith.index_cast %add3A_1077 : i32 to index
        %get3A_1079 = arith.constant 112 : index
        %get3A_1080 = tpu.vector_load %arg23[%get3A_1078, %get3A_1079] {strides = array<i32>} : memref<320x128xf32, #tpu.memory_space<vmem>>, vector<1x16xf32>,
        %get3A_1081 = vector.shape_cast %get3A_1080 : vector<1x16xf32> to vector<16xf32>
        %mul3A_1082 = vector.broadcast %squeeze3A_143 : f32 to vector<16xf32>
        %mul3A_1083 = arith.mulf %mul3A_1082, %get3A_1081 : vector<16xf32>
        %add3A_1084 = arith.addf %add3A_1073, %mul3A_1083 : vector<16xf32>
        %mul3A_1085 = arith.constant 10 : i32
        %mul3A_1086 = arith.muli %scan3A_136, %mul3A_1085 : i32
        %add3A_1087 = arith.constant 2 : i32
        %add3A_1088 = arith.addi %mul3A_1086, %add3A_1087 : i32
        %get3A_1089 = arith.index_cast %add3A_1088 : i32 to index
        %get3A_1090 = arith.constant 112 : index
        %get3A_1091 = tpu.vector_load %arg23[%get3A_1089, %get3A_1090] {strides = array<i32>} : memref<320x128xf32, #tpu.memory_space<vmem>>, vector<1x16xf32>,
        %get3A_1092 = vector.shape_cast %get3A_1091 : vector<1x16xf32> to vector<16xf32>
        %mul3A_1093 = vector.broadcast %squeeze3A_145 : f32 to vector<16xf32>
        %mul3A_1094 = arith.mulf %mul3A_1093, %get3A_1092 : vector<16xf32>
        %add3A_1095 = arith.addf %add3A_1084, %mul3A_1094 : vector<16xf32>
        %mul3A_1096 = arith.constant 10 : i32
        %mul3A_1097 = arith.muli %scan3A_136, %mul3A_1096 : i32
        %add3A_1098 = arith.constant 3 : i32
        %add3A_1099 = arith.addi %mul3A_1097, %add3A_1098 : i32
        %get3A_1100 = arith.index_cast %add3A_1099 : i32 to index
        %get3A_1101 = arith.constant 112 : index
        %get3A_1102 = tpu.vector_load %arg23[%get3A_1100, %get3A_1101] {strides = array<i32>} : memref<320x128xf32, #tpu.memory_space<vmem>>, vector<1x16xf32>,
        %get3A_1103 = vector.shape_cast %get3A_1102 : vector<1x16xf32> to vector<16xf32>
        %mul3A_1104 = vector.broadcast %squeeze3A_147 : f32 to vector<16xf32>
        %mul3A_1105 = arith.mulf %mul3A_1104, %get3A_1103 : vector<16xf32>
        %add3A_1106 = arith.addf %add3A_1095, %mul3A_1105 : vector<16xf32>
        %mul3A_1107 = arith.constant 10 : i32
        %mul3A_1108 = arith.muli %scan3A_136, %mul3A_1107 : i32
        %add3A_1109 = arith.constant 4 : i32
        %add3A_1110 = arith.addi %mul3A_1108, %add3A_1109 : i32
        %get3A_1111 = arith.index_cast %add3A_1110 : i32 to index
        %get3A_1112 = arith.constant 112 : index
        %get3A_1113 = tpu.vector_load %arg23[%get3A_1111, %get3A_1112] {strides = array<i32>} : memref<320x128xf32, #tpu.memory_space<vmem>>, vector<1x16xf32>,
        %get3A_1114 = vector.shape_cast %get3A_1113 : vector<1x16xf32> to vector<16xf32>
        %mul3A_1115 = vector.broadcast %squeeze3A_149 : f32 to vector<16xf32>
        %mul3A_1116 = arith.mulf %mul3A_1115, %get3A_1114 : vector<16xf32>
        %add3A_1117 = arith.addf %add3A_1106, %mul3A_1116 : vector<16xf32>
        %mul3A_1118 = arith.constant 10 : i32
        %mul3A_1119 = arith.muli %scan3A_136, %mul3A_1118 : i32
        %add3A_1120 = arith.constant 5 : i32
        %add3A_1121 = arith.addi %mul3A_1119, %add3A_1120 : i32
        %get3A_1122 = arith.index_cast %add3A_1121 : i32 to index
        %get3A_1123 = arith.constant 112 : index
        %get3A_1124 = tpu.vector_load %arg23[%get3A_1122, %get3A_1123] {strides = array<i32>} : memref<320x128xf32, #tpu.memory_space<vmem>>, vector<1x16xf32>,
        %get3A_1125 = vector.shape_cast %get3A_1124 : vector<1x16xf32> to vector<16xf32>
        %mul3A_1126 = vector.broadcast %squeeze3A_151 : f32 to vector<16xf32>
        %mul3A_1127 = arith.mulf %mul3A_1126, %get3A_1125 : vector<16xf32>
        %add3A_1128 = arith.addf %add3A_1117, %mul3A_1127 : vector<16xf32>
        %mul3A_1129 = arith.constant 10 : i32
        %mul3A_1130 = arith.muli %scan3A_136, %mul3A_1129 : i32
        %add3A_1131 = arith.constant 6 : i32
        %add3A_1132 = arith.addi %mul3A_1130, %add3A_1131 : i32
        %get3A_1133 = arith.index_cast %add3A_1132 : i32 to index
        %get3A_1134 = arith.constant 112 : index
        %get3A_1135 = tpu.vector_load %arg23[%get3A_1133, %get3A_1134] {strides = array<i32>} : memref<320x128xf32, #tpu.memory_space<vmem>>, vector<1x16xf32>,
        %get3A_1136 = vector.shape_cast %get3A_1135 : vector<1x16xf32> to vector<16xf32>
        %mul3A_1137 = vector.broadcast %squeeze3A_153 : f32 to vector<16xf32>
        %mul3A_1138 = arith.mulf %mul3A_1137, %get3A_1136 : vector<16xf32>
        %add3A_1139 = arith.addf %add3A_1128, %mul3A_1138 : vector<16xf32>
        %mul3A_1140 = arith.constant 10 : i32
        %mul3A_1141 = arith.muli %scan3A_136, %mul3A_1140 : i32
        %add3A_1142 = arith.constant 7 : i32
        %add3A_1143 = arith.addi %mul3A_1141, %add3A_1142 : i32
        %get3A_1144 = arith.index_cast %add3A_1143 : i32 to index
        %get3A_1145 = arith.constant 112 : index
        %get3A_1146 = tpu.vector_load %arg23[%get3A_1144, %get3A_1145] {strides = array<i32>} : memref<320x128xf32, #tpu.memory_space<vmem>>, vector<1x16xf32>,
        %get3A_1147 = vector.shape_cast %get3A_1146 : vector<1x16xf32> to vector<16xf32>
        %mul3A_1148 = vector.broadcast %squeeze3A_155 : f32 to vector<16xf32>
        %mul3A_1149 = arith.mulf %mul3A_1148, %get3A_1147 : vector<16xf32>
        %add3A_1150 = arith.addf %add3A_1139, %mul3A_1149 : vector<16xf32>
        %mul3A_1151 = arith.constant 10 : i32
        %mul3A_1152 = arith.muli %scan3A_136, %mul3A_1151 : i32
        %add3A_1153 = arith.constant 8 : i32
        %add3A_1154 = arith.addi %mul3A_1152, %add3A_1153 : i32
        %get3A_1155 = arith.index_cast %add3A_1154 : i32 to index
        %get3A_1156 = arith.constant 112 : index
        %get3A_1157 = tpu.vector_load %arg23[%get3A_1155, %get3A_1156] {strides = array<i32>} : memref<320x128xf32, #tpu.memory_space<vmem>>, vector<1x16xf32>,
        %get3A_1158 = vector.shape_cast %get3A_1157 : vector<1x16xf32> to vector<16xf32>
        %mul3A_1159 = vector.broadcast %squeeze3A_157 : f32 to vector<16xf32>
        %mul3A_1160 = arith.mulf %mul3A_1159, %get3A_1158 : vector<16xf32>
        %add3A_1161 = arith.addf %add3A_1150, %mul3A_1160 : vector<16xf32>
        %mul3A_1162 = arith.constant 10 : i32
        %mul3A_1163 = arith.muli %scan3A_136, %mul3A_1162 : i32
        %add3A_1164 = arith.constant 9 : i32
        %add3A_1165 = arith.addi %mul3A_1163, %add3A_1164 : i32
        %get3A_1166 = arith.index_cast %add3A_1165 : i32 to index
        %get3A_1167 = arith.constant 112 : index
        %get3A_1168 = tpu.vector_load %arg23[%get3A_1166, %get3A_1167] {strides = array<i32>} : memref<320x128xf32, #tpu.memory_space<vmem>>, vector<1x16xf32>,
        %get3A_1169 = vector.shape_cast %get3A_1168 : vector<1x16xf32> to vector<16xf32>
        %mul3A_1170 = vector.broadcast %squeeze3A_159 : f32 to vector<16xf32>
        %mul3A_1171 = arith.mulf %mul3A_1170, %get3A_1169 : vector<16xf32>
        %add3A_1172 = arith.addf %add3A_1161, %mul3A_1171 : vector<16xf32>
        %max3A_1173 = arith.constant 0.000000e+00 : f32
        %max3A_1174 = vector.broadcast %max3A_1173 : f32 to vector<16xf32>
        %max3A_1175 = arith.maximumf %add3A_1172, %max3A_1174 : vector<16xf32>
        %swap3A_1176 = arith.index_cast %scan3A_136 : i32 to index
        %swap3A_1177 = arith.constant 112 : index
        %swap3A_1178 = tpu.vector_load %arg25[%swap3A_1176, %swap3A_1177] {strides = array<i32>} : memref<32x128xf32, #tpu.memory_space<vmem>>, vector<1x16xf32>,
        %swap3A_1179 = vector.shape_cast %swap3A_1178 : vector<1x16xf32> to vector<16xf32>
        %swap3A_1180 = vector.shape_cast %max3A_1175 : vector<16xf32> to vector<1x16xf32>
        tpu.vector_store %arg25[%swap3A_1176, %swap3A_1177], %swap3A_1180 {strides = array<i32>} : memref<32x128xf32, #tpu.memory_space<vmem>>, vector<1x16xf32>,
        %mul3A_1181 = arith.mulf %max3A_1175, %max3A_1175 : vector<16xf32>
        %add3A_1182 = arith.addf %add3A_1054, %mul3A_1181 : vector<16xf32>
        scf.yield %add3A_1182 : vector<16xf32>
      }
      %scan3A_125 = arith.constant 32 : i32
      %lt3A_126 = arith.constant 4096 : i32
      %lt3A_127 = arith.cmpi slt, %add3A_52, %lt3A_126 : i32
      %convert_element_type3A_128 = arith.extui %lt3A_127 : i1 to i32
      %cond3A_129 = arith.constant 0 : i32
      %cond3A_130 = arith.cmpi ne, %convert_element_type3A_128, %cond3A_129 : i32
      scf.if %cond3A_130 {
        %get3A = arith.constant 0 : i32
        %get3A_136 = arith.index_cast %get3A : i32 to index
        %get3A_137 = arith.constant 0 : index
        %get3A_138 = tpu.vector_load %arg27[%get3A_136, %get3A_137] {strides = array<i32>} : memref<2x16xf32, #tpu.memory_space<vmem>>, vector<1x16xf32>,
        %get3A_139 = vector.shape_cast %get3A_138 : vector<1x16xf32> to vector<16xf32>
        %add3A_140 = arith.addf %get3A_139, %scan3A_124 : vector<16xf32>
        %swap3A_141 = arith.constant 0 : i32
        %swap3A_142 = arith.index_cast %swap3A_141 : i32 to index
        %swap3A_143 = arith.constant 0 : index
        %swap3A_144 = tpu.vector_load %arg27[%swap3A_142, %swap3A_143] {strides = array<i32>} : memref<2x16xf32, #tpu.memory_space<vmem>>, vector<1x16xf32>,
        %swap3A_145 = vector.shape_cast %swap3A_144 : vector<1x16xf32> to vector<16xf32>
        %swap3A_146 = vector.shape_cast %add3A_140 : vector<16xf32> to vector<1x16xf32>
        tpu.vector_store %arg27[%swap3A_142, %swap3A_143], %swap3A_146 {strides = array<i32>} : memref<2x16xf32, #tpu.memory_space<vmem>>, vector<1x16xf32>,
        %dma_start3A_147 = arith.constant 0 : i32
        %dma_start3A_148 = tpu.memref_slice %arg10[%add3A_52, %dma_start3A_147] : memref<4096x128xf32, #tpu.memory_space<hbm>> -> memref<32x128xf32, #tpu.memory_space<hbm>>
        %dma_start3A_149 = arith.constant 0 : i32
        %dma_start3A_150 = tpu.memref_slice %arg10[%add3A_52, %dma_start3A_149] : memref<4096x128xf32, #tpu.memory_space<hbm>> -> memref<32x128xf32, #tpu.memory_space<hbm>>
        tpu.enqueue_dma source(%arg25 : memref<32x128xf32, #tpu.memory_space<vmem>>) target(%dma_start3A_150 : memref<32x128xf32, #tpu.memory_space<hbm>>) target_semaphore(%arg33 : memref<!tpu.dma_semaphore, #tpu.memory_space<semaphore_mem>>)
      } else {
      }
      %ge3A_131 = arith.constant 4096 : i32
      %ge3A_132 = arith.cmpi sge, %add3A_52, %ge3A_131 : i32
      %convert_element_type3A_133 = arith.extui %ge3A_132 : i1 to i32
      %cond3A_134 = arith.constant 0 : i32
      %cond3A_135 = arith.cmpi ne, %convert_element_type3A_133, %cond3A_134 : i32
      scf.if %cond3A_135 {
        %get3A = arith.constant 1 : i32
        %get3A_136 = arith.index_cast %get3A : i32 to index
        %get3A_137 = arith.constant 0 : index
        %get3A_138 = tpu.vector_load %arg27[%get3A_136, %get3A_137] {strides = array<i32>} : memref<2x16xf32, #tpu.memory_space<vmem>>, vector<1x16xf32>,
        %get3A_139 = vector.shape_cast %get3A_138 : vector<1x16xf32> to vector<16xf32>
        %add3A_140 = arith.addf %get3A_139, %scan3A_124 : vector<16xf32>
        %swap3A_141 = arith.constant 1 : i32
        %swap3A_142 = arith.index_cast %swap3A_141 : i32 to index
        %swap3A_143 = arith.constant 0 : index
        %swap3A_144 = tpu.vector_load %arg27[%swap3A_142, %swap3A_143] {strides = array<i32>} : memref<2x16xf32, #tpu.memory_space<vmem>>, vector<1x16xf32>,
        %swap3A_145 = vector.shape_cast %swap3A_144 : vector<1x16xf32> to vector<16xf32>
        %swap3A_146 = vector.shape_cast %add3A_140 : vector<16xf32> to vector<1x16xf32>
        tpu.vector_store %arg27[%swap3A_142, %swap3A_143], %swap3A_146 {strides = array<i32>} : memref<2x16xf32, #tpu.memory_space<vmem>>, vector<1x16xf32>,
        %sub3A = arith.constant 4096 : i32
        %sub3A_147 = arith.subi %add3A_52, %sub3A : i32
        %dma_start3A_148 = arith.constant 0 : i32
        %dma_start3A_149 = tpu.memref_slice %arg11[%sub3A_147, %dma_start3A_148] : memref<40960x128xf32, #tpu.memory_space<hbm>> -> memref<32x128xf32, #tpu.memory_space<hbm>>
        %dma_start3A_150 = arith.constant 0 : i32
        %dma_start3A_151 = tpu.memref_slice %arg11[%sub3A_147, %dma_start3A_150] : memref<40960x128xf32, #tpu.memory_space<hbm>> -> memref<32x128xf32, #tpu.memory_space<hbm>>
        tpu.enqueue_dma source(%arg25 : memref<32x128xf32, #tpu.memory_space<vmem>>) target(%dma_start3A_151 : memref<32x128xf32, #tpu.memory_space<hbm>>) target_semaphore(%arg33 : memref<!tpu.dma_semaphore, #tpu.memory_space<semaphore_mem>>)
      } else {
      }
    }
    %scan3A_32 = arith.constant 22 : i32
    %dma_wait3A = arith.constant 0 : i32
    %dma_wait3A_33 = arith.constant 0 : i32
    %dma_wait3A_34 = tpu.memref_slice %arg10[%dma_wait3A, %dma_wait3A_33] : memref<4096x128xf32, #tpu.memory_space<hbm>> -> memref<32x128xf32, #tpu.memory_space<hbm>>
    %dma_wait3A_35 = arith.constant 0 : i32
    %dma_wait3A_36 = arith.constant 0 : i32
    %dma_wait3A_37 = tpu.memref_slice %arg10[%dma_wait3A_35, %dma_wait3A_36] : memref<4096x128xf32, #tpu.memory_space<hbm>> -> memref<32x128xf32, #tpu.memory_space<hbm>>
    tpu.wait_dma2 semaphore(%arg32 : memref<!tpu.dma_semaphore, #tpu.memory_space<semaphore_mem>>) src(%arg24 : memref<32x128xf32, #tpu.memory_space<vmem>>) dst(%dma_wait3A_37 : memref<32x128xf32, #tpu.memory_space<hbm>>)
    %dma_wait3A_38 = arith.constant 0 : i32
    %dma_wait3A_39 = arith.constant 0 : i32
    %dma_wait3A_40 = tpu.memref_slice %arg10[%dma_wait3A_38, %dma_wait3A_39] : memref<4096x128xf32, #tpu.memory_space<hbm>> -> memref<32x128xf32, #tpu.memory_space<hbm>>
    %dma_wait3A_41 = arith.constant 0 : i32
    %dma_wait3A_42 = arith.constant 0 : i32
    %dma_wait3A_43 = tpu.memref_slice %arg10[%dma_wait3A_41, %dma_wait3A_42] : memref<4096x128xf32, #tpu.memory_space<hbm>> -> memref<32x128xf32, #tpu.memory_space<hbm>>
    tpu.wait_dma2 semaphore(%arg33 : memref<!tpu.dma_semaphore, #tpu.memory_space<semaphore_mem>>) src(%arg25 : memref<32x128xf32, #tpu.memory_space<vmem>>) dst(%dma_wait3A_43 : memref<32x128xf32, #tpu.memory_space<hbm>>)
    %run_scoped3A = arith.constant 0 : i32
    "tpu.region"() ({
      %run_scoped3A_45 = tpu.sem_alloc : memref<!tpu.dma_semaphore, #tpu.memory_space<semaphore_mem>>
      %dma_start3A_46 = arith.constant 0 : i32
      %dma_start3A_47 = tpu.memref_slice %arg27[%run_scoped3A, %dma_start3A_46] : memref<2x16xf32, #tpu.memory_space<vmem>> -> memref<1x16xf32, #tpu.memory_space<vmem>>
      %dma_start3A_48 = tpu.memref_squeeze %dma_start3A_47 : memref<1x16xf32, #tpu.memory_space<vmem>> -> memref<16xf32, #tpu.memory_space<vmem>>
      %dma_start3A_49 = arith.constant 0 : i32
      %dma_start3A_50 = tpu.memref_slice %arg12[%add3A, %dma_start3A_49] : memref<32x16xf32, #tpu.memory_space<hbm>> -> memref<1x16xf32, #tpu.memory_space<hbm>>
      %dma_start3A_51 = tpu.memref_squeeze %dma_start3A_50 : memref<1x16xf32, #tpu.memory_space<hbm>> -> memref<16xf32, #tpu.memory_space<hbm>>
      %dma_start3A_52 = arith.constant 0 : i32
      %dma_start3A_53 = tpu.memref_slice %arg12[%add3A, %dma_start3A_52] : memref<32x16xf32, #tpu.memory_space<hbm>> -> memref<1x16xf32, #tpu.memory_space<hbm>>
      %dma_start3A_54 = tpu.memref_squeeze %dma_start3A_53 : memref<1x16xf32, #tpu.memory_space<hbm>> -> memref<16xf32, #tpu.memory_space<hbm>>
      %dma_start3A_55 = arith.constant 0 : i32
      %dma_start3A_56 = tpu.memref_slice %arg27[%run_scoped3A, %dma_start3A_55] : memref<2x16xf32, #tpu.memory_space<vmem>> -> memref<1x16xf32, #tpu.memory_space<vmem>>
      %dma_start3A_57 = tpu.memref_squeeze %dma_start3A_56 : memref<1x16xf32, #tpu.memory_space<vmem>> -> memref<16xf32, #tpu.memory_space<vmem>>
      tpu.enqueue_dma source(%dma_start3A_57 : memref<16xf32, #tpu.memory_space<vmem>>) target(%dma_start3A_54 : memref<16xf32, #tpu.memory_space<hbm>>) target_semaphore(%run_scoped3A_45 : memref<!tpu.dma_semaphore, #tpu.memory_space<semaphore_mem>>)
      %dma_wait3A_58 = arith.constant 0 : i32
      %dma_wait3A_59 = tpu.memref_slice %arg27[%run_scoped3A, %dma_wait3A_58] : memref<2x16xf32, #tpu.memory_space<vmem>> -> memref<1x16xf32, #tpu.memory_space<vmem>>
      %dma_wait3A_60 = tpu.memref_squeeze %dma_wait3A_59 : memref<1x16xf32, #tpu.memory_space<vmem>> -> memref<16xf32, #tpu.memory_space<vmem>>
      %dma_wait3A_61 = arith.constant 0 : i32
      %dma_wait3A_62 = tpu.memref_slice %arg12[%add3A, %dma_wait3A_61] : memref<32x16xf32, #tpu.memory_space<hbm>> -> memref<1x16xf32, #tpu.memory_space<hbm>>
      %dma_wait3A_63 = tpu.memref_squeeze %dma_wait3A_62 : memref<1x16xf32, #tpu.memory_space<hbm>> -> memref<16xf32, #tpu.memory_space<hbm>>
      %dma_wait3A_64 = arith.constant 0 : i32
      %dma_wait3A_65 = tpu.memref_slice %arg12[%add3A, %dma_wait3A_64] : memref<32x16xf32, #tpu.memory_space<hbm>> -> memref<1x16xf32, #tpu.memory_space<hbm>>
      %dma_wait3A_66 = tpu.memref_squeeze %dma_wait3A_65 : memref<1x16xf32, #tpu.memory_space<hbm>> -> memref<16xf32, #tpu.memory_space<hbm>>
      %dma_wait3A_67 = arith.constant 0 : i32
      %dma_wait3A_68 = tpu.memref_slice %arg27[%run_scoped3A, %dma_wait3A_67] : memref<2x16xf32, #tpu.memory_space<vmem>> -> memref<1x16xf32, #tpu.memory_space<vmem>>
      %dma_wait3A_69 = tpu.memref_squeeze %dma_wait3A_68 : memref<1x16xf32, #tpu.memory_space<vmem>> -> memref<16xf32, #tpu.memory_space<vmem>>
      tpu.wait_dma2 semaphore(%run_scoped3A_45 : memref<!tpu.dma_semaphore, #tpu.memory_space<semaphore_mem>>) src(%dma_wait3A_69 : memref<16xf32, #tpu.memory_space<vmem>>) dst(%dma_wait3A_66 : memref<16xf32, #tpu.memory_space<hbm>>)
      tpu.yield
    }) : () -> ()
    %run_scoped3A_44 = arith.constant 1 : i32
    "tpu.region"() ({
      %run_scoped3A_45 = tpu.sem_alloc : memref<!tpu.dma_semaphore, #tpu.memory_space<semaphore_mem>>
      %dma_start3A_46 = arith.constant 0 : i32
      %dma_start3A_47 = tpu.memref_slice %arg27[%run_scoped3A_44, %dma_start3A_46] : memref<2x16xf32, #tpu.memory_space<vmem>> -> memref<1x16xf32, #tpu.memory_space<vmem>>
      %dma_start3A_48 = tpu.memref_squeeze %dma_start3A_47 : memref<1x16xf32, #tpu.memory_space<vmem>> -> memref<16xf32, #tpu.memory_space<vmem>>
      %dma_start3A_49 = arith.constant 0 : i32
      %dma_start3A_50 = tpu.memref_slice %arg13[%add3A, %dma_start3A_49] : memref<32x16xf32, #tpu.memory_space<hbm>> -> memref<1x16xf32, #tpu.memory_space<hbm>>
      %dma_start3A_51 = tpu.memref_squeeze %dma_start3A_50 : memref<1x16xf32, #tpu.memory_space<hbm>> -> memref<16xf32, #tpu.memory_space<hbm>>
      %dma_start3A_52 = arith.constant 0 : i32
      %dma_start3A_53 = tpu.memref_slice %arg13[%add3A, %dma_start3A_52] : memref<32x16xf32, #tpu.memory_space<hbm>> -> memref<1x16xf32, #tpu.memory_space<hbm>>
      %dma_start3A_54 = tpu.memref_squeeze %dma_start3A_53 : memref<1x16xf32, #tpu.memory_space<hbm>> -> memref<16xf32, #tpu.memory_space<hbm>>
      %dma_start3A_55 = arith.constant 0 : i32
      %dma_start3A_56 = tpu.memref_slice %arg27[%run_scoped3A_44, %dma_start3A_55] : memref<2x16xf32, #tpu.memory_space<vmem>> -> memref<1x16xf32, #tpu.memory_space<vmem>>
      %dma_start3A_57 = tpu.memref_squeeze %dma_start3A_56 : memref<1x16xf32, #tpu.memory_space<vmem>> -> memref<16xf32, #tpu.memory_space<vmem>>
      tpu.enqueue_dma source(%dma_start3A_57 : memref<16xf32, #tpu.memory_space<vmem>>) target(%dma_start3A_54 : memref<16xf32, #tpu.memory_space<hbm>>) target_semaphore(%run_scoped3A_45 : memref<!tpu.dma_semaphore, #tpu.memory_space<semaphore_mem>>)
      %dma_wait3A_58 = arith.constant 0 : i32
      %dma_wait3A_59 = tpu.memref_slice %arg27[%run_scoped3A_44, %dma_wait3A_58] : memref<2x16xf32, #tpu.memory_space<vmem>> -> memref<1x16xf32, #tpu.memory_space<vmem>>
      %dma_wait3A_60 = tpu.memref_squeeze %dma_wait3A_59 : memref<1x16xf32, #tpu.memory_space<vmem>> -> memref<16xf32, #tpu.memory_space<vmem>>
      %dma_wait3A_61 = arith.constant 0 : i32
      %dma_wait3A_62 = tpu.memref_slice %arg13[%add3A, %dma_wait3A_61] : memref<32x16xf32, #tpu.memory_space<hbm>> -> memref<1x16xf32, #tpu.memory_space<hbm>>
      %dma_wait3A_63 = tpu.memref_squeeze %dma_wait3A_62 : memref<1x16xf32, #tpu.memory_space<hbm>> -> memref<16xf32, #tpu.memory_space<hbm>>
      %dma_wait3A_64 = arith.constant 0 : i32
      %dma_wait3A_65 = tpu.memref_slice %arg13[%add3A, %dma_wait3A_64] : memref<32x16xf32, #tpu.memory_space<hbm>> -> memref<1x16xf32, #tpu.memory_space<hbm>>
      %dma_wait3A_66 = tpu.memref_squeeze %dma_wait3A_65 : memref<1x16xf32, #tpu.memory_space<hbm>> -> memref<16xf32, #tpu.memory_space<hbm>>
      %dma_wait3A_67 = arith.constant 0 : i32
      %dma_wait3A_68 = tpu.memref_slice %arg27[%run_scoped3A_44, %dma_wait3A_67] : memref<2x16xf32, #tpu.memory_space<vmem>> -> memref<1x16xf32, #tpu.memory_space<vmem>>
      %dma_wait3A_69 = tpu.memref_squeeze %dma_wait3A_68 : memref<1x16xf32, #tpu.memory_space<vmem>> -> memref<16xf32, #tpu.memory_space<vmem>>
      tpu.wait_dma2 semaphore(%run_scoped3A_45 : memref<!tpu.dma_semaphore, #tpu.memory_space<semaphore_mem>>) src(%dma_wait3A_69 : memref<16xf32, #tpu.memory_space<vmem>>) dst(%dma_wait3A_66 : memref<16xf32, #tpu.memory_space<hbm>>)
      tpu.yield
    }) : () -> ()
    return
  }
}

module attributes {stable_mosaic.version = 14 : i64} {
  func.func @_t1_body(%arg0: i32, %arg1: memref<2000x128xf32, #tpu.memory_space<vmem>>, %arg2: memref<128x128xf32, #tpu.memory_space<vmem>>, %arg3: memref<1x128xf32, #tpu.memory_space<vmem>>, %arg4: memref<128x128xf32, #tpu.memory_space<vmem>>, %arg5: memref<1x128xf32, #tpu.memory_space<vmem>>, %arg6: memref<128x128xf32, #tpu.memory_space<vmem>>, %arg7: memref<128x128xf32, #tpu.memory_space<vmem>>, %arg8: memref<2000x128xf32, #tpu.memory_space<vmem>>, %arg9: memref<2000x128xf32, #tpu.memory_space<vmem>>) attributes {dimension_semantics = [#tpu.dimension_semantics<arbitrary>], iteration_bounds = array<i64: 50>, scalar_prefetch = 0 : i64, scratch_operands = 0 : i64, tpu.core_type = #tpu.core_type<tc>, window_params = [{transform_indices = @transform_0, window_bounds = array<i64: 2000, 128>}, {pipeline_mode = #tpu.pipeline_mode<synchronous>, transform_indices = @transform_1, window_bounds = array<i64: 128, 128>}, {pipeline_mode = #tpu.pipeline_mode<synchronous>, transform_indices = @transform_2, window_bounds = array<i64: 1, 128>}, {pipeline_mode = #tpu.pipeline_mode<synchronous>, transform_indices = @transform_3, window_bounds = array<i64: 128, 128>}, {pipeline_mode = #tpu.pipeline_mode<synchronous>, transform_indices = @transform_4, window_bounds = array<i64: 1, 128>}, {pipeline_mode = #tpu.pipeline_mode<synchronous>, transform_indices = @transform_5, window_bounds = array<i64: 128, 128>}, {pipeline_mode = #tpu.pipeline_mode<synchronous>, transform_indices = @transform_6, window_bounds = array<i64: 128, 128>}, {transform_indices = @transform_7, window_bounds = array<i64: 2000, 128>}, {transform_indices = @transform_8, window_bounds = array<i64: 2000, 128>}]} {
    %get3A = arith.constant 0 : index
    %get3A_0 = arith.constant 0 : index
    %get3A_1 = vector.load %arg1[%get3A, %get3A_0] : memref<2000x128xf32, #tpu.memory_space<vmem>>, vector<2000x128xf32>
    %get3A_2 = arith.constant 0 : index
    %get3A_3 = arith.constant 0 : index
    %get3A_4 = vector.load %arg2[%get3A_2, %get3A_3] : memref<128x128xf32, #tpu.memory_space<vmem>>, vector<128x128xf32>
    %dot_general3A = arith.constant dense<0.000000e+00> : vector<2000x128xf32>
    %dot_general3A_5 = tpu.matmul %get3A_1, %get3A_4, %dot_general3A {dimension_numbers = #tpu.dot_dimension_numbers<[1], [0], [0], [1], [0, 0, 1, 1], [], []>, transpose_lhs_hint = false} : vector<2000x128xf32>, vector<128x128xf32>, vector<2000x128xf32> -> vector<2000x128xf32>
    %get3A_6 = arith.constant 0 : index
    %get3A_7 = arith.constant 0 : index
    %get3A_8 = vector.load %arg3[%get3A_6, %get3A_7] : memref<1x128xf32, #tpu.memory_space<vmem>>, vector<1x128xf32>
    %add3A = vector.broadcast %get3A_8 : vector<1x128xf32> to vector<2000x128xf32>
    %add3A_9 = arith.addf %dot_general3A_5, %add3A : vector<2000x128xf32>
    %max3A = arith.constant 0.000000e+00 : f32
    %max3A_10 = vector.broadcast %max3A : f32 to vector<2000x128xf32>
    %max3A_11 = arith.maximumf %add3A_9, %max3A_10 : vector<2000x128xf32>
    %get3A_12 = arith.constant 0 : index
    %get3A_13 = arith.constant 0 : index
    %get3A_14 = vector.load %arg6[%get3A_12, %get3A_13] : memref<128x128xf32, #tpu.memory_space<vmem>>, vector<128x128xf32>
    %dot_general3A_15 = arith.constant dense<0.000000e+00> : vector<2000x128xf32>
    %dot_general3A_16 = tpu.matmul %max3A_11, %get3A_14, %dot_general3A_15 {dimension_numbers = #tpu.dot_dimension_numbers<[1], [0], [0], [1], [0, 0, 1, 1], [], []>, transpose_lhs_hint = false} : vector<2000x128xf32>, vector<128x128xf32>, vector<2000x128xf32> -> vector<2000x128xf32>
    %swap3A = arith.constant 0 : index
    %swap3A_17 = arith.constant 0 : index
    %swap3A_18 = vector.load %arg8[%swap3A, %swap3A_17] : memref<2000x128xf32, #tpu.memory_space<vmem>>, vector<2000x128xf32>
    tpu.vector_store %arg8[%swap3A, %swap3A_17], %dot_general3A_16 {strides = array<i32>} : memref<2000x128xf32, #tpu.memory_space<vmem>>, vector<2000x128xf32>,
    %get3A_19 = arith.constant 0 : index
    %get3A_20 = arith.constant 0 : index
    %get3A_21 = vector.load %arg4[%get3A_19, %get3A_20] : memref<128x128xf32, #tpu.memory_space<vmem>>, vector<128x128xf32>
    %dot_general3A_22 = arith.constant dense<0.000000e+00> : vector<2000x128xf32>
    %dot_general3A_23 = tpu.matmul %get3A_1, %get3A_21, %dot_general3A_22 {dimension_numbers = #tpu.dot_dimension_numbers<[1], [0], [0], [1], [0, 0, 1, 1], [], []>, transpose_lhs_hint = false} : vector<2000x128xf32>, vector<128x128xf32>, vector<2000x128xf32> -> vector<2000x128xf32>
    %get3A_24 = arith.constant 0 : index
    %get3A_25 = arith.constant 0 : index
    %get3A_26 = vector.load %arg5[%get3A_24, %get3A_25] : memref<1x128xf32, #tpu.memory_space<vmem>>, vector<1x128xf32>
    %add3A_27 = vector.broadcast %get3A_26 : vector<1x128xf32> to vector<2000x128xf32>
    %add3A_28 = arith.addf %dot_general3A_23, %add3A_27 : vector<2000x128xf32>
    %max3A_29 = arith.constant 0.000000e+00 : f32
    %max3A_30 = vector.broadcast %max3A_29 : f32 to vector<2000x128xf32>
    %max3A_31 = arith.maximumf %add3A_28, %max3A_30 : vector<2000x128xf32>
    %get3A_32 = arith.constant 0 : index
    %get3A_33 = arith.constant 0 : index
    %get3A_34 = vector.load %arg7[%get3A_32, %get3A_33] : memref<128x128xf32, #tpu.memory_space<vmem>>, vector<128x128xf32>
    %dot_general3A_35 = arith.constant dense<0.000000e+00> : vector<2000x128xf32>
    %dot_general3A_36 = tpu.matmul %max3A_31, %get3A_34, %dot_general3A_35 {dimension_numbers = #tpu.dot_dimension_numbers<[1], [0], [0], [1], [0, 0, 1, 1], [], []>, transpose_lhs_hint = false} : vector<2000x128xf32>, vector<128x128xf32>, vector<2000x128xf32> -> vector<2000x128xf32>
    %swap3A_37 = arith.constant 0 : index
    %swap3A_38 = arith.constant 0 : index
    %swap3A_39 = vector.load %arg9[%swap3A_37, %swap3A_38] : memref<2000x128xf32, #tpu.memory_space<vmem>>, vector<2000x128xf32>
    tpu.vector_store %arg9[%swap3A_37, %swap3A_38], %dot_general3A_36 {strides = array<i32>} : memref<2000x128xf32, #tpu.memory_space<vmem>>, vector<2000x128xf32>,
    return
  }
  func.func @transform_0(%arg0: i32) -> (i32, i32) {
    %c0_i32 = arith.constant 0 : i32
    %c0_i32_0 = arith.constant 0 : i32
    return %arg0, %c0_i32 : i32, i32
  }
  func.func @transform_1(%arg0: i32) -> (i32, i32) {
    %c0_i32 = arith.constant 0 : i32
    %c0_i32_0 = arith.constant 0 : i32
    %c0_i32_1 = arith.constant 0 : i32
    return %c0_i32, %c0_i32_0 : i32, i32
  }
  func.func @transform_2(%arg0: i32) -> (i32, i32) {
    %c0_i32 = arith.constant 0 : i32
    %c0_i32_0 = arith.constant 0 : i32
    %c0_i32_1 = arith.constant 0 : i32
    return %c0_i32, %c0_i32_0 : i32, i32
  }
  func.func @transform_3(%arg0: i32) -> (i32, i32) {
    %c0_i32 = arith.constant 0 : i32
    %c0_i32_0 = arith.constant 0 : i32
    %c0_i32_1 = arith.constant 0 : i32
    return %c0_i32, %c0_i32_0 : i32, i32
  }
  func.func @transform_4(%arg0: i32) -> (i32, i32) {
    %c0_i32 = arith.constant 0 : i32
    %c0_i32_0 = arith.constant 0 : i32
    %c0_i32_1 = arith.constant 0 : i32
    return %c0_i32, %c0_i32_0 : i32, i32
  }
  func.func @transform_5(%arg0: i32) -> (i32, i32) {
    %c0_i32 = arith.constant 0 : i32
    %c0_i32_0 = arith.constant 0 : i32
    %c0_i32_1 = arith.constant 0 : i32
    return %c0_i32, %c0_i32_0 : i32, i32
  }
  func.func @transform_6(%arg0: i32) -> (i32, i32) {
    %c0_i32 = arith.constant 0 : i32
    %c0_i32_0 = arith.constant 0 : i32
    %c0_i32_1 = arith.constant 0 : i32
    return %c0_i32, %c0_i32_0 : i32, i32
  }
  func.func @transform_7(%arg0: i32) -> (i32, i32) {
    %c0_i32 = arith.constant 0 : i32
    %c0_i32_0 = arith.constant 0 : i32
    return %arg0, %c0_i32 : i32, i32
  }
  func.func @transform_8(%arg0: i32) -> (i32, i32) {
    %c0_i32 = arith.constant 0 : i32
    %c0_i32_0 = arith.constant 0 : i32
    return %arg0, %c0_i32 : i32, i32
  }
}

module attributes {stable_mosaic.version = 14 : i64} {
  func.func @_t3b_body(%arg0: i32, %arg1: memref<512x128xf32, #tpu.memory_space<vmem>>, %arg2: memref<512x10x128xf32, #tpu.memory_space<vmem>>, %arg3: memref<512x10xf32, #tpu.memory_space<vmem>>, %arg4: memref<128x128xf32, #tpu.memory_space<vmem>>, %arg5: memref<1x128xf32, #tpu.memory_space<vmem>>, %arg6: memref<128x128xf32, #tpu.memory_space<vmem>>, %arg7: memref<1x128xf32, #tpu.memory_space<vmem>>, %arg8: memref<128x128xf32, #tpu.memory_space<vmem>>, %arg9: memref<128x128xf32, #tpu.memory_space<vmem>>, %arg10: memref<1x128xf32, #tpu.memory_space<vmem>>, %arg11: memref<32x16xf32, #tpu.memory_space<vmem>>, %arg12: memref<32x16xf32, #tpu.memory_space<vmem>>, %arg13: memref<512x128xf32, #tpu.memory_space<vmem>>, %arg14: memref<1x128xf32, #tpu.memory_space<vmem>>) attributes {dimension_semantics = [#tpu.dimension_semantics<arbitrary>], iteration_bounds = array<i64: 8>, scalar_prefetch = 0 : i64, scratch_operands = 0 : i64, tpu.core_type = #tpu.core_type<tc>, window_params = [{transform_indices = @transform_0, window_bounds = array<i64: 512, 128>}, {transform_indices = @transform_1, window_bounds = array<i64: 512, 10, 128>}, {transform_indices = @transform_2, window_bounds = array<i64: 512, 10>}, {pipeline_mode = #tpu.pipeline_mode<synchronous>, transform_indices = @transform_3, window_bounds = array<i64: 128, 128>}, {pipeline_mode = #tpu.pipeline_mode<synchronous>, transform_indices = @transform_4, window_bounds = array<i64: 1, 128>}, {pipeline_mode = #tpu.pipeline_mode<synchronous>, transform_indices = @transform_5, window_bounds = array<i64: 128, 128>}, {pipeline_mode = #tpu.pipeline_mode<synchronous>, transform_indices = @transform_6, window_bounds = array<i64: 1, 128>}, {pipeline_mode = #tpu.pipeline_mode<synchronous>, transform_indices = @transform_7, window_bounds = array<i64: 128, 128>}, {pipeline_mode = #tpu.pipeline_mode<synchronous>, transform_indices = @transform_8, window_bounds = array<i64: 128, 128>}, {pipeline_mode = #tpu.pipeline_mode<synchronous>, transform_indices = @transform_9, window_bounds = array<i64: 1, 128>}, {pipeline_mode = #tpu.pipeline_mode<synchronous>, transform_indices = @transform_10, window_bounds = array<i64: 32, 16>}, {pipeline_mode = #tpu.pipeline_mode<synchronous>, transform_indices = @transform_11, window_bounds = array<i64: 32, 16>}, {transform_indices = @transform_12, window_bounds = array<i64: 512, 128>}, {pipeline_mode = #tpu.pipeline_mode<synchronous>, transform_indices = @transform_13, window_bounds = array<i64: 1, 128>}]} {
    %get3A = arith.constant 0 : index
    %get3A_0 = arith.constant 0 : index
    %get3A_1 = vector.load %arg11[%get3A, %get3A_0] : memref<32x16xf32, #tpu.memory_space<vmem>>, vector<32x16xf32>
    %reduce_sum3A = vector.shape_cast %get3A_1 : vector<32x16xf32> to vector<1x32x16xf32>
    %reduce_sum3A_2 = arith.constant dense<0.000000e+00> : vector<1xf32>
    %reduce_sum3A_3 = vector.multi_reduction <add>, %reduce_sum3A, %reduce_sum3A_2 [1, 2] : vector<1x32x16xf32> to vector<1xf32>
    %reduce_sum3A_4 = vector.shape_cast %reduce_sum3A_3 : vector<1xf32> to vector<1x1x1xf32>
    %reduce_sum3A_5 = vector.extract %reduce_sum3A_4[0, 0, 0] : f32 from vector<1x1x1xf32>
    %sqrt3A = math.sqrt %reduce_sum3A_5 : f32
    %get3A_6 = arith.constant 0 : index
    %get3A_7 = arith.constant 0 : index
    %get3A_8 = vector.load %arg12[%get3A_6, %get3A_7] : memref<32x16xf32, #tpu.memory_space<vmem>>, vector<32x16xf32>
    %reduce_sum3A_9 = vector.shape_cast %get3A_8 : vector<32x16xf32> to vector<1x32x16xf32>
    %reduce_sum3A_10 = arith.constant dense<0.000000e+00> : vector<1xf32>
    %reduce_sum3A_11 = vector.multi_reduction <add>, %reduce_sum3A_9, %reduce_sum3A_10 [1, 2] : vector<1x32x16xf32> to vector<1xf32>
    %reduce_sum3A_12 = vector.shape_cast %reduce_sum3A_11 : vector<1xf32> to vector<1x1x1xf32>
    %reduce_sum3A_13 = vector.extract %reduce_sum3A_12[0, 0, 0] : f32 from vector<1x1x1xf32>
    %sqrt3A_14 = math.sqrt %reduce_sum3A_13 : f32
    %get3A_15 = arith.constant 0 : index
    %get3A_16 = arith.constant 0 : index
    %get3A_17 = vector.load %arg1[%get3A_15, %get3A_16] : memref<512x128xf32, #tpu.memory_space<vmem>>, vector<512x128xf32>
    %get3A_18 = arith.constant 0 : index
    %get3A_19 = arith.constant 0 : index
    %get3A_20 = vector.load %arg4[%get3A_18, %get3A_19] : memref<128x128xf32, #tpu.memory_space<vmem>>, vector<128x128xf32>
    %dot_general3A = arith.constant dense<0.000000e+00> : vector<512x128xf32>
    %dot_general3A_21 = tpu.matmul %get3A_17, %get3A_20, %dot_general3A {dimension_numbers = #tpu.dot_dimension_numbers<[1], [0], [0], [1], [0, 0, 1, 1], [], []>, transpose_lhs_hint = false} : vector<512x128xf32>, vector<128x128xf32>, vector<512x128xf32> -> vector<512x128xf32>
    %get3A_22 = arith.constant 0 : index
    %get3A_23 = arith.constant 0 : index
    %get3A_24 = vector.load %arg5[%get3A_22, %get3A_23] : memref<1x128xf32, #tpu.memory_space<vmem>>, vector<1x128xf32>
    %mul3A = vector.broadcast %sqrt3A : f32 to vector<1x128xf32>
    %mul3A_25 = arith.mulf %mul3A, %get3A_24 : vector<1x128xf32>
    %add3A = vector.broadcast %mul3A_25 : vector<1x128xf32> to vector<512x128xf32>
    %add3A_26 = arith.addf %dot_general3A_21, %add3A : vector<512x128xf32>
    %max3A = arith.constant 0.000000e+00 : f32
    %max3A_27 = vector.broadcast %max3A : f32 to vector<512x128xf32>
    %max3A_28 = arith.maximumf %add3A_26, %max3A_27 : vector<512x128xf32>
    %get3A_29 = arith.constant 0 : index
    %get3A_30 = arith.constant 0 : index
    %get3A_31 = vector.load %arg3[%get3A_29, %get3A_30] : memref<512x10xf32, #tpu.memory_space<vmem>>, vector<512x10xf32>
    %broadcast_in_dim3A = arith.constant 0.000000e+00 : f32
    %broadcast_in_dim3A_32 = vector.broadcast %broadcast_in_dim3A : f32 to vector<512x128xf32>
    %get3A_33 = arith.constant 0 : index
    %get3A_34 = arith.constant 0 : index
    %get3A_35 = arith.constant 0 : index
    %get3A_36 = vector.load %arg2[%get3A_33, %get3A_34, %get3A_35] : memref<512x10x128xf32, #tpu.memory_space<vmem>>, vector<512x1x128xf32>
    %get3A_37 = vector.shape_cast %get3A_36 : vector<512x1x128xf32> to vector<512x128xf32>
    %get3A_38 = arith.constant 0 : index
    %get3A_39 = arith.constant 0 : index
    %get3A_40 = vector.load %arg6[%get3A_38, %get3A_39] : memref<128x128xf32, #tpu.memory_space<vmem>>, vector<128x128xf32>
    %dot_general3A_41 = arith.constant dense<0.000000e+00> : vector<512x128xf32>
    %dot_general3A_42 = tpu.matmul %get3A_37, %get3A_40, %dot_general3A_41 {dimension_numbers = #tpu.dot_dimension_numbers<[1], [0], [0], [1], [0, 0, 1, 1], [], []>, transpose_lhs_hint = false} : vector<512x128xf32>, vector<128x128xf32>, vector<512x128xf32> -> vector<512x128xf32>
    %get3A_43 = arith.constant 0 : index
    %get3A_44 = arith.constant 0 : index
    %get3A_45 = vector.load %arg7[%get3A_43, %get3A_44] : memref<1x128xf32, #tpu.memory_space<vmem>>, vector<1x128xf32>
    %mul3A_46 = vector.broadcast %sqrt3A_14 : f32 to vector<1x128xf32>
    %mul3A_47 = arith.mulf %mul3A_46, %get3A_45 : vector<1x128xf32>
    %add3A_48 = vector.broadcast %mul3A_47 : vector<1x128xf32> to vector<512x128xf32>
    %add3A_49 = arith.addf %dot_general3A_42, %add3A_48 : vector<512x128xf32>
    %max3A_50 = arith.constant 0.000000e+00 : f32
    %max3A_51 = vector.broadcast %max3A_50 : f32 to vector<512x128xf32>
    %max3A_52 = arith.maximumf %add3A_49, %max3A_51 : vector<512x128xf32>
    %slice3A = vector.extract_strided_slice %get3A_31 {offsets = [0, 0], sizes = [512, 1], strides = [1, 1]} : vector<512x10xf32> to vector<512x1xf32>
    %mul3A_53 = vector.broadcast %slice3A : vector<512x1xf32> to vector<512x128xf32>
    %mul3A_54 = arith.mulf %mul3A_53, %max3A_52 : vector<512x128xf32>
    %add3A_55 = arith.addf %broadcast_in_dim3A_32, %mul3A_54 : vector<512x128xf32>
    %get3A_56 = arith.constant 0 : index
    %get3A_57 = arith.constant 1 : index
    %get3A_58 = arith.constant 0 : index
    %get3A_59 = vector.load %arg2[%get3A_56, %get3A_57, %get3A_58] : memref<512x10x128xf32, #tpu.memory_space<vmem>>, vector<512x1x128xf32>
    %get3A_60 = vector.shape_cast %get3A_59 : vector<512x1x128xf32> to vector<512x128xf32>
    %get3A_61 = arith.constant 0 : index
    %get3A_62 = arith.constant 0 : index
    %get3A_63 = vector.load %arg6[%get3A_61, %get3A_62] : memref<128x128xf32, #tpu.memory_space<vmem>>, vector<128x128xf32>
    %dot_general3A_64 = arith.constant dense<0.000000e+00> : vector<512x128xf32>
    %dot_general3A_65 = tpu.matmul %get3A_60, %get3A_63, %dot_general3A_64 {dimension_numbers = #tpu.dot_dimension_numbers<[1], [0], [0], [1], [0, 0, 1, 1], [], []>, transpose_lhs_hint = false} : vector<512x128xf32>, vector<128x128xf32>, vector<512x128xf32> -> vector<512x128xf32>
    %get3A_66 = arith.constant 0 : index
    %get3A_67 = arith.constant 0 : index
    %get3A_68 = vector.load %arg7[%get3A_66, %get3A_67] : memref<1x128xf32, #tpu.memory_space<vmem>>, vector<1x128xf32>
    %mul3A_69 = vector.broadcast %sqrt3A_14 : f32 to vector<1x128xf32>
    %mul3A_70 = arith.mulf %mul3A_69, %get3A_68 : vector<1x128xf32>
    %add3A_71 = vector.broadcast %mul3A_70 : vector<1x128xf32> to vector<512x128xf32>
    %add3A_72 = arith.addf %dot_general3A_65, %add3A_71 : vector<512x128xf32>
    %max3A_73 = arith.constant 0.000000e+00 : f32
    %max3A_74 = vector.broadcast %max3A_73 : f32 to vector<512x128xf32>
    %max3A_75 = arith.maximumf %add3A_72, %max3A_74 : vector<512x128xf32>
    %slice3A_76 = vector.extract_strided_slice %get3A_31 {offsets = [0, 1], sizes = [512, 1], strides = [1, 1]} : vector<512x10xf32> to vector<512x1xf32>
    %mul3A_77 = vector.broadcast %slice3A_76 : vector<512x1xf32> to vector<512x128xf32>
    %mul3A_78 = arith.mulf %mul3A_77, %max3A_75 : vector<512x128xf32>
    %add3A_79 = arith.addf %add3A_55, %mul3A_78 : vector<512x128xf32>
    %get3A_80 = arith.constant 0 : index
    %get3A_81 = arith.constant 2 : index
    %get3A_82 = arith.constant 0 : index
    %get3A_83 = vector.load %arg2[%get3A_80, %get3A_81, %get3A_82] : memref<512x10x128xf32, #tpu.memory_space<vmem>>, vector<512x1x128xf32>
    %get3A_84 = vector.shape_cast %get3A_83 : vector<512x1x128xf32> to vector<512x128xf32>
    %get3A_85 = arith.constant 0 : index
    %get3A_86 = arith.constant 0 : index
    %get3A_87 = vector.load %arg6[%get3A_85, %get3A_86] : memref<128x128xf32, #tpu.memory_space<vmem>>, vector<128x128xf32>
    %dot_general3A_88 = arith.constant dense<0.000000e+00> : vector<512x128xf32>
    %dot_general3A_89 = tpu.matmul %get3A_84, %get3A_87, %dot_general3A_88 {dimension_numbers = #tpu.dot_dimension_numbers<[1], [0], [0], [1], [0, 0, 1, 1], [], []>, transpose_lhs_hint = false} : vector<512x128xf32>, vector<128x128xf32>, vector<512x128xf32> -> vector<512x128xf32>
    %get3A_90 = arith.constant 0 : index
    %get3A_91 = arith.constant 0 : index
    %get3A_92 = vector.load %arg7[%get3A_90, %get3A_91] : memref<1x128xf32, #tpu.memory_space<vmem>>, vector<1x128xf32>
    %mul3A_93 = vector.broadcast %sqrt3A_14 : f32 to vector<1x128xf32>
    %mul3A_94 = arith.mulf %mul3A_93, %get3A_92 : vector<1x128xf32>
    %add3A_95 = vector.broadcast %mul3A_94 : vector<1x128xf32> to vector<512x128xf32>
    %add3A_96 = arith.addf %dot_general3A_89, %add3A_95 : vector<512x128xf32>
    %max3A_97 = arith.constant 0.000000e+00 : f32
    %max3A_98 = vector.broadcast %max3A_97 : f32 to vector<512x128xf32>
    %max3A_99 = arith.maximumf %add3A_96, %max3A_98 : vector<512x128xf32>
    %slice3A_100 = vector.extract_strided_slice %get3A_31 {offsets = [0, 2], sizes = [512, 1], strides = [1, 1]} : vector<512x10xf32> to vector<512x1xf32>
    %mul3A_101 = vector.broadcast %slice3A_100 : vector<512x1xf32> to vector<512x128xf32>
    %mul3A_102 = arith.mulf %mul3A_101, %max3A_99 : vector<512x128xf32>
    %add3A_103 = arith.addf %add3A_79, %mul3A_102 : vector<512x128xf32>
    %get3A_104 = arith.constant 0 : index
    %get3A_105 = arith.constant 3 : index
    %get3A_106 = arith.constant 0 : index
    %get3A_107 = vector.load %arg2[%get3A_104, %get3A_105, %get3A_106] : memref<512x10x128xf32, #tpu.memory_space<vmem>>, vector<512x1x128xf32>
    %get3A_108 = vector.shape_cast %get3A_107 : vector<512x1x128xf32> to vector<512x128xf32>
    %get3A_109 = arith.constant 0 : index
    %get3A_110 = arith.constant 0 : index
    %get3A_111 = vector.load %arg6[%get3A_109, %get3A_110] : memref<128x128xf32, #tpu.memory_space<vmem>>, vector<128x128xf32>
    %dot_general3A_112 = arith.constant dense<0.000000e+00> : vector<512x128xf32>
    %dot_general3A_113 = tpu.matmul %get3A_108, %get3A_111, %dot_general3A_112 {dimension_numbers = #tpu.dot_dimension_numbers<[1], [0], [0], [1], [0, 0, 1, 1], [], []>, transpose_lhs_hint = false} : vector<512x128xf32>, vector<128x128xf32>, vector<512x128xf32> -> vector<512x128xf32>
    %get3A_114 = arith.constant 0 : index
    %get3A_115 = arith.constant 0 : index
    %get3A_116 = vector.load %arg7[%get3A_114, %get3A_115] : memref<1x128xf32, #tpu.memory_space<vmem>>, vector<1x128xf32>
    %mul3A_117 = vector.broadcast %sqrt3A_14 : f32 to vector<1x128xf32>
    %mul3A_118 = arith.mulf %mul3A_117, %get3A_116 : vector<1x128xf32>
    %add3A_119 = vector.broadcast %mul3A_118 : vector<1x128xf32> to vector<512x128xf32>
    %add3A_120 = arith.addf %dot_general3A_113, %add3A_119 : vector<512x128xf32>
    %max3A_121 = arith.constant 0.000000e+00 : f32
    %max3A_122 = vector.broadcast %max3A_121 : f32 to vector<512x128xf32>
    %max3A_123 = arith.maximumf %add3A_120, %max3A_122 : vector<512x128xf32>
    %slice3A_124 = vector.extract_strided_slice %get3A_31 {offsets = [0, 3], sizes = [512, 1], strides = [1, 1]} : vector<512x10xf32> to vector<512x1xf32>
    %mul3A_125 = vector.broadcast %slice3A_124 : vector<512x1xf32> to vector<512x128xf32>
    %mul3A_126 = arith.mulf %mul3A_125, %max3A_123 : vector<512x128xf32>
    %add3A_127 = arith.addf %add3A_103, %mul3A_126 : vector<512x128xf32>
    %get3A_128 = arith.constant 0 : index
    %get3A_129 = arith.constant 4 : index
    %get3A_130 = arith.constant 0 : index
    %get3A_131 = vector.load %arg2[%get3A_128, %get3A_129, %get3A_130] : memref<512x10x128xf32, #tpu.memory_space<vmem>>, vector<512x1x128xf32>
    %get3A_132 = vector.shape_cast %get3A_131 : vector<512x1x128xf32> to vector<512x128xf32>
    %get3A_133 = arith.constant 0 : index
    %get3A_134 = arith.constant 0 : index
    %get3A_135 = vector.load %arg6[%get3A_133, %get3A_134] : memref<128x128xf32, #tpu.memory_space<vmem>>, vector<128x128xf32>
    %dot_general3A_136 = arith.constant dense<0.000000e+00> : vector<512x128xf32>
    %dot_general3A_137 = tpu.matmul %get3A_132, %get3A_135, %dot_general3A_136 {dimension_numbers = #tpu.dot_dimension_numbers<[1], [0], [0], [1], [0, 0, 1, 1], [], []>, transpose_lhs_hint = false} : vector<512x128xf32>, vector<128x128xf32>, vector<512x128xf32> -> vector<512x128xf32>
    %get3A_138 = arith.constant 0 : index
    %get3A_139 = arith.constant 0 : index
    %get3A_140 = vector.load %arg7[%get3A_138, %get3A_139] : memref<1x128xf32, #tpu.memory_space<vmem>>, vector<1x128xf32>
    %mul3A_141 = vector.broadcast %sqrt3A_14 : f32 to vector<1x128xf32>
    %mul3A_142 = arith.mulf %mul3A_141, %get3A_140 : vector<1x128xf32>
    %add3A_143 = vector.broadcast %mul3A_142 : vector<1x128xf32> to vector<512x128xf32>
    %add3A_144 = arith.addf %dot_general3A_137, %add3A_143 : vector<512x128xf32>
    %max3A_145 = arith.constant 0.000000e+00 : f32
    %max3A_146 = vector.broadcast %max3A_145 : f32 to vector<512x128xf32>
    %max3A_147 = arith.maximumf %add3A_144, %max3A_146 : vector<512x128xf32>
    %slice3A_148 = vector.extract_strided_slice %get3A_31 {offsets = [0, 4], sizes = [512, 1], strides = [1, 1]} : vector<512x10xf32> to vector<512x1xf32>
    %mul3A_149 = vector.broadcast %slice3A_148 : vector<512x1xf32> to vector<512x128xf32>
    %mul3A_150 = arith.mulf %mul3A_149, %max3A_147 : vector<512x128xf32>
    %add3A_151 = arith.addf %add3A_127, %mul3A_150 : vector<512x128xf32>
    %get3A_152 = arith.constant 0 : index
    %get3A_153 = arith.constant 5 : index
    %get3A_154 = arith.constant 0 : index
    %get3A_155 = vector.load %arg2[%get3A_152, %get3A_153, %get3A_154] : memref<512x10x128xf32, #tpu.memory_space<vmem>>, vector<512x1x128xf32>
    %get3A_156 = vector.shape_cast %get3A_155 : vector<512x1x128xf32> to vector<512x128xf32>
    %get3A_157 = arith.constant 0 : index
    %get3A_158 = arith.constant 0 : index
    %get3A_159 = vector.load %arg6[%get3A_157, %get3A_158] : memref<128x128xf32, #tpu.memory_space<vmem>>, vector<128x128xf32>
    %dot_general3A_160 = arith.constant dense<0.000000e+00> : vector<512x128xf32>
    %dot_general3A_161 = tpu.matmul %get3A_156, %get3A_159, %dot_general3A_160 {dimension_numbers = #tpu.dot_dimension_numbers<[1], [0], [0], [1], [0, 0, 1, 1], [], []>, transpose_lhs_hint = false} : vector<512x128xf32>, vector<128x128xf32>, vector<512x128xf32> -> vector<512x128xf32>
    %get3A_162 = arith.constant 0 : index
    %get3A_163 = arith.constant 0 : index
    %get3A_164 = vector.load %arg7[%get3A_162, %get3A_163] : memref<1x128xf32, #tpu.memory_space<vmem>>, vector<1x128xf32>
    %mul3A_165 = vector.broadcast %sqrt3A_14 : f32 to vector<1x128xf32>
    %mul3A_166 = arith.mulf %mul3A_165, %get3A_164 : vector<1x128xf32>
    %add3A_167 = vector.broadcast %mul3A_166 : vector<1x128xf32> to vector<512x128xf32>
    %add3A_168 = arith.addf %dot_general3A_161, %add3A_167 : vector<512x128xf32>
    %max3A_169 = arith.constant 0.000000e+00 : f32
    %max3A_170 = vector.broadcast %max3A_169 : f32 to vector<512x128xf32>
    %max3A_171 = arith.maximumf %add3A_168, %max3A_170 : vector<512x128xf32>
    %slice3A_172 = vector.extract_strided_slice %get3A_31 {offsets = [0, 5], sizes = [512, 1], strides = [1, 1]} : vector<512x10xf32> to vector<512x1xf32>
    %mul3A_173 = vector.broadcast %slice3A_172 : vector<512x1xf32> to vector<512x128xf32>
    %mul3A_174 = arith.mulf %mul3A_173, %max3A_171 : vector<512x128xf32>
    %add3A_175 = arith.addf %add3A_151, %mul3A_174 : vector<512x128xf32>
    %get3A_176 = arith.constant 0 : index
    %get3A_177 = arith.constant 6 : index
    %get3A_178 = arith.constant 0 : index
    %get3A_179 = vector.load %arg2[%get3A_176, %get3A_177, %get3A_178] : memref<512x10x128xf32, #tpu.memory_space<vmem>>, vector<512x1x128xf32>
    %get3A_180 = vector.shape_cast %get3A_179 : vector<512x1x128xf32> to vector<512x128xf32>
    %get3A_181 = arith.constant 0 : index
    %get3A_182 = arith.constant 0 : index
    %get3A_183 = vector.load %arg6[%get3A_181, %get3A_182] : memref<128x128xf32, #tpu.memory_space<vmem>>, vector<128x128xf32>
    %dot_general3A_184 = arith.constant dense<0.000000e+00> : vector<512x128xf32>
    %dot_general3A_185 = tpu.matmul %get3A_180, %get3A_183, %dot_general3A_184 {dimension_numbers = #tpu.dot_dimension_numbers<[1], [0], [0], [1], [0, 0, 1, 1], [], []>, transpose_lhs_hint = false} : vector<512x128xf32>, vector<128x128xf32>, vector<512x128xf32> -> vector<512x128xf32>
    %get3A_186 = arith.constant 0 : index
    %get3A_187 = arith.constant 0 : index
    %get3A_188 = vector.load %arg7[%get3A_186, %get3A_187] : memref<1x128xf32, #tpu.memory_space<vmem>>, vector<1x128xf32>
    %mul3A_189 = vector.broadcast %sqrt3A_14 : f32 to vector<1x128xf32>
    %mul3A_190 = arith.mulf %mul3A_189, %get3A_188 : vector<1x128xf32>
    %add3A_191 = vector.broadcast %mul3A_190 : vector<1x128xf32> to vector<512x128xf32>
    %add3A_192 = arith.addf %dot_general3A_185, %add3A_191 : vector<512x128xf32>
    %max3A_193 = arith.constant 0.000000e+00 : f32
    %max3A_194 = vector.broadcast %max3A_193 : f32 to vector<512x128xf32>
    %max3A_195 = arith.maximumf %add3A_192, %max3A_194 : vector<512x128xf32>
    %slice3A_196 = vector.extract_strided_slice %get3A_31 {offsets = [0, 6], sizes = [512, 1], strides = [1, 1]} : vector<512x10xf32> to vector<512x1xf32>
    %mul3A_197 = vector.broadcast %slice3A_196 : vector<512x1xf32> to vector<512x128xf32>
    %mul3A_198 = arith.mulf %mul3A_197, %max3A_195 : vector<512x128xf32>
    %add3A_199 = arith.addf %add3A_175, %mul3A_198 : vector<512x128xf32>
    %get3A_200 = arith.constant 0 : index
    %get3A_201 = arith.constant 7 : index
    %get3A_202 = arith.constant 0 : index
    %get3A_203 = vector.load %arg2[%get3A_200, %get3A_201, %get3A_202] : memref<512x10x128xf32, #tpu.memory_space<vmem>>, vector<512x1x128xf32>
    %get3A_204 = vector.shape_cast %get3A_203 : vector<512x1x128xf32> to vector<512x128xf32>
    %get3A_205 = arith.constant 0 : index
    %get3A_206 = arith.constant 0 : index
    %get3A_207 = vector.load %arg6[%get3A_205, %get3A_206] : memref<128x128xf32, #tpu.memory_space<vmem>>, vector<128x128xf32>
    %dot_general3A_208 = arith.constant dense<0.000000e+00> : vector<512x128xf32>
    %dot_general3A_209 = tpu.matmul %get3A_204, %get3A_207, %dot_general3A_208 {dimension_numbers = #tpu.dot_dimension_numbers<[1], [0], [0], [1], [0, 0, 1, 1], [], []>, transpose_lhs_hint = false} : vector<512x128xf32>, vector<128x128xf32>, vector<512x128xf32> -> vector<512x128xf32>
    %get3A_210 = arith.constant 0 : index
    %get3A_211 = arith.constant 0 : index
    %get3A_212 = vector.load %arg7[%get3A_210, %get3A_211] : memref<1x128xf32, #tpu.memory_space<vmem>>, vector<1x128xf32>
    %mul3A_213 = vector.broadcast %sqrt3A_14 : f32 to vector<1x128xf32>
    %mul3A_214 = arith.mulf %mul3A_213, %get3A_212 : vector<1x128xf32>
    %add3A_215 = vector.broadcast %mul3A_214 : vector<1x128xf32> to vector<512x128xf32>
    %add3A_216 = arith.addf %dot_general3A_209, %add3A_215 : vector<512x128xf32>
    %max3A_217 = arith.constant 0.000000e+00 : f32
    %max3A_218 = vector.broadcast %max3A_217 : f32 to vector<512x128xf32>
    %max3A_219 = arith.maximumf %add3A_216, %max3A_218 : vector<512x128xf32>
    %slice3A_220 = vector.extract_strided_slice %get3A_31 {offsets = [0, 7], sizes = [512, 1], strides = [1, 1]} : vector<512x10xf32> to vector<512x1xf32>
    %mul3A_221 = vector.broadcast %slice3A_220 : vector<512x1xf32> to vector<512x128xf32>
    %mul3A_222 = arith.mulf %mul3A_221, %max3A_219 : vector<512x128xf32>
    %add3A_223 = arith.addf %add3A_199, %mul3A_222 : vector<512x128xf32>
    %get3A_224 = arith.constant 0 : index
    %get3A_225 = arith.constant 8 : index
    %get3A_226 = arith.constant 0 : index
    %get3A_227 = vector.load %arg2[%get3A_224, %get3A_225, %get3A_226] : memref<512x10x128xf32, #tpu.memory_space<vmem>>, vector<512x1x128xf32>
    %get3A_228 = vector.shape_cast %get3A_227 : vector<512x1x128xf32> to vector<512x128xf32>
    %get3A_229 = arith.constant 0 : index
    %get3A_230 = arith.constant 0 : index
    %get3A_231 = vector.load %arg6[%get3A_229, %get3A_230] : memref<128x128xf32, #tpu.memory_space<vmem>>, vector<128x128xf32>
    %dot_general3A_232 = arith.constant dense<0.000000e+00> : vector<512x128xf32>
    %dot_general3A_233 = tpu.matmul %get3A_228, %get3A_231, %dot_general3A_232 {dimension_numbers = #tpu.dot_dimension_numbers<[1], [0], [0], [1], [0, 0, 1, 1], [], []>, transpose_lhs_hint = false} : vector<512x128xf32>, vector<128x128xf32>, vector<512x128xf32> -> vector<512x128xf32>
    %get3A_234 = arith.constant 0 : index
    %get3A_235 = arith.constant 0 : index
    %get3A_236 = vector.load %arg7[%get3A_234, %get3A_235] : memref<1x128xf32, #tpu.memory_space<vmem>>, vector<1x128xf32>
    %mul3A_237 = vector.broadcast %sqrt3A_14 : f32 to vector<1x128xf32>
    %mul3A_238 = arith.mulf %mul3A_237, %get3A_236 : vector<1x128xf32>
    %add3A_239 = vector.broadcast %mul3A_238 : vector<1x128xf32> to vector<512x128xf32>
    %add3A_240 = arith.addf %dot_general3A_233, %add3A_239 : vector<512x128xf32>
    %max3A_241 = arith.constant 0.000000e+00 : f32
    %max3A_242 = vector.broadcast %max3A_241 : f32 to vector<512x128xf32>
    %max3A_243 = arith.maximumf %add3A_240, %max3A_242 : vector<512x128xf32>
    %slice3A_244 = vector.extract_strided_slice %get3A_31 {offsets = [0, 8], sizes = [512, 1], strides = [1, 1]} : vector<512x10xf32> to vector<512x1xf32>
    %mul3A_245 = vector.broadcast %slice3A_244 : vector<512x1xf32> to vector<512x128xf32>
    %mul3A_246 = arith.mulf %mul3A_245, %max3A_243 : vector<512x128xf32>
    %add3A_247 = arith.addf %add3A_223, %mul3A_246 : vector<512x128xf32>
    %get3A_248 = arith.constant 0 : index
    %get3A_249 = arith.constant 9 : index
    %get3A_250 = arith.constant 0 : index
    %get3A_251 = vector.load %arg2[%get3A_248, %get3A_249, %get3A_250] : memref<512x10x128xf32, #tpu.memory_space<vmem>>, vector<512x1x128xf32>
    %get3A_252 = vector.shape_cast %get3A_251 : vector<512x1x128xf32> to vector<512x128xf32>
    %get3A_253 = arith.constant 0 : index
    %get3A_254 = arith.constant 0 : index
    %get3A_255 = vector.load %arg6[%get3A_253, %get3A_254] : memref<128x128xf32, #tpu.memory_space<vmem>>, vector<128x128xf32>
    %dot_general3A_256 = arith.constant dense<0.000000e+00> : vector<512x128xf32>
    %dot_general3A_257 = tpu.matmul %get3A_252, %get3A_255, %dot_general3A_256 {dimension_numbers = #tpu.dot_dimension_numbers<[1], [0], [0], [1], [0, 0, 1, 1], [], []>, transpose_lhs_hint = false} : vector<512x128xf32>, vector<128x128xf32>, vector<512x128xf32> -> vector<512x128xf32>
    %get3A_258 = arith.constant 0 : index
    %get3A_259 = arith.constant 0 : index
    %get3A_260 = vector.load %arg7[%get3A_258, %get3A_259] : memref<1x128xf32, #tpu.memory_space<vmem>>, vector<1x128xf32>
    %mul3A_261 = vector.broadcast %sqrt3A_14 : f32 to vector<1x128xf32>
    %mul3A_262 = arith.mulf %mul3A_261, %get3A_260 : vector<1x128xf32>
    %add3A_263 = vector.broadcast %mul3A_262 : vector<1x128xf32> to vector<512x128xf32>
    %add3A_264 = arith.addf %dot_general3A_257, %add3A_263 : vector<512x128xf32>
    %max3A_265 = arith.constant 0.000000e+00 : f32
    %max3A_266 = vector.broadcast %max3A_265 : f32 to vector<512x128xf32>
    %max3A_267 = arith.maximumf %add3A_264, %max3A_266 : vector<512x128xf32>
    %slice3A_268 = vector.extract_strided_slice %get3A_31 {offsets = [0, 9], sizes = [512, 1], strides = [1, 1]} : vector<512x10xf32> to vector<512x1xf32>
    %mul3A_269 = vector.broadcast %slice3A_268 : vector<512x1xf32> to vector<512x128xf32>
    %mul3A_270 = arith.mulf %mul3A_269, %max3A_267 : vector<512x128xf32>
    %add3A_271 = arith.addf %add3A_247, %mul3A_270 : vector<512x128xf32>
    %get3A_272 = arith.constant 0 : index
    %get3A_273 = arith.constant 0 : index
    %get3A_274 = vector.load %arg8[%get3A_272, %get3A_273] : memref<128x128xf32, #tpu.memory_space<vmem>>, vector<128x128xf32>
    %dot_general3A_275 = arith.constant dense<0.000000e+00> : vector<512x128xf32>
    %dot_general3A_276 = tpu.matmul %max3A_28, %get3A_274, %dot_general3A_275 {dimension_numbers = #tpu.dot_dimension_numbers<[1], [0], [0], [1], [0, 0, 1, 1], [], []>, transpose_lhs_hint = false} : vector<512x128xf32>, vector<128x128xf32>, vector<512x128xf32> -> vector<512x128xf32>
    %div3A = vector.broadcast %sqrt3A : f32 to vector<512x128xf32>
    %div3A_277 = arith.divf %dot_general3A_276, %div3A : vector<512x128xf32>
    %get3A_278 = arith.constant 0 : index
    %get3A_279 = arith.constant 0 : index
    %get3A_280 = vector.load %arg9[%get3A_278, %get3A_279] : memref<128x128xf32, #tpu.memory_space<vmem>>, vector<128x128xf32>
    %dot_general3A_281 = arith.constant dense<0.000000e+00> : vector<512x128xf32>
    %dot_general3A_282 = tpu.matmul %add3A_271, %get3A_280, %dot_general3A_281 {dimension_numbers = #tpu.dot_dimension_numbers<[1], [0], [0], [1], [0, 0, 1, 1], [], []>, transpose_lhs_hint = false} : vector<512x128xf32>, vector<128x128xf32>, vector<512x128xf32> -> vector<512x128xf32>
    %div3A_283 = vector.broadcast %sqrt3A_14 : f32 to vector<512x128xf32>
    %div3A_284 = arith.divf %dot_general3A_282, %div3A_283 : vector<512x128xf32>
    %add3A_285 = arith.addf %div3A_277, %div3A_284 : vector<512x128xf32>
    %get3A_286 = arith.constant 0 : index
    %get3A_287 = arith.constant 0 : index
    %get3A_288 = vector.load %arg10[%get3A_286, %get3A_287] : memref<1x128xf32, #tpu.memory_space<vmem>>, vector<1x128xf32>
    %add3A_289 = vector.broadcast %get3A_288 : vector<1x128xf32> to vector<512x128xf32>
    %add3A_290 = arith.addf %add3A_285, %add3A_289 : vector<512x128xf32>
    %max3A_291 = arith.constant 0.000000e+00 : f32
    %max3A_292 = vector.broadcast %max3A_291 : f32 to vector<512x128xf32>
    %max3A_293 = arith.maximumf %add3A_290, %max3A_292 : vector<512x128xf32>
    %swap3A = arith.constant 0 : index
    %swap3A_294 = arith.constant 0 : index
    %swap3A_295 = vector.load %arg13[%swap3A, %swap3A_294] : memref<512x128xf32, #tpu.memory_space<vmem>>, vector<512x128xf32>
    tpu.vector_store %arg13[%swap3A, %swap3A_294], %max3A_293 {strides = array<i32>} : memref<512x128xf32, #tpu.memory_space<vmem>>, vector<512x128xf32>,
    %eq3A = arith.constant 0 : i32
    %eq3A_296 = arith.cmpi eq, %arg0, %eq3A : i32
    %convert_element_type3A = arith.extui %eq3A_296 : i1 to i32
    %cond3A = arith.constant 0 : i32
    %cond3A_297 = arith.cmpi ne, %convert_element_type3A, %cond3A : i32
    scf.if %cond3A_297 {
      %broadcast_in_dim3A_309 = arith.constant 0.000000e+00 : f32
      %broadcast_in_dim3A_310 = vector.broadcast %broadcast_in_dim3A_309 : f32 to vector<1x128xf32>
      %swap3A_311 = arith.constant 0 : index
      %swap3A_312 = arith.constant 0 : index
      %swap3A_313 = vector.load %arg14[%swap3A_311, %swap3A_312] : memref<1x128xf32, #tpu.memory_space<vmem>>, vector<1x128xf32>
      tpu.vector_store %arg14[%swap3A_311, %swap3A_312], %broadcast_in_dim3A_310 {strides = array<i32>} : memref<1x128xf32, #tpu.memory_space<vmem>>, vector<1x128xf32>,
    } else {
    }
    %get3A_298 = arith.constant 0 : index
    %get3A_299 = arith.constant 0 : index
    %get3A_300 = vector.load %arg14[%get3A_298, %get3A_299] : memref<1x128xf32, #tpu.memory_space<vmem>>, vector<1x128xf32>
    %mul3A_301 = arith.mulf %max3A_293, %max3A_293 : vector<512x128xf32>
    %reduce_sum3A_302 = arith.constant dense<0.000000e+00> : vector<128xf32>
    %reduce_sum3A_303 = vector.multi_reduction <add>, %mul3A_301, %reduce_sum3A_302 [0] : vector<512x128xf32> to vector<128xf32>
    %broadcast_in_dim3A_304 = vector.shape_cast %reduce_sum3A_303 : vector<128xf32> to vector<1x128xf32>
    %add3A_305 = arith.addf %get3A_300, %broadcast_in_dim3A_304 : vector<1x128xf32>
    %swap3A_306 = arith.constant 0 : index
    %swap3A_307 = arith.constant 0 : index
    %swap3A_308 = vector.load %arg14[%swap3A_306, %swap3A_307] : memref<1x128xf32, #tpu.memory_space<vmem>>, vector<1x128xf32>
    tpu.vector_store %arg14[%swap3A_306, %swap3A_307], %add3A_305 {strides = array<i32>} : memref<1x128xf32, #tpu.memory_space<vmem>>, vector<1x128xf32>,
    return
  }
  func.func @transform_0(%arg0: i32) -> (i32, i32) {
    %c0_i32 = arith.constant 0 : i32
    %c0_i32_0 = arith.constant 0 : i32
    return %arg0, %c0_i32 : i32, i32
  }
  func.func @transform_1(%arg0: i32) -> (i32, i32, i32) {
    %c0_i32 = arith.constant 0 : i32
    %c0_i32_0 = arith.constant 0 : i32
    %c0_i32_1 = arith.constant 0 : i32
    return %arg0, %c0_i32, %c0_i32_0 : i32, i32, i32
  }
  func.func @transform_2(%arg0: i32) -> (i32, i32) {
    %c0_i32 = arith.constant 0 : i32
    %c0_i32_0 = arith.constant 0 : i32
    return %arg0, %c0_i32 : i32, i32
  }
  func.func @transform_3(%arg0: i32) -> (i32, i32) {
    %c0_i32 = arith.constant 0 : i32
    %c0_i32_0 = arith.constant 0 : i32
    %c0_i32_1 = arith.constant 0 : i32
    return %c0_i32, %c0_i32_0 : i32, i32
  }
  func.func @transform_4(%arg0: i32) -> (i32, i32) {
    %c0_i32 = arith.constant 0 : i32
    %c0_i32_0 = arith.constant 0 : i32
    %c0_i32_1 = arith.constant 0 : i32
    return %c0_i32, %c0_i32_0 : i32, i32
  }
  func.func @transform_5(%arg0: i32) -> (i32, i32) {
    %c0_i32 = arith.constant 0 : i32
    %c0_i32_0 = arith.constant 0 : i32
    %c0_i32_1 = arith.constant 0 : i32
    return %c0_i32, %c0_i32_0 : i32, i32
  }
  func.func @transform_6(%arg0: i32) -> (i32, i32) {
    %c0_i32 = arith.constant 0 : i32
    %c0_i32_0 = arith.constant 0 : i32
    %c0_i32_1 = arith.constant 0 : i32
    return %c0_i32, %c0_i32_0 : i32, i32
  }
  func.func @transform_7(%arg0: i32) -> (i32, i32) {
    %c0_i32 = arith.constant 0 : i32
    %c0_i32_0 = arith.constant 0 : i32
    %c0_i32_1 = arith.constant 0 : i32
    return %c0_i32, %c0_i32_0 : i32, i32
  }
  func.func @transform_8(%arg0: i32) -> (i32, i32) {
    %c0_i32 = arith.constant 0 : i32
    %c0_i32_0 = arith.constant 0 : i32
    %c0_i32_1 = arith.constant 0 : i32
    return %c0_i32, %c0_i32_0 : i32, i32
  }
  func.func @transform_9(%arg0: i32) -> (i32, i32) {
    %c0_i32 = arith.constant 0 : i32
    %c0_i32_0 = arith.constant 0 : i32
    %c0_i32_1 = arith.constant 0 : i32
    return %c0_i32, %c0_i32_0 : i32, i32
  }
  func.func @transform_10(%arg0: i32) -> (i32, i32) {
    %c0_i32 = arith.constant 0 : i32
    %c0_i32_0 = arith.constant 0 : i32
    %c0_i32_1 = arith.constant 0 : i32
    return %c0_i32, %c0_i32_0 : i32, i32
  }
  func.func @transform_11(%arg0: i32) -> (i32, i32) {
    %c0_i32 = arith.constant 0 : i32
    %c0_i32_0 = arith.constant 0 : i32
    %c0_i32_1 = arith.constant 0 : i32
    return %c0_i32, %c0_i32_0 : i32, i32
  }
  func.func @transform_12(%arg0: i32) -> (i32, i32) {
    %c0_i32 = arith.constant 0 : i32
    %c0_i32_0 = arith.constant 0 : i32
    return %arg0, %c0_i32 : i32, i32
  }
  func.func @transform_13(%arg0: i32) -> (i32, i32) {
    %c0_i32 = arith.constant 0 : i32
    %c0_i32_0 = arith.constant 0 : i32
    %c0_i32_1 = arith.constant 0 : i32
    return %c0_i32, %c0_i32_0 : i32, i32
  }
}

module attributes {stable_mosaic.version = 14 : i64} {
  func.func @_t3c_body(%arg0: i32, %arg1: memref<2048x128xf32, #tpu.memory_space<vmem>>, %arg2: memref<128x128xf32, #tpu.memory_space<vmem>>, %arg3: memref<1x128xf32, #tpu.memory_space<vmem>>, %arg4: memref<1x128xf32, #tpu.memory_space<vmem>>, %arg5: memref<2048x128xf32, #tpu.memory_space<vmem>>) attributes {dimension_semantics = [#tpu.dimension_semantics<arbitrary>], iteration_bounds = array<i64: 2>, scalar_prefetch = 0 : i64, scratch_operands = 0 : i64, tpu.core_type = #tpu.core_type<tc>, window_params = [{transform_indices = @transform_0, window_bounds = array<i64: 2048, 128>}, {pipeline_mode = #tpu.pipeline_mode<synchronous>, transform_indices = @transform_1, window_bounds = array<i64: 128, 128>}, {pipeline_mode = #tpu.pipeline_mode<synchronous>, transform_indices = @transform_2, window_bounds = array<i64: 1, 128>}, {pipeline_mode = #tpu.pipeline_mode<synchronous>, transform_indices = @transform_3, window_bounds = array<i64: 1, 128>}, {transform_indices = @transform_4, window_bounds = array<i64: 2048, 128>}]} {
    %get3A = arith.constant 0 : index
    %get3A_0 = arith.constant 0 : index
    %get3A_1 = vector.load %arg4[%get3A, %get3A_0] : memref<1x128xf32, #tpu.memory_space<vmem>>, vector<1x128xf32>
    %reduce_sum3A = vector.shape_cast %get3A_1 : vector<1x128xf32> to vector<1x1x128xf32>
    %reduce_sum3A_2 = arith.constant dense<0.000000e+00> : vector<1xf32>
    %reduce_sum3A_3 = vector.multi_reduction <add>, %reduce_sum3A, %reduce_sum3A_2 [1, 2] : vector<1x1x128xf32> to vector<1xf32>
    %reduce_sum3A_4 = vector.shape_cast %reduce_sum3A_3 : vector<1xf32> to vector<1x1x1xf32>
    %reduce_sum3A_5 = vector.extract %reduce_sum3A_4[0, 0, 0] : f32 from vector<1x1x1xf32>
    %sqrt3A = math.sqrt %reduce_sum3A_5 : f32
    %get3A_6 = arith.constant 0 : index
    %get3A_7 = arith.constant 0 : index
    %get3A_8 = vector.load %arg1[%get3A_6, %get3A_7] : memref<2048x128xf32, #tpu.memory_space<vmem>>, vector<2048x128xf32>
    %get3A_9 = arith.constant 0 : index
    %get3A_10 = arith.constant 0 : index
    %get3A_11 = vector.load %arg2[%get3A_9, %get3A_10] : memref<128x128xf32, #tpu.memory_space<vmem>>, vector<128x128xf32>
    %dot_general3A = arith.constant dense<0.000000e+00> : vector<2048x128xf32>
    %dot_general3A_12 = tpu.matmul %get3A_8, %get3A_11, %dot_general3A {dimension_numbers = #tpu.dot_dimension_numbers<[1], [0], [0], [1], [0, 0, 1, 1], [], []>, transpose_lhs_hint = false} : vector<2048x128xf32>, vector<128x128xf32>, vector<2048x128xf32> -> vector<2048x128xf32>
    %get3A_13 = arith.constant 0 : index
    %get3A_14 = arith.constant 0 : index
    %get3A_15 = vector.load %arg3[%get3A_13, %get3A_14] : memref<1x128xf32, #tpu.memory_space<vmem>>, vector<1x128xf32>
    %mul3A = vector.broadcast %sqrt3A : f32 to vector<1x128xf32>
    %mul3A_16 = arith.mulf %mul3A, %get3A_15 : vector<1x128xf32>
    %add3A = vector.broadcast %mul3A_16 : vector<1x128xf32> to vector<2048x128xf32>
    %add3A_17 = arith.addf %dot_general3A_12, %add3A : vector<2048x128xf32>
    %max3A = arith.constant 0.000000e+00 : f32
    %max3A_18 = vector.broadcast %max3A : f32 to vector<2048x128xf32>
    %max3A_19 = arith.maximumf %add3A_17, %max3A_18 : vector<2048x128xf32>
    %div3A = arith.constant 1.000000e+00 : f32
    %div3A_20 = arith.divf %div3A, %sqrt3A : f32
    %mul3A_21 = vector.broadcast %div3A_20 : f32 to vector<2048x128xf32>
    %mul3A_22 = arith.mulf %max3A_19, %mul3A_21 : vector<2048x128xf32>
    %swap3A = arith.constant 0 : index
    %swap3A_23 = arith.constant 0 : index
    %swap3A_24 = vector.load %arg5[%swap3A, %swap3A_23] : memref<2048x128xf32, #tpu.memory_space<vmem>>, vector<2048x128xf32>
    tpu.vector_store %arg5[%swap3A, %swap3A_23], %mul3A_22 {strides = array<i32>} : memref<2048x128xf32, #tpu.memory_space<vmem>>, vector<2048x128xf32>,
    return
  }
  func.func @transform_0(%arg0: i32) -> (i32, i32) {
    %c0_i32 = arith.constant 0 : i32
    %c0_i32_0 = arith.constant 0 : i32
    return %arg0, %c0_i32 : i32, i32
  }
  func.func @transform_1(%arg0: i32) -> (i32, i32) {
    %c0_i32 = arith.constant 0 : i32
    %c0_i32_0 = arith.constant 0 : i32
    %c0_i32_1 = arith.constant 0 : i32
    return %c0_i32, %c0_i32_0 : i32, i32
  }
  func.func @transform_2(%arg0: i32) -> (i32, i32) {
    %c0_i32 = arith.constant 0 : i32
    %c0_i32_0 = arith.constant 0 : i32
    %c0_i32_1 = arith.constant 0 : i32
    return %c0_i32, %c0_i32_0 : i32, i32
  }
  func.func @transform_3(%arg0: i32) -> (i32, i32) {
    %c0_i32 = arith.constant 0 : i32
    %c0_i32_0 = arith.constant 0 : i32
    %c0_i32_1 = arith.constant 0 : i32
    return %c0_i32, %c0_i32_0 : i32, i32
  }
  func.func @transform_4(%arg0: i32) -> (i32, i32) {
    %c0_i32 = arith.constant 0 : i32
    %c0_i32_0 = arith.constant 0 : i32
    return %arg0, %c0_i32 : i32, i32
  }
}

</mosaic_0001>

<sc_bundles>
// kernel: kernel.6.cloned.1.call-start
scs
__scs_entry_jumppad:
0x0: {  	(pc) =	sbr.rel $0x88, $3  }
0x1: {  	(tag) =	ssettag $0x0;
	lr =	simm.s32 $0x1  }
0x2: {  	[smem:$0x3F8D] =	sst lr;
	_ =	strace $0xD0000000  }
0x3: {  	_ = 	snop  }
0x4: {  	_ = 	snop  }
0x5: {  	_ = 	snop  }
0x6: {  	_ = 	snop  }
0x7: {  	_ = 	snop  }
__scs_overlays_trampoline_lowered:
0x8: {  	[smem:$0x3F9C] =	sst s0  }
0x9: {  	[smem:$0x3F9D] =	sst s1  }
0xa: {  	[smem:$0x3F9E] =	sst s2  }
0xb: {  	[smem:$0x3F9F] =	sst s3  }
0xc: {  	[smem:$0x3FA0] =	sst s4  }
0xd: {  	[smem:$0x3FA1] =	sst s5  }
0xe: {  	[smem:$0x3FA2] =	sst s6  }
0xf: {  	[smem:$0x3FA3] =	sst s7  }
0x10: {  	[smem:$0x3FA4] =	sst s8  }
0x11: {  	[smem:$0x3FA5] =	sst s9;
	s0 =	simm.s32 @!p0 $0x0  }
0x12: {  	s1 =	sld [smem:$0x3F8B];
	s0 =	simm.s32 @p0 $0x1  }
0x13: {  	[smem:$0x3FA6] =	sst s0;
	s0 =	simm.s32 @!p1 $0x0  }
0x14: {  	s2 =	sld [smem:$0x3F8A];
	s0 =	simm.s32 @p1 $0x1  }
0x15: {  	[smem:$0x3FA7] =	sst s0;
	s0 =	simm.s32 @!p2 $0x0  }
0x16: {  	s3 =	sld [smem:$0x3FDB];
	s0 =	simm.s32 @p2 $0x1  }
0x17: {  	s4 =	simm.s32 $0x1BF5;
	[smem:$0x3FA9] =	sst s0  }
0x18: {  	s0 =	sld [smem:$0x3F8C];
	_ =	swait.ge [sflag:s4], $0x0  }
0x19: {  	s7 =	sld [smem:$0x3F8D]  }
0x1a: {  	s8 =	sadd.s32 $0xFFFFE003, lr  }
0x1b: {  	s9 =	sadd.s32 $0xFFFFFEF7, lr;
	s5 =	simm.s32 $0xFFFFFFFF;
	p2 =	slt.u32 s8, $0xFFFFF086  }
0x1c: {  	p1 =	slt.u32 s9, $0xF7A;
	s5 =	simm.s32 @!p2 $0x0  }
0x1d: {  	s5 =	simm.s32 @p1 $0x1;
	p0 =	seq.s32 s7, s2  }
0x1e: {  	s7 =	smul.u32 @!p0 $0xF7A, s2;
	p2 =	seq.s32 @!p0 s5, $0x0  }
0x1f: {  	s9 =	smul.u32 $0xF7A, s1;
	s8 =	simm.s32 @!p0 $0x1BF5;
	p2 =	por !p2, p0  }
0x20: {  	[sflag:s8] =	ssyncset.s32 @!p0 $0xFFFFF086;
	s6 =	sadd.s32 @!p0 s3, s7;
	s7 =	simm.s32 @!p0 $0x108  }
0x21: {  	s3 =	sadd.s32 s3, s9;
	s6 =	sadd.s32 @!p0 $0x88, s6;
	s7 =	simm.s32 @p2 $0x1082  }
0x22: {  	[simem:s7], [sflag:s8] =	dma.local @!p0 [hbm:s6], $0xF7A  }
0x23: {  	s9 =	sor.u32 $0xD0000000, s2;
	s6 =	simm.s32 $0x108;
	_ =	swait.ge @!p0 [sflag:s8], $0x0  }
0x24: {  	s3 =	sadd.s32 $0x88, s3;
	s6 =	simm.s32 @!p1 $0x1082;
	[sflag:s4] =	ssyncset.s32 $0xFFFFF086  }
0x25: {  	[simem:s6], [sflag:s4] =	dma.local [hbm:s3], $0xF7A  }
0x26: {  	[smem:$0x3F8D] =	sst s1;
	(tag) =	ssettag s2;
	_ =	strace s9  }
0x27: {  	s1 =	sld [smem:$0x3F9D]  }
0x28: {  	s2 =	sld [smem:$0x3F9E]  }
0x29: {  	s4 =	sld [smem:$0x3FA0]  }
0x2a: {  	p0 =	seq.s32 s5, $0x0;
	s5 =	sld [smem:$0x3FA1]  }
0x2b: {  	s6 =	sld [smem:$0x3FA2]  }
0x2c: {  	s7 =	sld [smem:$0x3FA3]  }
0x2d: {  	s3 =	simm.s32 $0x108;
	s8 =	sld [smem:$0x3FA4]  }
0x2e: {  	s3 =	simm.s32 @!p0 $0x1082;
	s9 =	sld [smem:$0x3FA5]  }
0x2f: {  	lr =	sadd.s32 s0, s3;
	s0 =	sld [smem:$0x3F9C]  }
0x30: {  	s3 =	sld [smem:$0x3F9F]  }
0x31: {  	[smem:$0x3FA8] =	sst s10  }
0x32: {  	s10 =	sld [smem:$0x3FA6];
	_ =	sdelay $0x3  }
0x33: {  	p0 =	seq.s32 s10, $0x1;
	s10 =	sld [smem:$0x3FA8];
	_ =	sdelay $0x3  }
0x34: {  	[smem:$0x3FA8] =	sst s10  }
0x35: {  	s10 =	sld [smem:$0x3FA7];
	_ =	sdelay $0x3  }
0x36: {  	p1 =	seq.s32 s10, $0x1;
	s10 =	sld [smem:$0x3FA8];
	_ =	sdelay $0x3  }
0x37: {  	[smem:$0x3FA8] =	sst s10  }
0x38: {  	s10 =	sld [smem:$0x3FA9]  }
0x39: {  	_ = 	snop;
	(pc) =	sbr.ind lr, $3  }
0x3a: {  	_ = 	snop  }
0x3b: {  	_ = 	snop  }
0x3c: {  	p2 =	seq.s32 s10, $0x1;
	s10 =	sld [smem:$0x3FA8]  }
0x3d: {  	_ =	shalt  }
0x3e: {  	_ =	shalt  }
0x3f: {  	_ =	shalt  }
0x40: {  	_ =	shalt  }
0x41: {  	_ =	shalt  }
0x42: {  	_ =	shalt  }
0x43: {  	_ =	shalt  }
0x44: {  	_ =	shalt  }
0x45: {  	_ =	shalt  }
0x46: {  	_ =	shalt  }
0x47: {  	_ =	shalt  }
0x48: {  	_ =	shalt  }
0x49: {  	_ =	shalt  }
0x4a: {  	_ =	shalt  }
0x4b: {  	_ =	shalt  }
0x4c: {  	_ =	shalt  }
0x4d: {  	_ =	shalt  }
0x4e: {  	_ =	shalt  }
0x4f: {  	_ =	shalt  }
0x50: {  	_ =	shalt  }
0x51: {  	_ =	shalt  }
0x52: {  	_ =	shalt  }
0x53: {  	_ =	shalt  }
0x54: {  	_ =	shalt  }
0x55: {  	_ =	shalt  }
0x56: {  	_ =	shalt  }
0x57: {  	_ =	shalt  }
0x58: {  	_ =	shalt  }
0x59: {  	_ =	shalt  }
0x5a: {  	_ =	shalt  }
0x5b: {  	_ =	shalt  }
0x5c: {  	_ =	shalt  }
0x5d: {  	_ =	shalt  }
0x5e: {  	_ =	shalt  }
0x5f: {  	_ =	shalt  }
0x60: {  	_ =	shalt  }
0x61: {  	_ =	shalt  }
0x62: {  	_ =	shalt  }
0x63: {  	_ =	shalt  }
0x64: {  	_ =	shalt  }
0x65: {  	_ =	shalt  }
0x66: {  	_ =	shalt  }
0x67: {  	_ =	shalt  }
0x68: {  	_ =	shalt  }
0x69: {  	_ =	shalt  }
0x6a: {  	_ =	shalt  }
0x6b: {  	_ =	shalt  }
0x6c: {  	_ =	shalt  }
0x6d: {  	_ =	shalt  }
0x6e: {  	_ =	shalt  }
0x6f: {  	_ =	shalt  }
0x70: {  	_ =	shalt  }
0x71: {  	_ =	shalt  }
0x72: {  	_ =	shalt  }
0x73: {  	_ =	shalt  }
0x74: {  	_ =	shalt  }
0x75: {  	_ =	shalt  }
0x76: {  	_ =	shalt  }
0x77: {  	_ =	shalt  }
0x78: {  	_ =	shalt  }
0x79: {  	_ =	shalt  }
0x7a: {  	_ =	shalt  }
0x7b: {  	_ =	shalt  }
0x7c: {  	_ =	shalt  }
0x7d: {  	_ =	shalt  }
0x7e: {  	_ =	shalt  }
0x7f: {  	_ =	shalt  }
0x80: {  	_ =	shalt  }
0x81: {  	_ =	shalt  }
0x82: {  	_ =	shalt  }
0x83: {  	_ =	shalt  }
0x84: {  	_ =	shalt  }
0x85: {  	_ =	shalt  }
0x86: {  	_ =	shalt  }
0x87: {  	_ =	shalt  }
.Lfunc_end0:
.L_simem_size_0:
called_computation_lowered:
.L_overlay_start_0:
0x88: {  	s2 =	sld [smem:$0x3FD9]  }
0x89: {  	s3 =	sld [smem:$0x3FFE];
	_ =	sdelay $0x1  }
0x8a: {  	s1 =	srdreg.scid  }
0x8b: {  	s0 =	sand.u32 $0x1, s1  }
0x8c: {  	s17 =	sshll.u32 s0, $0xA;
	s2 =	sadd.s32 s3, s2  }
0x8d: {  	s2 =	sadd.s32 s2, s17  }
0x8e: {  	[smem:$0x3FB4] =	sst s2  }
0x8f: {  	_ = 	snop  }
0x90: {  	s2 =	sld [smem:$0x3FC8]  }
0x91: {  	s18 =	sld [smem:$0x3FBE]  }
0x92: {  	s4 =	sld [smem:$0x3FD0];
	(tm) =	ssettm $0x1  }
0x93: {  	s5 =	sld [smem:$0x3FFB];
	_ =	sdelay $0x3  }
0x94: {  	_ =	strace s5  }
0x95: {  	s5 =	sld [smem:$0x3FFC];
	_ =	sdelay $0x3  }
0x96: {  	_ =	strace s5  }
0x97: {  	s5 =	sld [smem:$0x3FFD];
	_ =	sdelay $0x3  }
0x98: {  	_ =	strace s5  }
0x99: {  	_ =	strace $0x8FFFFFFF  }
0x9a: {  	s19 =	sld [smem:$0x3FDB];
	_ =	sdelay $0x1  }
0x9b: {  	s6 =	simm.s32 $_scs_section_size  }
0x9c: {  	s7 =	simm.s32 $_size__tile_overlayer_lowered;
	s8 =	simm.s32 $_tile_overlayer_lowered  }
0x9d: {  	s22 =	simm.s32 $0x1BFF;
	s21 =	sshll.u32 s8, $0x1;
	s5 =	sadd.s32 s6, s19  }
0x9e: {  	s9 =	simm.s32 $0x0;
	s20 =	sshll.u32 s7, $0x1;
	s7 =	sadd.s32 s21, s5  }
0x9f: {  	[timem:s9], [sflag:s22] =	dma.local [hbm:s7], s20  }
0xa0: {  	_ =	swait.ge [sflag:s22], s20  }
0xa1: {  	s6 =	ssub.s32 $0x0, s20;
	[sflag:s22] =	ssyncset.done $0x0  }
0xa2: {  	[sflag:s22] =	ssyncadd.s32 s6;
	_ =	sdelay $0x1  }
0xa3: {  	s23 =	simm.s32 $0x1B8B  }
0xa4: {  	_ =	swait.ge [sflag:s23], $0x1  }
0xa5: {  	[sflag:s23] =	ssyncset.done $0x0  }
0xa6: {  	s25 =	simm.s32 $0x1B8E;
	s24 =	sld [smem:$0x3FFE];
	[sflag:s23] =	ssyncadd.s32 $0xFFFFFFFF  }
0xa7: {  	s26 =	simm.s32 $execute0_lowered;
	[smem:$0x3FD2] =	sst s25  }
0xa8: {  	s7 =	sshll.u32 s26, $0x1;
	_ =	strace $0x80000046;
	[dreg:$0x1] =	wrdreg $0xFFFFFFFF  }
0xa9: {  	s28 =	simm.s32 $_size_execute0_lowered;
	s5 =	sadd.s32 s5, s7;
	[dreg:$0x0] =	wrdreg $0x0  }
0xaa: {  	s7 =	sshll.u32 s28, $0x1;
	[dreg:$0x2] =	wrdreg s5  }
0xab: {  	[dreg:$0x3] =	wrdreg s7  }
0xac: {  	[dreg:$0x4] =	wrdreg $0xC0  }
0xad: {  	_ =	task [dreg:s9], $0x5FFFF  }
0xae: {  	[dreg:$0x1] =	wrdreg $0xFFFFFFFF  }
0xaf: {  	[dreg:$0x0] =	wrdreg $0x60  }
0xb0: {  	[dreg:$0x2] =	wrdreg s24  }
0xb1: {  	[dreg:$0x3] =	wrdreg s2  }
0xb2: {  	[dreg:$0x4] =	wrdreg s18  }
0xb3: {  	[dreg:$0x5] =	wrdreg s4  }
0xb4: {  	[dreg:$0x6] =	wrdreg $0x9  }
0xb5: {  	_ =	task.clear_ibuf [dreg:s9], $0x7FFFF;
	_ =	strace $0x90000046  }
0xb6: {  	s29 =	simm.s32 $0x9;
	_ =	strace $0x80000048  }
0xb7: {  	_ =	swait.ge [sflag:s29], $0x1  }
0xb8: {  	[sflag:s29] =	ssyncadd.s32 $0xFFFFFFFF  }
0xb9: {  	_ =	strace $0x90000048  }
0xba: {  	_ =	sfence  }
0xbb: {  	s30 =	sld [smem:$0x0];
	_ =	sdelay $0x2  }
0xbc: {  	s31 =	sshll.u32 s1, $0xD;
	s1 =	sshrl.u32 s1, $0x2  }
0xbd: {  	s3 =	sand.u32 $0x4000, s31;
	s1 =	sadd.s32 s1, s30  }
0xbe: {  	s0 =	sor.u32 s3, s0;
	s1 =	sshll.u32 s1, $0x11  }
0xbf: {  	s0 =	sor.u32 s1, s0  }
0xc0: {  	s0 =	sadd.s32 $0x8F2B, s0  }
0xc1: {  	[sflag:s0] =	ssyncadd.remote.s32 $0x1  }
0xc2: {  	_ =	sfence.sel $0xFFFF  }
0xc3: {  	[dreg:$0x0] =	wrdreg $0xFFFFFFFF;
	(pc) =	sbr.abs _section_cstart, $3  }
0xc4: {  	[dreg:$0x1] =	wrdreg $0xFFFFFFFF  }
0xc5: {  	_ =	task.clear_ibuf [dreg:s9], $0x2FFFF;
	_ =	strace $0x9FFFFFFF  }
0xc6: {  	(tm) =	ssettm $0x7FFFFFFF  }
0xc7: {  	_ =	shalt  }
tec
execute0_lowered:
.L_overlay_start_1:
0x0: {  	(tag) =	ssettag $0x1  }
0x1: {  	s0 =	rddreg [dreg:$0x0]  }
0x2: {  	s1 =	rddreg [dreg:$0x1]  }
0x3: {  	s3 =	rddreg [dreg:$0x3];
	s5 =	simm.s32 $0x0  }
0x4: {  	s2 =	srdreg.scid;
	s4 =	stileid.u32;
	s21 =	simm.s32 $0x7  }
0x5: {  	s29 =	simm.s32 $0x80;
	s30 =	simm.s32 $0x280;
	s20 =	simm.s32 $0x2  }
0x6: {  	s28 =	simm.s32 $0x4;
	s22 =	simm.s32 $0x17700;
	[smem:$0x7FF] =	sst s5  }
0x7: {  	s2 =	sand.u32 $0x1, s2;
	s4 =	sshll.u32 s4, $0x1;
	s6 =	sadd.s32 $0x1EC00, s0  }
0x8: {  	s7 =	sadd.s32 $0x1A5600, s0;
	s8 =	sadd.s32 $0x1D800, s0;
	s9 =	sadd.s32 $0x4800, s0  }
0x9: {  	s11 =	sadd.s32 $0x3400, s0;
	s12 =	sadd.s32 $0x11000, s0;
	s13 =	sadd.s32 $0x32C000, s0  }
0xa: {  	_ =	strace $0x80000047;
	s4 =	sor.u32 s2, s4;
	s2 =	ssub.s32 $0x2, s2  }
0xb: {  	s10 =	smul.u32 $0x580, s4;
	s14 =	sshll.u32 s4, $0x4;
	s23 =	sshrl.u32 s2, $0x1  }
0xc: {  	p0 =	slt.u32 s4, $0x3;
	s4 =	smul.u32 $0x6E0, s4;
	s0 =	sadd.s32 s14, s0  }
0xd: {  	s2 =	ssub.s32 s2, s23;
	s23 =	simm.s32 $0x16700;
	s15 =	sadd.s32 $0xFFFFF000, s10  }
0xe: {  	s26 =	sshrl.u32 s10, $0x3;
	s19 =	sadd.s32 $0x3CC000, s0;
	s0 =	sadd.s32 $0x3CC200, s0  }
0xf: {  	s31 =	smax.u32 s2, $0x1;
	s2 =	simm.s32 $0x1;
	s16 =	smul.u32 $0xA, s15  }
0x10: {  	s24 =	sshrl.u32 s15, $0x3;
	s14 =	sadd.s32 s1, s26;
	[dreg:$0x8] =	wrdreg s19  }
0x11: {  	s15 =	sadd.s32 s8, s4;
	s4 =	sadd.s32 s11, s4;
	[dreg:$0x9] =	wrdreg s0  }
0x12: {  	[dreg:$0xa] =	wrdreg s31;
	s17 =	sadd.s32 s8, s24;
	s25 =	sshrl.u32 s16, $0x3  }
0x13: {  	s26 =	simm.s32 $0x140;
	s17 =	smov.u32 @p0 s14;
	s16 =	sadd.s32 s9, s25  }
0x14: {  	s18 =	sadd.s32 s12, s25;
	[dreg:$0x5] =	wrdreg s17;
	s16 =	smov.u32 @p0 s15  }
0x15: {  	s24 =	simm.s32 $0x20;
	s18 =	smov.u32 @p0 s4;
	[dreg:$0x6] =	wrdreg s16  }
0x16: {  	v0 =	vimm.f32 $0.0e+00;
	s25 =	simm.s32 $0x3;
	s4 =	simm.s32 $0x0;
	[dreg:$0x7] =	wrdreg s18  }
.LBB2_1:
0x17: {  	[dreg:$0xb] =	wrdreg s4  }
0x18: {  	s0 =	rddreg [dreg:$0x2];
	s14 =	simm.s32 $0x18700  }
0x19: {  	[tilespmem:s14], [sflag:$0x7] =	stream.linear.gather [hbm4b:s0+s5], $0x80, $0x38;
	[tilespmem:$0x18880] =	vst v63  }
0x1a: {  	_ =	swait.ge [sflag:s21], $0x80  }
0x1b: {  	[sflag:s21] =	ssyncset.done $0x0  }
0x1c: {  	[sflag:s21] =	ssyncadd.s32 $0xFFFFFF80  }
0x1d: {  	[tilespmem:$0x18780] =	vst v0  }
0x1e: {  	s15 =	rddreg [dreg:$0x5];
	[tilespmem:$0x18800] =	vst v0  }
0x1f: {  	[tilespmem:s5], [sflag:$0x7] =	stream.linear.gather [hbm4b:s15+s5], $0x20, $0x38;
	[tilespmem:$0x18880] =	vst v63  }
0x20: {  	_ =	swait.ge [sflag:s21], $0x20  }
0x21: {  	[sflag:s21] =	ssyncset.done $0x0  }
0x22: {  	s17 =	simm.s32 $0x100;
	s16 =	rddreg [dreg:$0x6];
	[sflag:s21] =	ssyncadd.s32 $0xFFFFFFE0  }
0x23: {  	[tilespmem:s17], [sflag:$0x7] =	stream.linear.gather [hbm4b:s16+s5], $0x140, $0x38;
	[tilespmem:$0x18880] =	vst v63  }
0x24: {  	_ =	swait.ge [sflag:s21], $0x140  }
0x25: {  	[sflag:s21] =	ssyncset.done $0x0  }
0x26: {  	s14 =	simm.s32 $0x400;
	s18 =	rddreg [dreg:$0x7];
	[sflag:s21] =	ssyncadd.s32 $0xFFFFFEC0  }
0x27: {  	[tilespmem:s14], [sflag:$0x7] =	stream.linear.gather [hbm4b:s18+s5], $0x140, $0x38;
	[tilespmem:$0x18880] =	vst v63  }
0x28: {  	_ =	swait.ge [sflag:s21], $0x140  }
0x29: {  	[sflag:s21] =	ssyncset.done $0x0  }
0x2a: {  	s19 =	simm.s32 $0x700;
	[sflag:s21] =	ssyncadd.s32 $0xFFFFFEC0  }
0x2b: {  	[tilespmem:s19], [sflag:$0x1] =	stream.indirect.gather [hbm4b:s6+s24], $0x80, s5, s24, $0xb8;
	[tilespmem:$0x18880] =	vst v63  }
0x2c: {  	s31 =	simm.s32 $0x2700;
	s15 =	simm.s32 $0x0  }
0x2d: {  	[tilespmem:s31], [sflag:$0x2] =	stream.indirect.gather [hbm4b:s7+s26], $0x80, s17, s26, $0xb8;
	[tilespmem:$0x18880] =	vst v63  }
.LBB2_2:
0x2e: {  	s0 =	sshll.u32 s15, $0x6  }
0x2f: {  	s17 =	sadd.s32 s10, s0  }
0x30: {  	p0 =	slt.u32 s17, $0x1000  }
0x31: {  	s14 =	sor.u32 $0x20, s17;
	s0 =	sadd.s32 @!p0 $0xFFFFF020, s17  }
0x32: {  	s16 =	smov.u32 s8;
	s0 =	smov.u32 @p0 s14  }
0x33: {  	s16 =	smov.u32 @p0 s1;
	s18 =	sshrl.u32 s0, $0x3  }
0x34: {  	s0 =	smul.u32 $0xA, s0;
	s16 =	sadd.s32 s16, s18  }
0x35: {  	[tilespmem:s29], [sflag:$0x7] =	stream.linear.gather [hbm4b:s16+s5], $0x20, $0x38;
	[tilespmem:$0x18880] =	vst v63  }
0x36: {  	s16 =	smov.u32 s9;
	_ =	swait.ge [sflag:s21], $0x20  }
0x37: {  	s0 =	sshrl.u32 s0, $0x3;
	s16 =	smov.u32 @p0 s8;
	[sflag:s21] =	ssyncset.done $0x0  }
0x38: {  	s16 =	sadd.s32 s16, s0;
	[sflag:s21] =	ssyncadd.s32 $0xFFFFFFE0  }
0x39: {  	[tilespmem:s30], [sflag:$0x7] =	stream.linear.gather [hbm4b:s16+s5], $0x140, $0x38;
	[tilespmem:$0x18880] =	vst v63  }
0x3a: {  	s16 =	smov.u32 s12;
	_ =	swait.ge [sflag:s21], $0x140  }
0x3b: {  	s16 =	smov.u32 @p0 s11;
	[sflag:s21] =	ssyncset.done $0x0  }
0x3c: {  	s4 =	simm.s32 $0x580;
	s0 =	sadd.s32 s16, s0;
	[sflag:s21] =	ssyncadd.s32 $0xFFFFFEC0  }
0x3d: {  	[tilespmem:s4], [sflag:$0x7] =	stream.linear.gather [hbm4b:s0+s5], $0x140, $0x38;
	[tilespmem:$0x18880] =	vst v63  }
0x3e: {  	_ =	swait.ge [sflag:s21], $0x140  }
0x3f: {  	[sflag:s21] =	ssyncset.done $0x0  }
0x40: {  	s18 =	simm.s32 $0x1700;
	[sflag:s21] =	ssyncadd.s32 $0xFFFFFEC0  }
0x41: {  	[tilespmem:s18], [sflag:$0x3] =	stream.indirect.gather [hbm4b:s6+s24], $0x80, s29, s24, $0xb8;
	[tilespmem:$0x18880] =	vst v63  }
0x42: {  	s19 =	simm.s32 $0xC700  }
0x43: {  	[tilespmem:s19], [sflag:$0x4] =	stream.indirect.gather [hbm4b:s7+s26], $0x80, s30, s26, $0xb8;
	[tilespmem:$0x18880] =	vst v63  }
0x44: {  	_ =	swait.ge [sflag:s2], $0x1000  }
0x45: {  	[sflag:s2] =	ssyncset.done $0x0  }
0x46: {  	[sflag:s2] =	ssyncadd.s32 $0xFFFFF000  }
0x47: {  	_ =	swait.ge [sflag:s20], $0xA000  }
0x48: {  	p1 =	seq.s32 s15, $0x0;
	[sflag:s20] =	ssyncset.done $0x0  }
0x49: {  	s0 =	simm.s32 @!p1 $0x5;
	[sflag:s20] =	ssyncadd.s32 $0xFFFF6000  }
0x4a: {  	_ =	swait.ge @!p1 [sflag:s0], $0x1000  }
0x4b: {  	[sflag:s0] =	ssyncset.done @!p1 $0x0  }
0x4c: {  	s16 =	simm.s32 $0x0;
	[sflag:s0] =	ssyncadd.s32 @!p1 $0xFFFFF000  }
0x4d: {  	s19 =	simm.s32 $0x400;
	v1 =	vld [tilespmem:s16+$0x700]  }
0x4e: {  	s18 =	simm.s32 $0x2980;
	v9 =	vld [tilespmem:s19+$0x0]  }
0x4f: {  	v2 =	vld [tilespmem:s18+$0xFFFFFD80]  }
0x50: {  	v3 =	vld [tilespmem:$0x18700];
	_ =	sdelay $0x1  }
0x51: {  	v4 =	vld [tilespmem:s18+$0xFFFFFE00]  }
0x52: {  	v5 =	vbroadcast v9, $0x0  }
0x53: {  	v6 =	vld [tilespmem:s18+$0xFFFFFE80]  }
0x54: {  	v1 =	vadd.f32 v3, v1;
	v10 =	vbroadcast v9, $0x1;
	v2 =	vmul.f32 v2, v5  }
0x55: {  	v7 =	vld [tilespmem:s18+$0xFFFFFF00]  }
0x56: {  	v3 =	vbroadcast v9, $0x2;
	v4 =	vmul.f32 v4, v10;
	v2 =	vadd.f32 v2, v1  }
0x57: {  	v8 =	vld [tilespmem:s18+$0xFFFFFF80]  }
0x58: {  	v6 =	vmul.f32 v6, v3;
	v1 =	vbroadcast v9, $0x3;
	v4 =	vadd.f32 v4, v2  }
0x59: {  	v11 =	vld [tilespmem:s18+$0x0]  }
0x5a: {  	v2 =	vbroadcast v9, $0x4;
	v7 =	vmul.f32 v7, v1;
	v6 =	vadd.f32 v6, v4  }
0x5b: {  	v12 =	vld [tilespmem:s18+$0x80]  }
0x5c: {  	v4 =	vbroadcast v9, $0x5;
	v8 =	vmul.f32 v8, v2;
	v7 =	vadd.f32 v7, v6  }
0x5d: {  	v13 =	vld [tilespmem:s18+$0x100]  }
0x5e: {  	v6 =	vbroadcast v9, $0x6;
	v11 =	vmul.f32 v11, v4;
	v7 =	vadd.f32 v8, v7  }
0x5f: {  	v14 =	vld [tilespmem:s18+$0x180]  }
0x60: {  	v8 =	vbroadcast v9, $0x7;
	v12 =	vmul.f32 v12, v6;
	v11 =	vadd.f32 v11, v7  }
0x61: {  	v15 =	vld [tilespmem:s18+$0x200]  }
0x62: {  	v7 =	vbroadcast v9, $0x8;
	v11 =	vadd.f32 v12, v11;
	v12 =	vmul.f32 v13, v8;
	_ =	sdelay $0x1  }
0x63: {  	v9 =	vbroadcast v9, $0x9;
	v11 =	vadd.f32 v12, v11;
	v12 =	vmul.f32 v14, v7;
	_ =	sdelay $0x1  }
0x64: {  	v11 =	vadd.f32 v12, v11;
	v12 =	vmul.f32 v15, v9;
	_ =	sdelay $0x1  }
0x65: {  	v11 =	vadd.f32 v12, v11;
	_ =	sdelay $0x1  }
0x66: {  	v11 =	vmax.f32 v11, $0.0e+00  }
0x67: {  	v12 =	vld [tilespmem:s16+$0x710];
	[tilespmem:s16+$0x16700] =	vst v11  }
0x68: {  	v13 =	vld [tilespmem:$0x18710]  }
0x69: {  	v14 =	vld [tilespmem:s18+$0xFFFFFD90];
	_ =	sdelay $0x1  }
0x6a: {  	v15 =	vld [tilespmem:s18+$0xFFFFFE10];
	_ =	sdelay $0x1  }
0x6b: {  	v16 =	vld [tilespmem:s18+$0xFFFFFE90]  }
0x6c: {  	v12 =	vadd.f32 v13, v12;
	v13 =	vmul.f32 v14, v5  }
0x6d: {  	v14 =	vld [tilespmem:s18+$0xFFFFFF10]  }
0x6e: {  	v12 =	vadd.f32 v13, v12;
	v13 =	vmul.f32 v15, v10  }
0x6f: {  	v15 =	vld [tilespmem:s18+$0xFFFFFF90]  }
0x70: {  	v16 =	vmul.f32 v16, v3;
	v12 =	vadd.f32 v13, v12  }
0x71: {  	v13 =	vld [tilespmem:s18+$0x10]  }
0x72: {  	v14 =	vmul.f32 v14, v1;
	v12 =	vadd.f32 v16, v12  }
0x73: {  	v16 =	vld [tilespmem:s18+$0x90]  }
0x74: {  	v12 =	vadd.f32 v14, v12;
	v14 =	vmul.f32 v15, v2  }
0x75: {  	v15 =	vld [tilespmem:s18+$0x110]  }
0x76: {  	v13 =	vmul.f32 v13, v4;
	v12 =	vadd.f32 v14, v12  }
0x77: {  	v14 =	vld [tilespmem:s18+$0x190]  }
0x78: {  	v12 =	vadd.f32 v13, v12;
	v13 =	vmul.f32 v16, v6  }
0x79: {  	v16 =	vld [tilespmem:s18+$0x210]  }
0x7a: {  	v12 =	vadd.f32 v13, v12;
	v13 =	vmul.f32 v15, v8;
	_ =	sdelay $0x1  }
0x7b: {  	v12 =	vadd.f32 v13, v12;
	v13 =	vmul.f32 v14, v7;
	_ =	sdelay $0x1  }
0x7c: {  	v12 =	vadd.f32 v13, v12;
	v13 =	vmul.f32 v16, v9;
	_ =	sdelay $0x1  }
0x7d: {  	v12 =	vadd.f32 v13, v12;
	_ =	sdelay $0x1  }
0x7e: {  	v13 =	vmax.f32 v12, $0.0e+00  }
0x7f: {  	v12 =	vld [tilespmem:s16+$0x720];
	[tilespmem:s16+$0x16710] =	vst v13  }
0x80: {  	v14 =	vld [tilespmem:$0x18720]  }
0x81: {  	v15 =	vld [tilespmem:s18+$0xFFFFFDA0];
	_ =	sdelay $0x1  }
0x82: {  	v16 =	vld [tilespmem:s18+$0xFFFFFE20];
	_ =	sdelay $0x1  }
0x83: {  	v17 =	vld [tilespmem:s18+$0xFFFFFEA0]  }
0x84: {  	v12 =	vadd.f32 v14, v12;
	v14 =	vmul.f32 v15, v5  }
0x85: {  	v15 =	vld [tilespmem:s18+$0xFFFFFF20]  }
0x86: {  	v12 =	vadd.f32 v14, v12;
	v14 =	vmul.f32 v16, v10  }
0x87: {  	v16 =	vld [tilespmem:s18+$0xFFFFFFA0]  }
0x88: {  	v12 =	vadd.f32 v14, v12;
	v14 =	vmul.f32 v17, v3  }
0x89: {  	v17 =	vld [tilespmem:s18+$0x20]  }
0x8a: {  	v12 =	vadd.f32 v14, v12;
	v14 =	vmul.f32 v15, v1  }
0x8b: {  	v15 =	vld [tilespmem:s18+$0xA0]  }
0x8c: {  	v12 =	vadd.f32 v14, v12;
	v14 =	vmul.f32 v16, v2  }
0x8d: {  	v16 =	vld [tilespmem:s18+$0x120]  }
0x8e: {  	v12 =	vadd.f32 v14, v12;
	v14 =	vmul.f32 v17, v4  }
0x8f: {  	v17 =	vld [tilespmem:s18+$0x1A0]  }
0x90: {  	v12 =	vadd.f32 v14, v12;
	v14 =	vmul.f32 v15, v6  }
0x91: {  	v15 =	vld [tilespmem:s18+$0x220]  }
0x92: {  	v12 =	vadd.f32 v14, v12;
	v14 =	vmul.f32 v16, v8;
	_ =	sdelay $0x1  }
0x93: {  	v12 =	vadd.f32 v14, v12;
	v14 =	vmul.f32 v17, v7;
	_ =	sdelay $0x1  }
0x94: {  	v12 =	vadd.f32 v14, v12;
	v14 =	vmul.f32 v15, v9;
	_ =	sdelay $0x1  }
0x95: {  	v12 =	vadd.f32 v14, v12;
	_ =	sdelay $0x1  }
0x96: {  	v14 =	vmax.f32 v12, $0.0e+00  }
0x97: {  	v12 =	vld [tilespmem:s16+$0x730];
	[tilespmem:s16+$0x16720] =	vst v14  }
0x98: {  	v15 =	vld [tilespmem:$0x18730]  }
0x99: {  	v16 =	vld [tilespmem:s18+$0xFFFFFDB0];
	_ =	sdelay $0x1  }
0x9a: {  	v17 =	vld [tilespmem:s18+$0xFFFFFE30];
	_ =	sdelay $0x1  }
0x9b: {  	v18 =	vld [tilespmem:s18+$0xFFFFFEB0]  }
0x9c: {  	v12 =	vadd.f32 v15, v12;
	v15 =	vmul.f32 v16, v5  }
0x9d: {  	v16 =	vld [tilespmem:s18+$0xFFFFFF30]  }
0x9e: {  	v12 =	vadd.f32 v15, v12;
	v15 =	vmul.f32 v17, v10  }
0x9f: {  	v17 =	vld [tilespmem:s18+$0xFFFFFFB0]  }
0xa0: {  	v12 =	vadd.f32 v15, v12;
	v15 =	vmul.f32 v18, v3  }
0xa1: {  	v18 =	vld [tilespmem:s18+$0x30]  }
0xa2: {  	v12 =	vadd.f32 v15, v12;
	v15 =	vmul.f32 v16, v1  }
0xa3: {  	v16 =	vld [tilespmem:s18+$0xB0]  }
0xa4: {  	v12 =	vadd.f32 v15, v12;
	v15 =	vmul.f32 v17, v2  }
0xa5: {  	v17 =	vld [tilespmem:s18+$0x130]  }
0xa6: {  	v12 =	vadd.f32 v15, v12;
	v15 =	vmul.f32 v18, v4  }
0xa7: {  	v18 =	vld [tilespmem:s18+$0x1B0]  }
0xa8: {  	v12 =	vadd.f32 v15, v12;
	v15 =	vmul.f32 v16, v6  }
0xa9: {  	v16 =	vld [tilespmem:s18+$0x230]  }
0xaa: {  	v12 =	vadd.f32 v15, v12;
	v15 =	vmul.f32 v17, v8;
	_ =	sdelay $0x1  }
0xab: {  	v12 =	vadd.f32 v15, v12;
	v15 =	vmul.f32 v18, v7;
	_ =	sdelay $0x1  }
0xac: {  	v12 =	vadd.f32 v15, v12;
	v15 =	vmul.f32 v16, v9;
	_ =	sdelay $0x1  }
0xad: {  	v12 =	vadd.f32 v15, v12;
	_ =	sdelay $0x1  }
0xae: {  	v15 =	vmax.f32 v12, $0.0e+00  }
0xaf: {  	v12 =	vld [tilespmem:s16+$0x740];
	[tilespmem:s16+$0x16730] =	vst v15  }
0xb0: {  	v16 =	vld [tilespmem:$0x18740]  }
0xb1: {  	v17 =	vld [tilespmem:s18+$0xFFFFFDC0];
	_ =	sdelay $0x1  }
0xb2: {  	v18 =	vld [tilespmem:s18+$0xFFFFFE40];
	_ =	sdelay $0x1  }
0xb3: {  	v19 =	vld [tilespmem:s18+$0xFFFFFEC0]  }
0xb4: {  	v12 =	vadd.f32 v16, v12;
	v16 =	vmul.f32 v17, v5  }
0xb5: {  	v17 =	vld [tilespmem:s18+$0xFFFFFF40]  }
0xb6: {  	v12 =	vadd.f32 v16, v12;
	v16 =	vmul.f32 v18, v10  }
0xb7: {  	v18 =	vld [tilespmem:s18+$0xFFFFFFC0]  }
0xb8: {  	v12 =	vadd.f32 v16, v12;
	v16 =	vmul.f32 v19, v3  }
0xb9: {  	v19 =	vld [tilespmem:s18+$0x40]  }
0xba: {  	v12 =	vadd.f32 v16, v12;
	v16 =	vmul.f32 v17, v1  }
0xbb: {  	v17 =	vld [tilespmem:s18+$0xC0]  }
0xbc: {  	v12 =	vadd.f32 v16, v12;
	v16 =	vmul.f32 v18, v2  }
0xbd: {  	v18 =	vld [tilespmem:s18+$0x140]  }
0xbe: {  	v12 =	vadd.f32 v16, v12;
	v16 =	vmul.f32 v19, v4  }
0xbf: {  	v19 =	vld [tilespmem:s18+$0x1C0]  }
0xc0: {  	v12 =	vadd.f32 v16, v12;
	v16 =	vmul.f32 v17, v6  }
0xc1: {  	v17 =	vld [tilespmem:s18+$0x240]  }
0xc2: {  	v12 =	vadd.f32 v16, v12;
	v16 =	vmul.f32 v18, v8;
	_ =	sdelay $0x1  }
0xc3: {  	v12 =	vadd.f32 v16, v12;
	v16 =	vmul.f32 v19, v7;
	_ =	sdelay $0x1  }
0xc4: {  	v12 =	vadd.f32 v16, v12;
	v16 =	vmul.f32 v17, v9;
	_ =	sdelay $0x1  }
0xc5: {  	v12 =	vadd.f32 v16, v12;
	_ =	sdelay $0x1  }
0xc6: {  	v16 =	vmax.f32 v12, $0.0e+00  }
0xc7: {  	v12 =	vld [tilespmem:s16+$0x750];
	[tilespmem:s16+$0x16740] =	vst v16  }
0xc8: {  	v17 =	vld [tilespmem:$0x18750]  }
0xc9: {  	v18 =	vld [tilespmem:s18+$0xFFFFFDD0];
	_ =	sdelay $0x1  }
0xca: {  	v19 =	vld [tilespmem:s18+$0xFFFFFE50];
	_ =	sdelay $0x1  }
0xcb: {  	v20 =	vld [tilespmem:s18+$0xFFFFFED0]  }
0xcc: {  	v12 =	vadd.f32 v17, v12;
	v17 =	vmul.f32 v18, v5  }
0xcd: {  	v18 =	vld [tilespmem:s18+$0xFFFFFF50]  }
0xce: {  	v19 =	vmul.f32 v19, v10;
	v12 =	vadd.f32 v17, v12  }
0xcf: {  	v17 =	vld [tilespmem:s18+$0xFFFFFFD0]  }
0xd0: {  	v20 =	vmul.f32 v20, v3;
	v12 =	vadd.f32 v19, v12  }
0xd1: {  	v19 =	vld [tilespmem:s18+$0x50]  }
0xd2: {  	v18 =	vmul.f32 v18, v1;
	v12 =	vadd.f32 v20, v12  }
0xd3: {  	v20 =	vld [tilespmem:s18+$0xD0]  }
0xd4: {  	v17 =	vmul.f32 v17, v2;
	v12 =	vadd.f32 v18, v12  }
0xd5: {  	v18 =	vld [tilespmem:s18+$0x150]  }
0xd6: {  	v19 =	vmul.f32 v19, v4;
	v12 =	vadd.f32 v17, v12  }
0xd7: {  	v17 =	vld [tilespmem:s18+$0x1D0]  }
0xd8: {  	v20 =	vmul.f32 v20, v6;
	v12 =	vadd.f32 v19, v12  }
0xd9: {  	v19 =	vld [tilespmem:s18+$0x250]  }
0xda: {  	v18 =	vmul.f32 v18, v8;
	v12 =	vadd.f32 v20, v12;
	_ =	sdelay $0x1  }
0xdb: {  	v17 =	vmul.f32 v17, v7;
	v12 =	vadd.f32 v18, v12;
	_ =	sdelay $0x1  }
0xdc: {  	v18 =	vmul.f32 v19, v9;
	v12 =	vadd.f32 v17, v12;
	_ =	sdelay $0x1  }
0xdd: {  	v12 =	vadd.f32 v18, v12;
	_ =	sdelay $0x1  }
0xde: {  	v17 =	vmax.f32 v12, $0.0e+00  }
0xdf: {  	v12 =	vld [tilespmem:s16+$0x760];
	[tilespmem:s16+$0x16750] =	vst v17  }
0xe0: {  	v18 =	vld [tilespmem:$0x18760]  }
0xe1: {  	v19 =	vld [tilespmem:s18+$0xFFFFFDE0];
	_ =	sdelay $0x1  }
0xe2: {  	v20 =	vld [tilespmem:s18+$0xFFFFFE60];
	_ =	sdelay $0x1  }
0xe3: {  	v21 =	vld [tilespmem:s18+$0xFFFFFEE0]  }
0xe4: {  	v12 =	vadd.f32 v18, v12;
	v18 =	vmul.f32 v19, v5  }
0xe5: {  	v19 =	vld [tilespmem:s18+$0xFFFFFF60]  }
0xe6: {  	v20 =	vmul.f32 v20, v10;
	v12 =	vadd.f32 v18, v12  }
0xe7: {  	v18 =	vld [tilespmem:s18+$0xFFFFFFE0]  }
0xe8: {  	v21 =	vmul.f32 v21, v3;
	v12 =	vadd.f32 v20, v12  }
0xe9: {  	v20 =	vld [tilespmem:s18+$0x60]  }
0xea: {  	v19 =	vmul.f32 v19, v1;
	v12 =	vadd.f32 v21, v12  }
0xeb: {  	v21 =	vld [tilespmem:s18+$0xE0]  }
0xec: {  	v18 =	vmul.f32 v18, v2;
	v12 =	vadd.f32 v19, v12  }
0xed: {  	v19 =	vld [tilespmem:s18+$0x160]  }
0xee: {  	v20 =	vmul.f32 v20, v4;
	v12 =	vadd.f32 v18, v12  }
0xef: {  	v18 =	vld [tilespmem:s18+$0x1E0]  }
0xf0: {  	v21 =	vmul.f32 v21, v6;
	v12 =	vadd.f32 v20, v12  }
0xf1: {  	v20 =	vld [tilespmem:s18+$0x260]  }
0xf2: {  	v19 =	vmul.f32 v19, v8;
	v12 =	vadd.f32 v21, v12;
	_ =	sdelay $0x1  }
0xf3: {  	v18 =	vmul.f32 v18, v7;
	v12 =	vadd.f32 v19, v12;
	_ =	sdelay $0x1  }
0xf4: {  	v19 =	vmul.f32 v20, v9;
	v12 =	vadd.f32 v18, v12;
	_ =	sdelay $0x1  }
0xf5: {  	v12 =	vadd.f32 v19, v12;
	_ =	sdelay $0x1  }
0xf6: {  	v13 =	vmul.f32 v13, v13;
	v18 =	vmax.f32 v12, $0.0e+00  }
0xf7: {  	v14 =	vmul.f32 v14, v14;
	v15 =	vmul.f32 v15, v15;
	v19 =	vld [tilespmem:s16+$0x770];
	[tilespmem:s16+$0x16760] =	vst v18  }
0xf8: {  	v16 =	vmul.f32 v16, v16;
	v17 =	vmul.f32 v17, v17;
	v20 =	vld [tilespmem:$0x18770]  }
0xf9: {  	s31 =	simm.s32 $0x200;
	s0 =	simm.s32 $0x2980;
	v12 =	vmul.f32 v11, v11;
	v11 =	vimm.f32 $0.0e+00;
	v18 =	vmul.f32 v18, v18;
	v21 =	vld [tilespmem:s18+$0xFFFFFDF0]  }
.LBB2_3:
0xfa: {  	p0 =	sne.s32 s31, $0x3E00;
	v22 =	vld [tilespmem:s18+$0xFFFFFE70];
	s0 =	sadd.s32 $0x500, s0;
	s19 =	sadd.s32 $0xA, s19  }
0xfb: {  	s4 =	smov.u32 s31;
	s31 =	sadd.s32 $0x200, s31;
	v23 =	vld [tilespmem:s18+$0xFFFFFEF0]  }
0xfc: {  	v24 =	vld [tilespmem:s18+$0xFFFFFF70]  }
0xfd: {  	v19 =	vadd.f32 v20, v19;
	v20 =	vld [tilespmem:s18+$0xFFFFFFF0]  }
0xfe: {  	v5 =	vmul.f32 v21, v5;
	v21 =	vld [tilespmem:s18+$0x70]  }
0xff: {  	v10 =	vmul.f32 v22, v10;
	v22 =	vld [tilespmem:s18+$0xF0]  }
0x100: {  	v5 =	vadd.f32 v5, v19;
	v3 =	vmul.f32 v23, v3;
	v19 =	vld [tilespmem:s18+$0x170]  }
0x101: {  	v1 =	vmul.f32 v24, v1;
	v23 =	vld [tilespmem:s18+$0x1F0]  }
0x102: {  	v5 =	vadd.f32 v10, v5;
	v2 =	vmul.f32 v20, v2;
	v10 =	vld [tilespmem:s18+$0x270];
	s18 =	smov.u32 s0  }
0x103: {  	v4 =	vmul.f32 v21, v4  }
0x104: {  	v3 =	vadd.f32 v3, v5;
	v5 =	vmul.f32 v22, v6  }
0x105: {  	v6 =	vmul.f32 v19, v8  }
0x106: {  	v1 =	vadd.f32 v1, v3;
	v3 =	vmul.f32 v23, v7  }
0x107: {  	v7 =	vmul.f32 v10, v9  }
0x108: {  	s4 =	sshra.s32 s4, $0x2;
	v8 =	vadd.f32 v12, v11;
	v1 =	vadd.f32 v2, v1;
	_ =	sdelay $0x1  }
0x109: {  	v2 =	vadd.f32 v13, v8;
	v9 =	vld [tilespmem:s4+$0x700];
	v1 =	vadd.f32 v4, v1;
	_ =	sdelay $0x1  }
0x10a: {  	v2 =	vadd.f32 v14, v2;
	v1 =	vadd.f32 v5, v1;
	_ =	sdelay $0x1  }
0x10b: {  	v2 =	vadd.f32 v15, v2;
	v1 =	vadd.f32 v6, v1;
	_ =	sdelay $0x1  }
0x10c: {  	v2 =	vadd.f32 v16, v2;
	v1 =	vadd.f32 v3, v1;
	_ =	sdelay $0x1  }
0x10d: {  	v2 =	vadd.f32 v17, v2;
	v1 =	vadd.f32 v7, v1;
	_ =	sdelay $0x1  }
0x10e: {  	v2 =	vadd.f32 v18, v2;
	v1 =	vmax.f32 v1, $0.0e+00  }
0x10f: {  	[tilespmem:s16+$0x16770] =	vst v1;
	v1 =	vmul.f32 v1, v1;
	s16 =	smov.u32 s4  }
0x110: {  	v12 =	vld [tilespmem:s19+$0x0]  }
0x111: {  	v4 =	vld [tilespmem:s0+$0xFFFFFD80];
	v11 =	vadd.f32 v1, v2  }
0x112: {  	v6 =	vld [tilespmem:$0x18700]  }
0x113: {  	v7 =	vld [tilespmem:s0+$0xFFFFFE80]  }
0x114: {  	v8 =	vld [tilespmem:s0+$0xFFFFFE00]  }
0x115: {  	v5 =	vbroadcast v12, $0x0;
	v1 =	vbroadcast v12, $0x3  }
0x116: {  	v3 =	vbroadcast v12, $0x2;
	v2 =	vbroadcast v12, $0x4  }
0x117: {  	v10 =	vbroadcast v12, $0x1;
	v6 =	vadd.f32 v6, v9;
	v9 =	vmul.f32 v4, v5  }
0x118: {  	v4 =	vbroadcast v12, $0x5;
	v13 =	vmul.f32 v7, v3;
	v14 =	vld [tilespmem:s0+$0xFFFFFF00]  }
0x119: {  	v9 =	vadd.f32 v9, v6;
	v15 =	vmul.f32 v8, v10;
	v6 =	vbroadcast v12, $0x6  }
0x11a: {  	v7 =	vbroadcast v12, $0x8;
	v8 =	vbroadcast v12, $0x7;
	v16 =	vld [tilespmem:s0+$0xFFFFFF80]  }
0x11b: {  	v15 =	vadd.f32 v15, v9;
	v9 =	vbroadcast v12, $0x9  }
0x11c: {  	v12 =	vld [tilespmem:s0+$0x0]  }
0x11d: {  	v13 =	vadd.f32 v13, v15;
	v14 =	vmul.f32 v14, v1  }
0x11e: {  	v15 =	vld [tilespmem:s0+$0x80]  }
0x11f: {  	v13 =	vadd.f32 v14, v13;
	v14 =	vmul.f32 v16, v2  }
0x120: {  	v16 =	vld [tilespmem:s0+$0x100]  }
0x121: {  	v13 =	vadd.f32 v14, v13;
	v12 =	vmul.f32 v12, v4  }
0x122: {  	v14 =	vld [tilespmem:s0+$0x180]  }
0x123: {  	v12 =	vadd.f32 v12, v13;
	v13 =	vmul.f32 v15, v6  }
0x124: {  	v15 =	vld [tilespmem:s0+$0x200]  }
0x125: {  	v12 =	vadd.f32 v13, v12;
	v13 =	vmul.f32 v16, v8;
	_ =	sdelay $0x1  }
0x126: {  	v12 =	vadd.f32 v13, v12;
	v13 =	vmul.f32 v14, v7;
	_ =	sdelay $0x1  }
0x127: {  	v12 =	vadd.f32 v13, v12;
	v13 =	vmul.f32 v15, v9;
	_ =	sdelay $0x1  }
0x128: {  	v12 =	vadd.f32 v13, v12;
	_ =	sdelay $0x1  }
0x129: {  	v12 =	vmax.f32 v12, $0.0e+00  }
0x12a: {  	[tilespmem:s16+$0x16700] =	vst v12;
	v12 =	vmul.f32 v12, v12;
	v13 =	vld [tilespmem:s16+$0x710]  }
0x12b: {  	v14 =	vld [tilespmem:$0x18710]  }
0x12c: {  	v15 =	vld [tilespmem:s0+$0xFFFFFD90]  }
0x12d: {  	v16 =	vld [tilespmem:s0+$0xFFFFFE90]  }
0x12e: {  	v17 =	vld [tilespmem:s0+$0xFFFFFE10];
	_ =	sdelay $0x2  }
0x12f: {  	v13 =	vadd.f32 v14, v13;
	v14 =	vmul.f32 v15, v5  }
0x130: {  	v15 =	vmul.f32 v16, v3;
	v16 =	vld [tilespmem:s0+$0xFFFFFF10]  }
0x131: {  	v13 =	vadd.f32 v14, v13;
	v14 =	vmul.f32 v17, v10  }
0x132: {  	v17 =	vld [tilespmem:s0+$0xFFFFFF90]  }
0x133: {  	v13 =	vadd.f32 v14, v13  }
0x134: {  	v14 =	vld [tilespmem:s0+$0x10]  }
0x135: {  	v13 =	vadd.f32 v15, v13;
	v15 =	vmul.f32 v16, v1  }
0x136: {  	v16 =	vld [tilespmem:s0+$0x90]  }
0x137: {  	v13 =	vadd.f32 v15, v13;
	v15 =	vmul.f32 v17, v2  }
0x138: {  	v17 =	vld [tilespmem:s0+$0x110]  }
0x139: {  	v13 =	vadd.f32 v15, v13;
	v14 =	vmul.f32 v14, v4  }
0x13a: {  	v15 =	vld [tilespmem:s0+$0x190]  }
0x13b: {  	v13 =	vadd.f32 v14, v13;
	v14 =	vmul.f32 v16, v6  }
0x13c: {  	v16 =	vld [tilespmem:s0+$0x210]  }
0x13d: {  	v13 =	vadd.f32 v14, v13;
	v14 =	vmul.f32 v17, v8;
	_ =	sdelay $0x1  }
0x13e: {  	v13 =	vadd.f32 v14, v13;
	v14 =	vmul.f32 v15, v7;
	_ =	sdelay $0x1  }
0x13f: {  	v13 =	vadd.f32 v14, v13;
	v14 =	vmul.f32 v16, v9;
	_ =	sdelay $0x1  }
0x140: {  	v13 =	vadd.f32 v14, v13;
	_ =	sdelay $0x1  }
0x141: {  	v13 =	vmax.f32 v13, $0.0e+00  }
0x142: {  	[tilespmem:s16+$0x16710] =	vst v13;
	v13 =	vmul.f32 v13, v13;
	v14 =	vld [tilespmem:s16+$0x720]  }
0x143: {  	v15 =	vld [tilespmem:$0x18720]  }
0x144: {  	v16 =	vld [tilespmem:s0+$0xFFFFFDA0];
	_ =	sdelay $0x1  }
0x145: {  	v17 =	vld [tilespmem:s0+$0xFFFFFE20];
	_ =	sdelay $0x1  }
0x146: {  	v14 =	vadd.f32 v15, v14;
	v15 =	vld [tilespmem:s0+$0xFFFFFEA0]  }
0x147: {  	v16 =	vmul.f32 v16, v5  }
0x148: {  	v18 =	vld [tilespmem:s0+$0xFFFFFF20]  }
0x149: {  	v14 =	vadd.f32 v16, v14;
	v16 =	vmul.f32 v17, v10  }
0x14a: {  	v17 =	vld [tilespmem:s0+$0xFFFFFFA0]  }
0x14b: {  	v14 =	vadd.f32 v16, v14;
	v15 =	vmul.f32 v15, v3  }
0x14c: {  	v16 =	vld [tilespmem:s0+$0x20]  }
0x14d: {  	v14 =	vadd.f32 v15, v14;
	v15 =	vmul.f32 v18, v1  }
0x14e: {  	v18 =	vld [tilespmem:s0+$0xA0]  }
0x14f: {  	v14 =	vadd.f32 v15, v14;
	v15 =	vmul.f32 v17, v2  }
0x150: {  	v17 =	vld [tilespmem:s0+$0x120]  }
0x151: {  	v14 =	vadd.f32 v15, v14;
	v15 =	vmul.f32 v16, v4  }
0x152: {  	v16 =	vld [tilespmem:s0+$0x1A0]  }
0x153: {  	v14 =	vadd.f32 v15, v14;
	v15 =	vmul.f32 v18, v6  }
0x154: {  	v18 =	vld [tilespmem:s0+$0x220]  }
0x155: {  	v14 =	vadd.f32 v15, v14;
	v15 =	vmul.f32 v17, v8;
	_ =	sdelay $0x1  }
0x156: {  	v14 =	vadd.f32 v15, v14;
	v15 =	vmul.f32 v16, v7;
	_ =	sdelay $0x1  }
0x157: {  	v14 =	vadd.f32 v15, v14;
	v15 =	vmul.f32 v18, v9;
	_ =	sdelay $0x1  }
0x158: {  	v14 =	vadd.f32 v15, v14;
	_ =	sdelay $0x1  }
0x159: {  	v14 =	vmax.f32 v14, $0.0e+00  }
0x15a: {  	[tilespmem:s16+$0x16720] =	vst v14;
	v14 =	vmul.f32 v14, v14;
	v15 =	vld [tilespmem:s16+$0x730]  }
0x15b: {  	v16 =	vld [tilespmem:$0x18730]  }
0x15c: {  	v17 =	vld [tilespmem:s0+$0xFFFFFDB0];
	_ =	sdelay $0x1  }
0x15d: {  	v18 =	vld [tilespmem:s0+$0xFFFFFE30];
	_ =	sdelay $0x1  }
0x15e: {  	v15 =	vadd.f32 v16, v15;
	v16 =	vld [tilespmem:s0+$0xFFFFFEB0]  }
0x15f: {  	v17 =	vmul.f32 v17, v5  }
0x160: {  	v19 =	vld [tilespmem:s0+$0xFFFFFF30]  }
0x161: {  	v15 =	vadd.f32 v17, v15;
	v17 =	vmul.f32 v18, v10  }
0x162: {  	v18 =	vld [tilespmem:s0+$0xFFFFFFB0]  }
0x163: {  	v15 =	vadd.f32 v17, v15;
	v16 =	vmul.f32 v16, v3  }
0x164: {  	v17 =	vld [tilespmem:s0+$0x30]  }
0x165: {  	v15 =	vadd.f32 v16, v15;
	v16 =	vmul.f32 v19, v1  }
0x166: {  	v19 =	vld [tilespmem:s0+$0xB0]  }
0x167: {  	v15 =	vadd.f32 v16, v15;
	v16 =	vmul.f32 v18, v2  }
0x168: {  	v18 =	vld [tilespmem:s0+$0x130]  }
0x169: {  	v15 =	vadd.f32 v16, v15;
	v16 =	vmul.f32 v17, v4  }
0x16a: {  	v17 =	vld [tilespmem:s0+$0x1B0]  }
0x16b: {  	v15 =	vadd.f32 v16, v15;
	v16 =	vmul.f32 v19, v6  }
0x16c: {  	v19 =	vld [tilespmem:s0+$0x230]  }
0x16d: {  	v15 =	vadd.f32 v16, v15;
	v16 =	vmul.f32 v18, v8;
	_ =	sdelay $0x1  }
0x16e: {  	v15 =	vadd.f32 v16, v15;
	v16 =	vmul.f32 v17, v7;
	_ =	sdelay $0x1  }
0x16f: {  	v15 =	vadd.f32 v16, v15;
	v16 =	vmul.f32 v19, v9;
	_ =	sdelay $0x1  }
0x170: {  	v15 =	vadd.f32 v16, v15;
	_ =	sdelay $0x1  }
0x171: {  	v15 =	vmax.f32 v15, $0.0e+00  }
0x172: {  	[tilespmem:s16+$0x16730] =	vst v15;
	v15 =	vmul.f32 v15, v15;
	v16 =	vld [tilespmem:s16+$0x740]  }
0x173: {  	v17 =	vld [tilespmem:$0x18740]  }
0x174: {  	v18 =	vld [tilespmem:s0+$0xFFFFFDC0];
	_ =	sdelay $0x1  }
0x175: {  	v19 =	vld [tilespmem:s0+$0xFFFFFE40];
	_ =	sdelay $0x1  }
0x176: {  	v16 =	vadd.f32 v17, v16;
	v17 =	vld [tilespmem:s0+$0xFFFFFEC0]  }
0x177: {  	v18 =	vmul.f32 v18, v5  }
0x178: {  	v20 =	vld [tilespmem:s0+$0xFFFFFF40]  }
0x179: {  	v16 =	vadd.f32 v18, v16;
	v18 =	vmul.f32 v19, v10  }
0x17a: {  	v19 =	vld [tilespmem:s0+$0xFFFFFFC0]  }
0x17b: {  	v16 =	vadd.f32 v18, v16;
	v17 =	vmul.f32 v17, v3  }
0x17c: {  	v18 =	vld [tilespmem:s0+$0x40]  }
0x17d: {  	v16 =	vadd.f32 v17, v16;
	v17 =	vmul.f32 v20, v1  }
0x17e: {  	v20 =	vld [tilespmem:s0+$0xC0]  }
0x17f: {  	v16 =	vadd.f32 v17, v16;
	v17 =	vmul.f32 v19, v2  }
0x180: {  	v19 =	vld [tilespmem:s0+$0x140]  }
0x181: {  	v16 =	vadd.f32 v17, v16;
	v17 =	vmul.f32 v18, v4  }
0x182: {  	v18 =	vld [tilespmem:s0+$0x1C0]  }
0x183: {  	v16 =	vadd.f32 v17, v16;
	v17 =	vmul.f32 v20, v6  }
0x184: {  	v20 =	vld [tilespmem:s0+$0x240]  }
0x185: {  	v16 =	vadd.f32 v17, v16;
	v17 =	vmul.f32 v19, v8;
	_ =	sdelay $0x1  }
0x186: {  	v16 =	vadd.f32 v17, v16;
	v17 =	vmul.f32 v18, v7;
	_ =	sdelay $0x1  }
0x187: {  	v16 =	vadd.f32 v17, v16;
	v17 =	vmul.f32 v20, v9;
	_ =	sdelay $0x1  }
0x188: {  	v16 =	vadd.f32 v17, v16;
	_ =	sdelay $0x1  }
0x189: {  	v16 =	vmax.f32 v16, $0.0e+00  }
0x18a: {  	[tilespmem:s16+$0x16740] =	vst v16;
	v16 =	vmul.f32 v16, v16;
	v17 =	vld [tilespmem:s16+$0x750]  }
0x18b: {  	v18 =	vld [tilespmem:$0x18750]  }
0x18c: {  	v19 =	vld [tilespmem:s0+$0xFFFFFDD0]  }
0x18d: {  	v20 =	vld [tilespmem:s0+$0xFFFFFE50]  }
0x18e: {  	v21 =	vld [tilespmem:s0+$0xFFFFFED0]  }
0x18f: {  	v22 =	vld [tilespmem:s0+$0xFFFFFF50]  }
0x190: {  	v23 =	vld [tilespmem:s0+$0xFFFFFFD0]  }
0x191: {  	v17 =	vadd.f32 v18, v17;
	v18 =	vmul.f32 v19, v5;
	v19 =	vld [tilespmem:s0+$0x50]  }
0x192: {  	v20 =	vmul.f32 v20, v10;
	v24 =	vld [tilespmem:s0+$0xD0]  }
0x193: {  	v17 =	vadd.f32 v18, v17;
	v18 =	vmul.f32 v21, v3;
	v21 =	vld [tilespmem:s0+$0x150]  }
0x194: {  	v22 =	vmul.f32 v22, v1;
	v25 =	vld [tilespmem:s0+$0x1D0]  }
0x195: {  	v17 =	vadd.f32 v20, v17;
	v20 =	vmul.f32 v23, v2;
	v23 =	vld [tilespmem:s0+$0x250]  }
0x196: {  	v19 =	vmul.f32 v19, v4  }
0x197: {  	v17 =	vadd.f32 v18, v17;
	v18 =	vmul.f32 v24, v6  }
0x198: {  	v21 =	vmul.f32 v21, v8  }
0x199: {  	v17 =	vadd.f32 v22, v17;
	v22 =	vmul.f32 v25, v7  }
0x19a: {  	v23 =	vmul.f32 v23, v9  }
0x19b: {  	v17 =	vadd.f32 v20, v17;
	_ =	sdelay $0x1  }
0x19c: {  	v17 =	vadd.f32 v19, v17;
	_ =	sdelay $0x1  }
0x19d: {  	v17 =	vadd.f32 v18, v17;
	_ =	sdelay $0x1  }
0x19e: {  	v17 =	vadd.f32 v21, v17;
	_ =	sdelay $0x1  }
0x19f: {  	v17 =	vadd.f32 v22, v17;
	_ =	sdelay $0x1  }
0x1a0: {  	v17 =	vadd.f32 v23, v17;
	_ =	sdelay $0x1  }
0x1a1: {  	v17 =	vmax.f32 v17, $0.0e+00  }
0x1a2: {  	[tilespmem:s16+$0x16750] =	vst v17;
	v17 =	vmul.f32 v17, v17;
	v18 =	vld [tilespmem:s16+$0x760]  }
0x1a3: {  	v19 =	vld [tilespmem:$0x18760]  }
0x1a4: {  	v20 =	vld [tilespmem:s0+$0xFFFFFDE0]  }
0x1a5: {  	v21 =	vld [tilespmem:s0+$0xFFFFFE60]  }
0x1a6: {  	v22 =	vld [tilespmem:s0+$0xFFFFFEE0]  }
0x1a7: {  	v23 =	vld [tilespmem:s0+$0xFFFFFF60]  }
0x1a8: {  	v18 =	vadd.f32 v19, v18;
	v19 =	vld [tilespmem:s0+$0xFFFFFFE0]  }
0x1a9: {  	v20 =	vmul.f32 v20, v5;
	v24 =	vld [tilespmem:s0+$0x60]  }
0x1aa: {  	v21 =	vmul.f32 v21, v10;
	v25 =	vld [tilespmem:s0+$0xE0]  }
0x1ab: {  	v18 =	vadd.f32 v20, v18;
	v20 =	vmul.f32 v22, v3;
	v22 =	vld [tilespmem:s0+$0x160]  }
0x1ac: {  	v23 =	vmul.f32 v23, v1;
	v26 =	vld [tilespmem:s0+$0x1E0]  }
0x1ad: {  	v18 =	vadd.f32 v21, v18;
	v19 =	vmul.f32 v19, v2;
	v21 =	vld [tilespmem:s0+$0x260]  }
0x1ae: {  	v24 =	vmul.f32 v24, v4  }
0x1af: {  	v18 =	vadd.f32 v20, v18;
	v20 =	vmul.f32 v25, v6  }
0x1b0: {  	v22 =	vmul.f32 v22, v8  }
0x1b1: {  	v18 =	vadd.f32 v23, v18;
	v23 =	vmul.f32 v26, v7  }
0x1b2: {  	v21 =	vmul.f32 v21, v9  }
0x1b3: {  	v18 =	vadd.f32 v19, v18;
	_ =	sdelay $0x1  }
0x1b4: {  	v18 =	vadd.f32 v24, v18;
	_ =	sdelay $0x1  }
0x1b5: {  	v18 =	vadd.f32 v20, v18;
	_ =	sdelay $0x1  }
0x1b6: {  	v18 =	vadd.f32 v22, v18;
	_ =	sdelay $0x1  }
0x1b7: {  	v18 =	vadd.f32 v23, v18;
	_ =	sdelay $0x1  }
0x1b8: {  	v18 =	vadd.f32 v21, v18  }
.Ltmp0:
0x1b9: {  	(pc) =	sbr.rel @p0 .LBB2_3-.Ltmp0, $4  }
0x1ba: {  	v18 =	vmax.f32 v18, $0.0e+00  }
0x1bb: {  	[tilespmem:s16+$0x16760] =	vst v18;
	v18 =	vmul.f32 v18, v18;
	v19 =	vld [tilespmem:s16+$0x770]  }
0x1bc: {  	v20 =	vld [tilespmem:$0x18770]  }
0x1bd: {  	v21 =	vld [tilespmem:s0+$0xFFFFFDF0]  }
0x1be: {  	_ = 	snop  }
0x1bf: {  	v22 =	vld [tilespmem:s18+$0xFFFFFE70];
	_ =	sdelay $0x1  }
0x1c0: {  	v23 =	vld [tilespmem:s18+$0xFFFFFEF0]  }
0x1c1: {  	v19 =	vadd.f32 v20, v19;
	v5 =	vmul.f32 v21, v5  }
0x1c2: {  	v20 =	vld [tilespmem:s18+$0xFFFFFF70]  }
0x1c3: {  	v10 =	vmul.f32 v22, v10;
	v5 =	vadd.f32 v5, v19  }
0x1c4: {  	v19 =	vld [tilespmem:s18+$0xFFFFFFF0]  }
0x1c5: {  	v3 =	vmul.f32 v23, v3;
	v5 =	vadd.f32 v10, v5  }
0x1c6: {  	v10 =	vld [tilespmem:s18+$0x70]  }
0x1c7: {  	v1 =	vmul.f32 v20, v1;
	v3 =	vadd.f32 v3, v5  }
0x1c8: {  	v5 =	vld [tilespmem:s18+$0xF0]  }
0x1c9: {  	v2 =	vmul.f32 v19, v2;
	v1 =	vadd.f32 v1, v3  }
0x1ca: {  	v3 =	vld [tilespmem:s18+$0x170]  }
0x1cb: {  	v4 =	vmul.f32 v10, v4;
	v1 =	vadd.f32 v2, v1  }
0x1cc: {  	v2 =	vld [tilespmem:s18+$0x1F0]  }
0x1cd: {  	v5 =	vmul.f32 v5, v6;
	v1 =	vadd.f32 v4, v1  }
0x1ce: {  	v6 =	vadd.f32 v12, v11;
	v4 =	vld [tilespmem:s18+$0x270]  }
0x1cf: {  	v3 =	vmul.f32 v3, v8;
	v1 =	vadd.f32 v5, v1  }
0x1d0: {  	v5 =	vadd.f32 v13, v6  }
0x1d1: {  	v2 =	vmul.f32 v2, v7;
	v1 =	vadd.f32 v3, v1  }
0x1d2: {  	v3 =	vadd.f32 v14, v5  }
0x1d3: {  	v4 =	vmul.f32 v4, v9;
	v1 =	vadd.f32 v2, v1  }
0x1d4: {  	v2 =	vadd.f32 v15, v3  }
0x1d5: {  	v1 =	vadd.f32 v4, v1  }
0x1d6: {  	v2 =	vadd.f32 v16, v2  }
0x1d7: {  	v1 =	vmax.f32 v1, $0.0e+00  }
0x1d8: {  	p0 =	sgt.u32 s17, $0xFFF;
	v2 =	vadd.f32 v17, v2;
	[tilespmem:s16+$0x16770] =	vst v1  }
0x1d9: {  	v3 =	vld @p0 [tilespmem:$0x18800]  }
0x1da: {  	v1 =	vmul.f32 v1, v1;
	v2 =	vadd.f32 v18, v2;
	v4 =	vld @!p0 [tilespmem:$0x18780];
	_ =	sdelay $0x1  }
0x1db: {  	s16 =	sshll.u32 @p0 s17, $0x7;
	v1 =	vadd.f32 v1, v2  }
0x1dc: {  	s0 =	sadd.s32 @p0 $0xFFF80000, s16  }
0x1dd: {  	p2 =	seq.s32 s15, $0x15;
	s4 =	sshll.u32 @!p0 s17, $0x4;
	s0 =	sshrl.u32 @p0 s0, $0x3;
	v2 =	vadd.f32 @p0 v3, v1  }
0x1de: {  	p3 =	slt.u32 @!p2 s17, $0xFC0;
	s4 =	sadd.s32 @!p0 s3, s4;
	s0 =	sadd.s32 @p0 s13, s0;
	v1 =	vadd.f32 @!p0 v4, v1  }
0x1df: {  	p3 =	por !p3, p2;
	s4 =	smov.u32 @p0 s0;
	s0 =	simm.s32 @!p2 $0x40;
	[tilespmem:$0x18800] =	vst @p0 v2  }
0x1e0: {  	s0 =	simm.s32 @p3 $0xFFFFF040;
	[tilespmem:$0x18780] =	vst @!p0 v1  }
0x1e1: {  	[hbm4b:s4+s5] =	stream.linear.scatter [tilespmem:s23], [sflag:$0x5], $0x1000, $0x38;
	[tilespmem:$0x18880] =	vst v63  }
0x1e2: {  	s0 =	sadd.s32 @!p2 s0, s17;
	s4 =	smov.u32 s1  }
0x1e3: {  	s17 =	sshrl.u32 @!p2 s0, $0x3;
	s4 =	smov.u32 @p3 s8  }
0x1e4: {  	s4 =	sadd.s32 @!p2 s4, s17;
	s17 =	simm.s32 @!p2 $0x0  }
0x1e5: {  	[tilespmem:s17], [sflag:$0x7] =	stream.linear.gather @!p2 [hbm4b:s4+s17], $0x20, $0x38;
	[tilespmem:$0x18880] =	vst v63  }
0x1e6: {  	s0 =	smul.u32 @!p2 $0xA, s0;
	s4 =	simm.s32 @!p2 $0x7  }
0x1e7: {  	s18 =	smov.u32 s8;
	_ =	swait.ge @!p2 [sflag:s4], $0x20  }
0x1e8: {  	s18 =	smov.u32 @p3 s9;
	s0 =	sshrl.u32 @!p2 s0, $0x3;
	[sflag:s4] =	ssyncset.done @!p2 $0x0  }
0x1e9: {  	s19 =	simm.s32 @!p2 $0x100;
	s18 =	sadd.s32 @!p2 s18, s0;
	[sflag:s4] =	ssyncadd.s32 @!p2 $0xFFFFFFE0  }
0x1ea: {  	[tilespmem:s19], [sflag:$0x7] =	stream.linear.gather @!p2 [hbm4b:s18+s17], $0x140, $0x38;
	[tilespmem:$0x18880] =	vst v63  }
0x1eb: {  	s18 =	smov.u32 s11;
	_ =	swait.ge @!p2 [sflag:s4], $0x140  }
0x1ec: {  	s18 =	smov.u32 @p3 s12;
	[sflag:s4] =	ssyncset.done @!p2 $0x0  }
0x1ed: {  	s0 =	sadd.s32 @!p2 s18, s0;
	s18 =	simm.s32 @!p2 $0x400;
	[sflag:s4] =	ssyncadd.s32 @!p2 $0xFFFFFEC0  }
0x1ee: {  	[tilespmem:s18], [sflag:$0x7] =	stream.linear.gather @!p2 [hbm4b:s0+s17], $0x140, $0x38;
	[tilespmem:$0x18880] =	vst v63  }
0x1ef: {  	_ =	swait.ge @!p2 [sflag:s4], $0x140  }
0x1f0: {  	[sflag:s4] =	ssyncset.done @!p2 $0x0  }
0x1f1: {  	s0 =	simm.s32 @!p2 $0x20;
	[sflag:s4] =	ssyncadd.s32 @!p2 $0xFFFFFEC0;
	s4 =	simm.s32 @!p2 $0x700  }
0x1f2: {  	[tilespmem:s4], [sflag:$0x1] =	stream.indirect.gather @!p2 [hbm4b:s6+s0], $0x80, s17, s0, $0xb8;
	[tilespmem:$0x18880] =	vst v63  }
0x1f3: {  	s0 =	simm.s32 @!p2 $0x140;
	s4 =	simm.s32 @!p2 $0x2700  }
0x1f4: {  	[tilespmem:s4], [sflag:$0x2] =	stream.indirect.gather @!p2 [hbm4b:s7+s0], $0x80, s19, s0, $0xb8;
	[tilespmem:$0x18880] =	vst v63  }
0x1f5: {  	_ =	swait.ge [sflag:s25], $0x1000  }
0x1f6: {  	[sflag:s25] =	ssyncset.done $0x0  }
0x1f7: {  	[sflag:s25] =	ssyncadd.s32 $0xFFFFF000  }
0x1f8: {  	_ =	swait.ge [sflag:s28], $0xA000  }
0x1f9: {  	[sflag:s28] =	ssyncset.done $0x0  }
0x1fa: {  	s0 =	simm.s32 @!p1 $0x6;
	[sflag:s28] =	ssyncadd.s32 $0xFFFF6000  }
0x1fb: {  	_ =	swait.ge @!p1 [sflag:s0], $0x1000  }
0x1fc: {  	[sflag:s0] =	ssyncset.done @!p1 $0x0  }
0x1fd: {  	s17 =	simm.s32 $0x0;
	[sflag:s0] =	ssyncadd.s32 @!p1 $0xFFFFF000  }
0x1fe: {  	s19 =	simm.s32 $0x580;
	v1 =	vld [tilespmem:s17+$0x1700]  }
0x1ff: {  	s18 =	simm.s32 $0xC980;
	v9 =	vld [tilespmem:s19+$0x0]  }
0x200: {  	v2 =	vld [tilespmem:s18+$0xFFFFFD80]  }
0x201: {  	v3 =	vld [tilespmem:$0x18700];
	_ =	sdelay $0x1  }
0x202: {  	v4 =	vld [tilespmem:s18+$0xFFFFFE00]  }
0x203: {  	v5 =	vbroadcast v9, $0x0  }
0x204: {  	v6 =	vld [tilespmem:s18+$0xFFFFFE80]  }
0x205: {  	v1 =	vadd.f32 v3, v1;
	v10 =	vbroadcast v9, $0x1;
	v2 =	vmul.f32 v2, v5  }
0x206: {  	v7 =	vld [tilespmem:s18+$0xFFFFFF00]  }
0x207: {  	v3 =	vbroadcast v9, $0x2;
	v4 =	vmul.f32 v4, v10;
	v2 =	vadd.f32 v2, v1  }
0x208: {  	v8 =	vld [tilespmem:s18+$0xFFFFFF80]  }
0x209: {  	v6 =	vmul.f32 v6, v3;
	v1 =	vbroadcast v9, $0x3;
	v4 =	vadd.f32 v4, v2  }
0x20a: {  	v11 =	vld [tilespmem:s18+$0x0]  }
0x20b: {  	v2 =	vbroadcast v9, $0x4;
	v7 =	vmul.f32 v7, v1;
	v6 =	vadd.f32 v6, v4  }
0x20c: {  	v12 =	vld [tilespmem:s18+$0x80]  }
0x20d: {  	v4 =	vbroadcast v9, $0x5;
	v8 =	vmul.f32 v8, v2;
	v7 =	vadd.f32 v7, v6  }
0x20e: {  	v13 =	vld [tilespmem:s18+$0x100]  }
0x20f: {  	v6 =	vbroadcast v9, $0x6;
	v11 =	vmul.f32 v11, v4;
	v7 =	vadd.f32 v8, v7  }
0x210: {  	v14 =	vld [tilespmem:s18+$0x180]  }
0x211: {  	v8 =	vbroadcast v9, $0x7;
	v12 =	vmul.f32 v12, v6;
	v11 =	vadd.f32 v11, v7  }
0x212: {  	v15 =	vld [tilespmem:s18+$0x200]  }
0x213: {  	v7 =	vbroadcast v9, $0x8;
	v11 =	vadd.f32 v12, v11;
	v12 =	vmul.f32 v13, v8;
	_ =	sdelay $0x1  }
0x214: {  	v9 =	vbroadcast v9, $0x9;
	v11 =	vadd.f32 v12, v11;
	v12 =	vmul.f32 v14, v7;
	_ =	sdelay $0x1  }
0x215: {  	v11 =	vadd.f32 v12, v11;
	v12 =	vmul.f32 v15, v9;
	_ =	sdelay $0x1  }
0x216: {  	v11 =	vadd.f32 v12, v11;
	_ =	sdelay $0x1  }
0x217: {  	v11 =	vmax.f32 v11, $0.0e+00  }
0x218: {  	v12 =	vld [tilespmem:s17+$0x1710];
	[tilespmem:s17+$0x17700] =	vst v11  }
0x219: {  	v13 =	vld [tilespmem:$0x18710]  }
0x21a: {  	v14 =	vld [tilespmem:s18+$0xFFFFFD90];
	_ =	sdelay $0x1  }
0x21b: {  	v15 =	vld [tilespmem:s18+$0xFFFFFE10];
	_ =	sdelay $0x1  }
0x21c: {  	v16 =	vld [tilespmem:s18+$0xFFFFFE90]  }
0x21d: {  	v12 =	vadd.f32 v13, v12;
	v13 =	vmul.f32 v14, v5  }
0x21e: {  	v14 =	vld [tilespmem:s18+$0xFFFFFF10]  }
0x21f: {  	v12 =	vadd.f32 v13, v12;
	v13 =	vmul.f32 v15, v10  }
0x220: {  	v15 =	vld [tilespmem:s18+$0xFFFFFF90]  }
0x221: {  	v16 =	vmul.f32 v16, v3;
	v12 =	vadd.f32 v13, v12  }
0x222: {  	v13 =	vld [tilespmem:s18+$0x10]  }
0x223: {  	v14 =	vmul.f32 v14, v1;
	v12 =	vadd.f32 v16, v12  }
0x224: {  	v16 =	vld [tilespmem:s18+$0x90]  }
0x225: {  	v12 =	vadd.f32 v14, v12;
	v14 =	vmul.f32 v15, v2  }
0x226: {  	v15 =	vld [tilespmem:s18+$0x110]  }
0x227: {  	v13 =	vmul.f32 v13, v4;
	v12 =	vadd.f32 v14, v12  }
0x228: {  	v14 =	vld [tilespmem:s18+$0x190]  }
0x229: {  	v12 =	vadd.f32 v13, v12;
	v13 =	vmul.f32 v16, v6  }
0x22a: {  	v16 =	vld [tilespmem:s18+$0x210]  }
0x22b: {  	v12 =	vadd.f32 v13, v12;
	v13 =	vmul.f32 v15, v8;
	_ =	sdelay $0x1  }
0x22c: {  	v12 =	vadd.f32 v13, v12;
	v13 =	vmul.f32 v14, v7;
	_ =	sdelay $0x1  }
0x22d: {  	v12 =	vadd.f32 v13, v12;
	v13 =	vmul.f32 v16, v9;
	_ =	sdelay $0x1  }
0x22e: {  	v12 =	vadd.f32 v13, v12;
	_ =	sdelay $0x1  }
0x22f: {  	v13 =	vmax.f32 v12, $0.0e+00  }
0x230: {  	v12 =	vld [tilespmem:s17+$0x1720];
	[tilespmem:s17+$0x17710] =	vst v13  }
0x231: {  	v14 =	vld [tilespmem:$0x18720]  }
0x232: {  	v15 =	vld [tilespmem:s18+$0xFFFFFDA0];
	_ =	sdelay $0x1  }
0x233: {  	v16 =	vld [tilespmem:s18+$0xFFFFFE20];
	_ =	sdelay $0x1  }
0x234: {  	v17 =	vld [tilespmem:s18+$0xFFFFFEA0]  }
0x235: {  	v12 =	vadd.f32 v14, v12;
	v14 =	vmul.f32 v15, v5  }
0x236: {  	v15 =	vld [tilespmem:s18+$0xFFFFFF20]  }
0x237: {  	v12 =	vadd.f32 v14, v12;
	v14 =	vmul.f32 v16, v10  }
0x238: {  	v16 =	vld [tilespmem:s18+$0xFFFFFFA0]  }
0x239: {  	v12 =	vadd.f32 v14, v12;
	v14 =	vmul.f32 v17, v3  }
0x23a: {  	v17 =	vld [tilespmem:s18+$0x20]  }
0x23b: {  	v12 =	vadd.f32 v14, v12;
	v14 =	vmul.f32 v15, v1  }
0x23c: {  	v15 =	vld [tilespmem:s18+$0xA0]  }
0x23d: {  	v12 =	vadd.f32 v14, v12;
	v14 =	vmul.f32 v16, v2  }
0x23e: {  	v16 =	vld [tilespmem:s18+$0x120]  }
0x23f: {  	v12 =	vadd.f32 v14, v12;
	v14 =	vmul.f32 v17, v4  }
0x240: {  	v17 =	vld [tilespmem:s18+$0x1A0]  }
0x241: {  	v12 =	vadd.f32 v14, v12;
	v14 =	vmul.f32 v15, v6  }
0x242: {  	v15 =	vld [tilespmem:s18+$0x220]  }
0x243: {  	v12 =	vadd.f32 v14, v12;
	v14 =	vmul.f32 v16, v8;
	_ =	sdelay $0x1  }
0x244: {  	v12 =	vadd.f32 v14, v12;
	v14 =	vmul.f32 v17, v7;
	_ =	sdelay $0x1  }
0x245: {  	v12 =	vadd.f32 v14, v12;
	v14 =	vmul.f32 v15, v9;
	_ =	sdelay $0x1  }
0x246: {  	v12 =	vadd.f32 v14, v12;
	_ =	sdelay $0x1  }
0x247: {  	v14 =	vmax.f32 v12, $0.0e+00  }
0x248: {  	v12 =	vld [tilespmem:s17+$0x1730];
	[tilespmem:s17+$0x17720] =	vst v14  }
0x249: {  	v15 =	vld [tilespmem:$0x18730]  }
0x24a: {  	v16 =	vld [tilespmem:s18+$0xFFFFFDB0];
	_ =	sdelay $0x1  }
0x24b: {  	v17 =	vld [tilespmem:s18+$0xFFFFFE30];
	_ =	sdelay $0x1  }
0x24c: {  	v18 =	vld [tilespmem:s18+$0xFFFFFEB0]  }
0x24d: {  	v12 =	vadd.f32 v15, v12;
	v15 =	vmul.f32 v16, v5  }
0x24e: {  	v16 =	vld [tilespmem:s18+$0xFFFFFF30]  }
0x24f: {  	v12 =	vadd.f32 v15, v12;
	v15 =	vmul.f32 v17, v10  }
0x250: {  	v17 =	vld [tilespmem:s18+$0xFFFFFFB0]  }
0x251: {  	v12 =	vadd.f32 v15, v12;
	v15 =	vmul.f32 v18, v3  }
0x252: {  	v18 =	vld [tilespmem:s18+$0x30]  }
0x253: {  	v12 =	vadd.f32 v15, v12;
	v15 =	vmul.f32 v16, v1  }
0x254: {  	v16 =	vld [tilespmem:s18+$0xB0]  }
0x255: {  	v12 =	vadd.f32 v15, v12;
	v15 =	vmul.f32 v17, v2  }
0x256: {  	v17 =	vld [tilespmem:s18+$0x130]  }
0x257: {  	v12 =	vadd.f32 v15, v12;
	v15 =	vmul.f32 v18, v4  }
0x258: {  	v18 =	vld [tilespmem:s18+$0x1B0]  }
0x259: {  	v12 =	vadd.f32 v15, v12;
	v15 =	vmul.f32 v16, v6  }
0x25a: {  	v16 =	vld [tilespmem:s18+$0x230]  }
0x25b: {  	v12 =	vadd.f32 v15, v12;
	v15 =	vmul.f32 v17, v8;
	_ =	sdelay $0x1  }
0x25c: {  	v12 =	vadd.f32 v15, v12;
	v15 =	vmul.f32 v18, v7;
	_ =	sdelay $0x1  }
0x25d: {  	v12 =	vadd.f32 v15, v12;
	v15 =	vmul.f32 v16, v9;
	_ =	sdelay $0x1  }
0x25e: {  	v12 =	vadd.f32 v15, v12;
	_ =	sdelay $0x1  }
0x25f: {  	v15 =	vmax.f32 v12, $0.0e+00  }
0x260: {  	v12 =	vld [tilespmem:s17+$0x1740];
	[tilespmem:s17+$0x17730] =	vst v15  }
0x261: {  	v16 =	vld [tilespmem:$0x18740]  }
0x262: {  	v17 =	vld [tilespmem:s18+$0xFFFFFDC0];
	_ =	sdelay $0x1  }
0x263: {  	v18 =	vld [tilespmem:s18+$0xFFFFFE40];
	_ =	sdelay $0x1  }
0x264: {  	v19 =	vld [tilespmem:s18+$0xFFFFFEC0]  }
0x265: {  	v12 =	vadd.f32 v16, v12;
	v16 =	vmul.f32 v17, v5  }
0x266: {  	v17 =	vld [tilespmem:s18+$0xFFFFFF40]  }
0x267: {  	v12 =	vadd.f32 v16, v12;
	v16 =	vmul.f32 v18, v10  }
0x268: {  	v18 =	vld [tilespmem:s18+$0xFFFFFFC0]  }
0x269: {  	v12 =	vadd.f32 v16, v12;
	v16 =	vmul.f32 v19, v3  }
0x26a: {  	v19 =	vld [tilespmem:s18+$0x40]  }
0x26b: {  	v12 =	vadd.f32 v16, v12;
	v16 =	vmul.f32 v17, v1  }
0x26c: {  	v17 =	vld [tilespmem:s18+$0xC0]  }
0x26d: {  	v12 =	vadd.f32 v16, v12;
	v16 =	vmul.f32 v18, v2  }
0x26e: {  	v18 =	vld [tilespmem:s18+$0x140]  }
0x26f: {  	v12 =	vadd.f32 v16, v12;
	v16 =	vmul.f32 v19, v4  }
0x270: {  	v19 =	vld [tilespmem:s18+$0x1C0]  }
0x271: {  	v12 =	vadd.f32 v16, v12;
	v16 =	vmul.f32 v17, v6  }
0x272: {  	v17 =	vld [tilespmem:s18+$0x240]  }
0x273: {  	v12 =	vadd.f32 v16, v12;
	v16 =	vmul.f32 v18, v8;
	_ =	sdelay $0x1  }
0x274: {  	v12 =	vadd.f32 v16, v12;
	v16 =	vmul.f32 v19, v7;
	_ =	sdelay $0x1  }
0x275: {  	v12 =	vadd.f32 v16, v12;
	v16 =	vmul.f32 v17, v9;
	_ =	sdelay $0x1  }
0x276: {  	v12 =	vadd.f32 v16, v12;
	_ =	sdelay $0x1  }
0x277: {  	v16 =	vmax.f32 v12, $0.0e+00  }
0x278: {  	v12 =	vld [tilespmem:s17+$0x1750];
	[tilespmem:s17+$0x17740] =	vst v16  }
0x279: {  	v17 =	vld [tilespmem:$0x18750]  }
0x27a: {  	v18 =	vld [tilespmem:s18+$0xFFFFFDD0];
	_ =	sdelay $0x1  }
0x27b: {  	v19 =	vld [tilespmem:s18+$0xFFFFFE50];
	_ =	sdelay $0x1  }
0x27c: {  	v20 =	vld [tilespmem:s18+$0xFFFFFED0]  }
0x27d: {  	v12 =	vadd.f32 v17, v12;
	v17 =	vmul.f32 v18, v5  }
0x27e: {  	v18 =	vld [tilespmem:s18+$0xFFFFFF50]  }
0x27f: {  	v19 =	vmul.f32 v19, v10;
	v12 =	vadd.f32 v17, v12  }
0x280: {  	v17 =	vld [tilespmem:s18+$0xFFFFFFD0]  }
0x281: {  	v20 =	vmul.f32 v20, v3;
	v12 =	vadd.f32 v19, v12  }
0x282: {  	v19 =	vld [tilespmem:s18+$0x50]  }
0x283: {  	v18 =	vmul.f32 v18, v1;
	v12 =	vadd.f32 v20, v12  }
0x284: {  	v20 =	vld [tilespmem:s18+$0xD0]  }
0x285: {  	v17 =	vmul.f32 v17, v2;
	v12 =	vadd.f32 v18, v12  }
0x286: {  	v18 =	vld [tilespmem:s18+$0x150]  }
0x287: {  	v19 =	vmul.f32 v19, v4;
	v12 =	vadd.f32 v17, v12  }
0x288: {  	v17 =	vld [tilespmem:s18+$0x1D0]  }
0x289: {  	v20 =	vmul.f32 v20, v6;
	v12 =	vadd.f32 v19, v12  }
0x28a: {  	v19 =	vld [tilespmem:s18+$0x250]  }
0x28b: {  	v18 =	vmul.f32 v18, v8;
	v12 =	vadd.f32 v20, v12;
	_ =	sdelay $0x1  }
0x28c: {  	v17 =	vmul.f32 v17, v7;
	v12 =	vadd.f32 v18, v12;
	_ =	sdelay $0x1  }
0x28d: {  	v18 =	vmul.f32 v19, v9;
	v12 =	vadd.f32 v17, v12;
	_ =	sdelay $0x1  }
0x28e: {  	v12 =	vadd.f32 v18, v12;
	_ =	sdelay $0x1  }
0x28f: {  	v17 =	vmax.f32 v12, $0.0e+00  }
0x290: {  	v12 =	vld [tilespmem:s17+$0x1760];
	[tilespmem:s17+$0x17750] =	vst v17  }
0x291: {  	v18 =	vld [tilespmem:$0x18760]  }
0x292: {  	v19 =	vld [tilespmem:s18+$0xFFFFFDE0];
	_ =	sdelay $0x1  }
0x293: {  	v20 =	vld [tilespmem:s18+$0xFFFFFE60];
	_ =	sdelay $0x1  }
0x294: {  	v21 =	vld [tilespmem:s18+$0xFFFFFEE0]  }
0x295: {  	v12 =	vadd.f32 v18, v12;
	v18 =	vmul.f32 v19, v5  }
0x296: {  	v19 =	vld [tilespmem:s18+$0xFFFFFF60]  }
0x297: {  	v20 =	vmul.f32 v20, v10;
	v12 =	vadd.f32 v18, v12  }
0x298: {  	v18 =	vld [tilespmem:s18+$0xFFFFFFE0]  }
0x299: {  	v21 =	vmul.f32 v21, v3;
	v12 =	vadd.f32 v20, v12  }
0x29a: {  	v20 =	vld [tilespmem:s18+$0x60]  }
0x29b: {  	v19 =	vmul.f32 v19, v1;
	v12 =	vadd.f32 v21, v12  }
0x29c: {  	v21 =	vld [tilespmem:s18+$0xE0]  }
0x29d: {  	v18 =	vmul.f32 v18, v2;
	v12 =	vadd.f32 v19, v12  }
0x29e: {  	v19 =	vld [tilespmem:s18+$0x160]  }
0x29f: {  	v20 =	vmul.f32 v20, v4;
	v12 =	vadd.f32 v18, v12  }
0x2a0: {  	v18 =	vld [tilespmem:s18+$0x1E0]  }
0x2a1: {  	v21 =	vmul.f32 v21, v6;
	v12 =	vadd.f32 v20, v12  }
0x2a2: {  	v20 =	vld [tilespmem:s18+$0x260]  }
0x2a3: {  	v19 =	vmul.f32 v19, v8;
	v12 =	vadd.f32 v21, v12;
	_ =	sdelay $0x1  }
0x2a4: {  	v18 =	vmul.f32 v18, v7;
	v12 =	vadd.f32 v19, v12;
	_ =	sdelay $0x1  }
0x2a5: {  	v19 =	vmul.f32 v20, v9;
	v12 =	vadd.f32 v18, v12;
	_ =	sdelay $0x1  }
0x2a6: {  	v12 =	vadd.f32 v19, v12;
	_ =	sdelay $0x1  }
0x2a7: {  	v13 =	vmul.f32 v13, v13;
	v18 =	vmax.f32 v12, $0.0e+00  }
0x2a8: {  	v14 =	vmul.f32 v14, v14;
	v15 =	vmul.f32 v15, v15;
	v19 =	vld [tilespmem:s17+$0x1770];
	[tilespmem:s17+$0x17760] =	vst v18  }
0x2a9: {  	v16 =	vmul.f32 v16, v16;
	v17 =	vmul.f32 v17, v17;
	v20 =	vld [tilespmem:$0x18770]  }
0x2aa: {  	s15 =	sadd.s32 $0x1, s15;
	s31 =	simm.s32 $0x200;
	s0 =	simm.s32 $0xC980;
	v12 =	vmul.f32 v11, v11;
	v11 =	vimm.f32 $0.0e+00;
	v18 =	vmul.f32 v18, v18;
	v21 =	vld [tilespmem:s18+$0xFFFFFDF0]  }
.LBB2_5:
0x2ab: {  	p1 =	sne.s32 s31, $0x3E00;
	v22 =	vld [tilespmem:s18+$0xFFFFFE70];
	s0 =	sadd.s32 $0x500, s0;
	s19 =	sadd.s32 $0xA, s19  }
0x2ac: {  	s4 =	smov.u32 s31;
	s31 =	sadd.s32 $0x200, s31;
	v23 =	vld [tilespmem:s18+$0xFFFFFEF0]  }
0x2ad: {  	v24 =	vld [tilespmem:s18+$0xFFFFFF70]  }
0x2ae: {  	v19 =	vadd.f32 v20, v19;
	v20 =	vld [tilespmem:s18+$0xFFFFFFF0]  }
0x2af: {  	v5 =	vmul.f32 v21, v5;
	v21 =	vld [tilespmem:s18+$0x70]  }
0x2b0: {  	v10 =	vmul.f32 v22, v10;
	v22 =	vld [tilespmem:s18+$0xF0]  }
0x2b1: {  	v5 =	vadd.f32 v5, v19;
	v3 =	vmul.f32 v23, v3;
	v19 =	vld [tilespmem:s18+$0x170]  }
0x2b2: {  	v1 =	vmul.f32 v24, v1;
	v23 =	vld [tilespmem:s18+$0x1F0]  }
0x2b3: {  	v5 =	vadd.f32 v10, v5;
	v2 =	vmul.f32 v20, v2;
	v10 =	vld [tilespmem:s18+$0x270];
	s18 =	smov.u32 s0  }
0x2b4: {  	v4 =	vmul.f32 v21, v4  }
0x2b5: {  	v3 =	vadd.f32 v3, v5;
	v5 =	vmul.f32 v22, v6  }
0x2b6: {  	v6 =	vmul.f32 v19, v8  }
0x2b7: {  	v1 =	vadd.f32 v1, v3;
	v3 =	vmul.f32 v23, v7  }
0x2b8: {  	v7 =	vmul.f32 v10, v9  }
0x2b9: {  	s4 =	sshra.s32 s4, $0x2;
	v8 =	vadd.f32 v12, v11;
	v1 =	vadd.f32 v2, v1;
	_ =	sdelay $0x1  }
0x2ba: {  	v2 =	vadd.f32 v13, v8;
	v9 =	vld [tilespmem:s4+$0x1700];
	v1 =	vadd.f32 v4, v1;
	_ =	sdelay $0x1  }
0x2bb: {  	v2 =	vadd.f32 v14, v2;
	v1 =	vadd.f32 v5, v1;
	_ =	sdelay $0x1  }
0x2bc: {  	v2 =	vadd.f32 v15, v2;
	v1 =	vadd.f32 v6, v1;
	_ =	sdelay $0x1  }
0x2bd: {  	v2 =	vadd.f32 v16, v2;
	v1 =	vadd.f32 v3, v1;
	_ =	sdelay $0x1  }
0x2be: {  	v2 =	vadd.f32 v17, v2;
	v1 =	vadd.f32 v7, v1;
	_ =	sdelay $0x1  }
0x2bf: {  	v2 =	vadd.f32 v18, v2;
	v1 =	vmax.f32 v1, $0.0e+00  }
0x2c0: {  	[tilespmem:s17+$0x17770] =	vst v1;
	v1 =	vmul.f32 v1, v1;
	s17 =	smov.u32 s4  }
0x2c1: {  	v12 =	vld [tilespmem:s19+$0x0]  }
0x2c2: {  	v4 =	vld [tilespmem:s0+$0xFFFFFD80];
	v11 =	vadd.f32 v1, v2  }
0x2c3: {  	v6 =	vld [tilespmem:$0x18700]  }
0x2c4: {  	v7 =	vld [tilespmem:s0+$0xFFFFFE80]  }
0x2c5: {  	v8 =	vld [tilespmem:s0+$0xFFFFFE00]  }
0x2c6: {  	v5 =	vbroadcast v12, $0x0;
	v1 =	vbroadcast v12, $0x3  }
0x2c7: {  	v3 =	vbroadcast v12, $0x2;
	v2 =	vbroadcast v12, $0x4  }
0x2c8: {  	v10 =	vbroadcast v12, $0x1;
	v6 =	vadd.f32 v6, v9;
	v9 =	vmul.f32 v4, v5  }
0x2c9: {  	v4 =	vbroadcast v12, $0x5;
	v13 =	vmul.f32 v7, v3;
	v14 =	vld [tilespmem:s0+$0xFFFFFF00]  }
0x2ca: {  	v9 =	vadd.f32 v9, v6;
	v15 =	vmul.f32 v8, v10;
	v6 =	vbroadcast v12, $0x6  }
0x2cb: {  	v7 =	vbroadcast v12, $0x8;
	v8 =	vbroadcast v12, $0x7;
	v16 =	vld [tilespmem:s0+$0xFFFFFF80]  }
0x2cc: {  	v15 =	vadd.f32 v15, v9;
	v9 =	vbroadcast v12, $0x9  }
0x2cd: {  	v12 =	vld [tilespmem:s0+$0x0]  }
0x2ce: {  	v13 =	vadd.f32 v13, v15;
	v14 =	vmul.f32 v14, v1  }
0x2cf: {  	v15 =	vld [tilespmem:s0+$0x80]  }
0x2d0: {  	v13 =	vadd.f32 v14, v13;
	v14 =	vmul.f32 v16, v2  }
0x2d1: {  	v16 =	vld [tilespmem:s0+$0x100]  }
0x2d2: {  	v13 =	vadd.f32 v14, v13;
	v12 =	vmul.f32 v12, v4  }
0x2d3: {  	v14 =	vld [tilespmem:s0+$0x180]  }
0x2d4: {  	v12 =	vadd.f32 v12, v13;
	v13 =	vmul.f32 v15, v6  }
0x2d5: {  	v15 =	vld [tilespmem:s0+$0x200]  }
0x2d6: {  	v12 =	vadd.f32 v13, v12;
	v13 =	vmul.f32 v16, v8;
	_ =	sdelay $0x1  }
0x2d7: {  	v12 =	vadd.f32 v13, v12;
	v13 =	vmul.f32 v14, v7;
	_ =	sdelay $0x1  }
0x2d8: {  	v12 =	vadd.f32 v13, v12;
	v13 =	vmul.f32 v15, v9;
	_ =	sdelay $0x1  }
0x2d9: {  	v12 =	vadd.f32 v13, v12;
	_ =	sdelay $0x1  }
0x2da: {  	v12 =	vmax.f32 v12, $0.0e+00  }
0x2db: {  	[tilespmem:s17+$0x17700] =	vst v12;
	v12 =	vmul.f32 v12, v12;
	v13 =	vld [tilespmem:s17+$0x1710]  }
0x2dc: {  	v14 =	vld [tilespmem:$0x18710]  }
0x2dd: {  	v15 =	vld [tilespmem:s0+$0xFFFFFD90]  }
0x2de: {  	v16 =	vld [tilespmem:s0+$0xFFFFFE90]  }
0x2df: {  	v17 =	vld [tilespmem:s0+$0xFFFFFE10];
	_ =	sdelay $0x2  }
0x2e0: {  	v13 =	vadd.f32 v14, v13;
	v14 =	vmul.f32 v15, v5  }
0x2e1: {  	v15 =	vmul.f32 v16, v3;
	v16 =	vld [tilespmem:s0+$0xFFFFFF10]  }
0x2e2: {  	v13 =	vadd.f32 v14, v13;
	v14 =	vmul.f32 v17, v10  }
0x2e3: {  	v17 =	vld [tilespmem:s0+$0xFFFFFF90]  }
0x2e4: {  	v13 =	vadd.f32 v14, v13  }
0x2e5: {  	v14 =	vld [tilespmem:s0+$0x10]  }
0x2e6: {  	v13 =	vadd.f32 v15, v13;
	v15 =	vmul.f32 v16, v1  }
0x2e7: {  	v16 =	vld [tilespmem:s0+$0x90]  }
0x2e8: {  	v13 =	vadd.f32 v15, v13;
	v15 =	vmul.f32 v17, v2  }
0x2e9: {  	v17 =	vld [tilespmem:s0+$0x110]  }
0x2ea: {  	v13 =	vadd.f32 v15, v13;
	v14 =	vmul.f32 v14, v4  }
0x2eb: {  	v15 =	vld [tilespmem:s0+$0x190]  }
0x2ec: {  	v13 =	vadd.f32 v14, v13;
	v14 =	vmul.f32 v16, v6  }
0x2ed: {  	v16 =	vld [tilespmem:s0+$0x210]  }
0x2ee: {  	v13 =	vadd.f32 v14, v13;
	v14 =	vmul.f32 v17, v8;
	_ =	sdelay $0x1  }
0x2ef: {  	v13 =	vadd.f32 v14, v13;
	v14 =	vmul.f32 v15, v7;
	_ =	sdelay $0x1  }
0x2f0: {  	v13 =	vadd.f32 v14, v13;
	v14 =	vmul.f32 v16, v9;
	_ =	sdelay $0x1  }
0x2f1: {  	v13 =	vadd.f32 v14, v13;
	_ =	sdelay $0x1  }
0x2f2: {  	v13 =	vmax.f32 v13, $0.0e+00  }
0x2f3: {  	[tilespmem:s17+$0x17710] =	vst v13;
	v13 =	vmul.f32 v13, v13;
	v14 =	vld [tilespmem:s17+$0x1720]  }
0x2f4: {  	v15 =	vld [tilespmem:$0x18720]  }
0x2f5: {  	v16 =	vld [tilespmem:s0+$0xFFFFFDA0];
	_ =	sdelay $0x1  }
0x2f6: {  	v17 =	vld [tilespmem:s0+$0xFFFFFE20];
	_ =	sdelay $0x1  }
0x2f7: {  	v14 =	vadd.f32 v15, v14;
	v15 =	vld [tilespmem:s0+$0xFFFFFEA0]  }
0x2f8: {  	v16 =	vmul.f32 v16, v5  }
0x2f9: {  	v18 =	vld [tilespmem:s0+$0xFFFFFF20]  }
0x2fa: {  	v14 =	vadd.f32 v16, v14;
	v16 =	vmul.f32 v17, v10  }
0x2fb: {  	v17 =	vld [tilespmem:s0+$0xFFFFFFA0]  }
0x2fc: {  	v14 =	vadd.f32 v16, v14;
	v15 =	vmul.f32 v15, v3  }
0x2fd: {  	v16 =	vld [tilespmem:s0+$0x20]  }
0x2fe: {  	v14 =	vadd.f32 v15, v14;
	v15 =	vmul.f32 v18, v1  }
0x2ff: {  	v18 =	vld [tilespmem:s0+$0xA0]  }
0x300: {  	v14 =	vadd.f32 v15, v14;
	v15 =	vmul.f32 v17, v2  }
0x301: {  	v17 =	vld [tilespmem:s0+$0x120]  }
0x302: {  	v14 =	vadd.f32 v15, v14;
	v15 =	vmul.f32 v16, v4  }
0x303: {  	v16 =	vld [tilespmem:s0+$0x1A0]  }
0x304: {  	v14 =	vadd.f32 v15, v14;
	v15 =	vmul.f32 v18, v6  }
0x305: {  	v18 =	vld [tilespmem:s0+$0x220]  }
0x306: {  	v14 =	vadd.f32 v15, v14;
	v15 =	vmul.f32 v17, v8;
	_ =	sdelay $0x1  }
0x307: {  	v14 =	vadd.f32 v15, v14;
	v15 =	vmul.f32 v16, v7;
	_ =	sdelay $0x1  }
0x308: {  	v14 =	vadd.f32 v15, v14;
	v15 =	vmul.f32 v18, v9;
	_ =	sdelay $0x1  }
0x309: {  	v14 =	vadd.f32 v15, v14;
	_ =	sdelay $0x1  }
0x30a: {  	v14 =	vmax.f32 v14, $0.0e+00  }
0x30b: {  	[tilespmem:s17+$0x17720] =	vst v14;
	v14 =	vmul.f32 v14, v14;
	v15 =	vld [tilespmem:s17+$0x1730]  }
0x30c: {  	v16 =	vld [tilespmem:$0x18730]  }
0x30d: {  	v17 =	vld [tilespmem:s0+$0xFFFFFDB0];
	_ =	sdelay $0x1  }
0x30e: {  	v18 =	vld [tilespmem:s0+$0xFFFFFE30];
	_ =	sdelay $0x1  }
0x30f: {  	v15 =	vadd.f32 v16, v15;
	v16 =	vld [tilespmem:s0+$0xFFFFFEB0]  }
0x310: {  	v17 =	vmul.f32 v17, v5  }
0x311: {  	v19 =	vld [tilespmem:s0+$0xFFFFFF30]  }
0x312: {  	v15 =	vadd.f32 v17, v15;
	v17 =	vmul.f32 v18, v10  }
0x313: {  	v18 =	vld [tilespmem:s0+$0xFFFFFFB0]  }
0x314: {  	v15 =	vadd.f32 v17, v15;
	v16 =	vmul.f32 v16, v3  }
0x315: {  	v17 =	vld [tilespmem:s0+$0x30]  }
0x316: {  	v15 =	vadd.f32 v16, v15;
	v16 =	vmul.f32 v19, v1  }
0x317: {  	v19 =	vld [tilespmem:s0+$0xB0]  }
0x318: {  	v15 =	vadd.f32 v16, v15;
	v16 =	vmul.f32 v18, v2  }
0x319: {  	v18 =	vld [tilespmem:s0+$0x130]  }
0x31a: {  	v15 =	vadd.f32 v16, v15;
	v16 =	vmul.f32 v17, v4  }
0x31b: {  	v17 =	vld [tilespmem:s0+$0x1B0]  }
0x31c: {  	v15 =	vadd.f32 v16, v15;
	v16 =	vmul.f32 v19, v6  }
0x31d: {  	v19 =	vld [tilespmem:s0+$0x230]  }
0x31e: {  	v15 =	vadd.f32 v16, v15;
	v16 =	vmul.f32 v18, v8;
	_ =	sdelay $0x1  }
0x31f: {  	v15 =	vadd.f32 v16, v15;
	v16 =	vmul.f32 v17, v7;
	_ =	sdelay $0x1  }
0x320: {  	v15 =	vadd.f32 v16, v15;
	v16 =	vmul.f32 v19, v9;
	_ =	sdelay $0x1  }
0x321: {  	v15 =	vadd.f32 v16, v15;
	_ =	sdelay $0x1  }
0x322: {  	v15 =	vmax.f32 v15, $0.0e+00  }
0x323: {  	[tilespmem:s17+$0x17730] =	vst v15;
	v15 =	vmul.f32 v15, v15;
	v16 =	vld [tilespmem:s17+$0x1740]  }
0x324: {  	v17 =	vld [tilespmem:$0x18740]  }
0x325: {  	v18 =	vld [tilespmem:s0+$0xFFFFFDC0];
	_ =	sdelay $0x1  }
0x326: {  	v19 =	vld [tilespmem:s0+$0xFFFFFE40];
	_ =	sdelay $0x1  }
0x327: {  	v16 =	vadd.f32 v17, v16;
	v17 =	vld [tilespmem:s0+$0xFFFFFEC0]  }
0x328: {  	v18 =	vmul.f32 v18, v5  }
0x329: {  	v20 =	vld [tilespmem:s0+$0xFFFFFF40]  }
0x32a: {  	v16 =	vadd.f32 v18, v16;
	v18 =	vmul.f32 v19, v10  }
0x32b: {  	v19 =	vld [tilespmem:s0+$0xFFFFFFC0]  }
0x32c: {  	v16 =	vadd.f32 v18, v16;
	v17 =	vmul.f32 v17, v3  }
0x32d: {  	v18 =	vld [tilespmem:s0+$0x40]  }
0x32e: {  	v16 =	vadd.f32 v17, v16;
	v17 =	vmul.f32 v20, v1  }
0x32f: {  	v20 =	vld [tilespmem:s0+$0xC0]  }
0x330: {  	v16 =	vadd.f32 v17, v16;
	v17 =	vmul.f32 v19, v2  }
0x331: {  	v19 =	vld [tilespmem:s0+$0x140]  }
0x332: {  	v16 =	vadd.f32 v17, v16;
	v17 =	vmul.f32 v18, v4  }
0x333: {  	v18 =	vld [tilespmem:s0+$0x1C0]  }
0x334: {  	v16 =	vadd.f32 v17, v16;
	v17 =	vmul.f32 v20, v6  }
0x335: {  	v20 =	vld [tilespmem:s0+$0x240]  }
0x336: {  	v16 =	vadd.f32 v17, v16;
	v17 =	vmul.f32 v19, v8;
	_ =	sdelay $0x1  }
0x337: {  	v16 =	vadd.f32 v17, v16;
	v17 =	vmul.f32 v18, v7;
	_ =	sdelay $0x1  }
0x338: {  	v16 =	vadd.f32 v17, v16;
	v17 =	vmul.f32 v20, v9;
	_ =	sdelay $0x1  }
0x339: {  	v16 =	vadd.f32 v17, v16;
	_ =	sdelay $0x1  }
0x33a: {  	v16 =	vmax.f32 v16, $0.0e+00  }
0x33b: {  	[tilespmem:s17+$0x17740] =	vst v16;
	v16 =	vmul.f32 v16, v16;
	v17 =	vld [tilespmem:s17+$0x1750]  }
0x33c: {  	v18 =	vld [tilespmem:$0x18750]  }
0x33d: {  	v19 =	vld [tilespmem:s0+$0xFFFFFDD0]  }
0x33e: {  	v20 =	vld [tilespmem:s0+$0xFFFFFE50]  }
0x33f: {  	v21 =	vld [tilespmem:s0+$0xFFFFFED0]  }
0x340: {  	v22 =	vld [tilespmem:s0+$0xFFFFFF50]  }
0x341: {  	v23 =	vld [tilespmem:s0+$0xFFFFFFD0]  }
0x342: {  	v17 =	vadd.f32 v18, v17;
	v18 =	vmul.f32 v19, v5;
	v19 =	vld [tilespmem:s0+$0x50]  }
0x343: {  	v20 =	vmul.f32 v20, v10;
	v24 =	vld [tilespmem:s0+$0xD0]  }
0x344: {  	v17 =	vadd.f32 v18, v17;
	v18 =	vmul.f32 v21, v3;
	v21 =	vld [tilespmem:s0+$0x150]  }
0x345: {  	v22 =	vmul.f32 v22, v1;
	v25 =	vld [tilespmem:s0+$0x1D0]  }
0x346: {  	v17 =	vadd.f32 v20, v17;
	v20 =	vmul.f32 v23, v2;
	v23 =	vld [tilespmem:s0+$0x250]  }
0x347: {  	v19 =	vmul.f32 v19, v4  }
0x348: {  	v17 =	vadd.f32 v18, v17;
	v18 =	vmul.f32 v24, v6  }
0x349: {  	v21 =	vmul.f32 v21, v8  }
0x34a: {  	v17 =	vadd.f32 v22, v17;
	v22 =	vmul.f32 v25, v7  }
0x34b: {  	v23 =	vmul.f32 v23, v9  }
0x34c: {  	v17 =	vadd.f32 v20, v17;
	_ =	sdelay $0x1  }
0x34d: {  	v17 =	vadd.f32 v19, v17;
	_ =	sdelay $0x1  }
0x34e: {  	v17 =	vadd.f32 v18, v17;
	_ =	sdelay $0x1  }
0x34f: {  	v17 =	vadd.f32 v21, v17;
	_ =	sdelay $0x1  }
0x350: {  	v17 =	vadd.f32 v22, v17;
	_ =	sdelay $0x1  }
0x351: {  	v17 =	vadd.f32 v23, v17;
	_ =	sdelay $0x1  }
0x352: {  	v17 =	vmax.f32 v17, $0.0e+00  }
0x353: {  	[tilespmem:s17+$0x17750] =	vst v17;
	v17 =	vmul.f32 v17, v17;
	v18 =	vld [tilespmem:s17+$0x1760]  }
0x354: {  	v19 =	vld [tilespmem:$0x18760]  }
0x355: {  	v20 =	vld [tilespmem:s0+$0xFFFFFDE0]  }
0x356: {  	v21 =	vld [tilespmem:s0+$0xFFFFFE60]  }
0x357: {  	v22 =	vld [tilespmem:s0+$0xFFFFFEE0]  }
0x358: {  	v23 =	vld [tilespmem:s0+$0xFFFFFF60]  }
0x359: {  	v18 =	vadd.f32 v19, v18;
	v19 =	vld [tilespmem:s0+$0xFFFFFFE0]  }
0x35a: {  	v20 =	vmul.f32 v20, v5;
	v24 =	vld [tilespmem:s0+$0x60]  }
0x35b: {  	v21 =	vmul.f32 v21, v10;
	v25 =	vld [tilespmem:s0+$0xE0]  }
0x35c: {  	v18 =	vadd.f32 v20, v18;
	v20 =	vmul.f32 v22, v3;
	v22 =	vld [tilespmem:s0+$0x160]  }
0x35d: {  	v23 =	vmul.f32 v23, v1;
	v26 =	vld [tilespmem:s0+$0x1E0]  }
0x35e: {  	v18 =	vadd.f32 v21, v18;
	v19 =	vmul.f32 v19, v2;
	v21 =	vld [tilespmem:s0+$0x260]  }
0x35f: {  	v24 =	vmul.f32 v24, v4  }
0x360: {  	v18 =	vadd.f32 v20, v18;
	v20 =	vmul.f32 v25, v6  }
0x361: {  	v22 =	vmul.f32 v22, v8  }
0x362: {  	v18 =	vadd.f32 v23, v18;
	v23 =	vmul.f32 v26, v7  }
0x363: {  	v21 =	vmul.f32 v21, v9  }
0x364: {  	v18 =	vadd.f32 v19, v18;
	_ =	sdelay $0x1  }
0x365: {  	v18 =	vadd.f32 v24, v18;
	_ =	sdelay $0x1  }
0x366: {  	v18 =	vadd.f32 v20, v18;
	_ =	sdelay $0x1  }
0x367: {  	v18 =	vadd.f32 v22, v18;
	_ =	sdelay $0x1  }
0x368: {  	v18 =	vadd.f32 v23, v18;
	_ =	sdelay $0x1  }
0x369: {  	v18 =	vadd.f32 v21, v18  }
.Ltmp1:
0x36a: {  	(pc) =	sbr.rel @p1 .LBB2_5-.Ltmp1, $4  }
0x36b: {  	v18 =	vmax.f32 v18, $0.0e+00  }
0x36c: {  	[tilespmem:s17+$0x17760] =	vst v18;
	v18 =	vmul.f32 v18, v18;
	v19 =	vld [tilespmem:s17+$0x1770]  }
0x36d: {  	v20 =	vld [tilespmem:$0x18770]  }
0x36e: {  	v21 =	vld [tilespmem:s0+$0xFFFFFDF0]  }
0x36f: {  	_ = 	snop  }
0x370: {  	v22 =	vld [tilespmem:s18+$0xFFFFFE70];
	_ =	sdelay $0x1  }
0x371: {  	v23 =	vld [tilespmem:s18+$0xFFFFFEF0]  }
0x372: {  	v19 =	vadd.f32 v20, v19;
	v5 =	vmul.f32 v21, v5  }
0x373: {  	v57 =	vld [tilespmem:s18+$0xFFFFFF70]  }
0x374: {  	v10 =	vmul.f32 v22, v10;
	v5 =	vadd.f32 v5, v19  }
0x375: {  	v58 =	vld [tilespmem:s18+$0xFFFFFFF0]  }
0x376: {  	v3 =	vmul.f32 v23, v3;
	v5 =	vadd.f32 v10, v5  }
0x377: {  	v59 =	vld [tilespmem:s18+$0x70]  }
0x378: {  	v1 =	vmul.f32 v57, v1;
	v3 =	vadd.f32 v3, v5  }
0x379: {  	v60 =	vld [tilespmem:s18+$0xF0]  }
0x37a: {  	v2 =	vmul.f32 v58, v2;
	v1 =	vadd.f32 v1, v3  }
0x37b: {  	v3 =	vld [tilespmem:s18+$0x170]  }
0x37c: {  	v4 =	vmul.f32 v59, v4;
	v1 =	vadd.f32 v2, v1  }
0x37d: {  	v2 =	vld [tilespmem:s18+$0x1F0]  }
0x37e: {  	v5 =	vmul.f32 v60, v6;
	v1 =	vadd.f32 v4, v1  }
0x37f: {  	v61 =	vld [tilespmem:s18+$0x270];
	v62 =	vadd.f32 v12, v11  }
0x380: {  	v3 =	vmul.f32 v3, v8;
	v1 =	vadd.f32 v5, v1  }
0x381: {  	v63 =	vadd.f32 v13, v62  }
0x382: {  	v2 =	vmul.f32 v2, v7;
	v1 =	vadd.f32 v3, v1  }
0x383: {  	v3 =	vadd.f32 v14, v63  }
0x384: {  	v4 =	vmul.f32 v61, v9;
	v1 =	vadd.f32 v2, v1  }
0x385: {  	v2 =	vadd.f32 v15, v3  }
0x386: {  	v1 =	vadd.f32 v4, v1  }
0x387: {  	v2 =	vadd.f32 v16, v2  }
0x388: {  	v1 =	vmax.f32 v1, $0.0e+00  }
0x389: {  	v2 =	vadd.f32 v17, v2;
	[tilespmem:s17+$0x17770] =	vst v1  }
0x38a: {  	v3 =	vld @p0 [tilespmem:$0x18800]  }
0x38b: {  	v1 =	vmul.f32 v1, v1;
	v2 =	vadd.f32 v18, v2;
	v4 =	vld @!p0 [tilespmem:$0x18780];
	_ =	sdelay $0x1  }
0x38c: {  	v1 =	vadd.f32 v1, v2;
	_ =	sdelay $0x1  }
0x38d: {  	s0 =	sadd.s32 @p0 $0xFFF81000, s16;
	v2 =	vadd.f32 @p0 v3, v1  }
0x38e: {  	s4 =	sshll.u32 @!p0 s14, $0x4;
	s0 =	sshrl.u32 @p0 s0, $0x3;
	v1 =	vadd.f32 @!p0 v4, v1  }
0x38f: {  	s4 =	sadd.s32 @!p0 s3, s4;
	s0 =	sadd.s32 @p0 s13, s0;
	[tilespmem:$0x18800] =	vst @p0 v2  }
0x390: {  	s4 =	smov.u32 @p0 s0;
	[tilespmem:$0x18780] =	vst @!p0 v1;
	p0 =	sne.s32 s15, $0x16  }
.Ltmp2:
0x391: {  	_ = 	snop;
	(pc) =	sbr.rel @p0 .LBB2_2-.Ltmp2, $2  }
0x392: {  	_ =	sdelay $0x2  }
0x393: {  	[hbm4b:s4+s5] =	stream.linear.scatter [tilespmem:s22], [sflag:$0x6], $0x1000, $0x38;
	[tilespmem:$0x18880] =	vst v63  }
0x394: {  	s0 =	simm.s32 $0x5  }
0x395: {  	_ =	swait.ge [sflag:s0], $0x1000  }
0x396: {  	[sflag:s0] =	ssyncset.done $0x0  }
0x397: {  	s15 =	simm.s32 $0x6;
	[sflag:s0] =	ssyncadd.s32 $0xFFFFF000  }
0x398: {  	_ =	swait.ge [sflag:s15], $0x1000  }
0x399: {  	[sflag:s15] =	ssyncset.done $0x0  }
0x39a: {  	s4 =	simm.s32 $0x18780;
	s16 =	rddreg [dreg:$0x8];
	[sflag:s15] =	ssyncadd.s32 $0xFFFFF000  }
0x39b: {  	[hbm4b:s16+s5] =	stream.linear.scatter [tilespmem:s4], [sflag:$0x7], $0x80, $0x38;
	[tilespmem:$0x18880] =	vst v63  }
0x39c: {  	_ =	swait.ge [sflag:s21], $0x80  }
0x39d: {  	[sflag:s21] =	ssyncset.done $0x0  }
0x39e: {  	s18 =	simm.s32 $0x18800;
	s17 =	rddreg [dreg:$0x9];
	[sflag:s21] =	ssyncadd.s32 $0xFFFFFF80  }
0x39f: {  	[hbm4b:s17+s5] =	stream.linear.scatter [tilespmem:s18], [sflag:$0x7], $0x80, $0x38;
	[tilespmem:$0x18880] =	vst v63  }
0x3a0: {  	_ =	swait.ge [sflag:s21], $0x80  }
0x3a1: {  	s19 =	rddreg [dreg:$0xb]  }
0x3a2: {  	s31 =	rddreg [dreg:$0xa];
	s4 =	sadd.s32 $0x1, s19  }
0x3a3: {  	p0 =	sne.s32 s4, s31  }
.Ltmp3:
0x3a4: {  	_ = 	snop;
	(pc) =	sbr.rel @p0 .LBB2_1-.Ltmp3, $3  }
0x3a5: {  	_ =	sdelay $0x1  }
0x3a6: {  	[sflag:s21] =	ssyncset.done $0x0  }
0x3a7: {  	[sflag:s21] =	ssyncadd.s32 $0xFFFFFF80  }
0x3a8: {  	_ =	sfence.sel $0x180000  }
0x3a9: {  	[bflag:$0x0] =	sbarrier.arrive $0xFFFF  }
0x3aa: {  	_ =	strace $0x90000047  }
0x3ab: {  	s0 =	stileid.u32;
	[bflag:$0x2] =	sbarrier.arrive $0xFFFF  }
0x3ac: {  	p0 =	sne.s32 s0, $0x0;
	s0 =	rddreg [dreg:$0x4]  }
0x3ad: {  	s0 =	sadd.s32 @!p0 $0x100000, s0  }
0x3ae: {  	[sflag:s0] =	ssyncadd.tile.s32 @!p0 $0x1;
	_ =	shalt  }
.Lfunc_end2:
_tile_overlayer_lowered:
.L_overlay_start_2:
0x3af: {  	(tag) =	ssettag $0x2  }
0x3b0: {  	s0 =	rddreg [dreg:$0x0];
	s2 =	stileid.u32  }
0x3b1: {  	s1 =	rddreg [dreg:$0x1];
	p0 =	sne.s32 s2, $0x0  }
0x3b2: {  	s3 =	rddreg [dreg:$0x2];
	[bflag:$0x3] =	sbarrier.arrive $0xFFFF;
	s2 =	simm.s32 @!p0 $0x1C07  }
0x3b3: {  	[timem:s3], [sflag:s2] =	dma.local @!p0 [hbm:s0], s1  }
0x3b4: {  	s0 =	simm.s32 @!p0 $0x7  }
0x3b5: {  	_ =	swait.ge @!p0 [sflag:s0], s1  }
0x3b6: {  	s1 =	ssub.s32 @!p0 $0x0, s1;
	[sflag:s0] =	ssyncset.done @!p0 $0x0  }
0x3b7: {  	[sflag:s0] =	ssyncadd.s32 @!p0 s1  }
0x3b8: {  	[bflag:$0x3] =	sbarrier.arrive $0xFFFF  }
0x3b9: {  	_ =	shalt  }

</sc_bundles>
